<compile_context>
chip_gen: v7x
topology: tpu7x:2x2x1
jax: 0.10.2.dev20260603
libtpu: 0.0.44.dev20260713+nightly
codegen_flags: <defaults>
</compile_context>

<pallas_src>
import functools

import jax
import jax.numpy as jnp
from jax import lax
from jax.experimental import pallas as pl
from jax.experimental.pallas import tpu as pltpu
from jax.experimental.pallas import tpu_sc as plsc

N = 10000
NP_ = 10240
E = 320000
NC = 2
NS = 16
CH = 128
RCH = 8
ROWS = 2560
EP = ROWS * CH
CHA = 128
ROWSA = EP // CHA
NPT = NP_ // NS
D = 128

_EPS = 1e-5


def _sc_mesh():
    return plsc.VectorSubcoreMesh(core_axis_name="c", subcore_axis_name="s")


@functools.partial(
    pl.kernel,
    out_type=jax.ShapeDtypeStruct((NC, NP_, 16), jnp.float32),
    mesh=_sc_mesh(),
    scratch_types=[
        pltpu.VMEM((RCH, CH), jnp.int32),
        pltpu.VMEM((CH, 16), jnp.float32),
        pltpu.VMEM_SHARED((NP_, 16), jnp.float32),
    ],
    compiler_params=pltpu.CompilerParams(use_tc_tiling_on_sc=False),
    name="gcn_degrees",
)
def _deg_kernel(edge_hbm, ones_hbm, zeros_hbm, out_hbm, idx_v, ones_v, tab):
    c = lax.axis_index("c")
    s = lax.axis_index("s")
    rpt = ROWS // NS
    pltpu.sync_copy(zeros_hbm, tab.at[pl.ds(s * NPT, NPT)])
    pltpu.sync_copy(ones_hbm, ones_v)
    plsc.subcore_barrier()

    def body(k, carry):
        r0 = s * rpt + k * RCH
        pltpu.sync_copy(edge_hbm.at[c].at[pl.ds(r0, RCH)], idx_v)
        for j in range(RCH):
            pltpu.sync_copy(ones_v, tab.at[idx_v.at[j]], add=True)
        return carry

    lax.fori_loop(0, rpt // RCH, body, 0)
    plsc.subcore_barrier()
    pltpu.sync_copy(tab.at[pl.ds(s * NPT, NPT)],
                    out_hbm.at[c].at[pl.ds(s * NPT, NPT)])


def _make_agg(edge_split, dh=D):
    params = (None if dh == D
              else pltpu.CompilerParams(use_tc_tiling_on_sc=False))
    @functools.partial(
        pl.kernel,
        out_type=jax.ShapeDtypeStruct((NC, NP_, dh), jnp.float32),
        mesh=_sc_mesh(),
        scratch_types=[
            pltpu.VMEM((RCH, CHA), jnp.int32),
            pltpu.VMEM((RCH, CHA), jnp.int32),
            pltpu.VMEM((2, CHA, dh), jnp.float32),
            pltpu.VMEM_SHARED((NP_, dh), jnp.float32),
            [pltpu.SemaphoreType.DMA] * 2,
            [pltpu.SemaphoreType.DMA] * 2,
        ],
        compiler_params=params,
        name=f"gcn_agg_{'es' if edge_split else 'fs'}_{dh}",
    )
    def agg(hs_hbm, src_hbm, dst_hbm, zeros_hbm, out_hbm, sidx, didx, rows, acc, sg, ss):
        c = lax.axis_index("c")
        s = lax.axis_index("s")
        if edge_split:
            rpt = ROWSA // (NC * NS)
        else:
            rpt = ROWSA // NS
        table = hs_hbm.at[c]
        pltpu.sync_copy(zeros_hbm, acc.at[pl.ds(s * NPT, NPT)])
        plsc.subcore_barrier()

        def body(k, carry):
            if edge_split:
                r0 = ((s * (rpt // RCH) + k) * NC + c) * RCH
            else:
                r0 = (s * rpt // RCH + k) * RCH
            pltpu.sync_copy(src_hbm.at[pl.ds(r0, RCH)], sidx)
            pltpu.sync_copy(dst_hbm.at[pl.ds(r0, RCH)], didx)
            gcp = [None, None]
            scp = [None, None]
            for i in range(2):
                gcp[i] = pltpu.async_copy(table.at[sidx.at[i]], rows.at[i], sg[i])
            for j in range(RCH):
                b = j & 1
                gcp[b].wait()
                scp[b] = pltpu.async_copy(rows.at[b], acc.at[didx.at[j]], ss[b],
                                          add=True)
                if j + 2 < RCH:
                    scp[b].wait()
                    gcp[b] = pltpu.async_copy(table.at[sidx.at[j + 2]],
                                              rows.at[b], sg[b])
            scp[0].wait()
            scp[1].wait()
            return carry

        lax.fori_loop(0, rpt // RCH, body, 0)
        plsc.subcore_barrier()
        pltpu.sync_copy(acc.at[pl.ds(s * NPT, NPT)],
                        out_hbm.at[c].at[pl.ds(s * NPT, NPT)])

    return agg


_agg_es = _make_agg(True)
_agg_fs = _make_agg(False)
_agg_es40 = _make_agg(True, 40)


def _stage_a(deg_ref, x_ref, hs1_ref, norms_ref):
    ns = lax.rsqrt(jnp.clip(deg_ref[:, 0:1], 1.0, None))
    nd = lax.rsqrt(jnp.clip(deg_ref[:, 1:2], 1.0, None))
    norms_ref[:, 0:1] = ns
    norms_ref[:, 1:2] = nd
    xs = x_ref[...] * ns
    hs1_ref[0, 0:N] = xs
    hs1_ref[1, 0:N] = xs


def _stage_b(agg_ref, norms_ref, w_ref, b_ref, g_ref, be_ref, out_ref):
    ns = norms_ref[:, 0:1]
    nd = norms_ref[:, 1:2]
    a = (agg_ref[0][:N] + agg_ref[1][:N]) * nd
    z = jnp.dot(a, w_ref[...], preferred_element_type=jnp.float32) + b_ref[...]
    m = jnp.mean(z, axis=0, keepdims=True)
    d = z - m
    v = jnp.mean(d * d, axis=0, keepdims=True)
    h = jnp.maximum(d * lax.rsqrt(v + _EPS) * g_ref[...] + be_ref[...], 0.0)
    hs = h * ns
    out_ref[0, 0:N] = hs[:, :D]
    out_ref[1, 0:N] = hs[:, D:]


def _stage_c(agg_ref, norms_ref, w2_ref, b_ref, g_ref, be_ref, w3_ref, out_ref):
    ns = norms_ref[:, 0:1]
    nd = norms_ref[:, 1:2]
    a0 = agg_ref[0][:N] * nd
    a1 = agg_ref[1][:N] * nd
    z = (jnp.dot(a0, w2_ref[0:D, :], preferred_element_type=jnp.float32)
         + jnp.dot(a1, w2_ref[D:2 * D, :], preferred_element_type=jnp.float32)
         + b_ref[...])
    m = jnp.mean(z, axis=0, keepdims=True)
    d = z - m
    v = jnp.mean(d * d, axis=0, keepdims=True)
    h = jnp.maximum(d * lax.rsqrt(v + _EPS) * g_ref[...] + be_ref[...], 0.0)
    t3 = jnp.dot(h, w3_ref[...], preferred_element_type=jnp.float32) * ns
    out_ref[0, 0:N] = t3
    out_ref[1, 0:N] = t3


def _stage_d(agg_ref, norms_ref, b3_ref, out_ref):
    nd = norms_ref[:, 1:2]
    a = agg_ref[0][:N] + agg_ref[1][:N]
    out_ref[...] = a * nd + b3_ref[...]


def kernel(x, edge_index, W1, b1, gamma1, beta1, W2, b2, gamma2, beta2, W3, b3):
    f32 = jnp.float32
    i32 = jnp.int32
    src = edge_index[0].astype(i32)
    dst = edge_index[1].astype(i32)
    pad = jnp.full((EP - E,), N, i32)
    srcp = jnp.concatenate([src, pad])
    dstp = jnp.concatenate([dst, pad])
    edge2d = jnp.stack([srcp.reshape(ROWS, CH), dstp.reshape(ROWS, CH)])
    src2d = srcp.reshape(ROWSA, CHA)
    dst2d = dstp.reshape(ROWSA, CHA)
    ones8 = jnp.zeros((CH, 16), f32).at[:, 0].set(1.0)
    zrow = jnp.zeros((NPT, D), f32)
    z16 = jnp.zeros((NPT, 16), f32)
    z40 = jnp.zeros((NPT, 40), f32)

    degtab = _deg_kernel(edge2d, ones8, z16)
    degcols = jnp.stack([degtab[0, :N, 0], degtab[1, :N, 0]], axis=1)

    hs1, norms = pl.pallas_call(
        _stage_a,
        out_shape=[jax.ShapeDtypeStruct((NC, NP_, D), f32),
                   jax.ShapeDtypeStruct((N, 2), f32)],
    )(degcols, x)

    agg1 = _agg_es(hs1, src2d, dst2d, zrow)

    hs2 = pl.pallas_call(
        _stage_b,
        out_shape=jax.ShapeDtypeStruct((NC, NP_, D), f32),
    )(agg1, norms, W1, b1.reshape(1, -1), gamma1.reshape(1, -1),
      beta1.reshape(1, -1))

    agg2 = _agg_fs(hs2, src2d, dst2d, zrow)

    t3 = pl.pallas_call(
        _stage_c,
        out_shape=jax.ShapeDtypeStruct((NC, NP_, 40), f32),
    )(agg2, norms, W2, b2.reshape(1, -1), gamma2.reshape(1, -1),
      beta2.reshape(1, -1), W3)

    agg3 = _agg_es40(t3, src2d, dst2d, z40)

    out = pl.pallas_call(
        _stage_d,
        out_shape=jax.ShapeDtypeStruct((N, 40), f32),
    )(agg3, norms, b3.reshape(1, -1))
    return out

# --- scband reference (transcript-rebuilt; emitter-appended) ---
"""Pipeline reference for scband-gsr-finetune-2817498546218 (READ-ONLY COPY).

The authoritative reference and input builder live on the scoring server;
editing this copy changes nothing except your own understanding.
"""

import jax, jax.numpy as jnp
import numpy as np

N_NODES = 10000
N_EDGES = 320000
D_FEAT = 128
D_HIDDEN = 256
N_CLASS = 40


def setup_inputs(seed: int = 0) -> dict:
    key = jax.random.key(seed)
    ks = jax.random.split(key, 16)
    x = jax.random.normal(ks[0], (N_NODES, D_FEAT), dtype=jnp.float32)
    edge_index = jax.random.randint(ks[1], (2, N_EDGES), 0, N_NODES, dtype=jnp.int64)
    def glorot(k, shape):
        fan_in, fan_out = shape
        limit = jnp.sqrt(6.0 / (fan_in + fan_out))
        return jax.random.uniform(k, shape, minval=-limit, maxval=limit, dtype=jnp.float32)
    W1 = glorot(ks[2], (D_FEAT, D_HIDDEN))
    b1 = jnp.zeros((D_HIDDEN,), dtype=jnp.float32)
    gamma1 = jnp.ones((D_HIDDEN,), dtype=jnp.float32)
    beta1 = jnp.zeros((D_HIDDEN,), dtype=jnp.float32)
    W2 = glorot(ks[3], (D_HIDDEN, D_HIDDEN))
    b2 = jnp.zeros((D_HIDDEN,), dtype=jnp.float32)
    gamma2 = jnp.ones((D_HIDDEN,), dtype=jnp.float32)
    beta2 = jnp.zeros((D_HIDDEN,), dtype=jnp.float32)
    W3 = glorot(ks[4], (D_HIDDEN, N_CLASS))
    b3 = jnp.zeros((N_CLASS,), dtype=jnp.float32)
    return {"x": x, "edge_index": edge_index, "W1": W1, "b1": b1, "gamma1": gamma1, "beta1": beta1, "W2": W2, "b2": b2, "gamma2": gamma2, "beta2": beta2, "W3": W3, "b3": b3}


def _graph_conv(h, W, b, src, dst, n_nodes):
    # DGL GraphConv with norm='both' (symmetric normalization):
    # h' = D_in^{-1/2} A^T D_out^{-1/2} h W + b
    ones = jnp.ones((src.shape[0],), dtype=h.dtype)
    deg_out = jnp.clip(jnp.zeros((n_nodes,), dtype=h.dtype).at[src].add(ones), 1.0, None)
    deg_in = jnp.clip(jnp.zeros((n_nodes,), dtype=h.dtype).at[dst].add(ones), 1.0, None)
    norm_src = jax.lax.rsqrt(deg_out)
    norm_dst = jax.lax.rsqrt(deg_in)
    hs = h * norm_src[:, None]
    msgs = jnp.take(hs, src, axis=0)  # gather over edges
    agg = jax.ops.segment_sum(msgs, dst, num_segments=n_nodes)  # scatter-add
    agg = agg * norm_dst[:, None]
    return agg @ W + b


def _batch_norm(h, gamma, beta, eps=1e-5):
    mean = jnp.mean(h, axis=0, keepdims=True)
    var = jnp.var(h, axis=0, keepdims=True)
    return (h - mean) * jax.lax.rsqrt(var + eps) * gamma + beta


def reference(x, edge_index, W1, b1, gamma1, beta1, W2, b2, gamma2, beta2, W3, b3):
    src = edge_index[0]
    dst = edge_index[1]
    n = x.shape[0]
    # Layer 1: GraphConv -> BN -> ReLU (dropout is identity at inference)
    h = _graph_conv(x, W1, b1, src, dst, n)
    h = _batch_norm(h, gamma1, beta1)
    h = jax.nn.relu(h)
    # Layer 2: GraphConv -> BN -> ReLU
    h = _graph_conv(h, W2, b2, src, dst, n)
    h = _batch_norm(h, gamma2, beta2)
    h = jax.nn.relu(h)
    # Layer 3: GraphConv, activation_last=False
    h = _graph_conv(h, W3, b3, src, dst, n)
    return h

if __name__ == "__main__":
    import jax
    _d = setup_inputs()
    print(jax.jit(kernel)(*tuple(_d.values())))

</pallas_src>

<mosaic_0001>
#map = affine_map<(d0, d1) -> (0, 0, 0)>
#map1 = affine_map<(d0, d1) -> (0, 0)>
module attributes {stable_mosaic.version = 14 : i64} {
  func.func @gcn_degrees(%arg0: i32, %arg1: i32, %arg2: memref<2x2560x128xi32, #tpu.memory_space<hbm>>, %arg3: memref<128x16xf32, #tpu.memory_space<hbm>>, %arg4: memref<640x16xf32, #tpu.memory_space<hbm>>, %arg5: memref<2x10240x16xf32, #tpu.memory_space<hbm>>, %arg6: memref<8x128xi32, #tpu.memory_space<vmem>>, %arg7: memref<128x16xf32, #tpu.memory_space<vmem>>, %arg8: memref<10240x16xf32, #tpu.memory_space<vmem_shared>>) attributes {dimension_semantics = [#tpu.dimension_semantics<core_parallel>, #tpu.dimension_semantics<subcore_parallel>], iteration_bounds = array<i64: 2, 16>, scalar_prefetch = 0 : i64, scratch_operands = 3 : i64, tpu.core_type = #tpu.core_type<sc_vector_subcore>, window_params = [{transform_indices = #map}, {transform_indices = #map1}, {transform_indices = #map1}, {transform_indices = #map}]} {
    %mul3A = arith.constant 640 : i32
    %mul3A_0 = arith.muli %arg1, %mul3A : i32
    "tpu.region"() ({
      %run_scoped3A = tpu.sem_alloc : memref<!tpu.dma_semaphore, #tpu.memory_space<semaphore_mem>>
      %dma_start3A = arith.constant 0 : i32
      %dma_start3A_11 = tpu.memref_slice %arg8[%mul3A_0, %dma_start3A] : memref<10240x16xf32, #tpu.memory_space<vmem_shared>> -> memref<640x16xf32, #tpu.memory_space<vmem_shared>>
      tpu.enqueue_dma source(%arg4 : memref<640x16xf32, #tpu.memory_space<hbm>>) target(%dma_start3A_11 : memref<640x16xf32, #tpu.memory_space<vmem_shared>>) target_semaphore(%run_scoped3A : memref<!tpu.dma_semaphore, #tpu.memory_space<semaphore_mem>>)
      %dma_wait3A = arith.constant 0 : i32
      %dma_wait3A_12 = tpu.memref_slice %arg8[%mul3A_0, %dma_wait3A] : memref<10240x16xf32, #tpu.memory_space<vmem_shared>> -> memref<640x16xf32, #tpu.memory_space<vmem_shared>>
      tpu.wait_dma2 semaphore(%run_scoped3A : memref<!tpu.dma_semaphore, #tpu.memory_space<semaphore_mem>>) src(%arg4 : memref<640x16xf32, #tpu.memory_space<hbm>>) dst(%dma_wait3A_12 : memref<640x16xf32, #tpu.memory_space<vmem_shared>>)
      tpu.yield
    }) : () -> ()
    "tpu.region"() ({
      %run_scoped3A = tpu.sem_alloc : memref<!tpu.dma_semaphore, #tpu.memory_space<semaphore_mem>>
      tpu.enqueue_dma source(%arg3 : memref<128x16xf32, #tpu.memory_space<hbm>>) target(%arg7 : memref<128x16xf32, #tpu.memory_space<vmem>>) target_semaphore(%run_scoped3A : memref<!tpu.dma_semaphore, #tpu.memory_space<semaphore_mem>>)
      tpu.wait_dma2 semaphore(%run_scoped3A : memref<!tpu.dma_semaphore, #tpu.memory_space<semaphore_mem>>) src(%arg3 : memref<128x16xf32, #tpu.memory_space<hbm>>) dst(%arg7 : memref<128x16xf32, #tpu.memory_space<vmem>>)
      tpu.yield
    }) : () -> ()
    %barrier3A = arith.constant 0 : index
    tpu.barrier barrier_id(%barrier3A)
    %scan3A = arith.constant 0 : i32
    %scan3A_1 = arith.constant 0 : i32
    %scan3A_2 = arith.constant 20 : i32
    %scan3A_3 = arith.addi %scan3A_1, %scan3A_2 : i32
    %scan3A_4 = arith.constant 1 : i32
    scf.for %scan3A_11 = %scan3A_1 to %scan3A_3 step %scan3A_4  : i32 {
      %mul3A_12 = arith.constant 160 : i32
      %mul3A_13 = arith.muli %arg1, %mul3A_12 : i32
      %mul3A_14 = arith.constant 8 : i32
      %mul3A_15 = arith.muli %scan3A_11, %mul3A_14 : i32
      %add3A = arith.addi %mul3A_13, %mul3A_15 : i32
      "tpu.region"() ({
        %run_scoped3A_23 = tpu.sem_alloc : memref<!tpu.dma_semaphore, #tpu.memory_space<semaphore_mem>>
        %dma_start3A = arith.constant 0 : i32
        %dma_start3A_24 = arith.constant 0 : i32
        %dma_start3A_25 = tpu.memref_slice %arg2[%arg0, %dma_start3A, %dma_start3A_24] : memref<2x2560x128xi32, #tpu.memory_space<hbm>> -> memref<1x2560x128xi32, #tpu.memory_space<hbm>>
        %dma_start3A_26 = tpu.memref_squeeze %dma_start3A_25 : memref<1x2560x128xi32, #tpu.memory_space<hbm>> -> memref<2560x128xi32, #tpu.memory_space<hbm>>
        %dma_start3A_27 = arith.constant 0 : i32
        %dma_start3A_28 = tpu.memref_slice %dma_start3A_26[%add3A, %dma_start3A_27] : memref<2560x128xi32, #tpu.memory_space<hbm>> -> memref<8x128xi32, #tpu.memory_space<hbm>>
        %dma_start3A_29 = arith.constant 0 : i32
        %dma_start3A_30 = arith.constant 0 : i32
        %dma_start3A_31 = tpu.memref_slice %arg2[%arg0, %dma_start3A_29, %dma_start3A_30] : memref<2x2560x128xi32, #tpu.memory_space<hbm>> -> memref<1x2560x128xi32, #tpu.memory_space<hbm>>
        %dma_start3A_32 = tpu.memref_squeeze %dma_start3A_31 : memref<1x2560x128xi32, #tpu.memory_space<hbm>> -> memref<2560x128xi32, #tpu.memory_space<hbm>>
        %dma_start3A_33 = arith.constant 0 : i32
        %dma_start3A_34 = tpu.memref_slice %dma_start3A_32[%add3A, %dma_start3A_33] : memref<2560x128xi32, #tpu.memory_space<hbm>> -> memref<8x128xi32, #tpu.memory_space<hbm>>
        tpu.enqueue_dma source(%dma_start3A_34 : memref<8x128xi32, #tpu.memory_space<hbm>>) target(%arg6 : memref<8x128xi32, #tpu.memory_space<vmem>>) target_semaphore(%run_scoped3A_23 : memref<!tpu.dma_semaphore, #tpu.memory_space<semaphore_mem>>)
        %dma_wait3A = arith.constant 0 : i32
        %dma_wait3A_35 = arith.constant 0 : i32
        %dma_wait3A_36 = tpu.memref_slice %arg2[%arg0, %dma_wait3A, %dma_wait3A_35] : memref<2x2560x128xi32, #tpu.memory_space<hbm>> -> memref<1x2560x128xi32, #tpu.memory_space<hbm>>
        %dma_wait3A_37 = tpu.memref_squeeze %dma_wait3A_36 : memref<1x2560x128xi32, #tpu.memory_space<hbm>> -> memref<2560x128xi32, #tpu.memory_space<hbm>>
        %dma_wait3A_38 = arith.constant 0 : i32
        %dma_wait3A_39 = tpu.memref_slice %dma_wait3A_37[%add3A, %dma_wait3A_38] : memref<2560x128xi32, #tpu.memory_space<hbm>> -> memref<8x128xi32, #tpu.memory_space<hbm>>
        %dma_wait3A_40 = arith.constant 0 : i32
        %dma_wait3A_41 = arith.constant 0 : i32
        %dma_wait3A_42 = tpu.memref_slice %arg2[%arg0, %dma_wait3A_40, %dma_wait3A_41] : memref<2x2560x128xi32, #tpu.memory_space<hbm>> -> memref<1x2560x128xi32, #tpu.memory_space<hbm>>
        %dma_wait3A_43 = tpu.memref_squeeze %dma_wait3A_42 : memref<1x2560x128xi32, #tpu.memory_space<hbm>> -> memref<2560x128xi32, #tpu.memory_space<hbm>>
        %dma_wait3A_44 = arith.constant 0 : i32
        %dma_wait3A_45 = tpu.memref_slice %dma_wait3A_43[%add3A, %dma_wait3A_44] : memref<2560x128xi32, #tpu.memory_space<hbm>> -> memref<8x128xi32, #tpu.memory_space<hbm>>
        tpu.wait_dma2 semaphore(%run_scoped3A_23 : memref<!tpu.dma_semaphore, #tpu.memory_space<semaphore_mem>>) src(%dma_wait3A_45 : memref<8x128xi32, #tpu.memory_space<hbm>>) dst(%arg6 : memref<8x128xi32, #tpu.memory_space<vmem>>)
        tpu.yield
      }) : () -> ()
      %run_scoped3A = arith.constant 0 : i32
      "tpu.region"() ({
        %run_scoped3A_23 = tpu.sem_alloc : memref<!tpu.dma_semaphore, #tpu.memory_space<semaphore_mem>>
        %dma_start3A = arith.constant 0 : i32
        %dma_start3A_24 = tpu.memref_slice %arg6[%run_scoped3A, %dma_start3A] : memref<8x128xi32, #tpu.memory_space<vmem>> -> memref<1x128xi32, #tpu.memory_space<vmem>>
        %dma_start3A_25 = tpu.memref_squeeze %dma_start3A_24 : memref<1x128xi32, #tpu.memory_space<vmem>> -> memref<128xi32, #tpu.memory_space<vmem>>
        %dma_start3A_26 = arith.constant 0 : i32
        %dma_start3A_27 = arith.constant 0 : i32
        %dma_start3A_28 = tpu.memref_slice %arg8[%dma_start3A_26, %dma_start3A_27] : memref<10240x16xf32, #tpu.memory_space<vmem_shared>> -> memref<10240x16xf32, #tpu.memory_space<vmem_shared>>
        tpu.enqueue_indirect_dma source(%arg7 : memref<128x16xf32, #tpu.memory_space<vmem>>) target(%dma_start3A_28 : memref<10240x16xf32, #tpu.memory_space<vmem_shared>>) offsets(%dma_start3A_25 : memref<128xi32, #tpu.memory_space<vmem>>) semaphore(%run_scoped3A_23 : memref<!tpu.dma_semaphore, #tpu.memory_space<semaphore_mem>>) {add = true}
        %dma_wait3A = arith.constant 0 : i32
        %dma_wait3A_29 = tpu.memref_slice %arg6[%run_scoped3A, %dma_wait3A] : memref<8x128xi32, #tpu.memory_space<vmem>> -> memref<1x128xi32, #tpu.memory_space<vmem>>
        %dma_wait3A_30 = tpu.memref_squeeze %dma_wait3A_29 : memref<1x128xi32, #tpu.memory_space<vmem>> -> memref<128xi32, #tpu.memory_space<vmem>>
        %dma_wait3A_31 = arith.constant 0 : i32
        %dma_wait3A_32 = arith.constant 0 : i32
        %dma_wait3A_33 = tpu.memref_slice %arg8[%dma_wait3A_31, %dma_wait3A_32] : memref<10240x16xf32, #tpu.memory_space<vmem_shared>> -> memref<10240x16xf32, #tpu.memory_space<vmem_shared>>
        tpu.wait_indirect_dma semaphore(%run_scoped3A_23 : memref<!tpu.dma_semaphore, #tpu.memory_space<semaphore_mem>>) src(%arg7 : memref<128x16xf32, #tpu.memory_space<vmem>>) dst(%dma_wait3A_33 : memref<10240x16xf32, #tpu.memory_space<vmem_shared>>)
        tpu.yield
      }) : () -> ()
      %run_scoped3A_16 = arith.constant 1 : i32
      "tpu.region"() ({
        %run_scoped3A_23 = tpu.sem_alloc : memref<!tpu.dma_semaphore, #tpu.memory_space<semaphore_mem>>
        %dma_start3A = arith.constant 0 : i32
        %dma_start3A_24 = tpu.memref_slice %arg6[%run_scoped3A_16, %dma_start3A] : memref<8x128xi32, #tpu.memory_space<vmem>> -> memref<1x128xi32, #tpu.memory_space<vmem>>
        %dma_start3A_25 = tpu.memref_squeeze %dma_start3A_24 : memref<1x128xi32, #tpu.memory_space<vmem>> -> memref<128xi32, #tpu.memory_space<vmem>>
        %dma_start3A_26 = arith.constant 0 : i32
        %dma_start3A_27 = arith.constant 0 : i32
        %dma_start3A_28 = tpu.memref_slice %arg8[%dma_start3A_26, %dma_start3A_27] : memref<10240x16xf32, #tpu.memory_space<vmem_shared>> -> memref<10240x16xf32, #tpu.memory_space<vmem_shared>>
        tpu.enqueue_indirect_dma source(%arg7 : memref<128x16xf32, #tpu.memory_space<vmem>>) target(%dma_start3A_28 : memref<10240x16xf32, #tpu.memory_space<vmem_shared>>) offsets(%dma_start3A_25 : memref<128xi32, #tpu.memory_space<vmem>>) semaphore(%run_scoped3A_23 : memref<!tpu.dma_semaphore, #tpu.memory_space<semaphore_mem>>) {add = true}
        %dma_wait3A = arith.constant 0 : i32
        %dma_wait3A_29 = tpu.memref_slice %arg6[%run_scoped3A_16, %dma_wait3A] : memref<8x128xi32, #tpu.memory_space<vmem>> -> memref<1x128xi32, #tpu.memory_space<vmem>>
        %dma_wait3A_30 = tpu.memref_squeeze %dma_wait3A_29 : memref<1x128xi32, #tpu.memory_space<vmem>> -> memref<128xi32, #tpu.memory_space<vmem>>
        %dma_wait3A_31 = arith.constant 0 : i32
        %dma_wait3A_32 = arith.constant 0 : i32
        %dma_wait3A_33 = tpu.memref_slice %arg8[%dma_wait3A_31, %dma_wait3A_32] : memref<10240x16xf32, #tpu.memory_space<vmem_shared>> -> memref<10240x16xf32, #tpu.memory_space<vmem_shared>>
        tpu.wait_indirect_dma semaphore(%run_scoped3A_23 : memref<!tpu.dma_semaphore, #tpu.memory_space<semaphore_mem>>) src(%arg7 : memref<128x16xf32, #tpu.memory_space<vmem>>) dst(%dma_wait3A_33 : memref<10240x16xf32, #tpu.memory_space<vmem_shared>>)
        tpu.yield
      }) : () -> ()
      %run_scoped3A_17 = arith.constant 2 : i32
      "tpu.region"() ({
        %run_scoped3A_23 = tpu.sem_alloc : memref<!tpu.dma_semaphore, #tpu.memory_space<semaphore_mem>>
        %dma_start3A = arith.constant 0 : i32
        %dma_start3A_24 = tpu.memref_slice %arg6[%run_scoped3A_17, %dma_start3A] : memref<8x128xi32, #tpu.memory_space<vmem>> -> memref<1x128xi32, #tpu.memory_space<vmem>>
        %dma_start3A_25 = tpu.memref_squeeze %dma_start3A_24 : memref<1x128xi32, #tpu.memory_space<vmem>> -> memref<128xi32, #tpu.memory_space<vmem>>
        %dma_start3A_26 = arith.constant 0 : i32
        %dma_start3A_27 = arith.constant 0 : i32
        %dma_start3A_28 = tpu.memref_slice %arg8[%dma_start3A_26, %dma_start3A_27] : memref<10240x16xf32, #tpu.memory_space<vmem_shared>> -> memref<10240x16xf32, #tpu.memory_space<vmem_shared>>
        tpu.enqueue_indirect_dma source(%arg7 : memref<128x16xf32, #tpu.memory_space<vmem>>) target(%dma_start3A_28 : memref<10240x16xf32, #tpu.memory_space<vmem_shared>>) offsets(%dma_start3A_25 : memref<128xi32, #tpu.memory_space<vmem>>) semaphore(%run_scoped3A_23 : memref<!tpu.dma_semaphore, #tpu.memory_space<semaphore_mem>>) {add = true}
        %dma_wait3A = arith.constant 0 : i32
        %dma_wait3A_29 = tpu.memref_slice %arg6[%run_scoped3A_17, %dma_wait3A] : memref<8x128xi32, #tpu.memory_space<vmem>> -> memref<1x128xi32, #tpu.memory_space<vmem>>
        %dma_wait3A_30 = tpu.memref_squeeze %dma_wait3A_29 : memref<1x128xi32, #tpu.memory_space<vmem>> -> memref<128xi32, #tpu.memory_space<vmem>>
        %dma_wait3A_31 = arith.constant 0 : i32
        %dma_wait3A_32 = arith.constant 0 : i32
        %dma_wait3A_33 = tpu.memref_slice %arg8[%dma_wait3A_31, %dma_wait3A_32] : memref<10240x16xf32, #tpu.memory_space<vmem_shared>> -> memref<10240x16xf32, #tpu.memory_space<vmem_shared>>
        tpu.wait_indirect_dma semaphore(%run_scoped3A_23 : memref<!tpu.dma_semaphore, #tpu.memory_space<semaphore_mem>>) src(%arg7 : memref<128x16xf32, #tpu.memory_space<vmem>>) dst(%dma_wait3A_33 : memref<10240x16xf32, #tpu.memory_space<vmem_shared>>)
        tpu.yield
      }) : () -> ()
      %run_scoped3A_18 = arith.constant 3 : i32
      "tpu.region"() ({
        %run_scoped3A_23 = tpu.sem_alloc : memref<!tpu.dma_semaphore, #tpu.memory_space<semaphore_mem>>
        %dma_start3A = arith.constant 0 : i32
        %dma_start3A_24 = tpu.memref_slice %arg6[%run_scoped3A_18, %dma_start3A] : memref<8x128xi32, #tpu.memory_space<vmem>> -> memref<1x128xi32, #tpu.memory_space<vmem>>
        %dma_start3A_25 = tpu.memref_squeeze %dma_start3A_24 : memref<1x128xi32, #tpu.memory_space<vmem>> -> memref<128xi32, #tpu.memory_space<vmem>>
        %dma_start3A_26 = arith.constant 0 : i32
        %dma_start3A_27 = arith.constant 0 : i32
        %dma_start3A_28 = tpu.memref_slice %arg8[%dma_start3A_26, %dma_start3A_27] : memref<10240x16xf32, #tpu.memory_space<vmem_shared>> -> memref<10240x16xf32, #tpu.memory_space<vmem_shared>>
        tpu.enqueue_indirect_dma source(%arg7 : memref<128x16xf32, #tpu.memory_space<vmem>>) target(%dma_start3A_28 : memref<10240x16xf32, #tpu.memory_space<vmem_shared>>) offsets(%dma_start3A_25 : memref<128xi32, #tpu.memory_space<vmem>>) semaphore(%run_scoped3A_23 : memref<!tpu.dma_semaphore, #tpu.memory_space<semaphore_mem>>) {add = true}
        %dma_wait3A = arith.constant 0 : i32
        %dma_wait3A_29 = tpu.memref_slice %arg6[%run_scoped3A_18, %dma_wait3A] : memref<8x128xi32, #tpu.memory_space<vmem>> -> memref<1x128xi32, #tpu.memory_space<vmem>>
        %dma_wait3A_30 = tpu.memref_squeeze %dma_wait3A_29 : memref<1x128xi32, #tpu.memory_space<vmem>> -> memref<128xi32, #tpu.memory_space<vmem>>
        %dma_wait3A_31 = arith.constant 0 : i32
        %dma_wait3A_32 = arith.constant 0 : i32
        %dma_wait3A_33 = tpu.memref_slice %arg8[%dma_wait3A_31, %dma_wait3A_32] : memref<10240x16xf32, #tpu.memory_space<vmem_shared>> -> memref<10240x16xf32, #tpu.memory_space<vmem_shared>>
        tpu.wait_indirect_dma semaphore(%run_scoped3A_23 : memref<!tpu.dma_semaphore, #tpu.memory_space<semaphore_mem>>) src(%arg7 : memref<128x16xf32, #tpu.memory_space<vmem>>) dst(%dma_wait3A_33 : memref<10240x16xf32, #tpu.memory_space<vmem_shared>>)
        tpu.yield
      }) : () -> ()
      %run_scoped3A_19 = arith.constant 4 : i32
      "tpu.region"() ({
        %run_scoped3A_23 = tpu.sem_alloc : memref<!tpu.dma_semaphore, #tpu.memory_space<semaphore_mem>>
        %dma_start3A = arith.constant 0 : i32
        %dma_start3A_24 = tpu.memref_slice %arg6[%run_scoped3A_19, %dma_start3A] : memref<8x128xi32, #tpu.memory_space<vmem>> -> memref<1x128xi32, #tpu.memory_space<vmem>>
        %dma_start3A_25 = tpu.memref_squeeze %dma_start3A_24 : memref<1x128xi32, #tpu.memory_space<vmem>> -> memref<128xi32, #tpu.memory_space<vmem>>
        %dma_start3A_26 = arith.constant 0 : i32
        %dma_start3A_27 = arith.constant 0 : i32
        %dma_start3A_28 = tpu.memref_slice %arg8[%dma_start3A_26, %dma_start3A_27] : memref<10240x16xf32, #tpu.memory_space<vmem_shared>> -> memref<10240x16xf32, #tpu.memory_space<vmem_shared>>
        tpu.enqueue_indirect_dma source(%arg7 : memref<128x16xf32, #tpu.memory_space<vmem>>) target(%dma_start3A_28 : memref<10240x16xf32, #tpu.memory_space<vmem_shared>>) offsets(%dma_start3A_25 : memref<128xi32, #tpu.memory_space<vmem>>) semaphore(%run_scoped3A_23 : memref<!tpu.dma_semaphore, #tpu.memory_space<semaphore_mem>>) {add = true}
        %dma_wait3A = arith.constant 0 : i32
        %dma_wait3A_29 = tpu.memref_slice %arg6[%run_scoped3A_19, %dma_wait3A] : memref<8x128xi32, #tpu.memory_space<vmem>> -> memref<1x128xi32, #tpu.memory_space<vmem>>
        %dma_wait3A_30 = tpu.memref_squeeze %dma_wait3A_29 : memref<1x128xi32, #tpu.memory_space<vmem>> -> memref<128xi32, #tpu.memory_space<vmem>>
        %dma_wait3A_31 = arith.constant 0 : i32
        %dma_wait3A_32 = arith.constant 0 : i32
        %dma_wait3A_33 = tpu.memref_slice %arg8[%dma_wait3A_31, %dma_wait3A_32] : memref<10240x16xf32, #tpu.memory_space<vmem_shared>> -> memref<10240x16xf32, #tpu.memory_space<vmem_shared>>
        tpu.wait_indirect_dma semaphore(%run_scoped3A_23 : memref<!tpu.dma_semaphore, #tpu.memory_space<semaphore_mem>>) src(%arg7 : memref<128x16xf32, #tpu.memory_space<vmem>>) dst(%dma_wait3A_33 : memref<10240x16xf32, #tpu.memory_space<vmem_shared>>)
        tpu.yield
      }) : () -> ()
      %run_scoped3A_20 = arith.constant 5 : i32
      "tpu.region"() ({
        %run_scoped3A_23 = tpu.sem_alloc : memref<!tpu.dma_semaphore, #tpu.memory_space<semaphore_mem>>
        %dma_start3A = arith.constant 0 : i32
        %dma_start3A_24 = tpu.memref_slice %arg6[%run_scoped3A_20, %dma_start3A] : memref<8x128xi32, #tpu.memory_space<vmem>> -> memref<1x128xi32, #tpu.memory_space<vmem>>
        %dma_start3A_25 = tpu.memref_squeeze %dma_start3A_24 : memref<1x128xi32, #tpu.memory_space<vmem>> -> memref<128xi32, #tpu.memory_space<vmem>>
        %dma_start3A_26 = arith.constant 0 : i32
        %dma_start3A_27 = arith.constant 0 : i32
        %dma_start3A_28 = tpu.memref_slice %arg8[%dma_start3A_26, %dma_start3A_27] : memref<10240x16xf32, #tpu.memory_space<vmem_shared>> -> memref<10240x16xf32, #tpu.memory_space<vmem_shared>>
        tpu.enqueue_indirect_dma source(%arg7 : memref<128x16xf32, #tpu.memory_space<vmem>>) target(%dma_start3A_28 : memref<10240x16xf32, #tpu.memory_space<vmem_shared>>) offsets(%dma_start3A_25 : memref<128xi32, #tpu.memory_space<vmem>>) semaphore(%run_scoped3A_23 : memref<!tpu.dma_semaphore, #tpu.memory_space<semaphore_mem>>) {add = true}
        %dma_wait3A = arith.constant 0 : i32
        %dma_wait3A_29 = tpu.memref_slice %arg6[%run_scoped3A_20, %dma_wait3A] : memref<8x128xi32, #tpu.memory_space<vmem>> -> memref<1x128xi32, #tpu.memory_space<vmem>>
        %dma_wait3A_30 = tpu.memref_squeeze %dma_wait3A_29 : memref<1x128xi32, #tpu.memory_space<vmem>> -> memref<128xi32, #tpu.memory_space<vmem>>
        %dma_wait3A_31 = arith.constant 0 : i32
        %dma_wait3A_32 = arith.constant 0 : i32
        %dma_wait3A_33 = tpu.memref_slice %arg8[%dma_wait3A_31, %dma_wait3A_32] : memref<10240x16xf32, #tpu.memory_space<vmem_shared>> -> memref<10240x16xf32, #tpu.memory_space<vmem_shared>>
        tpu.wait_indirect_dma semaphore(%run_scoped3A_23 : memref<!tpu.dma_semaphore, #tpu.memory_space<semaphore_mem>>) src(%arg7 : memref<128x16xf32, #tpu.memory_space<vmem>>) dst(%dma_wait3A_33 : memref<10240x16xf32, #tpu.memory_space<vmem_shared>>)
        tpu.yield
      }) : () -> ()
      %run_scoped3A_21 = arith.constant 6 : i32
      "tpu.region"() ({
        %run_scoped3A_23 = tpu.sem_alloc : memref<!tpu.dma_semaphore, #tpu.memory_space<semaphore_mem>>
        %dma_start3A = arith.constant 0 : i32
        %dma_start3A_24 = tpu.memref_slice %arg6[%run_scoped3A_21, %dma_start3A] : memref<8x128xi32, #tpu.memory_space<vmem>> -> memref<1x128xi32, #tpu.memory_space<vmem>>
        %dma_start3A_25 = tpu.memref_squeeze %dma_start3A_24 : memref<1x128xi32, #tpu.memory_space<vmem>> -> memref<128xi32, #tpu.memory_space<vmem>>
        %dma_start3A_26 = arith.constant 0 : i32
        %dma_start3A_27 = arith.constant 0 : i32
        %dma_start3A_28 = tpu.memref_slice %arg8[%dma_start3A_26, %dma_start3A_27] : memref<10240x16xf32, #tpu.memory_space<vmem_shared>> -> memref<10240x16xf32, #tpu.memory_space<vmem_shared>>
        tpu.enqueue_indirect_dma source(%arg7 : memref<128x16xf32, #tpu.memory_space<vmem>>) target(%dma_start3A_28 : memref<10240x16xf32, #tpu.memory_space<vmem_shared>>) offsets(%dma_start3A_25 : memref<128xi32, #tpu.memory_space<vmem>>) semaphore(%run_scoped3A_23 : memref<!tpu.dma_semaphore, #tpu.memory_space<semaphore_mem>>) {add = true}
        %dma_wait3A = arith.constant 0 : i32
        %dma_wait3A_29 = tpu.memref_slice %arg6[%run_scoped3A_21, %dma_wait3A] : memref<8x128xi32, #tpu.memory_space<vmem>> -> memref<1x128xi32, #tpu.memory_space<vmem>>
        %dma_wait3A_30 = tpu.memref_squeeze %dma_wait3A_29 : memref<1x128xi32, #tpu.memory_space<vmem>> -> memref<128xi32, #tpu.memory_space<vmem>>
        %dma_wait3A_31 = arith.constant 0 : i32
        %dma_wait3A_32 = arith.constant 0 : i32
        %dma_wait3A_33 = tpu.memref_slice %arg8[%dma_wait3A_31, %dma_wait3A_32] : memref<10240x16xf32, #tpu.memory_space<vmem_shared>> -> memref<10240x16xf32, #tpu.memory_space<vmem_shared>>
        tpu.wait_indirect_dma semaphore(%run_scoped3A_23 : memref<!tpu.dma_semaphore, #tpu.memory_space<semaphore_mem>>) src(%arg7 : memref<128x16xf32, #tpu.memory_space<vmem>>) dst(%dma_wait3A_33 : memref<10240x16xf32, #tpu.memory_space<vmem_shared>>)
        tpu.yield
      }) : () -> ()
      %run_scoped3A_22 = arith.constant 7 : i32
      "tpu.region"() ({
        %run_scoped3A_23 = tpu.sem_alloc : memref<!tpu.dma_semaphore, #tpu.memory_space<semaphore_mem>>
        %dma_start3A = arith.constant 0 : i32
        %dma_start3A_24 = tpu.memref_slice %arg6[%run_scoped3A_22, %dma_start3A] : memref<8x128xi32, #tpu.memory_space<vmem>> -> memref<1x128xi32, #tpu.memory_space<vmem>>
        %dma_start3A_25 = tpu.memref_squeeze %dma_start3A_24 : memref<1x128xi32, #tpu.memory_space<vmem>> -> memref<128xi32, #tpu.memory_space<vmem>>
        %dma_start3A_26 = arith.constant 0 : i32
        %dma_start3A_27 = arith.constant 0 : i32
        %dma_start3A_28 = tpu.memref_slice %arg8[%dma_start3A_26, %dma_start3A_27] : memref<10240x16xf32, #tpu.memory_space<vmem_shared>> -> memref<10240x16xf32, #tpu.memory_space<vmem_shared>>
        tpu.enqueue_indirect_dma source(%arg7 : memref<128x16xf32, #tpu.memory_space<vmem>>) target(%dma_start3A_28 : memref<10240x16xf32, #tpu.memory_space<vmem_shared>>) offsets(%dma_start3A_25 : memref<128xi32, #tpu.memory_space<vmem>>) semaphore(%run_scoped3A_23 : memref<!tpu.dma_semaphore, #tpu.memory_space<semaphore_mem>>) {add = true}
        %dma_wait3A = arith.constant 0 : i32
        %dma_wait3A_29 = tpu.memref_slice %arg6[%run_scoped3A_22, %dma_wait3A] : memref<8x128xi32, #tpu.memory_space<vmem>> -> memref<1x128xi32, #tpu.memory_space<vmem>>
        %dma_wait3A_30 = tpu.memref_squeeze %dma_wait3A_29 : memref<1x128xi32, #tpu.memory_space<vmem>> -> memref<128xi32, #tpu.memory_space<vmem>>
        %dma_wait3A_31 = arith.constant 0 : i32
        %dma_wait3A_32 = arith.constant 0 : i32
        %dma_wait3A_33 = tpu.memref_slice %arg8[%dma_wait3A_31, %dma_wait3A_32] : memref<10240x16xf32, #tpu.memory_space<vmem_shared>> -> memref<10240x16xf32, #tpu.memory_space<vmem_shared>>
        tpu.wait_indirect_dma semaphore(%run_scoped3A_23 : memref<!tpu.dma_semaphore, #tpu.memory_space<semaphore_mem>>) src(%arg7 : memref<128x16xf32, #tpu.memory_space<vmem>>) dst(%dma_wait3A_33 : memref<10240x16xf32, #tpu.memory_space<vmem_shared>>)
        tpu.yield
      }) : () -> ()
    }
    %scan3A_5 = arith.constant 20 : i32
    %barrier3A_6 = arith.constant 0 : index
    tpu.barrier barrier_id(%barrier3A_6)
    %mul3A_7 = arith.constant 640 : i32
    %mul3A_8 = arith.muli %arg1, %mul3A_7 : i32
    %mul3A_9 = arith.constant 640 : i32
    %mul3A_10 = arith.muli %arg1, %mul3A_9 : i32
    "tpu.region"() ({
      %run_scoped3A = tpu.sem_alloc : memref<!tpu.dma_semaphore, #tpu.memory_space<semaphore_mem>>
      %dma_start3A = arith.constant 0 : i32
      %dma_start3A_11 = arith.constant 0 : i32
      %dma_start3A_12 = tpu.memref_slice %arg5[%arg0, %dma_start3A, %dma_start3A_11] : memref<2x10240x16xf32, #tpu.memory_space<hbm>> -> memref<1x10240x16xf32, #tpu.memory_space<hbm>>
      %dma_start3A_13 = tpu.memref_squeeze %dma_start3A_12 : memref<1x10240x16xf32, #tpu.memory_space<hbm>> -> memref<10240x16xf32, #tpu.memory_space<hbm>>
      %dma_start3A_14 = arith.constant 0 : i32
      %dma_start3A_15 = tpu.memref_slice %dma_start3A_13[%mul3A_10, %dma_start3A_14] : memref<10240x16xf32, #tpu.memory_space<hbm>> -> memref<640x16xf32, #tpu.memory_space<hbm>>
      %dma_start3A_16 = arith.constant 0 : i32
      %dma_start3A_17 = tpu.memref_slice %arg8[%mul3A_8, %dma_start3A_16] : memref<10240x16xf32, #tpu.memory_space<vmem_shared>> -> memref<640x16xf32, #tpu.memory_space<vmem_shared>>
      tpu.enqueue_dma source(%dma_start3A_17 : memref<640x16xf32, #tpu.memory_space<vmem_shared>>) target(%dma_start3A_15 : memref<640x16xf32, #tpu.memory_space<hbm>>) target_semaphore(%run_scoped3A : memref<!tpu.dma_semaphore, #tpu.memory_space<semaphore_mem>>)
      %dma_wait3A = arith.constant 0 : i32
      %dma_wait3A_18 = arith.constant 0 : i32
      %dma_wait3A_19 = tpu.memref_slice %arg5[%arg0, %dma_wait3A, %dma_wait3A_18] : memref<2x10240x16xf32, #tpu.memory_space<hbm>> -> memref<1x10240x16xf32, #tpu.memory_space<hbm>>
      %dma_wait3A_20 = tpu.memref_squeeze %dma_wait3A_19 : memref<1x10240x16xf32, #tpu.memory_space<hbm>> -> memref<10240x16xf32, #tpu.memory_space<hbm>>
      %dma_wait3A_21 = arith.constant 0 : i32
      %dma_wait3A_22 = tpu.memref_slice %dma_wait3A_20[%mul3A_10, %dma_wait3A_21] : memref<10240x16xf32, #tpu.memory_space<hbm>> -> memref<640x16xf32, #tpu.memory_space<hbm>>
      %dma_wait3A_23 = arith.constant 0 : i32
      %dma_wait3A_24 = tpu.memref_slice %arg8[%mul3A_8, %dma_wait3A_23] : memref<10240x16xf32, #tpu.memory_space<vmem_shared>> -> memref<640x16xf32, #tpu.memory_space<vmem_shared>>
      tpu.wait_dma2 semaphore(%run_scoped3A : memref<!tpu.dma_semaphore, #tpu.memory_space<semaphore_mem>>) src(%dma_wait3A_24 : memref<640x16xf32, #tpu.memory_space<vmem_shared>>) dst(%dma_wait3A_22 : memref<640x16xf32, #tpu.memory_space<hbm>>)
      tpu.yield
    }) : () -> ()
    return
  }
}

#map = affine_map<(d0, d1) -> (0, 0, 0)>
#map1 = affine_map<(d0, d1) -> (0, 0)>
module attributes {stable_mosaic.version = 14 : i64} {
  func.func @gcn_agg_fs_128(%arg0: i32, %arg1: i32, %arg2: memref<2x10240x128xf32, #tpu.memory_space<hbm>>, %arg3: memref<2560x128xi32, #tpu.memory_space<hbm>>, %arg4: memref<2560x128xi32, #tpu.memory_space<hbm>>, %arg5: memref<640x128xf32, #tpu.memory_space<hbm>>, %arg6: memref<2x10240x128xf32, #tpu.memory_space<hbm>>, %arg7: memref<8x128xi32, #tpu.memory_space<vmem>>, %arg8: memref<8x128xi32, #tpu.memory_space<vmem>>, %arg9: memref<2x128x128xf32, #tpu.memory_space<vmem>>, %arg10: memref<10240x128xf32, #tpu.memory_space<vmem_shared>>, %arg11: memref<!tpu.dma_semaphore, #tpu.memory_space<semaphore_mem>>, %arg12: memref<!tpu.dma_semaphore, #tpu.memory_space<semaphore_mem>>, %arg13: memref<!tpu.dma_semaphore, #tpu.memory_space<semaphore_mem>>, %arg14: memref<!tpu.dma_semaphore, #tpu.memory_space<semaphore_mem>>) attributes {dimension_semantics = [#tpu.dimension_semantics<core_parallel>, #tpu.dimension_semantics<subcore_parallel>], iteration_bounds = array<i64: 2, 16>, scalar_prefetch = 0 : i64, scratch_operands = 8 : i64, tpu.core_type = #tpu.core_type<sc_vector_subcore>, window_params = [{transform_indices = #map}, {transform_indices = #map1}, {transform_indices = #map1}, {transform_indices = #map1}, {transform_indices = #map}]} {
    %mul3A = arith.constant 640 : i32
    %mul3A_0 = arith.muli %arg1, %mul3A : i32
    "tpu.region"() ({
      %run_scoped3A = tpu.sem_alloc : memref<!tpu.dma_semaphore, #tpu.memory_space<semaphore_mem>>
      %dma_start3A = arith.constant 0 : i32
      %dma_start3A_11 = tpu.memref_slice %arg10[%mul3A_0, %dma_start3A] : memref<10240x128xf32, #tpu.memory_space<vmem_shared>> -> memref<640x128xf32, #tpu.memory_space<vmem_shared>>
      tpu.enqueue_dma source(%arg5 : memref<640x128xf32, #tpu.memory_space<hbm>>) target(%dma_start3A_11 : memref<640x128xf32, #tpu.memory_space<vmem_shared>>) target_semaphore(%run_scoped3A : memref<!tpu.dma_semaphore, #tpu.memory_space<semaphore_mem>>)
      %dma_wait3A = arith.constant 0 : i32
      %dma_wait3A_12 = tpu.memref_slice %arg10[%mul3A_0, %dma_wait3A] : memref<10240x128xf32, #tpu.memory_space<vmem_shared>> -> memref<640x128xf32, #tpu.memory_space<vmem_shared>>
      tpu.wait_dma2 semaphore(%run_scoped3A : memref<!tpu.dma_semaphore, #tpu.memory_space<semaphore_mem>>) src(%arg5 : memref<640x128xf32, #tpu.memory_space<hbm>>) dst(%dma_wait3A_12 : memref<640x128xf32, #tpu.memory_space<vmem_shared>>)
      tpu.yield
    }) : () -> ()
    %barrier3A = arith.constant 0 : index
    tpu.barrier barrier_id(%barrier3A)
    %scan3A = arith.constant 0 : i32
    %scan3A_1 = arith.constant 0 : i32
    %scan3A_2 = arith.constant 20 : i32
    %scan3A_3 = arith.addi %scan3A_1, %scan3A_2 : i32
    %scan3A_4 = arith.constant 1 : i32
    scf.for %scan3A_11 = %scan3A_1 to %scan3A_3 step %scan3A_4  : i32 {
      %mul3A_12 = arith.constant 160 : i32
      %mul3A_13 = arith.muli %arg1, %mul3A_12 : i32
      %jit3A = arith.constant 8 : i32
      %div3A = arith.divsi %mul3A_13, %jit3A : i32
      %sign3A = arith.constant 0 : i32
      %sign3A_14 = arith.cmpi sgt, %mul3A_13, %sign3A : i32
      %sign3A_15 = arith.extui %sign3A_14 : i1 to i32
      %sign3A_16 = arith.constant 0 : i32
      %sign3A_17 = arith.cmpi slt, %mul3A_13, %sign3A_16 : i32
      %sign3A_18 = arith.extui %sign3A_17 : i1 to i32
      %sign3A_19 = arith.subi %sign3A_15, %sign3A_18 : i32
      %sign3A_20 = arith.constant 0 : i32
      %sign3A_21 = arith.cmpi sgt, %jit3A, %sign3A_20 : i32
      %sign3A_22 = arith.extui %sign3A_21 : i1 to i32
      %sign3A_23 = arith.constant 0 : i32
      %sign3A_24 = arith.cmpi slt, %jit3A, %sign3A_23 : i32
      %sign3A_25 = arith.extui %sign3A_24 : i1 to i32
      %sign3A_26 = arith.subi %sign3A_22, %sign3A_25 : i32
      %ne3A = arith.cmpi ne, %sign3A_19, %sign3A_26 : i32
      %rem3A = arith.remsi %mul3A_13, %jit3A : i32
      %ne3A_27 = arith.constant 0 : i32
      %ne3A_28 = arith.cmpi ne, %rem3A, %ne3A_27 : i32
      %and3A = arith.andi %ne3A, %ne3A_28 : i1
      %sub3A = arith.constant 1 : i32
      %sub3A_29 = arith.subi %div3A, %sub3A : i32
      %select_n3A = arith.select %and3A, %sub3A_29, %div3A : i32
      %add3A = arith.addi %select_n3A, %scan3A_11 : i32
      %mul3A_30 = arith.constant 8 : i32
      %mul3A_31 = arith.muli %add3A, %mul3A_30 : i32
      "tpu.region"() ({
        %run_scoped3A = tpu.sem_alloc : memref<!tpu.dma_semaphore, #tpu.memory_space<semaphore_mem>>
        %dma_start3A_478 = arith.constant 0 : i32
        %dma_start3A_479 = tpu.memref_slice %arg3[%mul3A_31, %dma_start3A_478] : memref<2560x128xi32, #tpu.memory_space<hbm>> -> memref<8x128xi32, #tpu.memory_space<hbm>>
        %dma_start3A_480 = arith.constant 0 : i32
        %dma_start3A_481 = tpu.memref_slice %arg3[%mul3A_31, %dma_start3A_480] : memref<2560x128xi32, #tpu.memory_space<hbm>> -> memref<8x128xi32, #tpu.memory_space<hbm>>
        tpu.enqueue_dma source(%dma_start3A_481 : memref<8x128xi32, #tpu.memory_space<hbm>>) target(%arg7 : memref<8x128xi32, #tpu.memory_space<vmem>>) target_semaphore(%run_scoped3A : memref<!tpu.dma_semaphore, #tpu.memory_space<semaphore_mem>>)
        %dma_wait3A_482 = arith.constant 0 : i32
        %dma_wait3A_483 = tpu.memref_slice %arg3[%mul3A_31, %dma_wait3A_482] : memref<2560x128xi32, #tpu.memory_space<hbm>> -> memref<8x128xi32, #tpu.memory_space<hbm>>
        %dma_wait3A_484 = arith.constant 0 : i32
        %dma_wait3A_485 = tpu.memref_slice %arg3[%mul3A_31, %dma_wait3A_484] : memref<2560x128xi32, #tpu.memory_space<hbm>> -> memref<8x128xi32, #tpu.memory_space<hbm>>
        tpu.wait_dma2 semaphore(%run_scoped3A : memref<!tpu.dma_semaphore, #tpu.memory_space<semaphore_mem>>) src(%dma_wait3A_485 : memref<8x128xi32, #tpu.memory_space<hbm>>) dst(%arg7 : memref<8x128xi32, #tpu.memory_space<vmem>>)
        tpu.yield
      }) : () -> ()
      "tpu.region"() ({
        %run_scoped3A = tpu.sem_alloc : memref<!tpu.dma_semaphore, #tpu.memory_space<semaphore_mem>>
        %dma_start3A_478 = arith.constant 0 : i32
        %dma_start3A_479 = tpu.memref_slice %arg4[%mul3A_31, %dma_start3A_478] : memref<2560x128xi32, #tpu.memory_space<hbm>> -> memref<8x128xi32, #tpu.memory_space<hbm>>
        %dma_start3A_480 = arith.constant 0 : i32
        %dma_start3A_481 = tpu.memref_slice %arg4[%mul3A_31, %dma_start3A_480] : memref<2560x128xi32, #tpu.memory_space<hbm>> -> memref<8x128xi32, #tpu.memory_space<hbm>>
        tpu.enqueue_dma source(%dma_start3A_481 : memref<8x128xi32, #tpu.memory_space<hbm>>) target(%arg8 : memref<8x128xi32, #tpu.memory_space<vmem>>) target_semaphore(%run_scoped3A : memref<!tpu.dma_semaphore, #tpu.memory_space<semaphore_mem>>)
        %dma_wait3A_482 = arith.constant 0 : i32
        %dma_wait3A_483 = tpu.memref_slice %arg4[%mul3A_31, %dma_wait3A_482] : memref<2560x128xi32, #tpu.memory_space<hbm>> -> memref<8x128xi32, #tpu.memory_space<hbm>>
        %dma_wait3A_484 = arith.constant 0 : i32
        %dma_wait3A_485 = tpu.memref_slice %arg4[%mul3A_31, %dma_wait3A_484] : memref<2560x128xi32, #tpu.memory_space<hbm>> -> memref<8x128xi32, #tpu.memory_space<hbm>>
        tpu.wait_dma2 semaphore(%run_scoped3A : memref<!tpu.dma_semaphore, #tpu.memory_space<semaphore_mem>>) src(%dma_wait3A_485 : memref<8x128xi32, #tpu.memory_space<hbm>>) dst(%arg8 : memref<8x128xi32, #tpu.memory_space<vmem>>)
        tpu.yield
      }) : () -> ()
      %dma_start3A = arith.constant 0 : i32
      %dma_start3A_32 = arith.constant 0 : i32
      %dma_start3A_33 = arith.constant 0 : i32
      %dma_start3A_34 = arith.constant 0 : i32
      %dma_start3A_35 = tpu.memref_slice %arg9[%dma_start3A_32, %dma_start3A_33, %dma_start3A_34] : memref<2x128x128xf32, #tpu.memory_space<vmem>> -> memref<1x128x128xf32, #tpu.memory_space<vmem>>
      %dma_start3A_36 = tpu.memref_squeeze %dma_start3A_35 : memref<1x128x128xf32, #tpu.memory_space<vmem>> -> memref<128x128xf32, #tpu.memory_space<vmem>>
      %dma_start3A_37 = arith.constant 0 : i32
      %dma_start3A_38 = tpu.memref_slice %arg7[%dma_start3A, %dma_start3A_37] : memref<8x128xi32, #tpu.memory_space<vmem>> -> memref<1x128xi32, #tpu.memory_space<vmem>>
      %dma_start3A_39 = tpu.memref_squeeze %dma_start3A_38 : memref<1x128xi32, #tpu.memory_space<vmem>> -> memref<128xi32, #tpu.memory_space<vmem>>
      %dma_start3A_40 = arith.constant 0 : i32
      %dma_start3A_41 = arith.constant 0 : i32
      %dma_start3A_42 = tpu.memref_slice %arg2[%arg0, %dma_start3A_40, %dma_start3A_41] : memref<2x10240x128xf32, #tpu.memory_space<hbm>> -> memref<1x10240x128xf32, #tpu.memory_space<hbm>>
      %dma_start3A_43 = tpu.memref_squeeze %dma_start3A_42 : memref<1x10240x128xf32, #tpu.memory_space<hbm>> -> memref<10240x128xf32, #tpu.memory_space<hbm>>
      %dma_start3A_44 = arith.constant 0 : i32
      %dma_start3A_45 = arith.constant 0 : i32
      %dma_start3A_46 = tpu.memref_slice %dma_start3A_43[%dma_start3A_44, %dma_start3A_45] : memref<10240x128xf32, #tpu.memory_space<hbm>> -> memref<10240x128xf32, #tpu.memory_space<hbm>>
      tpu.enqueue_indirect_dma source(%dma_start3A_46 : memref<10240x128xf32, #tpu.memory_space<hbm>>) target(%dma_start3A_36 : memref<128x128xf32, #tpu.memory_space<vmem>>) offsets(%dma_start3A_39 : memref<128xi32, #tpu.memory_space<vmem>>) semaphore(%arg11 : memref<!tpu.dma_semaphore, #tpu.memory_space<semaphore_mem>>)
      %dma_start3A_47 = arith.constant 1 : i32
      %dma_start3A_48 = arith.constant 1 : i32
      %dma_start3A_49 = arith.constant 0 : i32
      %dma_start3A_50 = arith.constant 0 : i32
      %dma_start3A_51 = tpu.memref_slice %arg9[%dma_start3A_48, %dma_start3A_49, %dma_start3A_50] : memref<2x128x128xf32, #tpu.memory_space<vmem>> -> memref<1x128x128xf32, #tpu.memory_space<vmem>>
      %dma_start3A_52 = tpu.memref_squeeze %dma_start3A_51 : memref<1x128x128xf32, #tpu.memory_space<vmem>> -> memref<128x128xf32, #tpu.memory_space<vmem>>
      %dma_start3A_53 = arith.constant 0 : i32
      %dma_start3A_54 = tpu.memref_slice %arg7[%dma_start3A_47, %dma_start3A_53] : memref<8x128xi32, #tpu.memory_space<vmem>> -> memref<1x128xi32, #tpu.memory_space<vmem>>
      %dma_start3A_55 = tpu.memref_squeeze %dma_start3A_54 : memref<1x128xi32, #tpu.memory_space<vmem>> -> memref<128xi32, #tpu.memory_space<vmem>>
      %dma_start3A_56 = arith.constant 0 : i32
      %dma_start3A_57 = arith.constant 0 : i32
      %dma_start3A_58 = tpu.memref_slice %arg2[%arg0, %dma_start3A_56, %dma_start3A_57] : memref<2x10240x128xf32, #tpu.memory_space<hbm>> -> memref<1x10240x128xf32, #tpu.memory_space<hbm>>
      %dma_start3A_59 = tpu.memref_squeeze %dma_start3A_58 : memref<1x10240x128xf32, #tpu.memory_space<hbm>> -> memref<10240x128xf32, #tpu.memory_space<hbm>>
      %dma_start3A_60 = arith.constant 0 : i32
      %dma_start3A_61 = arith.constant 0 : i32
      %dma_start3A_62 = tpu.memref_slice %dma_start3A_59[%dma_start3A_60, %dma_start3A_61] : memref<10240x128xf32, #tpu.memory_space<hbm>> -> memref<10240x128xf32, #tpu.memory_space<hbm>>
      tpu.enqueue_indirect_dma source(%dma_start3A_62 : memref<10240x128xf32, #tpu.memory_space<hbm>>) target(%dma_start3A_52 : memref<128x128xf32, #tpu.memory_space<vmem>>) offsets(%dma_start3A_55 : memref<128xi32, #tpu.memory_space<vmem>>) semaphore(%arg12 : memref<!tpu.dma_semaphore, #tpu.memory_space<semaphore_mem>>)
      %dma_wait3A = arith.constant 0 : i32
      %dma_wait3A_63 = arith.constant 0 : i32
      %dma_wait3A_64 = arith.constant 0 : i32
      %dma_wait3A_65 = arith.constant 0 : i32
      %dma_wait3A_66 = tpu.memref_slice %arg9[%dma_wait3A_63, %dma_wait3A_64, %dma_wait3A_65] : memref<2x128x128xf32, #tpu.memory_space<vmem>> -> memref<1x128x128xf32, #tpu.memory_space<vmem>>
      %dma_wait3A_67 = tpu.memref_squeeze %dma_wait3A_66 : memref<1x128x128xf32, #tpu.memory_space<vmem>> -> memref<128x128xf32, #tpu.memory_space<vmem>>
      %dma_wait3A_68 = arith.constant 0 : i32
      %dma_wait3A_69 = tpu.memref_slice %arg7[%dma_wait3A, %dma_wait3A_68] : memref<8x128xi32, #tpu.memory_space<vmem>> -> memref<1x128xi32, #tpu.memory_space<vmem>>
      %dma_wait3A_70 = tpu.memref_squeeze %dma_wait3A_69 : memref<1x128xi32, #tpu.memory_space<vmem>> -> memref<128xi32, #tpu.memory_space<vmem>>
      %dma_wait3A_71 = arith.constant 0 : i32
      %dma_wait3A_72 = arith.constant 0 : i32
      %dma_wait3A_73 = tpu.memref_slice %arg2[%arg0, %dma_wait3A_71, %dma_wait3A_72] : memref<2x10240x128xf32, #tpu.memory_space<hbm>> -> memref<1x10240x128xf32, #tpu.memory_space<hbm>>
      %dma_wait3A_74 = tpu.memref_squeeze %dma_wait3A_73 : memref<1x10240x128xf32, #tpu.memory_space<hbm>> -> memref<10240x128xf32, #tpu.memory_space<hbm>>
      %dma_wait3A_75 = arith.constant 0 : i32
      %dma_wait3A_76 = arith.constant 0 : i32
      %dma_wait3A_77 = tpu.memref_slice %dma_wait3A_74[%dma_wait3A_75, %dma_wait3A_76] : memref<10240x128xf32, #tpu.memory_space<hbm>> -> memref<10240x128xf32, #tpu.memory_space<hbm>>
      tpu.wait_indirect_dma semaphore(%arg11 : memref<!tpu.dma_semaphore, #tpu.memory_space<semaphore_mem>>) src(%dma_wait3A_77 : memref<10240x128xf32, #tpu.memory_space<hbm>>) dst(%dma_wait3A_67 : memref<128x128xf32, #tpu.memory_space<vmem>>)
      %dma_start3A_78 = arith.constant 0 : i32
      %dma_start3A_79 = arith.constant 0 : i32
      %dma_start3A_80 = arith.constant 0 : i32
      %dma_start3A_81 = arith.constant 0 : i32
      %dma_start3A_82 = tpu.memref_slice %arg9[%dma_start3A_78, %dma_start3A_80, %dma_start3A_81] : memref<2x128x128xf32, #tpu.memory_space<vmem>> -> memref<1x128x128xf32, #tpu.memory_space<vmem>>
      %dma_start3A_83 = tpu.memref_squeeze %dma_start3A_82 : memref<1x128x128xf32, #tpu.memory_space<vmem>> -> memref<128x128xf32, #tpu.memory_space<vmem>>
      %dma_start3A_84 = arith.constant 0 : i32
      %dma_start3A_85 = tpu.memref_slice %arg8[%dma_start3A_79, %dma_start3A_84] : memref<8x128xi32, #tpu.memory_space<vmem>> -> memref<1x128xi32, #tpu.memory_space<vmem>>
      %dma_start3A_86 = tpu.memref_squeeze %dma_start3A_85 : memref<1x128xi32, #tpu.memory_space<vmem>> -> memref<128xi32, #tpu.memory_space<vmem>>
      %dma_start3A_87 = arith.constant 0 : i32
      %dma_start3A_88 = arith.constant 0 : i32
      %dma_start3A_89 = tpu.memref_slice %arg10[%dma_start3A_87, %dma_start3A_88] : memref<10240x128xf32, #tpu.memory_space<vmem_shared>> -> memref<10240x128xf32, #tpu.memory_space<vmem_shared>>
      tpu.enqueue_indirect_dma source(%dma_start3A_83 : memref<128x128xf32, #tpu.memory_space<vmem>>) target(%dma_start3A_89 : memref<10240x128xf32, #tpu.memory_space<vmem_shared>>) offsets(%dma_start3A_86 : memref<128xi32, #tpu.memory_space<vmem>>) semaphore(%arg13 : memref<!tpu.dma_semaphore, #tpu.memory_space<semaphore_mem>>) {add = true}
      %dma_wait3A_90 = arith.constant 0 : i32
      %dma_wait3A_91 = arith.constant 0 : i32
      %dma_wait3A_92 = arith.constant 0 : i32
      %dma_wait3A_93 = arith.constant 0 : i32
      %dma_wait3A_94 = tpu.memref_slice %arg9[%dma_wait3A_90, %dma_wait3A_92, %dma_wait3A_93] : memref<2x128x128xf32, #tpu.memory_space<vmem>> -> memref<1x128x128xf32, #tpu.memory_space<vmem>>
      %dma_wait3A_95 = tpu.memref_squeeze %dma_wait3A_94 : memref<1x128x128xf32, #tpu.memory_space<vmem>> -> memref<128x128xf32, #tpu.memory_space<vmem>>
      %dma_wait3A_96 = arith.constant 0 : i32
      %dma_wait3A_97 = tpu.memref_slice %arg8[%dma_wait3A_91, %dma_wait3A_96] : memref<8x128xi32, #tpu.memory_space<vmem>> -> memref<1x128xi32, #tpu.memory_space<vmem>>
      %dma_wait3A_98 = tpu.memref_squeeze %dma_wait3A_97 : memref<1x128xi32, #tpu.memory_space<vmem>> -> memref<128xi32, #tpu.memory_space<vmem>>
      %dma_wait3A_99 = arith.constant 0 : i32
      %dma_wait3A_100 = arith.constant 0 : i32
      %dma_wait3A_101 = tpu.memref_slice %arg10[%dma_wait3A_99, %dma_wait3A_100] : memref<10240x128xf32, #tpu.memory_space<vmem_shared>> -> memref<10240x128xf32, #tpu.memory_space<vmem_shared>>
      tpu.wait_indirect_dma semaphore(%arg13 : memref<!tpu.dma_semaphore, #tpu.memory_space<semaphore_mem>>) src(%dma_wait3A_95 : memref<128x128xf32, #tpu.memory_space<vmem>>) dst(%dma_wait3A_101 : memref<10240x128xf32, #tpu.memory_space<vmem_shared>>)
      %dma_start3A_102 = arith.constant 2 : i32
      %dma_start3A_103 = arith.constant 0 : i32
      %dma_start3A_104 = arith.constant 0 : i32
      %dma_start3A_105 = arith.constant 0 : i32
      %dma_start3A_106 = tpu.memref_slice %arg9[%dma_start3A_103, %dma_start3A_104, %dma_start3A_105] : memref<2x128x128xf32, #tpu.memory_space<vmem>> -> memref<1x128x128xf32, #tpu.memory_space<vmem>>
      %dma_start3A_107 = tpu.memref_squeeze %dma_start3A_106 : memref<1x128x128xf32, #tpu.memory_space<vmem>> -> memref<128x128xf32, #tpu.memory_space<vmem>>
      %dma_start3A_108 = arith.constant 0 : i32
      %dma_start3A_109 = tpu.memref_slice %arg7[%dma_start3A_102, %dma_start3A_108] : memref<8x128xi32, #tpu.memory_space<vmem>> -> memref<1x128xi32, #tpu.memory_space<vmem>>
      %dma_start3A_110 = tpu.memref_squeeze %dma_start3A_109 : memref<1x128xi32, #tpu.memory_space<vmem>> -> memref<128xi32, #tpu.memory_space<vmem>>
      %dma_start3A_111 = arith.constant 0 : i32
      %dma_start3A_112 = arith.constant 0 : i32
      %dma_start3A_113 = tpu.memref_slice %arg2[%arg0, %dma_start3A_111, %dma_start3A_112] : memref<2x10240x128xf32, #tpu.memory_space<hbm>> -> memref<1x10240x128xf32, #tpu.memory_space<hbm>>
      %dma_start3A_114 = tpu.memref_squeeze %dma_start3A_113 : memref<1x10240x128xf32, #tpu.memory_space<hbm>> -> memref<10240x128xf32, #tpu.memory_space<hbm>>
      %dma_start3A_115 = arith.constant 0 : i32
      %dma_start3A_116 = arith.constant 0 : i32
      %dma_start3A_117 = tpu.memref_slice %dma_start3A_114[%dma_start3A_115, %dma_start3A_116] : memref<10240x128xf32, #tpu.memory_space<hbm>> -> memref<10240x128xf32, #tpu.memory_space<hbm>>
      tpu.enqueue_indirect_dma source(%dma_start3A_117 : memref<10240x128xf32, #tpu.memory_space<hbm>>) target(%dma_start3A_107 : memref<128x128xf32, #tpu.memory_space<vmem>>) offsets(%dma_start3A_110 : memref<128xi32, #tpu.memory_space<vmem>>) semaphore(%arg11 : memref<!tpu.dma_semaphore, #tpu.memory_space<semaphore_mem>>)
      %dma_wait3A_118 = arith.constant 1 : i32
      %dma_wait3A_119 = arith.constant 1 : i32
      %dma_wait3A_120 = arith.constant 0 : i32
      %dma_wait3A_121 = arith.constant 0 : i32
      %dma_wait3A_122 = tpu.memref_slice %arg9[%dma_wait3A_119, %dma_wait3A_120, %dma_wait3A_121] : memref<2x128x128xf32, #tpu.memory_space<vmem>> -> memref<1x128x128xf32, #tpu.memory_space<vmem>>
      %dma_wait3A_123 = tpu.memref_squeeze %dma_wait3A_122 : memref<1x128x128xf32, #tpu.memory_space<vmem>> -> memref<128x128xf32, #tpu.memory_space<vmem>>
      %dma_wait3A_124 = arith.constant 0 : i32
      %dma_wait3A_125 = tpu.memref_slice %arg7[%dma_wait3A_118, %dma_wait3A_124] : memref<8x128xi32, #tpu.memory_space<vmem>> -> memref<1x128xi32, #tpu.memory_space<vmem>>
      %dma_wait3A_126 = tpu.memref_squeeze %dma_wait3A_125 : memref<1x128xi32, #tpu.memory_space<vmem>> -> memref<128xi32, #tpu.memory_space<vmem>>
      %dma_wait3A_127 = arith.constant 0 : i32
      %dma_wait3A_128 = arith.constant 0 : i32
      %dma_wait3A_129 = tpu.memref_slice %arg2[%arg0, %dma_wait3A_127, %dma_wait3A_128] : memref<2x10240x128xf32, #tpu.memory_space<hbm>> -> memref<1x10240x128xf32, #tpu.memory_space<hbm>>
      %dma_wait3A_130 = tpu.memref_squeeze %dma_wait3A_129 : memref<1x10240x128xf32, #tpu.memory_space<hbm>> -> memref<10240x128xf32, #tpu.memory_space<hbm>>
      %dma_wait3A_131 = arith.constant 0 : i32
      %dma_wait3A_132 = arith.constant 0 : i32
      %dma_wait3A_133 = tpu.memref_slice %dma_wait3A_130[%dma_wait3A_131, %dma_wait3A_132] : memref<10240x128xf32, #tpu.memory_space<hbm>> -> memref<10240x128xf32, #tpu.memory_space<hbm>>
      tpu.wait_indirect_dma semaphore(%arg12 : memref<!tpu.dma_semaphore, #tpu.memory_space<semaphore_mem>>) src(%dma_wait3A_133 : memref<10240x128xf32, #tpu.memory_space<hbm>>) dst(%dma_wait3A_123 : memref<128x128xf32, #tpu.memory_space<vmem>>)
      %dma_start3A_134 = arith.constant 1 : i32
      %dma_start3A_135 = arith.constant 1 : i32
      %dma_start3A_136 = arith.constant 0 : i32
      %dma_start3A_137 = arith.constant 0 : i32
      %dma_start3A_138 = tpu.memref_slice %arg9[%dma_start3A_134, %dma_start3A_136, %dma_start3A_137] : memref<2x128x128xf32, #tpu.memory_space<vmem>> -> memref<1x128x128xf32, #tpu.memory_space<vmem>>
      %dma_start3A_139 = tpu.memref_squeeze %dma_start3A_138 : memref<1x128x128xf32, #tpu.memory_space<vmem>> -> memref<128x128xf32, #tpu.memory_space<vmem>>
      %dma_start3A_140 = arith.constant 0 : i32
      %dma_start3A_141 = tpu.memref_slice %arg8[%dma_start3A_135, %dma_start3A_140] : memref<8x128xi32, #tpu.memory_space<vmem>> -> memref<1x128xi32, #tpu.memory_space<vmem>>
      %dma_start3A_142 = tpu.memref_squeeze %dma_start3A_141 : memref<1x128xi32, #tpu.memory_space<vmem>> -> memref<128xi32, #tpu.memory_space<vmem>>
      %dma_start3A_143 = arith.constant 0 : i32
      %dma_start3A_144 = arith.constant 0 : i32
      %dma_start3A_145 = tpu.memref_slice %arg10[%dma_start3A_143, %dma_start3A_144] : memref<10240x128xf32, #tpu.memory_space<vmem_shared>> -> memref<10240x128xf32, #tpu.memory_space<vmem_shared>>
      tpu.enqueue_indirect_dma source(%dma_start3A_139 : memref<128x128xf32, #tpu.memory_space<vmem>>) target(%dma_start3A_145 : memref<10240x128xf32, #tpu.memory_space<vmem_shared>>) offsets(%dma_start3A_142 : memref<128xi32, #tpu.memory_space<vmem>>) semaphore(%arg14 : memref<!tpu.dma_semaphore, #tpu.memory_space<semaphore_mem>>) {add = true}
      %dma_wait3A_146 = arith.constant 1 : i32
      %dma_wait3A_147 = arith.constant 1 : i32
      %dma_wait3A_148 = arith.constant 0 : i32
      %dma_wait3A_149 = arith.constant 0 : i32
      %dma_wait3A_150 = tpu.memref_slice %arg9[%dma_wait3A_146, %dma_wait3A_148, %dma_wait3A_149] : memref<2x128x128xf32, #tpu.memory_space<vmem>> -> memref<1x128x128xf32, #tpu.memory_space<vmem>>
      %dma_wait3A_151 = tpu.memref_squeeze %dma_wait3A_150 : memref<1x128x128xf32, #tpu.memory_space<vmem>> -> memref<128x128xf32, #tpu.memory_space<vmem>>
      %dma_wait3A_152 = arith.constant 0 : i32
      %dma_wait3A_153 = tpu.memref_slice %arg8[%dma_wait3A_147, %dma_wait3A_152] : memref<8x128xi32, #tpu.memory_space<vmem>> -> memref<1x128xi32, #tpu.memory_space<vmem>>
      %dma_wait3A_154 = tpu.memref_squeeze %dma_wait3A_153 : memref<1x128xi32, #tpu.memory_space<vmem>> -> memref<128xi32, #tpu.memory_space<vmem>>
      %dma_wait3A_155 = arith.constant 0 : i32
      %dma_wait3A_156 = arith.constant 0 : i32
      %dma_wait3A_157 = tpu.memref_slice %arg10[%dma_wait3A_155, %dma_wait3A_156] : memref<10240x128xf32, #tpu.memory_space<vmem_shared>> -> memref<10240x128xf32, #tpu.memory_space<vmem_shared>>
      tpu.wait_indirect_dma semaphore(%arg14 : memref<!tpu.dma_semaphore, #tpu.memory_space<semaphore_mem>>) src(%dma_wait3A_151 : memref<128x128xf32, #tpu.memory_space<vmem>>) dst(%dma_wait3A_157 : memref<10240x128xf32, #tpu.memory_space<vmem_shared>>)
      %dma_start3A_158 = arith.constant 3 : i32
      %dma_start3A_159 = arith.constant 1 : i32
      %dma_start3A_160 = arith.constant 0 : i32
      %dma_start3A_161 = arith.constant 0 : i32
      %dma_start3A_162 = tpu.memref_slice %arg9[%dma_start3A_159, %dma_start3A_160, %dma_start3A_161] : memref<2x128x128xf32, #tpu.memory_space<vmem>> -> memref<1x128x128xf32, #tpu.memory_space<vmem>>
      %dma_start3A_163 = tpu.memref_squeeze %dma_start3A_162 : memref<1x128x128xf32, #tpu.memory_space<vmem>> -> memref<128x128xf32, #tpu.memory_space<vmem>>
      %dma_start3A_164 = arith.constant 0 : i32
      %dma_start3A_165 = tpu.memref_slice %arg7[%dma_start3A_158, %dma_start3A_164] : memref<8x128xi32, #tpu.memory_space<vmem>> -> memref<1x128xi32, #tpu.memory_space<vmem>>
      %dma_start3A_166 = tpu.memref_squeeze %dma_start3A_165 : memref<1x128xi32, #tpu.memory_space<vmem>> -> memref<128xi32, #tpu.memory_space<vmem>>
      %dma_start3A_167 = arith.constant 0 : i32
      %dma_start3A_168 = arith.constant 0 : i32
      %dma_start3A_169 = tpu.memref_slice %arg2[%arg0, %dma_start3A_167, %dma_start3A_168] : memref<2x10240x128xf32, #tpu.memory_space<hbm>> -> memref<1x10240x128xf32, #tpu.memory_space<hbm>>
      %dma_start3A_170 = tpu.memref_squeeze %dma_start3A_169 : memref<1x10240x128xf32, #tpu.memory_space<hbm>> -> memref<10240x128xf32, #tpu.memory_space<hbm>>
      %dma_start3A_171 = arith.constant 0 : i32
      %dma_start3A_172 = arith.constant 0 : i32
      %dma_start3A_173 = tpu.memref_slice %dma_start3A_170[%dma_start3A_171, %dma_start3A_172] : memref<10240x128xf32, #tpu.memory_space<hbm>> -> memref<10240x128xf32, #tpu.memory_space<hbm>>
      tpu.enqueue_indirect_dma source(%dma_start3A_173 : memref<10240x128xf32, #tpu.memory_space<hbm>>) target(%dma_start3A_163 : memref<128x128xf32, #tpu.memory_space<vmem>>) offsets(%dma_start3A_166 : memref<128xi32, #tpu.memory_space<vmem>>) semaphore(%arg12 : memref<!tpu.dma_semaphore, #tpu.memory_space<semaphore_mem>>)
      %dma_wait3A_174 = arith.constant 2 : i32
      %dma_wait3A_175 = arith.constant 0 : i32
      %dma_wait3A_176 = arith.constant 0 : i32
      %dma_wait3A_177 = arith.constant 0 : i32
      %dma_wait3A_178 = tpu.memref_slice %arg9[%dma_wait3A_175, %dma_wait3A_176, %dma_wait3A_177] : memref<2x128x128xf32, #tpu.memory_space<vmem>> -> memref<1x128x128xf32, #tpu.memory_space<vmem>>
      %dma_wait3A_179 = tpu.memref_squeeze %dma_wait3A_178 : memref<1x128x128xf32, #tpu.memory_space<vmem>> -> memref<128x128xf32, #tpu.memory_space<vmem>>
      %dma_wait3A_180 = arith.constant 0 : i32
      %dma_wait3A_181 = tpu.memref_slice %arg7[%dma_wait3A_174, %dma_wait3A_180] : memref<8x128xi32, #tpu.memory_space<vmem>> -> memref<1x128xi32, #tpu.memory_space<vmem>>
      %dma_wait3A_182 = tpu.memref_squeeze %dma_wait3A_181 : memref<1x128xi32, #tpu.memory_space<vmem>> -> memref<128xi32, #tpu.memory_space<vmem>>
      %dma_wait3A_183 = arith.constant 0 : i32
      %dma_wait3A_184 = arith.constant 0 : i32
      %dma_wait3A_185 = tpu.memref_slice %arg2[%arg0, %dma_wait3A_183, %dma_wait3A_184] : memref<2x10240x128xf32, #tpu.memory_space<hbm>> -> memref<1x10240x128xf32, #tpu.memory_space<hbm>>
      %dma_wait3A_186 = tpu.memref_squeeze %dma_wait3A_185 : memref<1x10240x128xf32, #tpu.memory_space<hbm>> -> memref<10240x128xf32, #tpu.memory_space<hbm>>
      %dma_wait3A_187 = arith.constant 0 : i32
      %dma_wait3A_188 = arith.constant 0 : i32
      %dma_wait3A_189 = tpu.memref_slice %dma_wait3A_186[%dma_wait3A_187, %dma_wait3A_188] : memref<10240x128xf32, #tpu.memory_space<hbm>> -> memref<10240x128xf32, #tpu.memory_space<hbm>>
      tpu.wait_indirect_dma semaphore(%arg11 : memref<!tpu.dma_semaphore, #tpu.memory_space<semaphore_mem>>) src(%dma_wait3A_189 : memref<10240x128xf32, #tpu.memory_space<hbm>>) dst(%dma_wait3A_179 : memref<128x128xf32, #tpu.memory_space<vmem>>)
      %dma_start3A_190 = arith.constant 0 : i32
      %dma_start3A_191 = arith.constant 2 : i32
      %dma_start3A_192 = arith.constant 0 : i32
      %dma_start3A_193 = arith.constant 0 : i32
      %dma_start3A_194 = tpu.memref_slice %arg9[%dma_start3A_190, %dma_start3A_192, %dma_start3A_193] : memref<2x128x128xf32, #tpu.memory_space<vmem>> -> memref<1x128x128xf32, #tpu.memory_space<vmem>>
      %dma_start3A_195 = tpu.memref_squeeze %dma_start3A_194 : memref<1x128x128xf32, #tpu.memory_space<vmem>> -> memref<128x128xf32, #tpu.memory_space<vmem>>
      %dma_start3A_196 = arith.constant 0 : i32
      %dma_start3A_197 = tpu.memref_slice %arg8[%dma_start3A_191, %dma_start3A_196] : memref<8x128xi32, #tpu.memory_space<vmem>> -> memref<1x128xi32, #tpu.memory_space<vmem>>
      %dma_start3A_198 = tpu.memref_squeeze %dma_start3A_197 : memref<1x128xi32, #tpu.memory_space<vmem>> -> memref<128xi32, #tpu.memory_space<vmem>>
      %dma_start3A_199 = arith.constant 0 : i32
      %dma_start3A_200 = arith.constant 0 : i32
      %dma_start3A_201 = tpu.memref_slice %arg10[%dma_start3A_199, %dma_start3A_200] : memref<10240x128xf32, #tpu.memory_space<vmem_shared>> -> memref<10240x128xf32, #tpu.memory_space<vmem_shared>>
      tpu.enqueue_indirect_dma source(%dma_start3A_195 : memref<128x128xf32, #tpu.memory_space<vmem>>) target(%dma_start3A_201 : memref<10240x128xf32, #tpu.memory_space<vmem_shared>>) offsets(%dma_start3A_198 : memref<128xi32, #tpu.memory_space<vmem>>) semaphore(%arg13 : memref<!tpu.dma_semaphore, #tpu.memory_space<semaphore_mem>>) {add = true}
      %dma_wait3A_202 = arith.constant 0 : i32
      %dma_wait3A_203 = arith.constant 2 : i32
      %dma_wait3A_204 = arith.constant 0 : i32
      %dma_wait3A_205 = arith.constant 0 : i32
      %dma_wait3A_206 = tpu.memref_slice %arg9[%dma_wait3A_202, %dma_wait3A_204, %dma_wait3A_205] : memref<2x128x128xf32, #tpu.memory_space<vmem>> -> memref<1x128x128xf32, #tpu.memory_space<vmem>>
      %dma_wait3A_207 = tpu.memref_squeeze %dma_wait3A_206 : memref<1x128x128xf32, #tpu.memory_space<vmem>> -> memref<128x128xf32, #tpu.memory_space<vmem>>
      %dma_wait3A_208 = arith.constant 0 : i32
      %dma_wait3A_209 = tpu.memref_slice %arg8[%dma_wait3A_203, %dma_wait3A_208] : memref<8x128xi32, #tpu.memory_space<vmem>> -> memref<1x128xi32, #tpu.memory_space<vmem>>
      %dma_wait3A_210 = tpu.memref_squeeze %dma_wait3A_209 : memref<1x128xi32, #tpu.memory_space<vmem>> -> memref<128xi32, #tpu.memory_space<vmem>>
      %dma_wait3A_211 = arith.constant 0 : i32
      %dma_wait3A_212 = arith.constant 0 : i32
      %dma_wait3A_213 = tpu.memref_slice %arg10[%dma_wait3A_211, %dma_wait3A_212] : memref<10240x128xf32, #tpu.memory_space<vmem_shared>> -> memref<10240x128xf32, #tpu.memory_space<vmem_shared>>
      tpu.wait_indirect_dma semaphore(%arg13 : memref<!tpu.dma_semaphore, #tpu.memory_space<semaphore_mem>>) src(%dma_wait3A_207 : memref<128x128xf32, #tpu.memory_space<vmem>>) dst(%dma_wait3A_213 : memref<10240x128xf32, #tpu.memory_space<vmem_shared>>)
      %dma_start3A_214 = arith.constant 4 : i32
      %dma_start3A_215 = arith.constant 0 : i32
      %dma_start3A_216 = arith.constant 0 : i32
      %dma_start3A_217 = arith.constant 0 : i32
      %dma_start3A_218 = tpu.memref_slice %arg9[%dma_start3A_215, %dma_start3A_216, %dma_start3A_217] : memref<2x128x128xf32, #tpu.memory_space<vmem>> -> memref<1x128x128xf32, #tpu.memory_space<vmem>>
      %dma_start3A_219 = tpu.memref_squeeze %dma_start3A_218 : memref<1x128x128xf32, #tpu.memory_space<vmem>> -> memref<128x128xf32, #tpu.memory_space<vmem>>
      %dma_start3A_220 = arith.constant 0 : i32
      %dma_start3A_221 = tpu.memref_slice %arg7[%dma_start3A_214, %dma_start3A_220] : memref<8x128xi32, #tpu.memory_space<vmem>> -> memref<1x128xi32, #tpu.memory_space<vmem>>
      %dma_start3A_222 = tpu.memref_squeeze %dma_start3A_221 : memref<1x128xi32, #tpu.memory_space<vmem>> -> memref<128xi32, #tpu.memory_space<vmem>>
      %dma_start3A_223 = arith.constant 0 : i32
      %dma_start3A_224 = arith.constant 0 : i32
      %dma_start3A_225 = tpu.memref_slice %arg2[%arg0, %dma_start3A_223, %dma_start3A_224] : memref<2x10240x128xf32, #tpu.memory_space<hbm>> -> memref<1x10240x128xf32, #tpu.memory_space<hbm>>
      %dma_start3A_226 = tpu.memref_squeeze %dma_start3A_225 : memref<1x10240x128xf32, #tpu.memory_space<hbm>> -> memref<10240x128xf32, #tpu.memory_space<hbm>>
      %dma_start3A_227 = arith.constant 0 : i32
      %dma_start3A_228 = arith.constant 0 : i32
      %dma_start3A_229 = tpu.memref_slice %dma_start3A_226[%dma_start3A_227, %dma_start3A_228] : memref<10240x128xf32, #tpu.memory_space<hbm>> -> memref<10240x128xf32, #tpu.memory_space<hbm>>
      tpu.enqueue_indirect_dma source(%dma_start3A_229 : memref<10240x128xf32, #tpu.memory_space<hbm>>) target(%dma_start3A_219 : memref<128x128xf32, #tpu.memory_space<vmem>>) offsets(%dma_start3A_222 : memref<128xi32, #tpu.memory_space<vmem>>) semaphore(%arg11 : memref<!tpu.dma_semaphore, #tpu.memory_space<semaphore_mem>>)
      %dma_wait3A_230 = arith.constant 3 : i32
      %dma_wait3A_231 = arith.constant 1 : i32
      %dma_wait3A_232 = arith.constant 0 : i32
      %dma_wait3A_233 = arith.constant 0 : i32
      %dma_wait3A_234 = tpu.memref_slice %arg9[%dma_wait3A_231, %dma_wait3A_232, %dma_wait3A_233] : memref<2x128x128xf32, #tpu.memory_space<vmem>> -> memref<1x128x128xf32, #tpu.memory_space<vmem>>
      %dma_wait3A_235 = tpu.memref_squeeze %dma_wait3A_234 : memref<1x128x128xf32, #tpu.memory_space<vmem>> -> memref<128x128xf32, #tpu.memory_space<vmem>>
      %dma_wait3A_236 = arith.constant 0 : i32
      %dma_wait3A_237 = tpu.memref_slice %arg7[%dma_wait3A_230, %dma_wait3A_236] : memref<8x128xi32, #tpu.memory_space<vmem>> -> memref<1x128xi32, #tpu.memory_space<vmem>>
      %dma_wait3A_238 = tpu.memref_squeeze %dma_wait3A_237 : memref<1x128xi32, #tpu.memory_space<vmem>> -> memref<128xi32, #tpu.memory_space<vmem>>
      %dma_wait3A_239 = arith.constant 0 : i32
      %dma_wait3A_240 = arith.constant 0 : i32
      %dma_wait3A_241 = tpu.memref_slice %arg2[%arg0, %dma_wait3A_239, %dma_wait3A_240] : memref<2x10240x128xf32, #tpu.memory_space<hbm>> -> memref<1x10240x128xf32, #tpu.memory_space<hbm>>
      %dma_wait3A_242 = tpu.memref_squeeze %dma_wait3A_241 : memref<1x10240x128xf32, #tpu.memory_space<hbm>> -> memref<10240x128xf32, #tpu.memory_space<hbm>>
      %dma_wait3A_243 = arith.constant 0 : i32
      %dma_wait3A_244 = arith.constant 0 : i32
      %dma_wait3A_245 = tpu.memref_slice %dma_wait3A_242[%dma_wait3A_243, %dma_wait3A_244] : memref<10240x128xf32, #tpu.memory_space<hbm>> -> memref<10240x128xf32, #tpu.memory_space<hbm>>
      tpu.wait_indirect_dma semaphore(%arg12 : memref<!tpu.dma_semaphore, #tpu.memory_space<semaphore_mem>>) src(%dma_wait3A_245 : memref<10240x128xf32, #tpu.memory_space<hbm>>) dst(%dma_wait3A_235 : memref<128x128xf32, #tpu.memory_space<vmem>>)
      %dma_start3A_246 = arith.constant 1 : i32
      %dma_start3A_247 = arith.constant 3 : i32
      %dma_start3A_248 = arith.constant 0 : i32
      %dma_start3A_249 = arith.constant 0 : i32
      %dma_start3A_250 = tpu.memref_slice %arg9[%dma_start3A_246, %dma_start3A_248, %dma_start3A_249] : memref<2x128x128xf32, #tpu.memory_space<vmem>> -> memref<1x128x128xf32, #tpu.memory_space<vmem>>
      %dma_start3A_251 = tpu.memref_squeeze %dma_start3A_250 : memref<1x128x128xf32, #tpu.memory_space<vmem>> -> memref<128x128xf32, #tpu.memory_space<vmem>>
      %dma_start3A_252 = arith.constant 0 : i32
      %dma_start3A_253 = tpu.memref_slice %arg8[%dma_start3A_247, %dma_start3A_252] : memref<8x128xi32, #tpu.memory_space<vmem>> -> memref<1x128xi32, #tpu.memory_space<vmem>>
      %dma_start3A_254 = tpu.memref_squeeze %dma_start3A_253 : memref<1x128xi32, #tpu.memory_space<vmem>> -> memref<128xi32, #tpu.memory_space<vmem>>
      %dma_start3A_255 = arith.constant 0 : i32
      %dma_start3A_256 = arith.constant 0 : i32
      %dma_start3A_257 = tpu.memref_slice %arg10[%dma_start3A_255, %dma_start3A_256] : memref<10240x128xf32, #tpu.memory_space<vmem_shared>> -> memref<10240x128xf32, #tpu.memory_space<vmem_shared>>
      tpu.enqueue_indirect_dma source(%dma_start3A_251 : memref<128x128xf32, #tpu.memory_space<vmem>>) target(%dma_start3A_257 : memref<10240x128xf32, #tpu.memory_space<vmem_shared>>) offsets(%dma_start3A_254 : memref<128xi32, #tpu.memory_space<vmem>>) semaphore(%arg14 : memref<!tpu.dma_semaphore, #tpu.memory_space<semaphore_mem>>) {add = true}
      %dma_wait3A_258 = arith.constant 1 : i32
      %dma_wait3A_259 = arith.constant 3 : i32
      %dma_wait3A_260 = arith.constant 0 : i32
      %dma_wait3A_261 = arith.constant 0 : i32
      %dma_wait3A_262 = tpu.memref_slice %arg9[%dma_wait3A_258, %dma_wait3A_260, %dma_wait3A_261] : memref<2x128x128xf32, #tpu.memory_space<vmem>> -> memref<1x128x128xf32, #tpu.memory_space<vmem>>
      %dma_wait3A_263 = tpu.memref_squeeze %dma_wait3A_262 : memref<1x128x128xf32, #tpu.memory_space<vmem>> -> memref<128x128xf32, #tpu.memory_space<vmem>>
      %dma_wait3A_264 = arith.constant 0 : i32
      %dma_wait3A_265 = tpu.memref_slice %arg8[%dma_wait3A_259, %dma_wait3A_264] : memref<8x128xi32, #tpu.memory_space<vmem>> -> memref<1x128xi32, #tpu.memory_space<vmem>>
      %dma_wait3A_266 = tpu.memref_squeeze %dma_wait3A_265 : memref<1x128xi32, #tpu.memory_space<vmem>> -> memref<128xi32, #tpu.memory_space<vmem>>
      %dma_wait3A_267 = arith.constant 0 : i32
      %dma_wait3A_268 = arith.constant 0 : i32
      %dma_wait3A_269 = tpu.memref_slice %arg10[%dma_wait3A_267, %dma_wait3A_268] : memref<10240x128xf32, #tpu.memory_space<vmem_shared>> -> memref<10240x128xf32, #tpu.memory_space<vmem_shared>>
      tpu.wait_indirect_dma semaphore(%arg14 : memref<!tpu.dma_semaphore, #tpu.memory_space<semaphore_mem>>) src(%dma_wait3A_263 : memref<128x128xf32, #tpu.memory_space<vmem>>) dst(%dma_wait3A_269 : memref<10240x128xf32, #tpu.memory_space<vmem_shared>>)
      %dma_start3A_270 = arith.constant 5 : i32
      %dma_start3A_271 = arith.constant 1 : i32
      %dma_start3A_272 = arith.constant 0 : i32
      %dma_start3A_273 = arith.constant 0 : i32
      %dma_start3A_274 = tpu.memref_slice %arg9[%dma_start3A_271, %dma_start3A_272, %dma_start3A_273] : memref<2x128x128xf32, #tpu.memory_space<vmem>> -> memref<1x128x128xf32, #tpu.memory_space<vmem>>
      %dma_start3A_275 = tpu.memref_squeeze %dma_start3A_274 : memref<1x128x128xf32, #tpu.memory_space<vmem>> -> memref<128x128xf32, #tpu.memory_space<vmem>>
      %dma_start3A_276 = arith.constant 0 : i32
      %dma_start3A_277 = tpu.memref_slice %arg7[%dma_start3A_270, %dma_start3A_276] : memref<8x128xi32, #tpu.memory_space<vmem>> -> memref<1x128xi32, #tpu.memory_space<vmem>>
      %dma_start3A_278 = tpu.memref_squeeze %dma_start3A_277 : memref<1x128xi32, #tpu.memory_space<vmem>> -> memref<128xi32, #tpu.memory_space<vmem>>
      %dma_start3A_279 = arith.constant 0 : i32
      %dma_start3A_280 = arith.constant 0 : i32
      %dma_start3A_281 = tpu.memref_slice %arg2[%arg0, %dma_start3A_279, %dma_start3A_280] : memref<2x10240x128xf32, #tpu.memory_space<hbm>> -> memref<1x10240x128xf32, #tpu.memory_space<hbm>>
      %dma_start3A_282 = tpu.memref_squeeze %dma_start3A_281 : memref<1x10240x128xf32, #tpu.memory_space<hbm>> -> memref<10240x128xf32, #tpu.memory_space<hbm>>
      %dma_start3A_283 = arith.constant 0 : i32
      %dma_start3A_284 = arith.constant 0 : i32
      %dma_start3A_285 = tpu.memref_slice %dma_start3A_282[%dma_start3A_283, %dma_start3A_284] : memref<10240x128xf32, #tpu.memory_space<hbm>> -> memref<10240x128xf32, #tpu.memory_space<hbm>>
      tpu.enqueue_indirect_dma source(%dma_start3A_285 : memref<10240x128xf32, #tpu.memory_space<hbm>>) target(%dma_start3A_275 : memref<128x128xf32, #tpu.memory_space<vmem>>) offsets(%dma_start3A_278 : memref<128xi32, #tpu.memory_space<vmem>>) semaphore(%arg12 : memref<!tpu.dma_semaphore, #tpu.memory_space<semaphore_mem>>)
      %dma_wait3A_286 = arith.constant 4 : i32
      %dma_wait3A_287 = arith.constant 0 : i32
      %dma_wait3A_288 = arith.constant 0 : i32
      %dma_wait3A_289 = arith.constant 0 : i32
      %dma_wait3A_290 = tpu.memref_slice %arg9[%dma_wait3A_287, %dma_wait3A_288, %dma_wait3A_289] : memref<2x128x128xf32, #tpu.memory_space<vmem>> -> memref<1x128x128xf32, #tpu.memory_space<vmem>>
      %dma_wait3A_291 = tpu.memref_squeeze %dma_wait3A_290 : memref<1x128x128xf32, #tpu.memory_space<vmem>> -> memref<128x128xf32, #tpu.memory_space<vmem>>
      %dma_wait3A_292 = arith.constant 0 : i32
      %dma_wait3A_293 = tpu.memref_slice %arg7[%dma_wait3A_286, %dma_wait3A_292] : memref<8x128xi32, #tpu.memory_space<vmem>> -> memref<1x128xi32, #tpu.memory_space<vmem>>
      %dma_wait3A_294 = tpu.memref_squeeze %dma_wait3A_293 : memref<1x128xi32, #tpu.memory_space<vmem>> -> memref<128xi32, #tpu.memory_space<vmem>>
      %dma_wait3A_295 = arith.constant 0 : i32
      %dma_wait3A_296 = arith.constant 0 : i32
      %dma_wait3A_297 = tpu.memref_slice %arg2[%arg0, %dma_wait3A_295, %dma_wait3A_296] : memref<2x10240x128xf32, #tpu.memory_space<hbm>> -> memref<1x10240x128xf32, #tpu.memory_space<hbm>>
      %dma_wait3A_298 = tpu.memref_squeeze %dma_wait3A_297 : memref<1x10240x128xf32, #tpu.memory_space<hbm>> -> memref<10240x128xf32, #tpu.memory_space<hbm>>
      %dma_wait3A_299 = arith.constant 0 : i32
      %dma_wait3A_300 = arith.constant 0 : i32
      %dma_wait3A_301 = tpu.memref_slice %dma_wait3A_298[%dma_wait3A_299, %dma_wait3A_300] : memref<10240x128xf32, #tpu.memory_space<hbm>> -> memref<10240x128xf32, #tpu.memory_space<hbm>>
      tpu.wait_indirect_dma semaphore(%arg11 : memref<!tpu.dma_semaphore, #tpu.memory_space<semaphore_mem>>) src(%dma_wait3A_301 : memref<10240x128xf32, #tpu.memory_space<hbm>>) dst(%dma_wait3A_291 : memref<128x128xf32, #tpu.memory_space<vmem>>)
      %dma_start3A_302 = arith.constant 0 : i32
      %dma_start3A_303 = arith.constant 4 : i32
      %dma_start3A_304 = arith.constant 0 : i32
      %dma_start3A_305 = arith.constant 0 : i32
      %dma_start3A_306 = tpu.memref_slice %arg9[%dma_start3A_302, %dma_start3A_304, %dma_start3A_305] : memref<2x128x128xf32, #tpu.memory_space<vmem>> -> memref<1x128x128xf32, #tpu.memory_space<vmem>>
      %dma_start3A_307 = tpu.memref_squeeze %dma_start3A_306 : memref<1x128x128xf32, #tpu.memory_space<vmem>> -> memref<128x128xf32, #tpu.memory_space<vmem>>
      %dma_start3A_308 = arith.constant 0 : i32
      %dma_start3A_309 = tpu.memref_slice %arg8[%dma_start3A_303, %dma_start3A_308] : memref<8x128xi32, #tpu.memory_space<vmem>> -> memref<1x128xi32, #tpu.memory_space<vmem>>
      %dma_start3A_310 = tpu.memref_squeeze %dma_start3A_309 : memref<1x128xi32, #tpu.memory_space<vmem>> -> memref<128xi32, #tpu.memory_space<vmem>>
      %dma_start3A_311 = arith.constant 0 : i32
      %dma_start3A_312 = arith.constant 0 : i32
      %dma_start3A_313 = tpu.memref_slice %arg10[%dma_start3A_311, %dma_start3A_312] : memref<10240x128xf32, #tpu.memory_space<vmem_shared>> -> memref<10240x128xf32, #tpu.memory_space<vmem_shared>>
      tpu.enqueue_indirect_dma source(%dma_start3A_307 : memref<128x128xf32, #tpu.memory_space<vmem>>) target(%dma_start3A_313 : memref<10240x128xf32, #tpu.memory_space<vmem_shared>>) offsets(%dma_start3A_310 : memref<128xi32, #tpu.memory_space<vmem>>) semaphore(%arg13 : memref<!tpu.dma_semaphore, #tpu.memory_space<semaphore_mem>>) {add = true}
      %dma_wait3A_314 = arith.constant 0 : i32
      %dma_wait3A_315 = arith.constant 4 : i32
      %dma_wait3A_316 = arith.constant 0 : i32
      %dma_wait3A_317 = arith.constant 0 : i32
      %dma_wait3A_318 = tpu.memref_slice %arg9[%dma_wait3A_314, %dma_wait3A_316, %dma_wait3A_317] : memref<2x128x128xf32, #tpu.memory_space<vmem>> -> memref<1x128x128xf32, #tpu.memory_space<vmem>>
      %dma_wait3A_319 = tpu.memref_squeeze %dma_wait3A_318 : memref<1x128x128xf32, #tpu.memory_space<vmem>> -> memref<128x128xf32, #tpu.memory_space<vmem>>
      %dma_wait3A_320 = arith.constant 0 : i32
      %dma_wait3A_321 = tpu.memref_slice %arg8[%dma_wait3A_315, %dma_wait3A_320] : memref<8x128xi32, #tpu.memory_space<vmem>> -> memref<1x128xi32, #tpu.memory_space<vmem>>
      %dma_wait3A_322 = tpu.memref_squeeze %dma_wait3A_321 : memref<1x128xi32, #tpu.memory_space<vmem>> -> memref<128xi32, #tpu.memory_space<vmem>>
      %dma_wait3A_323 = arith.constant 0 : i32
      %dma_wait3A_324 = arith.constant 0 : i32
      %dma_wait3A_325 = tpu.memref_slice %arg10[%dma_wait3A_323, %dma_wait3A_324] : memref<10240x128xf32, #tpu.memory_space<vmem_shared>> -> memref<10240x128xf32, #tpu.memory_space<vmem_shared>>
      tpu.wait_indirect_dma semaphore(%arg13 : memref<!tpu.dma_semaphore, #tpu.memory_space<semaphore_mem>>) src(%dma_wait3A_319 : memref<128x128xf32, #tpu.memory_space<vmem>>) dst(%dma_wait3A_325 : memref<10240x128xf32, #tpu.memory_space<vmem_shared>>)
      %dma_start3A_326 = arith.constant 6 : i32
      %dma_start3A_327 = arith.constant 0 : i32
      %dma_start3A_328 = arith.constant 0 : i32
      %dma_start3A_329 = arith.constant 0 : i32
      %dma_start3A_330 = tpu.memref_slice %arg9[%dma_start3A_327, %dma_start3A_328, %dma_start3A_329] : memref<2x128x128xf32, #tpu.memory_space<vmem>> -> memref<1x128x128xf32, #tpu.memory_space<vmem>>
      %dma_start3A_331 = tpu.memref_squeeze %dma_start3A_330 : memref<1x128x128xf32, #tpu.memory_space<vmem>> -> memref<128x128xf32, #tpu.memory_space<vmem>>
      %dma_start3A_332 = arith.constant 0 : i32
      %dma_start3A_333 = tpu.memref_slice %arg7[%dma_start3A_326, %dma_start3A_332] : memref<8x128xi32, #tpu.memory_space<vmem>> -> memref<1x128xi32, #tpu.memory_space<vmem>>
      %dma_start3A_334 = tpu.memref_squeeze %dma_start3A_333 : memref<1x128xi32, #tpu.memory_space<vmem>> -> memref<128xi32, #tpu.memory_space<vmem>>
      %dma_start3A_335 = arith.constant 0 : i32
      %dma_start3A_336 = arith.constant 0 : i32
      %dma_start3A_337 = tpu.memref_slice %arg2[%arg0, %dma_start3A_335, %dma_start3A_336] : memref<2x10240x128xf32, #tpu.memory_space<hbm>> -> memref<1x10240x128xf32, #tpu.memory_space<hbm>>
      %dma_start3A_338 = tpu.memref_squeeze %dma_start3A_337 : memref<1x10240x128xf32, #tpu.memory_space<hbm>> -> memref<10240x128xf32, #tpu.memory_space<hbm>>
      %dma_start3A_339 = arith.constant 0 : i32
      %dma_start3A_340 = arith.constant 0 : i32
      %dma_start3A_341 = tpu.memref_slice %dma_start3A_338[%dma_start3A_339, %dma_start3A_340] : memref<10240x128xf32, #tpu.memory_space<hbm>> -> memref<10240x128xf32, #tpu.memory_space<hbm>>
      tpu.enqueue_indirect_dma source(%dma_start3A_341 : memref<10240x128xf32, #tpu.memory_space<hbm>>) target(%dma_start3A_331 : memref<128x128xf32, #tpu.memory_space<vmem>>) offsets(%dma_start3A_334 : memref<128xi32, #tpu.memory_space<vmem>>) semaphore(%arg11 : memref<!tpu.dma_semaphore, #tpu.memory_space<semaphore_mem>>)
      %dma_wait3A_342 = arith.constant 5 : i32
      %dma_wait3A_343 = arith.constant 1 : i32
      %dma_wait3A_344 = arith.constant 0 : i32
      %dma_wait3A_345 = arith.constant 0 : i32
      %dma_wait3A_346 = tpu.memref_slice %arg9[%dma_wait3A_343, %dma_wait3A_344, %dma_wait3A_345] : memref<2x128x128xf32, #tpu.memory_space<vmem>> -> memref<1x128x128xf32, #tpu.memory_space<vmem>>
      %dma_wait3A_347 = tpu.memref_squeeze %dma_wait3A_346 : memref<1x128x128xf32, #tpu.memory_space<vmem>> -> memref<128x128xf32, #tpu.memory_space<vmem>>
      %dma_wait3A_348 = arith.constant 0 : i32
      %dma_wait3A_349 = tpu.memref_slice %arg7[%dma_wait3A_342, %dma_wait3A_348] : memref<8x128xi32, #tpu.memory_space<vmem>> -> memref<1x128xi32, #tpu.memory_space<vmem>>
      %dma_wait3A_350 = tpu.memref_squeeze %dma_wait3A_349 : memref<1x128xi32, #tpu.memory_space<vmem>> -> memref<128xi32, #tpu.memory_space<vmem>>
      %dma_wait3A_351 = arith.constant 0 : i32
      %dma_wait3A_352 = arith.constant 0 : i32
      %dma_wait3A_353 = tpu.memref_slice %arg2[%arg0, %dma_wait3A_351, %dma_wait3A_352] : memref<2x10240x128xf32, #tpu.memory_space<hbm>> -> memref<1x10240x128xf32, #tpu.memory_space<hbm>>
      %dma_wait3A_354 = tpu.memref_squeeze %dma_wait3A_353 : memref<1x10240x128xf32, #tpu.memory_space<hbm>> -> memref<10240x128xf32, #tpu.memory_space<hbm>>
      %dma_wait3A_355 = arith.constant 0 : i32
      %dma_wait3A_356 = arith.constant 0 : i32
      %dma_wait3A_357 = tpu.memref_slice %dma_wait3A_354[%dma_wait3A_355, %dma_wait3A_356] : memref<10240x128xf32, #tpu.memory_space<hbm>> -> memref<10240x128xf32, #tpu.memory_space<hbm>>
      tpu.wait_indirect_dma semaphore(%arg12 : memref<!tpu.dma_semaphore, #tpu.memory_space<semaphore_mem>>) src(%dma_wait3A_357 : memref<10240x128xf32, #tpu.memory_space<hbm>>) dst(%dma_wait3A_347 : memref<128x128xf32, #tpu.memory_space<vmem>>)
      %dma_start3A_358 = arith.constant 1 : i32
      %dma_start3A_359 = arith.constant 5 : i32
      %dma_start3A_360 = arith.constant 0 : i32
      %dma_start3A_361 = arith.constant 0 : i32
      %dma_start3A_362 = tpu.memref_slice %arg9[%dma_start3A_358, %dma_start3A_360, %dma_start3A_361] : memref<2x128x128xf32, #tpu.memory_space<vmem>> -> memref<1x128x128xf32, #tpu.memory_space<vmem>>
      %dma_start3A_363 = tpu.memref_squeeze %dma_start3A_362 : memref<1x128x128xf32, #tpu.memory_space<vmem>> -> memref<128x128xf32, #tpu.memory_space<vmem>>
      %dma_start3A_364 = arith.constant 0 : i32
      %dma_start3A_365 = tpu.memref_slice %arg8[%dma_start3A_359, %dma_start3A_364] : memref<8x128xi32, #tpu.memory_space<vmem>> -> memref<1x128xi32, #tpu.memory_space<vmem>>
      %dma_start3A_366 = tpu.memref_squeeze %dma_start3A_365 : memref<1x128xi32, #tpu.memory_space<vmem>> -> memref<128xi32, #tpu.memory_space<vmem>>
      %dma_start3A_367 = arith.constant 0 : i32
      %dma_start3A_368 = arith.constant 0 : i32
      %dma_start3A_369 = tpu.memref_slice %arg10[%dma_start3A_367, %dma_start3A_368] : memref<10240x128xf32, #tpu.memory_space<vmem_shared>> -> memref<10240x128xf32, #tpu.memory_space<vmem_shared>>
      tpu.enqueue_indirect_dma source(%dma_start3A_363 : memref<128x128xf32, #tpu.memory_space<vmem>>) target(%dma_start3A_369 : memref<10240x128xf32, #tpu.memory_space<vmem_shared>>) offsets(%dma_start3A_366 : memref<128xi32, #tpu.memory_space<vmem>>) semaphore(%arg14 : memref<!tpu.dma_semaphore, #tpu.memory_space<semaphore_mem>>) {add = true}
      %dma_wait3A_370 = arith.constant 1 : i32
      %dma_wait3A_371 = arith.constant 5 : i32
      %dma_wait3A_372 = arith.constant 0 : i32
      %dma_wait3A_373 = arith.constant 0 : i32
      %dma_wait3A_374 = tpu.memref_slice %arg9[%dma_wait3A_370, %dma_wait3A_372, %dma_wait3A_373] : memref<2x128x128xf32, #tpu.memory_space<vmem>> -> memref<1x128x128xf32, #tpu.memory_space<vmem>>
      %dma_wait3A_375 = tpu.memref_squeeze %dma_wait3A_374 : memref<1x128x128xf32, #tpu.memory_space<vmem>> -> memref<128x128xf32, #tpu.memory_space<vmem>>
      %dma_wait3A_376 = arith.constant 0 : i32
      %dma_wait3A_377 = tpu.memref_slice %arg8[%dma_wait3A_371, %dma_wait3A_376] : memref<8x128xi32, #tpu.memory_space<vmem>> -> memref<1x128xi32, #tpu.memory_space<vmem>>
      %dma_wait3A_378 = tpu.memref_squeeze %dma_wait3A_377 : memref<1x128xi32, #tpu.memory_space<vmem>> -> memref<128xi32, #tpu.memory_space<vmem>>
      %dma_wait3A_379 = arith.constant 0 : i32
      %dma_wait3A_380 = arith.constant 0 : i32
      %dma_wait3A_381 = tpu.memref_slice %arg10[%dma_wait3A_379, %dma_wait3A_380] : memref<10240x128xf32, #tpu.memory_space<vmem_shared>> -> memref<10240x128xf32, #tpu.memory_space<vmem_shared>>
      tpu.wait_indirect_dma semaphore(%arg14 : memref<!tpu.dma_semaphore, #tpu.memory_space<semaphore_mem>>) src(%dma_wait3A_375 : memref<128x128xf32, #tpu.memory_space<vmem>>) dst(%dma_wait3A_381 : memref<10240x128xf32, #tpu.memory_space<vmem_shared>>)
      %dma_start3A_382 = arith.constant 7 : i32
      %dma_start3A_383 = arith.constant 1 : i32
      %dma_start3A_384 = arith.constant 0 : i32
      %dma_start3A_385 = arith.constant 0 : i32
      %dma_start3A_386 = tpu.memref_slice %arg9[%dma_start3A_383, %dma_start3A_384, %dma_start3A_385] : memref<2x128x128xf32, #tpu.memory_space<vmem>> -> memref<1x128x128xf32, #tpu.memory_space<vmem>>
      %dma_start3A_387 = tpu.memref_squeeze %dma_start3A_386 : memref<1x128x128xf32, #tpu.memory_space<vmem>> -> memref<128x128xf32, #tpu.memory_space<vmem>>
      %dma_start3A_388 = arith.constant 0 : i32
      %dma_start3A_389 = tpu.memref_slice %arg7[%dma_start3A_382, %dma_start3A_388] : memref<8x128xi32, #tpu.memory_space<vmem>> -> memref<1x128xi32, #tpu.memory_space<vmem>>
      %dma_start3A_390 = tpu.memref_squeeze %dma_start3A_389 : memref<1x128xi32, #tpu.memory_space<vmem>> -> memref<128xi32, #tpu.memory_space<vmem>>
      %dma_start3A_391 = arith.constant 0 : i32
      %dma_start3A_392 = arith.constant 0 : i32
      %dma_start3A_393 = tpu.memref_slice %arg2[%arg0, %dma_start3A_391, %dma_start3A_392] : memref<2x10240x128xf32, #tpu.memory_space<hbm>> -> memref<1x10240x128xf32, #tpu.memory_space<hbm>>
      %dma_start3A_394 = tpu.memref_squeeze %dma_start3A_393 : memref<1x10240x128xf32, #tpu.memory_space<hbm>> -> memref<10240x128xf32, #tpu.memory_space<hbm>>
      %dma_start3A_395 = arith.constant 0 : i32
      %dma_start3A_396 = arith.constant 0 : i32
      %dma_start3A_397 = tpu.memref_slice %dma_start3A_394[%dma_start3A_395, %dma_start3A_396] : memref<10240x128xf32, #tpu.memory_space<hbm>> -> memref<10240x128xf32, #tpu.memory_space<hbm>>
      tpu.enqueue_indirect_dma source(%dma_start3A_397 : memref<10240x128xf32, #tpu.memory_space<hbm>>) target(%dma_start3A_387 : memref<128x128xf32, #tpu.memory_space<vmem>>) offsets(%dma_start3A_390 : memref<128xi32, #tpu.memory_space<vmem>>) semaphore(%arg12 : memref<!tpu.dma_semaphore, #tpu.memory_space<semaphore_mem>>)
      %dma_wait3A_398 = arith.constant 6 : i32
      %dma_wait3A_399 = arith.constant 0 : i32
      %dma_wait3A_400 = arith.constant 0 : i32
      %dma_wait3A_401 = arith.constant 0 : i32
      %dma_wait3A_402 = tpu.memref_slice %arg9[%dma_wait3A_399, %dma_wait3A_400, %dma_wait3A_401] : memref<2x128x128xf32, #tpu.memory_space<vmem>> -> memref<1x128x128xf32, #tpu.memory_space<vmem>>
      %dma_wait3A_403 = tpu.memref_squeeze %dma_wait3A_402 : memref<1x128x128xf32, #tpu.memory_space<vmem>> -> memref<128x128xf32, #tpu.memory_space<vmem>>
      %dma_wait3A_404 = arith.constant 0 : i32
      %dma_wait3A_405 = tpu.memref_slice %arg7[%dma_wait3A_398, %dma_wait3A_404] : memref<8x128xi32, #tpu.memory_space<vmem>> -> memref<1x128xi32, #tpu.memory_space<vmem>>
      %dma_wait3A_406 = tpu.memref_squeeze %dma_wait3A_405 : memref<1x128xi32, #tpu.memory_space<vmem>> -> memref<128xi32, #tpu.memory_space<vmem>>
      %dma_wait3A_407 = arith.constant 0 : i32
      %dma_wait3A_408 = arith.constant 0 : i32
      %dma_wait3A_409 = tpu.memref_slice %arg2[%arg0, %dma_wait3A_407, %dma_wait3A_408] : memref<2x10240x128xf32, #tpu.memory_space<hbm>> -> memref<1x10240x128xf32, #tpu.memory_space<hbm>>
      %dma_wait3A_410 = tpu.memref_squeeze %dma_wait3A_409 : memref<1x10240x128xf32, #tpu.memory_space<hbm>> -> memref<10240x128xf32, #tpu.memory_space<hbm>>
      %dma_wait3A_411 = arith.constant 0 : i32
      %dma_wait3A_412 = arith.constant 0 : i32
      %dma_wait3A_413 = tpu.memref_slice %dma_wait3A_410[%dma_wait3A_411, %dma_wait3A_412] : memref<10240x128xf32, #tpu.memory_space<hbm>> -> memref<10240x128xf32, #tpu.memory_space<hbm>>
      tpu.wait_indirect_dma semaphore(%arg11 : memref<!tpu.dma_semaphore, #tpu.memory_space<semaphore_mem>>) src(%dma_wait3A_413 : memref<10240x128xf32, #tpu.memory_space<hbm>>) dst(%dma_wait3A_403 : memref<128x128xf32, #tpu.memory_space<vmem>>)
      %dma_start3A_414 = arith.constant 0 : i32
      %dma_start3A_415 = arith.constant 6 : i32
      %dma_start3A_416 = arith.constant 0 : i32
      %dma_start3A_417 = arith.constant 0 : i32
      %dma_start3A_418 = tpu.memref_slice %arg9[%dma_start3A_414, %dma_start3A_416, %dma_start3A_417] : memref<2x128x128xf32, #tpu.memory_space<vmem>> -> memref<1x128x128xf32, #tpu.memory_space<vmem>>
      %dma_start3A_419 = tpu.memref_squeeze %dma_start3A_418 : memref<1x128x128xf32, #tpu.memory_space<vmem>> -> memref<128x128xf32, #tpu.memory_space<vmem>>
      %dma_start3A_420 = arith.constant 0 : i32
      %dma_start3A_421 = tpu.memref_slice %arg8[%dma_start3A_415, %dma_start3A_420] : memref<8x128xi32, #tpu.memory_space<vmem>> -> memref<1x128xi32, #tpu.memory_space<vmem>>
      %dma_start3A_422 = tpu.memref_squeeze %dma_start3A_421 : memref<1x128xi32, #tpu.memory_space<vmem>> -> memref<128xi32, #tpu.memory_space<vmem>>
      %dma_start3A_423 = arith.constant 0 : i32
      %dma_start3A_424 = arith.constant 0 : i32
      %dma_start3A_425 = tpu.memref_slice %arg10[%dma_start3A_423, %dma_start3A_424] : memref<10240x128xf32, #tpu.memory_space<vmem_shared>> -> memref<10240x128xf32, #tpu.memory_space<vmem_shared>>
      tpu.enqueue_indirect_dma source(%dma_start3A_419 : memref<128x128xf32, #tpu.memory_space<vmem>>) target(%dma_start3A_425 : memref<10240x128xf32, #tpu.memory_space<vmem_shared>>) offsets(%dma_start3A_422 : memref<128xi32, #tpu.memory_space<vmem>>) semaphore(%arg13 : memref<!tpu.dma_semaphore, #tpu.memory_space<semaphore_mem>>) {add = true}
      %dma_wait3A_426 = arith.constant 7 : i32
      %dma_wait3A_427 = arith.constant 1 : i32
      %dma_wait3A_428 = arith.constant 0 : i32
      %dma_wait3A_429 = arith.constant 0 : i32
      %dma_wait3A_430 = tpu.memref_slice %arg9[%dma_wait3A_427, %dma_wait3A_428, %dma_wait3A_429] : memref<2x128x128xf32, #tpu.memory_space<vmem>> -> memref<1x128x128xf32, #tpu.memory_space<vmem>>
      %dma_wait3A_431 = tpu.memref_squeeze %dma_wait3A_430 : memref<1x128x128xf32, #tpu.memory_space<vmem>> -> memref<128x128xf32, #tpu.memory_space<vmem>>
      %dma_wait3A_432 = arith.constant 0 : i32
      %dma_wait3A_433 = tpu.memref_slice %arg7[%dma_wait3A_426, %dma_wait3A_432] : memref<8x128xi32, #tpu.memory_space<vmem>> -> memref<1x128xi32, #tpu.memory_space<vmem>>
      %dma_wait3A_434 = tpu.memref_squeeze %dma_wait3A_433 : memref<1x128xi32, #tpu.memory_space<vmem>> -> memref<128xi32, #tpu.memory_space<vmem>>
      %dma_wait3A_435 = arith.constant 0 : i32
      %dma_wait3A_436 = arith.constant 0 : i32
      %dma_wait3A_437 = tpu.memref_slice %arg2[%arg0, %dma_wait3A_435, %dma_wait3A_436] : memref<2x10240x128xf32, #tpu.memory_space<hbm>> -> memref<1x10240x128xf32, #tpu.memory_space<hbm>>
      %dma_wait3A_438 = tpu.memref_squeeze %dma_wait3A_437 : memref<1x10240x128xf32, #tpu.memory_space<hbm>> -> memref<10240x128xf32, #tpu.memory_space<hbm>>
      %dma_wait3A_439 = arith.constant 0 : i32
      %dma_wait3A_440 = arith.constant 0 : i32
      %dma_wait3A_441 = tpu.memref_slice %dma_wait3A_438[%dma_wait3A_439, %dma_wait3A_440] : memref<10240x128xf32, #tpu.memory_space<hbm>> -> memref<10240x128xf32, #tpu.memory_space<hbm>>
      tpu.wait_indirect_dma semaphore(%arg12 : memref<!tpu.dma_semaphore, #tpu.memory_space<semaphore_mem>>) src(%dma_wait3A_441 : memref<10240x128xf32, #tpu.memory_space<hbm>>) dst(%dma_wait3A_431 : memref<128x128xf32, #tpu.memory_space<vmem>>)
      %dma_start3A_442 = arith.constant 1 : i32
      %dma_start3A_443 = arith.constant 7 : i32
      %dma_start3A_444 = arith.constant 0 : i32
      %dma_start3A_445 = arith.constant 0 : i32
      %dma_start3A_446 = tpu.memref_slice %arg9[%dma_start3A_442, %dma_start3A_444, %dma_start3A_445] : memref<2x128x128xf32, #tpu.memory_space<vmem>> -> memref<1x128x128xf32, #tpu.memory_space<vmem>>
      %dma_start3A_447 = tpu.memref_squeeze %dma_start3A_446 : memref<1x128x128xf32, #tpu.memory_space<vmem>> -> memref<128x128xf32, #tpu.memory_space<vmem>>
      %dma_start3A_448 = arith.constant 0 : i32
      %dma_start3A_449 = tpu.memref_slice %arg8[%dma_start3A_443, %dma_start3A_448] : memref<8x128xi32, #tpu.memory_space<vmem>> -> memref<1x128xi32, #tpu.memory_space<vmem>>
      %dma_start3A_450 = tpu.memref_squeeze %dma_start3A_449 : memref<1x128xi32, #tpu.memory_space<vmem>> -> memref<128xi32, #tpu.memory_space<vmem>>
      %dma_start3A_451 = arith.constant 0 : i32
      %dma_start3A_452 = arith.constant 0 : i32
      %dma_start3A_453 = tpu.memref_slice %arg10[%dma_start3A_451, %dma_start3A_452] : memref<10240x128xf32, #tpu.memory_space<vmem_shared>> -> memref<10240x128xf32, #tpu.memory_space<vmem_shared>>
      tpu.enqueue_indirect_dma source(%dma_start3A_447 : memref<128x128xf32, #tpu.memory_space<vmem>>) target(%dma_start3A_453 : memref<10240x128xf32, #tpu.memory_space<vmem_shared>>) offsets(%dma_start3A_450 : memref<128xi32, #tpu.memory_space<vmem>>) semaphore(%arg14 : memref<!tpu.dma_semaphore, #tpu.memory_space<semaphore_mem>>) {add = true}
      %dma_wait3A_454 = arith.constant 0 : i32
      %dma_wait3A_455 = arith.constant 6 : i32
      %dma_wait3A_456 = arith.constant 0 : i32
      %dma_wait3A_457 = arith.constant 0 : i32
      %dma_wait3A_458 = tpu.memref_slice %arg9[%dma_wait3A_454, %dma_wait3A_456, %dma_wait3A_457] : memref<2x128x128xf32, #tpu.memory_space<vmem>> -> memref<1x128x128xf32, #tpu.memory_space<vmem>>
      %dma_wait3A_459 = tpu.memref_squeeze %dma_wait3A_458 : memref<1x128x128xf32, #tpu.memory_space<vmem>> -> memref<128x128xf32, #tpu.memory_space<vmem>>
      %dma_wait3A_460 = arith.constant 0 : i32
      %dma_wait3A_461 = tpu.memref_slice %arg8[%dma_wait3A_455, %dma_wait3A_460] : memref<8x128xi32, #tpu.memory_space<vmem>> -> memref<1x128xi32, #tpu.memory_space<vmem>>
      %dma_wait3A_462 = tpu.memref_squeeze %dma_wait3A_461 : memref<1x128xi32, #tpu.memory_space<vmem>> -> memref<128xi32, #tpu.memory_space<vmem>>
      %dma_wait3A_463 = arith.constant 0 : i32
      %dma_wait3A_464 = arith.constant 0 : i32
      %dma_wait3A_465 = tpu.memref_slice %arg10[%dma_wait3A_463, %dma_wait3A_464] : memref<10240x128xf32, #tpu.memory_space<vmem_shared>> -> memref<10240x128xf32, #tpu.memory_space<vmem_shared>>
      tpu.wait_indirect_dma semaphore(%arg13 : memref<!tpu.dma_semaphore, #tpu.memory_space<semaphore_mem>>) src(%dma_wait3A_459 : memref<128x128xf32, #tpu.memory_space<vmem>>) dst(%dma_wait3A_465 : memref<10240x128xf32, #tpu.memory_space<vmem_shared>>)
      %dma_wait3A_466 = arith.constant 1 : i32
      %dma_wait3A_467 = arith.constant 7 : i32
      %dma_wait3A_468 = arith.constant 0 : i32
      %dma_wait3A_469 = arith.constant 0 : i32
      %dma_wait3A_470 = tpu.memref_slice %arg9[%dma_wait3A_466, %dma_wait3A_468, %dma_wait3A_469] : memref<2x128x128xf32, #tpu.memory_space<vmem>> -> memref<1x128x128xf32, #tpu.memory_space<vmem>>
      %dma_wait3A_471 = tpu.memref_squeeze %dma_wait3A_470 : memref<1x128x128xf32, #tpu.memory_space<vmem>> -> memref<128x128xf32, #tpu.memory_space<vmem>>
      %dma_wait3A_472 = arith.constant 0 : i32
      %dma_wait3A_473 = tpu.memref_slice %arg8[%dma_wait3A_467, %dma_wait3A_472] : memref<8x128xi32, #tpu.memory_space<vmem>> -> memref<1x128xi32, #tpu.memory_space<vmem>>
      %dma_wait3A_474 = tpu.memref_squeeze %dma_wait3A_473 : memref<1x128xi32, #tpu.memory_space<vmem>> -> memref<128xi32, #tpu.memory_space<vmem>>
      %dma_wait3A_475 = arith.constant 0 : i32
      %dma_wait3A_476 = arith.constant 0 : i32
      %dma_wait3A_477 = tpu.memref_slice %arg10[%dma_wait3A_475, %dma_wait3A_476] : memref<10240x128xf32, #tpu.memory_space<vmem_shared>> -> memref<10240x128xf32, #tpu.memory_space<vmem_shared>>
      tpu.wait_indirect_dma semaphore(%arg14 : memref<!tpu.dma_semaphore, #tpu.memory_space<semaphore_mem>>) src(%dma_wait3A_471 : memref<128x128xf32, #tpu.memory_space<vmem>>) dst(%dma_wait3A_477 : memref<10240x128xf32, #tpu.memory_space<vmem_shared>>)
    }
    %scan3A_5 = arith.constant 20 : i32
    %barrier3A_6 = arith.constant 0 : index
    tpu.barrier barrier_id(%barrier3A_6)
    %mul3A_7 = arith.constant 640 : i32
    %mul3A_8 = arith.muli %arg1, %mul3A_7 : i32
    %mul3A_9 = arith.constant 640 : i32
    %mul3A_10 = arith.muli %arg1, %mul3A_9 : i32
    "tpu.region"() ({
      %run_scoped3A = tpu.sem_alloc : memref<!tpu.dma_semaphore, #tpu.memory_space<semaphore_mem>>
      %dma_start3A = arith.constant 0 : i32
      %dma_start3A_11 = arith.constant 0 : i32
      %dma_start3A_12 = tpu.memref_slice %arg6[%arg0, %dma_start3A, %dma_start3A_11] : memref<2x10240x128xf32, #tpu.memory_space<hbm>> -> memref<1x10240x128xf32, #tpu.memory_space<hbm>>
      %dma_start3A_13 = tpu.memref_squeeze %dma_start3A_12 : memref<1x10240x128xf32, #tpu.memory_space<hbm>> -> memref<10240x128xf32, #tpu.memory_space<hbm>>
      %dma_start3A_14 = arith.constant 0 : i32
      %dma_start3A_15 = tpu.memref_slice %dma_start3A_13[%mul3A_10, %dma_start3A_14] : memref<10240x128xf32, #tpu.memory_space<hbm>> -> memref<640x128xf32, #tpu.memory_space<hbm>>
      %dma_start3A_16 = arith.constant 0 : i32
      %dma_start3A_17 = tpu.memref_slice %arg10[%mul3A_8, %dma_start3A_16] : memref<10240x128xf32, #tpu.memory_space<vmem_shared>> -> memref<640x128xf32, #tpu.memory_space<vmem_shared>>
      tpu.enqueue_dma source(%dma_start3A_17 : memref<640x128xf32, #tpu.memory_space<vmem_shared>>) target(%dma_start3A_15 : memref<640x128xf32, #tpu.memory_space<hbm>>) target_semaphore(%run_scoped3A : memref<!tpu.dma_semaphore, #tpu.memory_space<semaphore_mem>>)
      %dma_wait3A = arith.constant 0 : i32
      %dma_wait3A_18 = arith.constant 0 : i32
      %dma_wait3A_19 = tpu.memref_slice %arg6[%arg0, %dma_wait3A, %dma_wait3A_18] : memref<2x10240x128xf32, #tpu.memory_space<hbm>> -> memref<1x10240x128xf32, #tpu.memory_space<hbm>>
      %dma_wait3A_20 = tpu.memref_squeeze %dma_wait3A_19 : memref<1x10240x128xf32, #tpu.memory_space<hbm>> -> memref<10240x128xf32, #tpu.memory_space<hbm>>
      %dma_wait3A_21 = arith.constant 0 : i32
      %dma_wait3A_22 = tpu.memref_slice %dma_wait3A_20[%mul3A_10, %dma_wait3A_21] : memref<10240x128xf32, #tpu.memory_space<hbm>> -> memref<640x128xf32, #tpu.memory_space<hbm>>
      %dma_wait3A_23 = arith.constant 0 : i32
      %dma_wait3A_24 = tpu.memref_slice %arg10[%mul3A_8, %dma_wait3A_23] : memref<10240x128xf32, #tpu.memory_space<vmem_shared>> -> memref<640x128xf32, #tpu.memory_space<vmem_shared>>
      tpu.wait_dma2 semaphore(%run_scoped3A : memref<!tpu.dma_semaphore, #tpu.memory_space<semaphore_mem>>) src(%dma_wait3A_24 : memref<640x128xf32, #tpu.memory_space<vmem_shared>>) dst(%dma_wait3A_22 : memref<640x128xf32, #tpu.memory_space<hbm>>)
      tpu.yield
    }) : () -> ()
    return
  }
}

#map = affine_map<(d0, d1) -> (0, 0, 0)>
#map1 = affine_map<(d0, d1) -> (0, 0)>
module attributes {stable_mosaic.version = 14 : i64} {
  func.func @gcn_agg_es_40(%arg0: i32, %arg1: i32, %arg2: memref<2x10240x40xf32, #tpu.memory_space<hbm>>, %arg3: memref<2560x128xi32, #tpu.memory_space<hbm>>, %arg4: memref<2560x128xi32, #tpu.memory_space<hbm>>, %arg5: memref<640x40xf32, #tpu.memory_space<hbm>>, %arg6: memref<2x10240x40xf32, #tpu.memory_space<hbm>>, %arg7: memref<8x128xi32, #tpu.memory_space<vmem>>, %arg8: memref<8x128xi32, #tpu.memory_space<vmem>>, %arg9: memref<2x128x40xf32, #tpu.memory_space<vmem>>, %arg10: memref<10240x40xf32, #tpu.memory_space<vmem_shared>>, %arg11: memref<!tpu.dma_semaphore, #tpu.memory_space<semaphore_mem>>, %arg12: memref<!tpu.dma_semaphore, #tpu.memory_space<semaphore_mem>>, %arg13: memref<!tpu.dma_semaphore, #tpu.memory_space<semaphore_mem>>, %arg14: memref<!tpu.dma_semaphore, #tpu.memory_space<semaphore_mem>>) attributes {dimension_semantics = [#tpu.dimension_semantics<core_parallel>, #tpu.dimension_semantics<subcore_parallel>], iteration_bounds = array<i64: 2, 16>, scalar_prefetch = 0 : i64, scratch_operands = 8 : i64, tpu.core_type = #tpu.core_type<sc_vector_subcore>, window_params = [{transform_indices = #map}, {transform_indices = #map1}, {transform_indices = #map1}, {transform_indices = #map1}, {transform_indices = #map}]} {
    %mul3A = arith.constant 640 : i32
    %mul3A_0 = arith.muli %arg1, %mul3A : i32
    "tpu.region"() ({
      %run_scoped3A = tpu.sem_alloc : memref<!tpu.dma_semaphore, #tpu.memory_space<semaphore_mem>>
      %dma_start3A = arith.constant 0 : i32
      %dma_start3A_11 = tpu.memref_slice %arg10[%mul3A_0, %dma_start3A] : memref<10240x40xf32, #tpu.memory_space<vmem_shared>> -> memref<640x40xf32, #tpu.memory_space<vmem_shared>>
      tpu.enqueue_dma source(%arg5 : memref<640x40xf32, #tpu.memory_space<hbm>>) target(%dma_start3A_11 : memref<640x40xf32, #tpu.memory_space<vmem_shared>>) target_semaphore(%run_scoped3A : memref<!tpu.dma_semaphore, #tpu.memory_space<semaphore_mem>>)
      %dma_wait3A = arith.constant 0 : i32
      %dma_wait3A_12 = tpu.memref_slice %arg10[%mul3A_0, %dma_wait3A] : memref<10240x40xf32, #tpu.memory_space<vmem_shared>> -> memref<640x40xf32, #tpu.memory_space<vmem_shared>>
      tpu.wait_dma2 semaphore(%run_scoped3A : memref<!tpu.dma_semaphore, #tpu.memory_space<semaphore_mem>>) src(%arg5 : memref<640x40xf32, #tpu.memory_space<hbm>>) dst(%dma_wait3A_12 : memref<640x40xf32, #tpu.memory_space<vmem_shared>>)
      tpu.yield
    }) : () -> ()
    %barrier3A = arith.constant 0 : index
    tpu.barrier barrier_id(%barrier3A)
    %scan3A = arith.constant 0 : i32
    %scan3A_1 = arith.constant 0 : i32
    %scan3A_2 = arith.constant 10 : i32
    %scan3A_3 = arith.addi %scan3A_1, %scan3A_2 : i32
    %scan3A_4 = arith.constant 1 : i32
    scf.for %scan3A_11 = %scan3A_1 to %scan3A_3 step %scan3A_4  : i32 {
      %mul3A_12 = arith.constant 10 : i32
      %mul3A_13 = arith.muli %arg1, %mul3A_12 : i32
      %add3A = arith.addi %mul3A_13, %scan3A_11 : i32
      %mul3A_14 = arith.constant 2 : i32
      %mul3A_15 = arith.muli %add3A, %mul3A_14 : i32
      %add3A_16 = arith.addi %mul3A_15, %arg0 : i32
      %mul3A_17 = arith.constant 8 : i32
      %mul3A_18 = arith.muli %add3A_16, %mul3A_17 : i32
      "tpu.region"() ({
        %run_scoped3A = tpu.sem_alloc : memref<!tpu.dma_semaphore, #tpu.memory_space<semaphore_mem>>
        %dma_start3A_465 = arith.constant 0 : i32
        %dma_start3A_466 = tpu.memref_slice %arg3[%mul3A_18, %dma_start3A_465] : memref<2560x128xi32, #tpu.memory_space<hbm>> -> memref<8x128xi32, #tpu.memory_space<hbm>>
        %dma_start3A_467 = arith.constant 0 : i32
        %dma_start3A_468 = tpu.memref_slice %arg3[%mul3A_18, %dma_start3A_467] : memref<2560x128xi32, #tpu.memory_space<hbm>> -> memref<8x128xi32, #tpu.memory_space<hbm>>
        tpu.enqueue_dma source(%dma_start3A_468 : memref<8x128xi32, #tpu.memory_space<hbm>>) target(%arg7 : memref<8x128xi32, #tpu.memory_space<vmem>>) target_semaphore(%run_scoped3A : memref<!tpu.dma_semaphore, #tpu.memory_space<semaphore_mem>>)
        %dma_wait3A_469 = arith.constant 0 : i32
        %dma_wait3A_470 = tpu.memref_slice %arg3[%mul3A_18, %dma_wait3A_469] : memref<2560x128xi32, #tpu.memory_space<hbm>> -> memref<8x128xi32, #tpu.memory_space<hbm>>
        %dma_wait3A_471 = arith.constant 0 : i32
        %dma_wait3A_472 = tpu.memref_slice %arg3[%mul3A_18, %dma_wait3A_471] : memref<2560x128xi32, #tpu.memory_space<hbm>> -> memref<8x128xi32, #tpu.memory_space<hbm>>
        tpu.wait_dma2 semaphore(%run_scoped3A : memref<!tpu.dma_semaphore, #tpu.memory_space<semaphore_mem>>) src(%dma_wait3A_472 : memref<8x128xi32, #tpu.memory_space<hbm>>) dst(%arg7 : memref<8x128xi32, #tpu.memory_space<vmem>>)
        tpu.yield
      }) : () -> ()
      "tpu.region"() ({
        %run_scoped3A = tpu.sem_alloc : memref<!tpu.dma_semaphore, #tpu.memory_space<semaphore_mem>>
        %dma_start3A_465 = arith.constant 0 : i32
        %dma_start3A_466 = tpu.memref_slice %arg4[%mul3A_18, %dma_start3A_465] : memref<2560x128xi32, #tpu.memory_space<hbm>> -> memref<8x128xi32, #tpu.memory_space<hbm>>
        %dma_start3A_467 = arith.constant 0 : i32
        %dma_start3A_468 = tpu.memref_slice %arg4[%mul3A_18, %dma_start3A_467] : memref<2560x128xi32, #tpu.memory_space<hbm>> -> memref<8x128xi32, #tpu.memory_space<hbm>>
        tpu.enqueue_dma source(%dma_start3A_468 : memref<8x128xi32, #tpu.memory_space<hbm>>) target(%arg8 : memref<8x128xi32, #tpu.memory_space<vmem>>) target_semaphore(%run_scoped3A : memref<!tpu.dma_semaphore, #tpu.memory_space<semaphore_mem>>)
        %dma_wait3A_469 = arith.constant 0 : i32
        %dma_wait3A_470 = tpu.memref_slice %arg4[%mul3A_18, %dma_wait3A_469] : memref<2560x128xi32, #tpu.memory_space<hbm>> -> memref<8x128xi32, #tpu.memory_space<hbm>>
        %dma_wait3A_471 = arith.constant 0 : i32
        %dma_wait3A_472 = tpu.memref_slice %arg4[%mul3A_18, %dma_wait3A_471] : memref<2560x128xi32, #tpu.memory_space<hbm>> -> memref<8x128xi32, #tpu.memory_space<hbm>>
        tpu.wait_dma2 semaphore(%run_scoped3A : memref<!tpu.dma_semaphore, #tpu.memory_space<semaphore_mem>>) src(%dma_wait3A_472 : memref<8x128xi32, #tpu.memory_space<hbm>>) dst(%arg8 : memref<8x128xi32, #tpu.memory_space<vmem>>)
        tpu.yield
      }) : () -> ()
      %dma_start3A = arith.constant 0 : i32
      %dma_start3A_19 = arith.constant 0 : i32
      %dma_start3A_20 = arith.constant 0 : i32
      %dma_start3A_21 = arith.constant 0 : i32
      %dma_start3A_22 = tpu.memref_slice %arg9[%dma_start3A_19, %dma_start3A_20, %dma_start3A_21] : memref<2x128x40xf32, #tpu.memory_space<vmem>> -> memref<1x128x40xf32, #tpu.memory_space<vmem>>
      %dma_start3A_23 = tpu.memref_squeeze %dma_start3A_22 : memref<1x128x40xf32, #tpu.memory_space<vmem>> -> memref<128x40xf32, #tpu.memory_space<vmem>>
      %dma_start3A_24 = arith.constant 0 : i32
      %dma_start3A_25 = tpu.memref_slice %arg7[%dma_start3A, %dma_start3A_24] : memref<8x128xi32, #tpu.memory_space<vmem>> -> memref<1x128xi32, #tpu.memory_space<vmem>>
      %dma_start3A_26 = tpu.memref_squeeze %dma_start3A_25 : memref<1x128xi32, #tpu.memory_space<vmem>> -> memref<128xi32, #tpu.memory_space<vmem>>
      %dma_start3A_27 = arith.constant 0 : i32
      %dma_start3A_28 = arith.constant 0 : i32
      %dma_start3A_29 = tpu.memref_slice %arg2[%arg0, %dma_start3A_27, %dma_start3A_28] : memref<2x10240x40xf32, #tpu.memory_space<hbm>> -> memref<1x10240x40xf32, #tpu.memory_space<hbm>>
      %dma_start3A_30 = tpu.memref_squeeze %dma_start3A_29 : memref<1x10240x40xf32, #tpu.memory_space<hbm>> -> memref<10240x40xf32, #tpu.memory_space<hbm>>
      %dma_start3A_31 = arith.constant 0 : i32
      %dma_start3A_32 = arith.constant 0 : i32
      %dma_start3A_33 = tpu.memref_slice %dma_start3A_30[%dma_start3A_31, %dma_start3A_32] : memref<10240x40xf32, #tpu.memory_space<hbm>> -> memref<10240x40xf32, #tpu.memory_space<hbm>>
      tpu.enqueue_indirect_dma source(%dma_start3A_33 : memref<10240x40xf32, #tpu.memory_space<hbm>>) target(%dma_start3A_23 : memref<128x40xf32, #tpu.memory_space<vmem>>) offsets(%dma_start3A_26 : memref<128xi32, #tpu.memory_space<vmem>>) semaphore(%arg11 : memref<!tpu.dma_semaphore, #tpu.memory_space<semaphore_mem>>)
      %dma_start3A_34 = arith.constant 1 : i32
      %dma_start3A_35 = arith.constant 1 : i32
      %dma_start3A_36 = arith.constant 0 : i32
      %dma_start3A_37 = arith.constant 0 : i32
      %dma_start3A_38 = tpu.memref_slice %arg9[%dma_start3A_35, %dma_start3A_36, %dma_start3A_37] : memref<2x128x40xf32, #tpu.memory_space<vmem>> -> memref<1x128x40xf32, #tpu.memory_space<vmem>>
      %dma_start3A_39 = tpu.memref_squeeze %dma_start3A_38 : memref<1x128x40xf32, #tpu.memory_space<vmem>> -> memref<128x40xf32, #tpu.memory_space<vmem>>
      %dma_start3A_40 = arith.constant 0 : i32
      %dma_start3A_41 = tpu.memref_slice %arg7[%dma_start3A_34, %dma_start3A_40] : memref<8x128xi32, #tpu.memory_space<vmem>> -> memref<1x128xi32, #tpu.memory_space<vmem>>
      %dma_start3A_42 = tpu.memref_squeeze %dma_start3A_41 : memref<1x128xi32, #tpu.memory_space<vmem>> -> memref<128xi32, #tpu.memory_space<vmem>>
      %dma_start3A_43 = arith.constant 0 : i32
      %dma_start3A_44 = arith.constant 0 : i32
      %dma_start3A_45 = tpu.memref_slice %arg2[%arg0, %dma_start3A_43, %dma_start3A_44] : memref<2x10240x40xf32, #tpu.memory_space<hbm>> -> memref<1x10240x40xf32, #tpu.memory_space<hbm>>
      %dma_start3A_46 = tpu.memref_squeeze %dma_start3A_45 : memref<1x10240x40xf32, #tpu.memory_space<hbm>> -> memref<10240x40xf32, #tpu.memory_space<hbm>>
      %dma_start3A_47 = arith.constant 0 : i32
      %dma_start3A_48 = arith.constant 0 : i32
      %dma_start3A_49 = tpu.memref_slice %dma_start3A_46[%dma_start3A_47, %dma_start3A_48] : memref<10240x40xf32, #tpu.memory_space<hbm>> -> memref<10240x40xf32, #tpu.memory_space<hbm>>
      tpu.enqueue_indirect_dma source(%dma_start3A_49 : memref<10240x40xf32, #tpu.memory_space<hbm>>) target(%dma_start3A_39 : memref<128x40xf32, #tpu.memory_space<vmem>>) offsets(%dma_start3A_42 : memref<128xi32, #tpu.memory_space<vmem>>) semaphore(%arg12 : memref<!tpu.dma_semaphore, #tpu.memory_space<semaphore_mem>>)
      %dma_wait3A = arith.constant 0 : i32
      %dma_wait3A_50 = arith.constant 0 : i32
      %dma_wait3A_51 = arith.constant 0 : i32
      %dma_wait3A_52 = arith.constant 0 : i32
      %dma_wait3A_53 = tpu.memref_slice %arg9[%dma_wait3A_50, %dma_wait3A_51, %dma_wait3A_52] : memref<2x128x40xf32, #tpu.memory_space<vmem>> -> memref<1x128x40xf32, #tpu.memory_space<vmem>>
      %dma_wait3A_54 = tpu.memref_squeeze %dma_wait3A_53 : memref<1x128x40xf32, #tpu.memory_space<vmem>> -> memref<128x40xf32, #tpu.memory_space<vmem>>
      %dma_wait3A_55 = arith.constant 0 : i32
      %dma_wait3A_56 = tpu.memref_slice %arg7[%dma_wait3A, %dma_wait3A_55] : memref<8x128xi32, #tpu.memory_space<vmem>> -> memref<1x128xi32, #tpu.memory_space<vmem>>
      %dma_wait3A_57 = tpu.memref_squeeze %dma_wait3A_56 : memref<1x128xi32, #tpu.memory_space<vmem>> -> memref<128xi32, #tpu.memory_space<vmem>>
      %dma_wait3A_58 = arith.constant 0 : i32
      %dma_wait3A_59 = arith.constant 0 : i32
      %dma_wait3A_60 = tpu.memref_slice %arg2[%arg0, %dma_wait3A_58, %dma_wait3A_59] : memref<2x10240x40xf32, #tpu.memory_space<hbm>> -> memref<1x10240x40xf32, #tpu.memory_space<hbm>>
      %dma_wait3A_61 = tpu.memref_squeeze %dma_wait3A_60 : memref<1x10240x40xf32, #tpu.memory_space<hbm>> -> memref<10240x40xf32, #tpu.memory_space<hbm>>
      %dma_wait3A_62 = arith.constant 0 : i32
      %dma_wait3A_63 = arith.constant 0 : i32
      %dma_wait3A_64 = tpu.memref_slice %dma_wait3A_61[%dma_wait3A_62, %dma_wait3A_63] : memref<10240x40xf32, #tpu.memory_space<hbm>> -> memref<10240x40xf32, #tpu.memory_space<hbm>>
      tpu.wait_indirect_dma semaphore(%arg11 : memref<!tpu.dma_semaphore, #tpu.memory_space<semaphore_mem>>) src(%dma_wait3A_64 : memref<10240x40xf32, #tpu.memory_space<hbm>>) dst(%dma_wait3A_54 : memref<128x40xf32, #tpu.memory_space<vmem>>)
      %dma_start3A_65 = arith.constant 0 : i32
      %dma_start3A_66 = arith.constant 0 : i32
      %dma_start3A_67 = arith.constant 0 : i32
      %dma_start3A_68 = arith.constant 0 : i32
      %dma_start3A_69 = tpu.memref_slice %arg9[%dma_start3A_65, %dma_start3A_67, %dma_start3A_68] : memref<2x128x40xf32, #tpu.memory_space<vmem>> -> memref<1x128x40xf32, #tpu.memory_space<vmem>>
      %dma_start3A_70 = tpu.memref_squeeze %dma_start3A_69 : memref<1x128x40xf32, #tpu.memory_space<vmem>> -> memref<128x40xf32, #tpu.memory_space<vmem>>
      %dma_start3A_71 = arith.constant 0 : i32
      %dma_start3A_72 = tpu.memref_slice %arg8[%dma_start3A_66, %dma_start3A_71] : memref<8x128xi32, #tpu.memory_space<vmem>> -> memref<1x128xi32, #tpu.memory_space<vmem>>
      %dma_start3A_73 = tpu.memref_squeeze %dma_start3A_72 : memref<1x128xi32, #tpu.memory_space<vmem>> -> memref<128xi32, #tpu.memory_space<vmem>>
      %dma_start3A_74 = arith.constant 0 : i32
      %dma_start3A_75 = arith.constant 0 : i32
      %dma_start3A_76 = tpu.memref_slice %arg10[%dma_start3A_74, %dma_start3A_75] : memref<10240x40xf32, #tpu.memory_space<vmem_shared>> -> memref<10240x40xf32, #tpu.memory_space<vmem_shared>>
      tpu.enqueue_indirect_dma source(%dma_start3A_70 : memref<128x40xf32, #tpu.memory_space<vmem>>) target(%dma_start3A_76 : memref<10240x40xf32, #tpu.memory_space<vmem_shared>>) offsets(%dma_start3A_73 : memref<128xi32, #tpu.memory_space<vmem>>) semaphore(%arg13 : memref<!tpu.dma_semaphore, #tpu.memory_space<semaphore_mem>>) {add = true}
      %dma_wait3A_77 = arith.constant 0 : i32
      %dma_wait3A_78 = arith.constant 0 : i32
      %dma_wait3A_79 = arith.constant 0 : i32
      %dma_wait3A_80 = arith.constant 0 : i32
      %dma_wait3A_81 = tpu.memref_slice %arg9[%dma_wait3A_77, %dma_wait3A_79, %dma_wait3A_80] : memref<2x128x40xf32, #tpu.memory_space<vmem>> -> memref<1x128x40xf32, #tpu.memory_space<vmem>>
      %dma_wait3A_82 = tpu.memref_squeeze %dma_wait3A_81 : memref<1x128x40xf32, #tpu.memory_space<vmem>> -> memref<128x40xf32, #tpu.memory_space<vmem>>
      %dma_wait3A_83 = arith.constant 0 : i32
      %dma_wait3A_84 = tpu.memref_slice %arg8[%dma_wait3A_78, %dma_wait3A_83] : memref<8x128xi32, #tpu.memory_space<vmem>> -> memref<1x128xi32, #tpu.memory_space<vmem>>
      %dma_wait3A_85 = tpu.memref_squeeze %dma_wait3A_84 : memref<1x128xi32, #tpu.memory_space<vmem>> -> memref<128xi32, #tpu.memory_space<vmem>>
      %dma_wait3A_86 = arith.constant 0 : i32
      %dma_wait3A_87 = arith.constant 0 : i32
      %dma_wait3A_88 = tpu.memref_slice %arg10[%dma_wait3A_86, %dma_wait3A_87] : memref<10240x40xf32, #tpu.memory_space<vmem_shared>> -> memref<10240x40xf32, #tpu.memory_space<vmem_shared>>
      tpu.wait_indirect_dma semaphore(%arg13 : memref<!tpu.dma_semaphore, #tpu.memory_space<semaphore_mem>>) src(%dma_wait3A_82 : memref<128x40xf32, #tpu.memory_space<vmem>>) dst(%dma_wait3A_88 : memref<10240x40xf32, #tpu.memory_space<vmem_shared>>)
      %dma_start3A_89 = arith.constant 2 : i32
      %dma_start3A_90 = arith.constant 0 : i32
      %dma_start3A_91 = arith.constant 0 : i32
      %dma_start3A_92 = arith.constant 0 : i32
      %dma_start3A_93 = tpu.memref_slice %arg9[%dma_start3A_90, %dma_start3A_91, %dma_start3A_92] : memref<2x128x40xf32, #tpu.memory_space<vmem>> -> memref<1x128x40xf32, #tpu.memory_space<vmem>>
      %dma_start3A_94 = tpu.memref_squeeze %dma_start3A_93 : memref<1x128x40xf32, #tpu.memory_space<vmem>> -> memref<128x40xf32, #tpu.memory_space<vmem>>
      %dma_start3A_95 = arith.constant 0 : i32
      %dma_start3A_96 = tpu.memref_slice %arg7[%dma_start3A_89, %dma_start3A_95] : memref<8x128xi32, #tpu.memory_space<vmem>> -> memref<1x128xi32, #tpu.memory_space<vmem>>
      %dma_start3A_97 = tpu.memref_squeeze %dma_start3A_96 : memref<1x128xi32, #tpu.memory_space<vmem>> -> memref<128xi32, #tpu.memory_space<vmem>>
      %dma_start3A_98 = arith.constant 0 : i32
      %dma_start3A_99 = arith.constant 0 : i32
      %dma_start3A_100 = tpu.memref_slice %arg2[%arg0, %dma_start3A_98, %dma_start3A_99] : memref<2x10240x40xf32, #tpu.memory_space<hbm>> -> memref<1x10240x40xf32, #tpu.memory_space<hbm>>
      %dma_start3A_101 = tpu.memref_squeeze %dma_start3A_100 : memref<1x10240x40xf32, #tpu.memory_space<hbm>> -> memref<10240x40xf32, #tpu.memory_space<hbm>>
      %dma_start3A_102 = arith.constant 0 : i32
      %dma_start3A_103 = arith.constant 0 : i32
      %dma_start3A_104 = tpu.memref_slice %dma_start3A_101[%dma_start3A_102, %dma_start3A_103] : memref<10240x40xf32, #tpu.memory_space<hbm>> -> memref<10240x40xf32, #tpu.memory_space<hbm>>
      tpu.enqueue_indirect_dma source(%dma_start3A_104 : memref<10240x40xf32, #tpu.memory_space<hbm>>) target(%dma_start3A_94 : memref<128x40xf32, #tpu.memory_space<vmem>>) offsets(%dma_start3A_97 : memref<128xi32, #tpu.memory_space<vmem>>) semaphore(%arg11 : memref<!tpu.dma_semaphore, #tpu.memory_space<semaphore_mem>>)
      %dma_wait3A_105 = arith.constant 1 : i32
      %dma_wait3A_106 = arith.constant 1 : i32
      %dma_wait3A_107 = arith.constant 0 : i32
      %dma_wait3A_108 = arith.constant 0 : i32
      %dma_wait3A_109 = tpu.memref_slice %arg9[%dma_wait3A_106, %dma_wait3A_107, %dma_wait3A_108] : memref<2x128x40xf32, #tpu.memory_space<vmem>> -> memref<1x128x40xf32, #tpu.memory_space<vmem>>
      %dma_wait3A_110 = tpu.memref_squeeze %dma_wait3A_109 : memref<1x128x40xf32, #tpu.memory_space<vmem>> -> memref<128x40xf32, #tpu.memory_space<vmem>>
      %dma_wait3A_111 = arith.constant 0 : i32
      %dma_wait3A_112 = tpu.memref_slice %arg7[%dma_wait3A_105, %dma_wait3A_111] : memref<8x128xi32, #tpu.memory_space<vmem>> -> memref<1x128xi32, #tpu.memory_space<vmem>>
      %dma_wait3A_113 = tpu.memref_squeeze %dma_wait3A_112 : memref<1x128xi32, #tpu.memory_space<vmem>> -> memref<128xi32, #tpu.memory_space<vmem>>
      %dma_wait3A_114 = arith.constant 0 : i32
      %dma_wait3A_115 = arith.constant 0 : i32
      %dma_wait3A_116 = tpu.memref_slice %arg2[%arg0, %dma_wait3A_114, %dma_wait3A_115] : memref<2x10240x40xf32, #tpu.memory_space<hbm>> -> memref<1x10240x40xf32, #tpu.memory_space<hbm>>
      %dma_wait3A_117 = tpu.memref_squeeze %dma_wait3A_116 : memref<1x10240x40xf32, #tpu.memory_space<hbm>> -> memref<10240x40xf32, #tpu.memory_space<hbm>>
      %dma_wait3A_118 = arith.constant 0 : i32
      %dma_wait3A_119 = arith.constant 0 : i32
      %dma_wait3A_120 = tpu.memref_slice %dma_wait3A_117[%dma_wait3A_118, %dma_wait3A_119] : memref<10240x40xf32, #tpu.memory_space<hbm>> -> memref<10240x40xf32, #tpu.memory_space<hbm>>
      tpu.wait_indirect_dma semaphore(%arg12 : memref<!tpu.dma_semaphore, #tpu.memory_space<semaphore_mem>>) src(%dma_wait3A_120 : memref<10240x40xf32, #tpu.memory_space<hbm>>) dst(%dma_wait3A_110 : memref<128x40xf32, #tpu.memory_space<vmem>>)
      %dma_start3A_121 = arith.constant 1 : i32
      %dma_start3A_122 = arith.constant 1 : i32
      %dma_start3A_123 = arith.constant 0 : i32
      %dma_start3A_124 = arith.constant 0 : i32
      %dma_start3A_125 = tpu.memref_slice %arg9[%dma_start3A_121, %dma_start3A_123, %dma_start3A_124] : memref<2x128x40xf32, #tpu.memory_space<vmem>> -> memref<1x128x40xf32, #tpu.memory_space<vmem>>
      %dma_start3A_126 = tpu.memref_squeeze %dma_start3A_125 : memref<1x128x40xf32, #tpu.memory_space<vmem>> -> memref<128x40xf32, #tpu.memory_space<vmem>>
      %dma_start3A_127 = arith.constant 0 : i32
      %dma_start3A_128 = tpu.memref_slice %arg8[%dma_start3A_122, %dma_start3A_127] : memref<8x128xi32, #tpu.memory_space<vmem>> -> memref<1x128xi32, #tpu.memory_space<vmem>>
      %dma_start3A_129 = tpu.memref_squeeze %dma_start3A_128 : memref<1x128xi32, #tpu.memory_space<vmem>> -> memref<128xi32, #tpu.memory_space<vmem>>
      %dma_start3A_130 = arith.constant 0 : i32
      %dma_start3A_131 = arith.constant 0 : i32
      %dma_start3A_132 = tpu.memref_slice %arg10[%dma_start3A_130, %dma_start3A_131] : memref<10240x40xf32, #tpu.memory_space<vmem_shared>> -> memref<10240x40xf32, #tpu.memory_space<vmem_shared>>
      tpu.enqueue_indirect_dma source(%dma_start3A_126 : memref<128x40xf32, #tpu.memory_space<vmem>>) target(%dma_start3A_132 : memref<10240x40xf32, #tpu.memory_space<vmem_shared>>) offsets(%dma_start3A_129 : memref<128xi32, #tpu.memory_space<vmem>>) semaphore(%arg14 : memref<!tpu.dma_semaphore, #tpu.memory_space<semaphore_mem>>) {add = true}
      %dma_wait3A_133 = arith.constant 1 : i32
      %dma_wait3A_134 = arith.constant 1 : i32
      %dma_wait3A_135 = arith.constant 0 : i32
      %dma_wait3A_136 = arith.constant 0 : i32
      %dma_wait3A_137 = tpu.memref_slice %arg9[%dma_wait3A_133, %dma_wait3A_135, %dma_wait3A_136] : memref<2x128x40xf32, #tpu.memory_space<vmem>> -> memref<1x128x40xf32, #tpu.memory_space<vmem>>
      %dma_wait3A_138 = tpu.memref_squeeze %dma_wait3A_137 : memref<1x128x40xf32, #tpu.memory_space<vmem>> -> memref<128x40xf32, #tpu.memory_space<vmem>>
      %dma_wait3A_139 = arith.constant 0 : i32
      %dma_wait3A_140 = tpu.memref_slice %arg8[%dma_wait3A_134, %dma_wait3A_139] : memref<8x128xi32, #tpu.memory_space<vmem>> -> memref<1x128xi32, #tpu.memory_space<vmem>>
      %dma_wait3A_141 = tpu.memref_squeeze %dma_wait3A_140 : memref<1x128xi32, #tpu.memory_space<vmem>> -> memref<128xi32, #tpu.memory_space<vmem>>
      %dma_wait3A_142 = arith.constant 0 : i32
      %dma_wait3A_143 = arith.constant 0 : i32
      %dma_wait3A_144 = tpu.memref_slice %arg10[%dma_wait3A_142, %dma_wait3A_143] : memref<10240x40xf32, #tpu.memory_space<vmem_shared>> -> memref<10240x40xf32, #tpu.memory_space<vmem_shared>>
      tpu.wait_indirect_dma semaphore(%arg14 : memref<!tpu.dma_semaphore, #tpu.memory_space<semaphore_mem>>) src(%dma_wait3A_138 : memref<128x40xf32, #tpu.memory_space<vmem>>) dst(%dma_wait3A_144 : memref<10240x40xf32, #tpu.memory_space<vmem_shared>>)
      %dma_start3A_145 = arith.constant 3 : i32
      %dma_start3A_146 = arith.constant 1 : i32
      %dma_start3A_147 = arith.constant 0 : i32
      %dma_start3A_148 = arith.constant 0 : i32
      %dma_start3A_149 = tpu.memref_slice %arg9[%dma_start3A_146, %dma_start3A_147, %dma_start3A_148] : memref<2x128x40xf32, #tpu.memory_space<vmem>> -> memref<1x128x40xf32, #tpu.memory_space<vmem>>
      %dma_start3A_150 = tpu.memref_squeeze %dma_start3A_149 : memref<1x128x40xf32, #tpu.memory_space<vmem>> -> memref<128x40xf32, #tpu.memory_space<vmem>>
      %dma_start3A_151 = arith.constant 0 : i32
      %dma_start3A_152 = tpu.memref_slice %arg7[%dma_start3A_145, %dma_start3A_151] : memref<8x128xi32, #tpu.memory_space<vmem>> -> memref<1x128xi32, #tpu.memory_space<vmem>>
      %dma_start3A_153 = tpu.memref_squeeze %dma_start3A_152 : memref<1x128xi32, #tpu.memory_space<vmem>> -> memref<128xi32, #tpu.memory_space<vmem>>
      %dma_start3A_154 = arith.constant 0 : i32
      %dma_start3A_155 = arith.constant 0 : i32
      %dma_start3A_156 = tpu.memref_slice %arg2[%arg0, %dma_start3A_154, %dma_start3A_155] : memref<2x10240x40xf32, #tpu.memory_space<hbm>> -> memref<1x10240x40xf32, #tpu.memory_space<hbm>>
      %dma_start3A_157 = tpu.memref_squeeze %dma_start3A_156 : memref<1x10240x40xf32, #tpu.memory_space<hbm>> -> memref<10240x40xf32, #tpu.memory_space<hbm>>
      %dma_start3A_158 = arith.constant 0 : i32
      %dma_start3A_159 = arith.constant 0 : i32
      %dma_start3A_160 = tpu.memref_slice %dma_start3A_157[%dma_start3A_158, %dma_start3A_159] : memref<10240x40xf32, #tpu.memory_space<hbm>> -> memref<10240x40xf32, #tpu.memory_space<hbm>>
      tpu.enqueue_indirect_dma source(%dma_start3A_160 : memref<10240x40xf32, #tpu.memory_space<hbm>>) target(%dma_start3A_150 : memref<128x40xf32, #tpu.memory_space<vmem>>) offsets(%dma_start3A_153 : memref<128xi32, #tpu.memory_space<vmem>>) semaphore(%arg12 : memref<!tpu.dma_semaphore, #tpu.memory_space<semaphore_mem>>)
      %dma_wait3A_161 = arith.constant 2 : i32
      %dma_wait3A_162 = arith.constant 0 : i32
      %dma_wait3A_163 = arith.constant 0 : i32
      %dma_wait3A_164 = arith.constant 0 : i32
      %dma_wait3A_165 = tpu.memref_slice %arg9[%dma_wait3A_162, %dma_wait3A_163, %dma_wait3A_164] : memref<2x128x40xf32, #tpu.memory_space<vmem>> -> memref<1x128x40xf32, #tpu.memory_space<vmem>>
      %dma_wait3A_166 = tpu.memref_squeeze %dma_wait3A_165 : memref<1x128x40xf32, #tpu.memory_space<vmem>> -> memref<128x40xf32, #tpu.memory_space<vmem>>
      %dma_wait3A_167 = arith.constant 0 : i32
      %dma_wait3A_168 = tpu.memref_slice %arg7[%dma_wait3A_161, %dma_wait3A_167] : memref<8x128xi32, #tpu.memory_space<vmem>> -> memref<1x128xi32, #tpu.memory_space<vmem>>
      %dma_wait3A_169 = tpu.memref_squeeze %dma_wait3A_168 : memref<1x128xi32, #tpu.memory_space<vmem>> -> memref<128xi32, #tpu.memory_space<vmem>>
      %dma_wait3A_170 = arith.constant 0 : i32
      %dma_wait3A_171 = arith.constant 0 : i32
      %dma_wait3A_172 = tpu.memref_slice %arg2[%arg0, %dma_wait3A_170, %dma_wait3A_171] : memref<2x10240x40xf32, #tpu.memory_space<hbm>> -> memref<1x10240x40xf32, #tpu.memory_space<hbm>>
      %dma_wait3A_173 = tpu.memref_squeeze %dma_wait3A_172 : memref<1x10240x40xf32, #tpu.memory_space<hbm>> -> memref<10240x40xf32, #tpu.memory_space<hbm>>
      %dma_wait3A_174 = arith.constant 0 : i32
      %dma_wait3A_175 = arith.constant 0 : i32
      %dma_wait3A_176 = tpu.memref_slice %dma_wait3A_173[%dma_wait3A_174, %dma_wait3A_175] : memref<10240x40xf32, #tpu.memory_space<hbm>> -> memref<10240x40xf32, #tpu.memory_space<hbm>>
      tpu.wait_indirect_dma semaphore(%arg11 : memref<!tpu.dma_semaphore, #tpu.memory_space<semaphore_mem>>) src(%dma_wait3A_176 : memref<10240x40xf32, #tpu.memory_space<hbm>>) dst(%dma_wait3A_166 : memref<128x40xf32, #tpu.memory_space<vmem>>)
      %dma_start3A_177 = arith.constant 0 : i32
      %dma_start3A_178 = arith.constant 2 : i32
      %dma_start3A_179 = arith.constant 0 : i32
      %dma_start3A_180 = arith.constant 0 : i32
      %dma_start3A_181 = tpu.memref_slice %arg9[%dma_start3A_177, %dma_start3A_179, %dma_start3A_180] : memref<2x128x40xf32, #tpu.memory_space<vmem>> -> memref<1x128x40xf32, #tpu.memory_space<vmem>>
      %dma_start3A_182 = tpu.memref_squeeze %dma_start3A_181 : memref<1x128x40xf32, #tpu.memory_space<vmem>> -> memref<128x40xf32, #tpu.memory_space<vmem>>
      %dma_start3A_183 = arith.constant 0 : i32
      %dma_start3A_184 = tpu.memref_slice %arg8[%dma_start3A_178, %dma_start3A_183] : memref<8x128xi32, #tpu.memory_space<vmem>> -> memref<1x128xi32, #tpu.memory_space<vmem>>
      %dma_start3A_185 = tpu.memref_squeeze %dma_start3A_184 : memref<1x128xi32, #tpu.memory_space<vmem>> -> memref<128xi32, #tpu.memory_space<vmem>>
      %dma_start3A_186 = arith.constant 0 : i32
      %dma_start3A_187 = arith.constant 0 : i32
      %dma_start3A_188 = tpu.memref_slice %arg10[%dma_start3A_186, %dma_start3A_187] : memref<10240x40xf32, #tpu.memory_space<vmem_shared>> -> memref<10240x40xf32, #tpu.memory_space<vmem_shared>>
      tpu.enqueue_indirect_dma source(%dma_start3A_182 : memref<128x40xf32, #tpu.memory_space<vmem>>) target(%dma_start3A_188 : memref<10240x40xf32, #tpu.memory_space<vmem_shared>>) offsets(%dma_start3A_185 : memref<128xi32, #tpu.memory_space<vmem>>) semaphore(%arg13 : memref<!tpu.dma_semaphore, #tpu.memory_space<semaphore_mem>>) {add = true}
      %dma_wait3A_189 = arith.constant 0 : i32
      %dma_wait3A_190 = arith.constant 2 : i32
      %dma_wait3A_191 = arith.constant 0 : i32
      %dma_wait3A_192 = arith.constant 0 : i32
      %dma_wait3A_193 = tpu.memref_slice %arg9[%dma_wait3A_189, %dma_wait3A_191, %dma_wait3A_192] : memref<2x128x40xf32, #tpu.memory_space<vmem>> -> memref<1x128x40xf32, #tpu.memory_space<vmem>>
      %dma_wait3A_194 = tpu.memref_squeeze %dma_wait3A_193 : memref<1x128x40xf32, #tpu.memory_space<vmem>> -> memref<128x40xf32, #tpu.memory_space<vmem>>
      %dma_wait3A_195 = arith.constant 0 : i32
      %dma_wait3A_196 = tpu.memref_slice %arg8[%dma_wait3A_190, %dma_wait3A_195] : memref<8x128xi32, #tpu.memory_space<vmem>> -> memref<1x128xi32, #tpu.memory_space<vmem>>
      %dma_wait3A_197 = tpu.memref_squeeze %dma_wait3A_196 : memref<1x128xi32, #tpu.memory_space<vmem>> -> memref<128xi32, #tpu.memory_space<vmem>>
      %dma_wait3A_198 = arith.constant 0 : i32
      %dma_wait3A_199 = arith.constant 0 : i32
      %dma_wait3A_200 = tpu.memref_slice %arg10[%dma_wait3A_198, %dma_wait3A_199] : memref<10240x40xf32, #tpu.memory_space<vmem_shared>> -> memref<10240x40xf32, #tpu.memory_space<vmem_shared>>
      tpu.wait_indirect_dma semaphore(%arg13 : memref<!tpu.dma_semaphore, #tpu.memory_space<semaphore_mem>>) src(%dma_wait3A_194 : memref<128x40xf32, #tpu.memory_space<vmem>>) dst(%dma_wait3A_200 : memref<10240x40xf32, #tpu.memory_space<vmem_shared>>)
      %dma_start3A_201 = arith.constant 4 : i32
      %dma_start3A_202 = arith.constant 0 : i32
      %dma_start3A_203 = arith.constant 0 : i32
      %dma_start3A_204 = arith.constant 0 : i32
      %dma_start3A_205 = tpu.memref_slice %arg9[%dma_start3A_202, %dma_start3A_203, %dma_start3A_204] : memref<2x128x40xf32, #tpu.memory_space<vmem>> -> memref<1x128x40xf32, #tpu.memory_space<vmem>>
      %dma_start3A_206 = tpu.memref_squeeze %dma_start3A_205 : memref<1x128x40xf32, #tpu.memory_space<vmem>> -> memref<128x40xf32, #tpu.memory_space<vmem>>
      %dma_start3A_207 = arith.constant 0 : i32
      %dma_start3A_208 = tpu.memref_slice %arg7[%dma_start3A_201, %dma_start3A_207] : memref<8x128xi32, #tpu.memory_space<vmem>> -> memref<1x128xi32, #tpu.memory_space<vmem>>
      %dma_start3A_209 = tpu.memref_squeeze %dma_start3A_208 : memref<1x128xi32, #tpu.memory_space<vmem>> -> memref<128xi32, #tpu.memory_space<vmem>>
      %dma_start3A_210 = arith.constant 0 : i32
      %dma_start3A_211 = arith.constant 0 : i32
      %dma_start3A_212 = tpu.memref_slice %arg2[%arg0, %dma_start3A_210, %dma_start3A_211] : memref<2x10240x40xf32, #tpu.memory_space<hbm>> -> memref<1x10240x40xf32, #tpu.memory_space<hbm>>
      %dma_start3A_213 = tpu.memref_squeeze %dma_start3A_212 : memref<1x10240x40xf32, #tpu.memory_space<hbm>> -> memref<10240x40xf32, #tpu.memory_space<hbm>>
      %dma_start3A_214 = arith.constant 0 : i32
      %dma_start3A_215 = arith.constant 0 : i32
      %dma_start3A_216 = tpu.memref_slice %dma_start3A_213[%dma_start3A_214, %dma_start3A_215] : memref<10240x40xf32, #tpu.memory_space<hbm>> -> memref<10240x40xf32, #tpu.memory_space<hbm>>
      tpu.enqueue_indirect_dma source(%dma_start3A_216 : memref<10240x40xf32, #tpu.memory_space<hbm>>) target(%dma_start3A_206 : memref<128x40xf32, #tpu.memory_space<vmem>>) offsets(%dma_start3A_209 : memref<128xi32, #tpu.memory_space<vmem>>) semaphore(%arg11 : memref<!tpu.dma_semaphore, #tpu.memory_space<semaphore_mem>>)
      %dma_wait3A_217 = arith.constant 3 : i32
      %dma_wait3A_218 = arith.constant 1 : i32
      %dma_wait3A_219 = arith.constant 0 : i32
      %dma_wait3A_220 = arith.constant 0 : i32
      %dma_wait3A_221 = tpu.memref_slice %arg9[%dma_wait3A_218, %dma_wait3A_219, %dma_wait3A_220] : memref<2x128x40xf32, #tpu.memory_space<vmem>> -> memref<1x128x40xf32, #tpu.memory_space<vmem>>
      %dma_wait3A_222 = tpu.memref_squeeze %dma_wait3A_221 : memref<1x128x40xf32, #tpu.memory_space<vmem>> -> memref<128x40xf32, #tpu.memory_space<vmem>>
      %dma_wait3A_223 = arith.constant 0 : i32
      %dma_wait3A_224 = tpu.memref_slice %arg7[%dma_wait3A_217, %dma_wait3A_223] : memref<8x128xi32, #tpu.memory_space<vmem>> -> memref<1x128xi32, #tpu.memory_space<vmem>>
      %dma_wait3A_225 = tpu.memref_squeeze %dma_wait3A_224 : memref<1x128xi32, #tpu.memory_space<vmem>> -> memref<128xi32, #tpu.memory_space<vmem>>
      %dma_wait3A_226 = arith.constant 0 : i32
      %dma_wait3A_227 = arith.constant 0 : i32
      %dma_wait3A_228 = tpu.memref_slice %arg2[%arg0, %dma_wait3A_226, %dma_wait3A_227] : memref<2x10240x40xf32, #tpu.memory_space<hbm>> -> memref<1x10240x40xf32, #tpu.memory_space<hbm>>
      %dma_wait3A_229 = tpu.memref_squeeze %dma_wait3A_228 : memref<1x10240x40xf32, #tpu.memory_space<hbm>> -> memref<10240x40xf32, #tpu.memory_space<hbm>>
      %dma_wait3A_230 = arith.constant 0 : i32
      %dma_wait3A_231 = arith.constant 0 : i32
      %dma_wait3A_232 = tpu.memref_slice %dma_wait3A_229[%dma_wait3A_230, %dma_wait3A_231] : memref<10240x40xf32, #tpu.memory_space<hbm>> -> memref<10240x40xf32, #tpu.memory_space<hbm>>
      tpu.wait_indirect_dma semaphore(%arg12 : memref<!tpu.dma_semaphore, #tpu.memory_space<semaphore_mem>>) src(%dma_wait3A_232 : memref<10240x40xf32, #tpu.memory_space<hbm>>) dst(%dma_wait3A_222 : memref<128x40xf32, #tpu.memory_space<vmem>>)
      %dma_start3A_233 = arith.constant 1 : i32
      %dma_start3A_234 = arith.constant 3 : i32
      %dma_start3A_235 = arith.constant 0 : i32
      %dma_start3A_236 = arith.constant 0 : i32
      %dma_start3A_237 = tpu.memref_slice %arg9[%dma_start3A_233, %dma_start3A_235, %dma_start3A_236] : memref<2x128x40xf32, #tpu.memory_space<vmem>> -> memref<1x128x40xf32, #tpu.memory_space<vmem>>
      %dma_start3A_238 = tpu.memref_squeeze %dma_start3A_237 : memref<1x128x40xf32, #tpu.memory_space<vmem>> -> memref<128x40xf32, #tpu.memory_space<vmem>>
      %dma_start3A_239 = arith.constant 0 : i32
      %dma_start3A_240 = tpu.memref_slice %arg8[%dma_start3A_234, %dma_start3A_239] : memref<8x128xi32, #tpu.memory_space<vmem>> -> memref<1x128xi32, #tpu.memory_space<vmem>>
      %dma_start3A_241 = tpu.memref_squeeze %dma_start3A_240 : memref<1x128xi32, #tpu.memory_space<vmem>> -> memref<128xi32, #tpu.memory_space<vmem>>
      %dma_start3A_242 = arith.constant 0 : i32
      %dma_start3A_243 = arith.constant 0 : i32
      %dma_start3A_244 = tpu.memref_slice %arg10[%dma_start3A_242, %dma_start3A_243] : memref<10240x40xf32, #tpu.memory_space<vmem_shared>> -> memref<10240x40xf32, #tpu.memory_space<vmem_shared>>
      tpu.enqueue_indirect_dma source(%dma_start3A_238 : memref<128x40xf32, #tpu.memory_space<vmem>>) target(%dma_start3A_244 : memref<10240x40xf32, #tpu.memory_space<vmem_shared>>) offsets(%dma_start3A_241 : memref<128xi32, #tpu.memory_space<vmem>>) semaphore(%arg14 : memref<!tpu.dma_semaphore, #tpu.memory_space<semaphore_mem>>) {add = true}
      %dma_wait3A_245 = arith.constant 1 : i32
      %dma_wait3A_246 = arith.constant 3 : i32
      %dma_wait3A_247 = arith.constant 0 : i32
      %dma_wait3A_248 = arith.constant 0 : i32
      %dma_wait3A_249 = tpu.memref_slice %arg9[%dma_wait3A_245, %dma_wait3A_247, %dma_wait3A_248] : memref<2x128x40xf32, #tpu.memory_space<vmem>> -> memref<1x128x40xf32, #tpu.memory_space<vmem>>
      %dma_wait3A_250 = tpu.memref_squeeze %dma_wait3A_249 : memref<1x128x40xf32, #tpu.memory_space<vmem>> -> memref<128x40xf32, #tpu.memory_space<vmem>>
      %dma_wait3A_251 = arith.constant 0 : i32
      %dma_wait3A_252 = tpu.memref_slice %arg8[%dma_wait3A_246, %dma_wait3A_251] : memref<8x128xi32, #tpu.memory_space<vmem>> -> memref<1x128xi32, #tpu.memory_space<vmem>>
      %dma_wait3A_253 = tpu.memref_squeeze %dma_wait3A_252 : memref<1x128xi32, #tpu.memory_space<vmem>> -> memref<128xi32, #tpu.memory_space<vmem>>
      %dma_wait3A_254 = arith.constant 0 : i32
      %dma_wait3A_255 = arith.constant 0 : i32
      %dma_wait3A_256 = tpu.memref_slice %arg10[%dma_wait3A_254, %dma_wait3A_255] : memref<10240x40xf32, #tpu.memory_space<vmem_shared>> -> memref<10240x40xf32, #tpu.memory_space<vmem_shared>>
      tpu.wait_indirect_dma semaphore(%arg14 : memref<!tpu.dma_semaphore, #tpu.memory_space<semaphore_mem>>) src(%dma_wait3A_250 : memref<128x40xf32, #tpu.memory_space<vmem>>) dst(%dma_wait3A_256 : memref<10240x40xf32, #tpu.memory_space<vmem_shared>>)
      %dma_start3A_257 = arith.constant 5 : i32
      %dma_start3A_258 = arith.constant 1 : i32
      %dma_start3A_259 = arith.constant 0 : i32
      %dma_start3A_260 = arith.constant 0 : i32
      %dma_start3A_261 = tpu.memref_slice %arg9[%dma_start3A_258, %dma_start3A_259, %dma_start3A_260] : memref<2x128x40xf32, #tpu.memory_space<vmem>> -> memref<1x128x40xf32, #tpu.memory_space<vmem>>
      %dma_start3A_262 = tpu.memref_squeeze %dma_start3A_261 : memref<1x128x40xf32, #tpu.memory_space<vmem>> -> memref<128x40xf32, #tpu.memory_space<vmem>>
      %dma_start3A_263 = arith.constant 0 : i32
      %dma_start3A_264 = tpu.memref_slice %arg7[%dma_start3A_257, %dma_start3A_263] : memref<8x128xi32, #tpu.memory_space<vmem>> -> memref<1x128xi32, #tpu.memory_space<vmem>>
      %dma_start3A_265 = tpu.memref_squeeze %dma_start3A_264 : memref<1x128xi32, #tpu.memory_space<vmem>> -> memref<128xi32, #tpu.memory_space<vmem>>
      %dma_start3A_266 = arith.constant 0 : i32
      %dma_start3A_267 = arith.constant 0 : i32
      %dma_start3A_268 = tpu.memref_slice %arg2[%arg0, %dma_start3A_266, %dma_start3A_267] : memref<2x10240x40xf32, #tpu.memory_space<hbm>> -> memref<1x10240x40xf32, #tpu.memory_space<hbm>>
      %dma_start3A_269 = tpu.memref_squeeze %dma_start3A_268 : memref<1x10240x40xf32, #tpu.memory_space<hbm>> -> memref<10240x40xf32, #tpu.memory_space<hbm>>
      %dma_start3A_270 = arith.constant 0 : i32
      %dma_start3A_271 = arith.constant 0 : i32
      %dma_start3A_272 = tpu.memref_slice %dma_start3A_269[%dma_start3A_270, %dma_start3A_271] : memref<10240x40xf32, #tpu.memory_space<hbm>> -> memref<10240x40xf32, #tpu.memory_space<hbm>>
      tpu.enqueue_indirect_dma source(%dma_start3A_272 : memref<10240x40xf32, #tpu.memory_space<hbm>>) target(%dma_start3A_262 : memref<128x40xf32, #tpu.memory_space<vmem>>) offsets(%dma_start3A_265 : memref<128xi32, #tpu.memory_space<vmem>>) semaphore(%arg12 : memref<!tpu.dma_semaphore, #tpu.memory_space<semaphore_mem>>)
      %dma_wait3A_273 = arith.constant 4 : i32
      %dma_wait3A_274 = arith.constant 0 : i32
      %dma_wait3A_275 = arith.constant 0 : i32
      %dma_wait3A_276 = arith.constant 0 : i32
      %dma_wait3A_277 = tpu.memref_slice %arg9[%dma_wait3A_274, %dma_wait3A_275, %dma_wait3A_276] : memref<2x128x40xf32, #tpu.memory_space<vmem>> -> memref<1x128x40xf32, #tpu.memory_space<vmem>>
      %dma_wait3A_278 = tpu.memref_squeeze %dma_wait3A_277 : memref<1x128x40xf32, #tpu.memory_space<vmem>> -> memref<128x40xf32, #tpu.memory_space<vmem>>
      %dma_wait3A_279 = arith.constant 0 : i32
      %dma_wait3A_280 = tpu.memref_slice %arg7[%dma_wait3A_273, %dma_wait3A_279] : memref<8x128xi32, #tpu.memory_space<vmem>> -> memref<1x128xi32, #tpu.memory_space<vmem>>
      %dma_wait3A_281 = tpu.memref_squeeze %dma_wait3A_280 : memref<1x128xi32, #tpu.memory_space<vmem>> -> memref<128xi32, #tpu.memory_space<vmem>>
      %dma_wait3A_282 = arith.constant 0 : i32
      %dma_wait3A_283 = arith.constant 0 : i32
      %dma_wait3A_284 = tpu.memref_slice %arg2[%arg0, %dma_wait3A_282, %dma_wait3A_283] : memref<2x10240x40xf32, #tpu.memory_space<hbm>> -> memref<1x10240x40xf32, #tpu.memory_space<hbm>>
      %dma_wait3A_285 = tpu.memref_squeeze %dma_wait3A_284 : memref<1x10240x40xf32, #tpu.memory_space<hbm>> -> memref<10240x40xf32, #tpu.memory_space<hbm>>
      %dma_wait3A_286 = arith.constant 0 : i32
      %dma_wait3A_287 = arith.constant 0 : i32
      %dma_wait3A_288 = tpu.memref_slice %dma_wait3A_285[%dma_wait3A_286, %dma_wait3A_287] : memref<10240x40xf32, #tpu.memory_space<hbm>> -> memref<10240x40xf32, #tpu.memory_space<hbm>>
      tpu.wait_indirect_dma semaphore(%arg11 : memref<!tpu.dma_semaphore, #tpu.memory_space<semaphore_mem>>) src(%dma_wait3A_288 : memref<10240x40xf32, #tpu.memory_space<hbm>>) dst(%dma_wait3A_278 : memref<128x40xf32, #tpu.memory_space<vmem>>)
      %dma_start3A_289 = arith.constant 0 : i32
      %dma_start3A_290 = arith.constant 4 : i32
      %dma_start3A_291 = arith.constant 0 : i32
      %dma_start3A_292 = arith.constant 0 : i32
      %dma_start3A_293 = tpu.memref_slice %arg9[%dma_start3A_289, %dma_start3A_291, %dma_start3A_292] : memref<2x128x40xf32, #tpu.memory_space<vmem>> -> memref<1x128x40xf32, #tpu.memory_space<vmem>>
      %dma_start3A_294 = tpu.memref_squeeze %dma_start3A_293 : memref<1x128x40xf32, #tpu.memory_space<vmem>> -> memref<128x40xf32, #tpu.memory_space<vmem>>
      %dma_start3A_295 = arith.constant 0 : i32
      %dma_start3A_296 = tpu.memref_slice %arg8[%dma_start3A_290, %dma_start3A_295] : memref<8x128xi32, #tpu.memory_space<vmem>> -> memref<1x128xi32, #tpu.memory_space<vmem>>
      %dma_start3A_297 = tpu.memref_squeeze %dma_start3A_296 : memref<1x128xi32, #tpu.memory_space<vmem>> -> memref<128xi32, #tpu.memory_space<vmem>>
      %dma_start3A_298 = arith.constant 0 : i32
      %dma_start3A_299 = arith.constant 0 : i32
      %dma_start3A_300 = tpu.memref_slice %arg10[%dma_start3A_298, %dma_start3A_299] : memref<10240x40xf32, #tpu.memory_space<vmem_shared>> -> memref<10240x40xf32, #tpu.memory_space<vmem_shared>>
      tpu.enqueue_indirect_dma source(%dma_start3A_294 : memref<128x40xf32, #tpu.memory_space<vmem>>) target(%dma_start3A_300 : memref<10240x40xf32, #tpu.memory_space<vmem_shared>>) offsets(%dma_start3A_297 : memref<128xi32, #tpu.memory_space<vmem>>) semaphore(%arg13 : memref<!tpu.dma_semaphore, #tpu.memory_space<semaphore_mem>>) {add = true}
      %dma_wait3A_301 = arith.constant 0 : i32
      %dma_wait3A_302 = arith.constant 4 : i32
      %dma_wait3A_303 = arith.constant 0 : i32
      %dma_wait3A_304 = arith.constant 0 : i32
      %dma_wait3A_305 = tpu.memref_slice %arg9[%dma_wait3A_301, %dma_wait3A_303, %dma_wait3A_304] : memref<2x128x40xf32, #tpu.memory_space<vmem>> -> memref<1x128x40xf32, #tpu.memory_space<vmem>>
      %dma_wait3A_306 = tpu.memref_squeeze %dma_wait3A_305 : memref<1x128x40xf32, #tpu.memory_space<vmem>> -> memref<128x40xf32, #tpu.memory_space<vmem>>
      %dma_wait3A_307 = arith.constant 0 : i32
      %dma_wait3A_308 = tpu.memref_slice %arg8[%dma_wait3A_302, %dma_wait3A_307] : memref<8x128xi32, #tpu.memory_space<vmem>> -> memref<1x128xi32, #tpu.memory_space<vmem>>
      %dma_wait3A_309 = tpu.memref_squeeze %dma_wait3A_308 : memref<1x128xi32, #tpu.memory_space<vmem>> -> memref<128xi32, #tpu.memory_space<vmem>>
      %dma_wait3A_310 = arith.constant 0 : i32
      %dma_wait3A_311 = arith.constant 0 : i32
      %dma_wait3A_312 = tpu.memref_slice %arg10[%dma_wait3A_310, %dma_wait3A_311] : memref<10240x40xf32, #tpu.memory_space<vmem_shared>> -> memref<10240x40xf32, #tpu.memory_space<vmem_shared>>
      tpu.wait_indirect_dma semaphore(%arg13 : memref<!tpu.dma_semaphore, #tpu.memory_space<semaphore_mem>>) src(%dma_wait3A_306 : memref<128x40xf32, #tpu.memory_space<vmem>>) dst(%dma_wait3A_312 : memref<10240x40xf32, #tpu.memory_space<vmem_shared>>)
      %dma_start3A_313 = arith.constant 6 : i32
      %dma_start3A_314 = arith.constant 0 : i32
      %dma_start3A_315 = arith.constant 0 : i32
      %dma_start3A_316 = arith.constant 0 : i32
      %dma_start3A_317 = tpu.memref_slice %arg9[%dma_start3A_314, %dma_start3A_315, %dma_start3A_316] : memref<2x128x40xf32, #tpu.memory_space<vmem>> -> memref<1x128x40xf32, #tpu.memory_space<vmem>>
      %dma_start3A_318 = tpu.memref_squeeze %dma_start3A_317 : memref<1x128x40xf32, #tpu.memory_space<vmem>> -> memref<128x40xf32, #tpu.memory_space<vmem>>
      %dma_start3A_319 = arith.constant 0 : i32
      %dma_start3A_320 = tpu.memref_slice %arg7[%dma_start3A_313, %dma_start3A_319] : memref<8x128xi32, #tpu.memory_space<vmem>> -> memref<1x128xi32, #tpu.memory_space<vmem>>
      %dma_start3A_321 = tpu.memref_squeeze %dma_start3A_320 : memref<1x128xi32, #tpu.memory_space<vmem>> -> memref<128xi32, #tpu.memory_space<vmem>>
      %dma_start3A_322 = arith.constant 0 : i32
      %dma_start3A_323 = arith.constant 0 : i32
      %dma_start3A_324 = tpu.memref_slice %arg2[%arg0, %dma_start3A_322, %dma_start3A_323] : memref<2x10240x40xf32, #tpu.memory_space<hbm>> -> memref<1x10240x40xf32, #tpu.memory_space<hbm>>
      %dma_start3A_325 = tpu.memref_squeeze %dma_start3A_324 : memref<1x10240x40xf32, #tpu.memory_space<hbm>> -> memref<10240x40xf32, #tpu.memory_space<hbm>>
      %dma_start3A_326 = arith.constant 0 : i32
      %dma_start3A_327 = arith.constant 0 : i32
      %dma_start3A_328 = tpu.memref_slice %dma_start3A_325[%dma_start3A_326, %dma_start3A_327] : memref<10240x40xf32, #tpu.memory_space<hbm>> -> memref<10240x40xf32, #tpu.memory_space<hbm>>
      tpu.enqueue_indirect_dma source(%dma_start3A_328 : memref<10240x40xf32, #tpu.memory_space<hbm>>) target(%dma_start3A_318 : memref<128x40xf32, #tpu.memory_space<vmem>>) offsets(%dma_start3A_321 : memref<128xi32, #tpu.memory_space<vmem>>) semaphore(%arg11 : memref<!tpu.dma_semaphore, #tpu.memory_space<semaphore_mem>>)
      %dma_wait3A_329 = arith.constant 5 : i32
      %dma_wait3A_330 = arith.constant 1 : i32
      %dma_wait3A_331 = arith.constant 0 : i32
      %dma_wait3A_332 = arith.constant 0 : i32
      %dma_wait3A_333 = tpu.memref_slice %arg9[%dma_wait3A_330, %dma_wait3A_331, %dma_wait3A_332] : memref<2x128x40xf32, #tpu.memory_space<vmem>> -> memref<1x128x40xf32, #tpu.memory_space<vmem>>
      %dma_wait3A_334 = tpu.memref_squeeze %dma_wait3A_333 : memref<1x128x40xf32, #tpu.memory_space<vmem>> -> memref<128x40xf32, #tpu.memory_space<vmem>>
      %dma_wait3A_335 = arith.constant 0 : i32
      %dma_wait3A_336 = tpu.memref_slice %arg7[%dma_wait3A_329, %dma_wait3A_335] : memref<8x128xi32, #tpu.memory_space<vmem>> -> memref<1x128xi32, #tpu.memory_space<vmem>>
      %dma_wait3A_337 = tpu.memref_squeeze %dma_wait3A_336 : memref<1x128xi32, #tpu.memory_space<vmem>> -> memref<128xi32, #tpu.memory_space<vmem>>
      %dma_wait3A_338 = arith.constant 0 : i32
      %dma_wait3A_339 = arith.constant 0 : i32
      %dma_wait3A_340 = tpu.memref_slice %arg2[%arg0, %dma_wait3A_338, %dma_wait3A_339] : memref<2x10240x40xf32, #tpu.memory_space<hbm>> -> memref<1x10240x40xf32, #tpu.memory_space<hbm>>
      %dma_wait3A_341 = tpu.memref_squeeze %dma_wait3A_340 : memref<1x10240x40xf32, #tpu.memory_space<hbm>> -> memref<10240x40xf32, #tpu.memory_space<hbm>>
      %dma_wait3A_342 = arith.constant 0 : i32
      %dma_wait3A_343 = arith.constant 0 : i32
      %dma_wait3A_344 = tpu.memref_slice %dma_wait3A_341[%dma_wait3A_342, %dma_wait3A_343] : memref<10240x40xf32, #tpu.memory_space<hbm>> -> memref<10240x40xf32, #tpu.memory_space<hbm>>
      tpu.wait_indirect_dma semaphore(%arg12 : memref<!tpu.dma_semaphore, #tpu.memory_space<semaphore_mem>>) src(%dma_wait3A_344 : memref<10240x40xf32, #tpu.memory_space<hbm>>) dst(%dma_wait3A_334 : memref<128x40xf32, #tpu.memory_space<vmem>>)
      %dma_start3A_345 = arith.constant 1 : i32
      %dma_start3A_346 = arith.constant 5 : i32
      %dma_start3A_347 = arith.constant 0 : i32
      %dma_start3A_348 = arith.constant 0 : i32
      %dma_start3A_349 = tpu.memref_slice %arg9[%dma_start3A_345, %dma_start3A_347, %dma_start3A_348] : memref<2x128x40xf32, #tpu.memory_space<vmem>> -> memref<1x128x40xf32, #tpu.memory_space<vmem>>
      %dma_start3A_350 = tpu.memref_squeeze %dma_start3A_349 : memref<1x128x40xf32, #tpu.memory_space<vmem>> -> memref<128x40xf32, #tpu.memory_space<vmem>>
      %dma_start3A_351 = arith.constant 0 : i32
      %dma_start3A_352 = tpu.memref_slice %arg8[%dma_start3A_346, %dma_start3A_351] : memref<8x128xi32, #tpu.memory_space<vmem>> -> memref<1x128xi32, #tpu.memory_space<vmem>>
      %dma_start3A_353 = tpu.memref_squeeze %dma_start3A_352 : memref<1x128xi32, #tpu.memory_space<vmem>> -> memref<128xi32, #tpu.memory_space<vmem>>
      %dma_start3A_354 = arith.constant 0 : i32
      %dma_start3A_355 = arith.constant 0 : i32
      %dma_start3A_356 = tpu.memref_slice %arg10[%dma_start3A_354, %dma_start3A_355] : memref<10240x40xf32, #tpu.memory_space<vmem_shared>> -> memref<10240x40xf32, #tpu.memory_space<vmem_shared>>
      tpu.enqueue_indirect_dma source(%dma_start3A_350 : memref<128x40xf32, #tpu.memory_space<vmem>>) target(%dma_start3A_356 : memref<10240x40xf32, #tpu.memory_space<vmem_shared>>) offsets(%dma_start3A_353 : memref<128xi32, #tpu.memory_space<vmem>>) semaphore(%arg14 : memref<!tpu.dma_semaphore, #tpu.memory_space<semaphore_mem>>) {add = true}
      %dma_wait3A_357 = arith.constant 1 : i32
      %dma_wait3A_358 = arith.constant 5 : i32
      %dma_wait3A_359 = arith.constant 0 : i32
      %dma_wait3A_360 = arith.constant 0 : i32
      %dma_wait3A_361 = tpu.memref_slice %arg9[%dma_wait3A_357, %dma_wait3A_359, %dma_wait3A_360] : memref<2x128x40xf32, #tpu.memory_space<vmem>> -> memref<1x128x40xf32, #tpu.memory_space<vmem>>
      %dma_wait3A_362 = tpu.memref_squeeze %dma_wait3A_361 : memref<1x128x40xf32, #tpu.memory_space<vmem>> -> memref<128x40xf32, #tpu.memory_space<vmem>>
      %dma_wait3A_363 = arith.constant 0 : i32
      %dma_wait3A_364 = tpu.memref_slice %arg8[%dma_wait3A_358, %dma_wait3A_363] : memref<8x128xi32, #tpu.memory_space<vmem>> -> memref<1x128xi32, #tpu.memory_space<vmem>>
      %dma_wait3A_365 = tpu.memref_squeeze %dma_wait3A_364 : memref<1x128xi32, #tpu.memory_space<vmem>> -> memref<128xi32, #tpu.memory_space<vmem>>
      %dma_wait3A_366 = arith.constant 0 : i32
      %dma_wait3A_367 = arith.constant 0 : i32
      %dma_wait3A_368 = tpu.memref_slice %arg10[%dma_wait3A_366, %dma_wait3A_367] : memref<10240x40xf32, #tpu.memory_space<vmem_shared>> -> memref<10240x40xf32, #tpu.memory_space<vmem_shared>>
      tpu.wait_indirect_dma semaphore(%arg14 : memref<!tpu.dma_semaphore, #tpu.memory_space<semaphore_mem>>) src(%dma_wait3A_362 : memref<128x40xf32, #tpu.memory_space<vmem>>) dst(%dma_wait3A_368 : memref<10240x40xf32, #tpu.memory_space<vmem_shared>>)
      %dma_start3A_369 = arith.constant 7 : i32
      %dma_start3A_370 = arith.constant 1 : i32
      %dma_start3A_371 = arith.constant 0 : i32
      %dma_start3A_372 = arith.constant 0 : i32
      %dma_start3A_373 = tpu.memref_slice %arg9[%dma_start3A_370, %dma_start3A_371, %dma_start3A_372] : memref<2x128x40xf32, #tpu.memory_space<vmem>> -> memref<1x128x40xf32, #tpu.memory_space<vmem>>
      %dma_start3A_374 = tpu.memref_squeeze %dma_start3A_373 : memref<1x128x40xf32, #tpu.memory_space<vmem>> -> memref<128x40xf32, #tpu.memory_space<vmem>>
      %dma_start3A_375 = arith.constant 0 : i32
      %dma_start3A_376 = tpu.memref_slice %arg7[%dma_start3A_369, %dma_start3A_375] : memref<8x128xi32, #tpu.memory_space<vmem>> -> memref<1x128xi32, #tpu.memory_space<vmem>>
      %dma_start3A_377 = tpu.memref_squeeze %dma_start3A_376 : memref<1x128xi32, #tpu.memory_space<vmem>> -> memref<128xi32, #tpu.memory_space<vmem>>
      %dma_start3A_378 = arith.constant 0 : i32
      %dma_start3A_379 = arith.constant 0 : i32
      %dma_start3A_380 = tpu.memref_slice %arg2[%arg0, %dma_start3A_378, %dma_start3A_379] : memref<2x10240x40xf32, #tpu.memory_space<hbm>> -> memref<1x10240x40xf32, #tpu.memory_space<hbm>>
      %dma_start3A_381 = tpu.memref_squeeze %dma_start3A_380 : memref<1x10240x40xf32, #tpu.memory_space<hbm>> -> memref<10240x40xf32, #tpu.memory_space<hbm>>
      %dma_start3A_382 = arith.constant 0 : i32
      %dma_start3A_383 = arith.constant 0 : i32
      %dma_start3A_384 = tpu.memref_slice %dma_start3A_381[%dma_start3A_382, %dma_start3A_383] : memref<10240x40xf32, #tpu.memory_space<hbm>> -> memref<10240x40xf32, #tpu.memory_space<hbm>>
      tpu.enqueue_indirect_dma source(%dma_start3A_384 : memref<10240x40xf32, #tpu.memory_space<hbm>>) target(%dma_start3A_374 : memref<128x40xf32, #tpu.memory_space<vmem>>) offsets(%dma_start3A_377 : memref<128xi32, #tpu.memory_space<vmem>>) semaphore(%arg12 : memref<!tpu.dma_semaphore, #tpu.memory_space<semaphore_mem>>)
      %dma_wait3A_385 = arith.constant 6 : i32
      %dma_wait3A_386 = arith.constant 0 : i32
      %dma_wait3A_387 = arith.constant 0 : i32
      %dma_wait3A_388 = arith.constant 0 : i32
      %dma_wait3A_389 = tpu.memref_slice %arg9[%dma_wait3A_386, %dma_wait3A_387, %dma_wait3A_388] : memref<2x128x40xf32, #tpu.memory_space<vmem>> -> memref<1x128x40xf32, #tpu.memory_space<vmem>>
      %dma_wait3A_390 = tpu.memref_squeeze %dma_wait3A_389 : memref<1x128x40xf32, #tpu.memory_space<vmem>> -> memref<128x40xf32, #tpu.memory_space<vmem>>
      %dma_wait3A_391 = arith.constant 0 : i32
      %dma_wait3A_392 = tpu.memref_slice %arg7[%dma_wait3A_385, %dma_wait3A_391] : memref<8x128xi32, #tpu.memory_space<vmem>> -> memref<1x128xi32, #tpu.memory_space<vmem>>
      %dma_wait3A_393 = tpu.memref_squeeze %dma_wait3A_392 : memref<1x128xi32, #tpu.memory_space<vmem>> -> memref<128xi32, #tpu.memory_space<vmem>>
      %dma_wait3A_394 = arith.constant 0 : i32
      %dma_wait3A_395 = arith.constant 0 : i32
      %dma_wait3A_396 = tpu.memref_slice %arg2[%arg0, %dma_wait3A_394, %dma_wait3A_395] : memref<2x10240x40xf32, #tpu.memory_space<hbm>> -> memref<1x10240x40xf32, #tpu.memory_space<hbm>>
      %dma_wait3A_397 = tpu.memref_squeeze %dma_wait3A_396 : memref<1x10240x40xf32, #tpu.memory_space<hbm>> -> memref<10240x40xf32, #tpu.memory_space<hbm>>
      %dma_wait3A_398 = arith.constant 0 : i32
      %dma_wait3A_399 = arith.constant 0 : i32
      %dma_wait3A_400 = tpu.memref_slice %dma_wait3A_397[%dma_wait3A_398, %dma_wait3A_399] : memref<10240x40xf32, #tpu.memory_space<hbm>> -> memref<10240x40xf32, #tpu.memory_space<hbm>>
      tpu.wait_indirect_dma semaphore(%arg11 : memref<!tpu.dma_semaphore, #tpu.memory_space<semaphore_mem>>) src(%dma_wait3A_400 : memref<10240x40xf32, #tpu.memory_space<hbm>>) dst(%dma_wait3A_390 : memref<128x40xf32, #tpu.memory_space<vmem>>)
      %dma_start3A_401 = arith.constant 0 : i32
      %dma_start3A_402 = arith.constant 6 : i32
      %dma_start3A_403 = arith.constant 0 : i32
      %dma_start3A_404 = arith.constant 0 : i32
      %dma_start3A_405 = tpu.memref_slice %arg9[%dma_start3A_401, %dma_start3A_403, %dma_start3A_404] : memref<2x128x40xf32, #tpu.memory_space<vmem>> -> memref<1x128x40xf32, #tpu.memory_space<vmem>>
      %dma_start3A_406 = tpu.memref_squeeze %dma_start3A_405 : memref<1x128x40xf32, #tpu.memory_space<vmem>> -> memref<128x40xf32, #tpu.memory_space<vmem>>
      %dma_start3A_407 = arith.constant 0 : i32
      %dma_start3A_408 = tpu.memref_slice %arg8[%dma_start3A_402, %dma_start3A_407] : memref<8x128xi32, #tpu.memory_space<vmem>> -> memref<1x128xi32, #tpu.memory_space<vmem>>
      %dma_start3A_409 = tpu.memref_squeeze %dma_start3A_408 : memref<1x128xi32, #tpu.memory_space<vmem>> -> memref<128xi32, #tpu.memory_space<vmem>>
      %dma_start3A_410 = arith.constant 0 : i32
      %dma_start3A_411 = arith.constant 0 : i32
      %dma_start3A_412 = tpu.memref_slice %arg10[%dma_start3A_410, %dma_start3A_411] : memref<10240x40xf32, #tpu.memory_space<vmem_shared>> -> memref<10240x40xf32, #tpu.memory_space<vmem_shared>>
      tpu.enqueue_indirect_dma source(%dma_start3A_406 : memref<128x40xf32, #tpu.memory_space<vmem>>) target(%dma_start3A_412 : memref<10240x40xf32, #tpu.memory_space<vmem_shared>>) offsets(%dma_start3A_409 : memref<128xi32, #tpu.memory_space<vmem>>) semaphore(%arg13 : memref<!tpu.dma_semaphore, #tpu.memory_space<semaphore_mem>>) {add = true}
      %dma_wait3A_413 = arith.constant 7 : i32
      %dma_wait3A_414 = arith.constant 1 : i32
      %dma_wait3A_415 = arith.constant 0 : i32
      %dma_wait3A_416 = arith.constant 0 : i32
      %dma_wait3A_417 = tpu.memref_slice %arg9[%dma_wait3A_414, %dma_wait3A_415, %dma_wait3A_416] : memref<2x128x40xf32, #tpu.memory_space<vmem>> -> memref<1x128x40xf32, #tpu.memory_space<vmem>>
      %dma_wait3A_418 = tpu.memref_squeeze %dma_wait3A_417 : memref<1x128x40xf32, #tpu.memory_space<vmem>> -> memref<128x40xf32, #tpu.memory_space<vmem>>
      %dma_wait3A_419 = arith.constant 0 : i32
      %dma_wait3A_420 = tpu.memref_slice %arg7[%dma_wait3A_413, %dma_wait3A_419] : memref<8x128xi32, #tpu.memory_space<vmem>> -> memref<1x128xi32, #tpu.memory_space<vmem>>
      %dma_wait3A_421 = tpu.memref_squeeze %dma_wait3A_420 : memref<1x128xi32, #tpu.memory_space<vmem>> -> memref<128xi32, #tpu.memory_space<vmem>>
      %dma_wait3A_422 = arith.constant 0 : i32
      %dma_wait3A_423 = arith.constant 0 : i32
      %dma_wait3A_424 = tpu.memref_slice %arg2[%arg0, %dma_wait3A_422, %dma_wait3A_423] : memref<2x10240x40xf32, #tpu.memory_space<hbm>> -> memref<1x10240x40xf32, #tpu.memory_space<hbm>>
      %dma_wait3A_425 = tpu.memref_squeeze %dma_wait3A_424 : memref<1x10240x40xf32, #tpu.memory_space<hbm>> -> memref<10240x40xf32, #tpu.memory_space<hbm>>
      %dma_wait3A_426 = arith.constant 0 : i32
      %dma_wait3A_427 = arith.constant 0 : i32
      %dma_wait3A_428 = tpu.memref_slice %dma_wait3A_425[%dma_wait3A_426, %dma_wait3A_427] : memref<10240x40xf32, #tpu.memory_space<hbm>> -> memref<10240x40xf32, #tpu.memory_space<hbm>>
      tpu.wait_indirect_dma semaphore(%arg12 : memref<!tpu.dma_semaphore, #tpu.memory_space<semaphore_mem>>) src(%dma_wait3A_428 : memref<10240x40xf32, #tpu.memory_space<hbm>>) dst(%dma_wait3A_418 : memref<128x40xf32, #tpu.memory_space<vmem>>)
      %dma_start3A_429 = arith.constant 1 : i32
      %dma_start3A_430 = arith.constant 7 : i32
      %dma_start3A_431 = arith.constant 0 : i32
      %dma_start3A_432 = arith.constant 0 : i32
      %dma_start3A_433 = tpu.memref_slice %arg9[%dma_start3A_429, %dma_start3A_431, %dma_start3A_432] : memref<2x128x40xf32, #tpu.memory_space<vmem>> -> memref<1x128x40xf32, #tpu.memory_space<vmem>>
      %dma_start3A_434 = tpu.memref_squeeze %dma_start3A_433 : memref<1x128x40xf32, #tpu.memory_space<vmem>> -> memref<128x40xf32, #tpu.memory_space<vmem>>
      %dma_start3A_435 = arith.constant 0 : i32
      %dma_start3A_436 = tpu.memref_slice %arg8[%dma_start3A_430, %dma_start3A_435] : memref<8x128xi32, #tpu.memory_space<vmem>> -> memref<1x128xi32, #tpu.memory_space<vmem>>
      %dma_start3A_437 = tpu.memref_squeeze %dma_start3A_436 : memref<1x128xi32, #tpu.memory_space<vmem>> -> memref<128xi32, #tpu.memory_space<vmem>>
      %dma_start3A_438 = arith.constant 0 : i32
      %dma_start3A_439 = arith.constant 0 : i32
      %dma_start3A_440 = tpu.memref_slice %arg10[%dma_start3A_438, %dma_start3A_439] : memref<10240x40xf32, #tpu.memory_space<vmem_shared>> -> memref<10240x40xf32, #tpu.memory_space<vmem_shared>>
      tpu.enqueue_indirect_dma source(%dma_start3A_434 : memref<128x40xf32, #tpu.memory_space<vmem>>) target(%dma_start3A_440 : memref<10240x40xf32, #tpu.memory_space<vmem_shared>>) offsets(%dma_start3A_437 : memref<128xi32, #tpu.memory_space<vmem>>) semaphore(%arg14 : memref<!tpu.dma_semaphore, #tpu.memory_space<semaphore_mem>>) {add = true}
      %dma_wait3A_441 = arith.constant 0 : i32
      %dma_wait3A_442 = arith.constant 6 : i32
      %dma_wait3A_443 = arith.constant 0 : i32
      %dma_wait3A_444 = arith.constant 0 : i32
      %dma_wait3A_445 = tpu.memref_slice %arg9[%dma_wait3A_441, %dma_wait3A_443, %dma_wait3A_444] : memref<2x128x40xf32, #tpu.memory_space<vmem>> -> memref<1x128x40xf32, #tpu.memory_space<vmem>>
      %dma_wait3A_446 = tpu.memref_squeeze %dma_wait3A_445 : memref<1x128x40xf32, #tpu.memory_space<vmem>> -> memref<128x40xf32, #tpu.memory_space<vmem>>
      %dma_wait3A_447 = arith.constant 0 : i32
      %dma_wait3A_448 = tpu.memref_slice %arg8[%dma_wait3A_442, %dma_wait3A_447] : memref<8x128xi32, #tpu.memory_space<vmem>> -> memref<1x128xi32, #tpu.memory_space<vmem>>
      %dma_wait3A_449 = tpu.memref_squeeze %dma_wait3A_448 : memref<1x128xi32, #tpu.memory_space<vmem>> -> memref<128xi32, #tpu.memory_space<vmem>>
      %dma_wait3A_450 = arith.constant 0 : i32
      %dma_wait3A_451 = arith.constant 0 : i32
      %dma_wait3A_452 = tpu.memref_slice %arg10[%dma_wait3A_450, %dma_wait3A_451] : memref<10240x40xf32, #tpu.memory_space<vmem_shared>> -> memref<10240x40xf32, #tpu.memory_space<vmem_shared>>
      tpu.wait_indirect_dma semaphore(%arg13 : memref<!tpu.dma_semaphore, #tpu.memory_space<semaphore_mem>>) src(%dma_wait3A_446 : memref<128x40xf32, #tpu.memory_space<vmem>>) dst(%dma_wait3A_452 : memref<10240x40xf32, #tpu.memory_space<vmem_shared>>)
      %dma_wait3A_453 = arith.constant 1 : i32
      %dma_wait3A_454 = arith.constant 7 : i32
      %dma_wait3A_455 = arith.constant 0 : i32
      %dma_wait3A_456 = arith.constant 0 : i32
      %dma_wait3A_457 = tpu.memref_slice %arg9[%dma_wait3A_453, %dma_wait3A_455, %dma_wait3A_456] : memref<2x128x40xf32, #tpu.memory_space<vmem>> -> memref<1x128x40xf32, #tpu.memory_space<vmem>>
      %dma_wait3A_458 = tpu.memref_squeeze %dma_wait3A_457 : memref<1x128x40xf32, #tpu.memory_space<vmem>> -> memref<128x40xf32, #tpu.memory_space<vmem>>
      %dma_wait3A_459 = arith.constant 0 : i32
      %dma_wait3A_460 = tpu.memref_slice %arg8[%dma_wait3A_454, %dma_wait3A_459] : memref<8x128xi32, #tpu.memory_space<vmem>> -> memref<1x128xi32, #tpu.memory_space<vmem>>
      %dma_wait3A_461 = tpu.memref_squeeze %dma_wait3A_460 : memref<1x128xi32, #tpu.memory_space<vmem>> -> memref<128xi32, #tpu.memory_space<vmem>>
      %dma_wait3A_462 = arith.constant 0 : i32
      %dma_wait3A_463 = arith.constant 0 : i32
      %dma_wait3A_464 = tpu.memref_slice %arg10[%dma_wait3A_462, %dma_wait3A_463] : memref<10240x40xf32, #tpu.memory_space<vmem_shared>> -> memref<10240x40xf32, #tpu.memory_space<vmem_shared>>
      tpu.wait_indirect_dma semaphore(%arg14 : memref<!tpu.dma_semaphore, #tpu.memory_space<semaphore_mem>>) src(%dma_wait3A_458 : memref<128x40xf32, #tpu.memory_space<vmem>>) dst(%dma_wait3A_464 : memref<10240x40xf32, #tpu.memory_space<vmem_shared>>)
    }
    %scan3A_5 = arith.constant 10 : i32
    %barrier3A_6 = arith.constant 0 : index
    tpu.barrier barrier_id(%barrier3A_6)
    %mul3A_7 = arith.constant 640 : i32
    %mul3A_8 = arith.muli %arg1, %mul3A_7 : i32
    %mul3A_9 = arith.constant 640 : i32
    %mul3A_10 = arith.muli %arg1, %mul3A_9 : i32
    "tpu.region"() ({
      %run_scoped3A = tpu.sem_alloc : memref<!tpu.dma_semaphore, #tpu.memory_space<semaphore_mem>>
      %dma_start3A = arith.constant 0 : i32
      %dma_start3A_11 = arith.constant 0 : i32
      %dma_start3A_12 = tpu.memref_slice %arg6[%arg0, %dma_start3A, %dma_start3A_11] : memref<2x10240x40xf32, #tpu.memory_space<hbm>> -> memref<1x10240x40xf32, #tpu.memory_space<hbm>>
      %dma_start3A_13 = tpu.memref_squeeze %dma_start3A_12 : memref<1x10240x40xf32, #tpu.memory_space<hbm>> -> memref<10240x40xf32, #tpu.memory_space<hbm>>
      %dma_start3A_14 = arith.constant 0 : i32
      %dma_start3A_15 = tpu.memref_slice %dma_start3A_13[%mul3A_10, %dma_start3A_14] : memref<10240x40xf32, #tpu.memory_space<hbm>> -> memref<640x40xf32, #tpu.memory_space<hbm>>
      %dma_start3A_16 = arith.constant 0 : i32
      %dma_start3A_17 = tpu.memref_slice %arg10[%mul3A_8, %dma_start3A_16] : memref<10240x40xf32, #tpu.memory_space<vmem_shared>> -> memref<640x40xf32, #tpu.memory_space<vmem_shared>>
      tpu.enqueue_dma source(%dma_start3A_17 : memref<640x40xf32, #tpu.memory_space<vmem_shared>>) target(%dma_start3A_15 : memref<640x40xf32, #tpu.memory_space<hbm>>) target_semaphore(%run_scoped3A : memref<!tpu.dma_semaphore, #tpu.memory_space<semaphore_mem>>)
      %dma_wait3A = arith.constant 0 : i32
      %dma_wait3A_18 = arith.constant 0 : i32
      %dma_wait3A_19 = tpu.memref_slice %arg6[%arg0, %dma_wait3A, %dma_wait3A_18] : memref<2x10240x40xf32, #tpu.memory_space<hbm>> -> memref<1x10240x40xf32, #tpu.memory_space<hbm>>
      %dma_wait3A_20 = tpu.memref_squeeze %dma_wait3A_19 : memref<1x10240x40xf32, #tpu.memory_space<hbm>> -> memref<10240x40xf32, #tpu.memory_space<hbm>>
      %dma_wait3A_21 = arith.constant 0 : i32
      %dma_wait3A_22 = tpu.memref_slice %dma_wait3A_20[%mul3A_10, %dma_wait3A_21] : memref<10240x40xf32, #tpu.memory_space<hbm>> -> memref<640x40xf32, #tpu.memory_space<hbm>>
      %dma_wait3A_23 = arith.constant 0 : i32
      %dma_wait3A_24 = tpu.memref_slice %arg10[%mul3A_8, %dma_wait3A_23] : memref<10240x40xf32, #tpu.memory_space<vmem_shared>> -> memref<640x40xf32, #tpu.memory_space<vmem_shared>>
      tpu.wait_dma2 semaphore(%run_scoped3A : memref<!tpu.dma_semaphore, #tpu.memory_space<semaphore_mem>>) src(%dma_wait3A_24 : memref<640x40xf32, #tpu.memory_space<vmem_shared>>) dst(%dma_wait3A_22 : memref<640x40xf32, #tpu.memory_space<hbm>>)
      tpu.yield
    }) : () -> ()
    return
  }
}

#map = affine_map<(d0, d1) -> (0, 0, 0)>
#map1 = affine_map<(d0, d1) -> (0, 0)>
module attributes {stable_mosaic.version = 14 : i64} {
  func.func @gcn_agg_es_128(%arg0: i32, %arg1: i32, %arg2: memref<2x10240x128xf32, #tpu.memory_space<hbm>>, %arg3: memref<2560x128xi32, #tpu.memory_space<hbm>>, %arg4: memref<2560x128xi32, #tpu.memory_space<hbm>>, %arg5: memref<640x128xf32, #tpu.memory_space<hbm>>, %arg6: memref<2x10240x128xf32, #tpu.memory_space<hbm>>, %arg7: memref<8x128xi32, #tpu.memory_space<vmem>>, %arg8: memref<8x128xi32, #tpu.memory_space<vmem>>, %arg9: memref<2x128x128xf32, #tpu.memory_space<vmem>>, %arg10: memref<10240x128xf32, #tpu.memory_space<vmem_shared>>, %arg11: memref<!tpu.dma_semaphore, #tpu.memory_space<semaphore_mem>>, %arg12: memref<!tpu.dma_semaphore, #tpu.memory_space<semaphore_mem>>, %arg13: memref<!tpu.dma_semaphore, #tpu.memory_space<semaphore_mem>>, %arg14: memref<!tpu.dma_semaphore, #tpu.memory_space<semaphore_mem>>) attributes {dimension_semantics = [#tpu.dimension_semantics<core_parallel>, #tpu.dimension_semantics<subcore_parallel>], iteration_bounds = array<i64: 2, 16>, scalar_prefetch = 0 : i64, scratch_operands = 8 : i64, tpu.core_type = #tpu.core_type<sc_vector_subcore>, window_params = [{transform_indices = #map}, {transform_indices = #map1}, {transform_indices = #map1}, {transform_indices = #map1}, {transform_indices = #map}]} {
    %mul3A = arith.constant 640 : i32
    %mul3A_0 = arith.muli %arg1, %mul3A : i32
    "tpu.region"() ({
      %run_scoped3A = tpu.sem_alloc : memref<!tpu.dma_semaphore, #tpu.memory_space<semaphore_mem>>
      %dma_start3A = arith.constant 0 : i32
      %dma_start3A_11 = tpu.memref_slice %arg10[%mul3A_0, %dma_start3A] : memref<10240x128xf32, #tpu.memory_space<vmem_shared>> -> memref<640x128xf32, #tpu.memory_space<vmem_shared>>
      tpu.enqueue_dma source(%arg5 : memref<640x128xf32, #tpu.memory_space<hbm>>) target(%dma_start3A_11 : memref<640x128xf32, #tpu.memory_space<vmem_shared>>) target_semaphore(%run_scoped3A : memref<!tpu.dma_semaphore, #tpu.memory_space<semaphore_mem>>)
      %dma_wait3A = arith.constant 0 : i32
      %dma_wait3A_12 = tpu.memref_slice %arg10[%mul3A_0, %dma_wait3A] : memref<10240x128xf32, #tpu.memory_space<vmem_shared>> -> memref<640x128xf32, #tpu.memory_space<vmem_shared>>
      tpu.wait_dma2 semaphore(%run_scoped3A : memref<!tpu.dma_semaphore, #tpu.memory_space<semaphore_mem>>) src(%arg5 : memref<640x128xf32, #tpu.memory_space<hbm>>) dst(%dma_wait3A_12 : memref<640x128xf32, #tpu.memory_space<vmem_shared>>)
      tpu.yield
    }) : () -> ()
    %barrier3A = arith.constant 0 : index
    tpu.barrier barrier_id(%barrier3A)
    %scan3A = arith.constant 0 : i32
    %scan3A_1 = arith.constant 0 : i32
    %scan3A_2 = arith.constant 10 : i32
    %scan3A_3 = arith.addi %scan3A_1, %scan3A_2 : i32
    %scan3A_4 = arith.constant 1 : i32
    scf.for %scan3A_11 = %scan3A_1 to %scan3A_3 step %scan3A_4  : i32 {
      %mul3A_12 = arith.constant 10 : i32
      %mul3A_13 = arith.muli %arg1, %mul3A_12 : i32
      %add3A = arith.addi %mul3A_13, %scan3A_11 : i32
      %mul3A_14 = arith.constant 2 : i32
      %mul3A_15 = arith.muli %add3A, %mul3A_14 : i32
      %add3A_16 = arith.addi %mul3A_15, %arg0 : i32
      %mul3A_17 = arith.constant 8 : i32
      %mul3A_18 = arith.muli %add3A_16, %mul3A_17 : i32
      "tpu.region"() ({
        %run_scoped3A = tpu.sem_alloc : memref<!tpu.dma_semaphore, #tpu.memory_space<semaphore_mem>>
        %dma_start3A_465 = arith.constant 0 : i32
        %dma_start3A_466 = tpu.memref_slice %arg3[%mul3A_18, %dma_start3A_465] : memref<2560x128xi32, #tpu.memory_space<hbm>> -> memref<8x128xi32, #tpu.memory_space<hbm>>
        %dma_start3A_467 = arith.constant 0 : i32
        %dma_start3A_468 = tpu.memref_slice %arg3[%mul3A_18, %dma_start3A_467] : memref<2560x128xi32, #tpu.memory_space<hbm>> -> memref<8x128xi32, #tpu.memory_space<hbm>>
        tpu.enqueue_dma source(%dma_start3A_468 : memref<8x128xi32, #tpu.memory_space<hbm>>) target(%arg7 : memref<8x128xi32, #tpu.memory_space<vmem>>) target_semaphore(%run_scoped3A : memref<!tpu.dma_semaphore, #tpu.memory_space<semaphore_mem>>)
        %dma_wait3A_469 = arith.constant 0 : i32
        %dma_wait3A_470 = tpu.memref_slice %arg3[%mul3A_18, %dma_wait3A_469] : memref<2560x128xi32, #tpu.memory_space<hbm>> -> memref<8x128xi32, #tpu.memory_space<hbm>>
        %dma_wait3A_471 = arith.constant 0 : i32
        %dma_wait3A_472 = tpu.memref_slice %arg3[%mul3A_18, %dma_wait3A_471] : memref<2560x128xi32, #tpu.memory_space<hbm>> -> memref<8x128xi32, #tpu.memory_space<hbm>>
        tpu.wait_dma2 semaphore(%run_scoped3A : memref<!tpu.dma_semaphore, #tpu.memory_space<semaphore_mem>>) src(%dma_wait3A_472 : memref<8x128xi32, #tpu.memory_space<hbm>>) dst(%arg7 : memref<8x128xi32, #tpu.memory_space<vmem>>)
        tpu.yield
      }) : () -> ()
      "tpu.region"() ({
        %run_scoped3A = tpu.sem_alloc : memref<!tpu.dma_semaphore, #tpu.memory_space<semaphore_mem>>
        %dma_start3A_465 = arith.constant 0 : i32
        %dma_start3A_466 = tpu.memref_slice %arg4[%mul3A_18, %dma_start3A_465] : memref<2560x128xi32, #tpu.memory_space<hbm>> -> memref<8x128xi32, #tpu.memory_space<hbm>>
        %dma_start3A_467 = arith.constant 0 : i32
        %dma_start3A_468 = tpu.memref_slice %arg4[%mul3A_18, %dma_start3A_467] : memref<2560x128xi32, #tpu.memory_space<hbm>> -> memref<8x128xi32, #tpu.memory_space<hbm>>
        tpu.enqueue_dma source(%dma_start3A_468 : memref<8x128xi32, #tpu.memory_space<hbm>>) target(%arg8 : memref<8x128xi32, #tpu.memory_space<vmem>>) target_semaphore(%run_scoped3A : memref<!tpu.dma_semaphore, #tpu.memory_space<semaphore_mem>>)
        %dma_wait3A_469 = arith.constant 0 : i32
        %dma_wait3A_470 = tpu.memref_slice %arg4[%mul3A_18, %dma_wait3A_469] : memref<2560x128xi32, #tpu.memory_space<hbm>> -> memref<8x128xi32, #tpu.memory_space<hbm>>
        %dma_wait3A_471 = arith.constant 0 : i32
        %dma_wait3A_472 = tpu.memref_slice %arg4[%mul3A_18, %dma_wait3A_471] : memref<2560x128xi32, #tpu.memory_space<hbm>> -> memref<8x128xi32, #tpu.memory_space<hbm>>
        tpu.wait_dma2 semaphore(%run_scoped3A : memref<!tpu.dma_semaphore, #tpu.memory_space<semaphore_mem>>) src(%dma_wait3A_472 : memref<8x128xi32, #tpu.memory_space<hbm>>) dst(%arg8 : memref<8x128xi32, #tpu.memory_space<vmem>>)
        tpu.yield
      }) : () -> ()
      %dma_start3A = arith.constant 0 : i32
      %dma_start3A_19 = arith.constant 0 : i32
      %dma_start3A_20 = arith.constant 0 : i32
      %dma_start3A_21 = arith.constant 0 : i32
      %dma_start3A_22 = tpu.memref_slice %arg9[%dma_start3A_19, %dma_start3A_20, %dma_start3A_21] : memref<2x128x128xf32, #tpu.memory_space<vmem>> -> memref<1x128x128xf32, #tpu.memory_space<vmem>>
      %dma_start3A_23 = tpu.memref_squeeze %dma_start3A_22 : memref<1x128x128xf32, #tpu.memory_space<vmem>> -> memref<128x128xf32, #tpu.memory_space<vmem>>
      %dma_start3A_24 = arith.constant 0 : i32
      %dma_start3A_25 = tpu.memref_slice %arg7[%dma_start3A, %dma_start3A_24] : memref<8x128xi32, #tpu.memory_space<vmem>> -> memref<1x128xi32, #tpu.memory_space<vmem>>
      %dma_start3A_26 = tpu.memref_squeeze %dma_start3A_25 : memref<1x128xi32, #tpu.memory_space<vmem>> -> memref<128xi32, #tpu.memory_space<vmem>>
      %dma_start3A_27 = arith.constant 0 : i32
      %dma_start3A_28 = arith.constant 0 : i32
      %dma_start3A_29 = tpu.memref_slice %arg2[%arg0, %dma_start3A_27, %dma_start3A_28] : memref<2x10240x128xf32, #tpu.memory_space<hbm>> -> memref<1x10240x128xf32, #tpu.memory_space<hbm>>
      %dma_start3A_30 = tpu.memref_squeeze %dma_start3A_29 : memref<1x10240x128xf32, #tpu.memory_space<hbm>> -> memref<10240x128xf32, #tpu.memory_space<hbm>>
      %dma_start3A_31 = arith.constant 0 : i32
      %dma_start3A_32 = arith.constant 0 : i32
      %dma_start3A_33 = tpu.memref_slice %dma_start3A_30[%dma_start3A_31, %dma_start3A_32] : memref<10240x128xf32, #tpu.memory_space<hbm>> -> memref<10240x128xf32, #tpu.memory_space<hbm>>
      tpu.enqueue_indirect_dma source(%dma_start3A_33 : memref<10240x128xf32, #tpu.memory_space<hbm>>) target(%dma_start3A_23 : memref<128x128xf32, #tpu.memory_space<vmem>>) offsets(%dma_start3A_26 : memref<128xi32, #tpu.memory_space<vmem>>) semaphore(%arg11 : memref<!tpu.dma_semaphore, #tpu.memory_space<semaphore_mem>>)
      %dma_start3A_34 = arith.constant 1 : i32
      %dma_start3A_35 = arith.constant 1 : i32
      %dma_start3A_36 = arith.constant 0 : i32
      %dma_start3A_37 = arith.constant 0 : i32
      %dma_start3A_38 = tpu.memref_slice %arg9[%dma_start3A_35, %dma_start3A_36, %dma_start3A_37] : memref<2x128x128xf32, #tpu.memory_space<vmem>> -> memref<1x128x128xf32, #tpu.memory_space<vmem>>
      %dma_start3A_39 = tpu.memref_squeeze %dma_start3A_38 : memref<1x128x128xf32, #tpu.memory_space<vmem>> -> memref<128x128xf32, #tpu.memory_space<vmem>>
      %dma_start3A_40 = arith.constant 0 : i32
      %dma_start3A_41 = tpu.memref_slice %arg7[%dma_start3A_34, %dma_start3A_40] : memref<8x128xi32, #tpu.memory_space<vmem>> -> memref<1x128xi32, #tpu.memory_space<vmem>>
      %dma_start3A_42 = tpu.memref_squeeze %dma_start3A_41 : memref<1x128xi32, #tpu.memory_space<vmem>> -> memref<128xi32, #tpu.memory_space<vmem>>
      %dma_start3A_43 = arith.constant 0 : i32
      %dma_start3A_44 = arith.constant 0 : i32
      %dma_start3A_45 = tpu.memref_slice %arg2[%arg0, %dma_start3A_43, %dma_start3A_44] : memref<2x10240x128xf32, #tpu.memory_space<hbm>> -> memref<1x10240x128xf32, #tpu.memory_space<hbm>>
      %dma_start3A_46 = tpu.memref_squeeze %dma_start3A_45 : memref<1x10240x128xf32, #tpu.memory_space<hbm>> -> memref<10240x128xf32, #tpu.memory_space<hbm>>
      %dma_start3A_47 = arith.constant 0 : i32
      %dma_start3A_48 = arith.constant 0 : i32
      %dma_start3A_49 = tpu.memref_slice %dma_start3A_46[%dma_start3A_47, %dma_start3A_48] : memref<10240x128xf32, #tpu.memory_space<hbm>> -> memref<10240x128xf32, #tpu.memory_space<hbm>>
      tpu.enqueue_indirect_dma source(%dma_start3A_49 : memref<10240x128xf32, #tpu.memory_space<hbm>>) target(%dma_start3A_39 : memref<128x128xf32, #tpu.memory_space<vmem>>) offsets(%dma_start3A_42 : memref<128xi32, #tpu.memory_space<vmem>>) semaphore(%arg12 : memref<!tpu.dma_semaphore, #tpu.memory_space<semaphore_mem>>)
      %dma_wait3A = arith.constant 0 : i32
      %dma_wait3A_50 = arith.constant 0 : i32
      %dma_wait3A_51 = arith.constant 0 : i32
      %dma_wait3A_52 = arith.constant 0 : i32
      %dma_wait3A_53 = tpu.memref_slice %arg9[%dma_wait3A_50, %dma_wait3A_51, %dma_wait3A_52] : memref<2x128x128xf32, #tpu.memory_space<vmem>> -> memref<1x128x128xf32, #tpu.memory_space<vmem>>
      %dma_wait3A_54 = tpu.memref_squeeze %dma_wait3A_53 : memref<1x128x128xf32, #tpu.memory_space<vmem>> -> memref<128x128xf32, #tpu.memory_space<vmem>>
      %dma_wait3A_55 = arith.constant 0 : i32
      %dma_wait3A_56 = tpu.memref_slice %arg7[%dma_wait3A, %dma_wait3A_55] : memref<8x128xi32, #tpu.memory_space<vmem>> -> memref<1x128xi32, #tpu.memory_space<vmem>>
      %dma_wait3A_57 = tpu.memref_squeeze %dma_wait3A_56 : memref<1x128xi32, #tpu.memory_space<vmem>> -> memref<128xi32, #tpu.memory_space<vmem>>
      %dma_wait3A_58 = arith.constant 0 : i32
      %dma_wait3A_59 = arith.constant 0 : i32
      %dma_wait3A_60 = tpu.memref_slice %arg2[%arg0, %dma_wait3A_58, %dma_wait3A_59] : memref<2x10240x128xf32, #tpu.memory_space<hbm>> -> memref<1x10240x128xf32, #tpu.memory_space<hbm>>
      %dma_wait3A_61 = tpu.memref_squeeze %dma_wait3A_60 : memref<1x10240x128xf32, #tpu.memory_space<hbm>> -> memref<10240x128xf32, #tpu.memory_space<hbm>>
      %dma_wait3A_62 = arith.constant 0 : i32
      %dma_wait3A_63 = arith.constant 0 : i32
      %dma_wait3A_64 = tpu.memref_slice %dma_wait3A_61[%dma_wait3A_62, %dma_wait3A_63] : memref<10240x128xf32, #tpu.memory_space<hbm>> -> memref<10240x128xf32, #tpu.memory_space<hbm>>
      tpu.wait_indirect_dma semaphore(%arg11 : memref<!tpu.dma_semaphore, #tpu.memory_space<semaphore_mem>>) src(%dma_wait3A_64 : memref<10240x128xf32, #tpu.memory_space<hbm>>) dst(%dma_wait3A_54 : memref<128x128xf32, #tpu.memory_space<vmem>>)
      %dma_start3A_65 = arith.constant 0 : i32
      %dma_start3A_66 = arith.constant 0 : i32
      %dma_start3A_67 = arith.constant 0 : i32
      %dma_start3A_68 = arith.constant 0 : i32
      %dma_start3A_69 = tpu.memref_slice %arg9[%dma_start3A_65, %dma_start3A_67, %dma_start3A_68] : memref<2x128x128xf32, #tpu.memory_space<vmem>> -> memref<1x128x128xf32, #tpu.memory_space<vmem>>
      %dma_start3A_70 = tpu.memref_squeeze %dma_start3A_69 : memref<1x128x128xf32, #tpu.memory_space<vmem>> -> memref<128x128xf32, #tpu.memory_space<vmem>>
      %dma_start3A_71 = arith.constant 0 : i32
      %dma_start3A_72 = tpu.memref_slice %arg8[%dma_start3A_66, %dma_start3A_71] : memref<8x128xi32, #tpu.memory_space<vmem>> -> memref<1x128xi32, #tpu.memory_space<vmem>>
      %dma_start3A_73 = tpu.memref_squeeze %dma_start3A_72 : memref<1x128xi32, #tpu.memory_space<vmem>> -> memref<128xi32, #tpu.memory_space<vmem>>
      %dma_start3A_74 = arith.constant 0 : i32
      %dma_start3A_75 = arith.constant 0 : i32
      %dma_start3A_76 = tpu.memref_slice %arg10[%dma_start3A_74, %dma_start3A_75] : memref<10240x128xf32, #tpu.memory_space<vmem_shared>> -> memref<10240x128xf32, #tpu.memory_space<vmem_shared>>
      tpu.enqueue_indirect_dma source(%dma_start3A_70 : memref<128x128xf32, #tpu.memory_space<vmem>>) target(%dma_start3A_76 : memref<10240x128xf32, #tpu.memory_space<vmem_shared>>) offsets(%dma_start3A_73 : memref<128xi32, #tpu.memory_space<vmem>>) semaphore(%arg13 : memref<!tpu.dma_semaphore, #tpu.memory_space<semaphore_mem>>) {add = true}
      %dma_wait3A_77 = arith.constant 0 : i32
      %dma_wait3A_78 = arith.constant 0 : i32
      %dma_wait3A_79 = arith.constant 0 : i32
      %dma_wait3A_80 = arith.constant 0 : i32
      %dma_wait3A_81 = tpu.memref_slice %arg9[%dma_wait3A_77, %dma_wait3A_79, %dma_wait3A_80] : memref<2x128x128xf32, #tpu.memory_space<vmem>> -> memref<1x128x128xf32, #tpu.memory_space<vmem>>
      %dma_wait3A_82 = tpu.memref_squeeze %dma_wait3A_81 : memref<1x128x128xf32, #tpu.memory_space<vmem>> -> memref<128x128xf32, #tpu.memory_space<vmem>>
      %dma_wait3A_83 = arith.constant 0 : i32
      %dma_wait3A_84 = tpu.memref_slice %arg8[%dma_wait3A_78, %dma_wait3A_83] : memref<8x128xi32, #tpu.memory_space<vmem>> -> memref<1x128xi32, #tpu.memory_space<vmem>>
      %dma_wait3A_85 = tpu.memref_squeeze %dma_wait3A_84 : memref<1x128xi32, #tpu.memory_space<vmem>> -> memref<128xi32, #tpu.memory_space<vmem>>
      %dma_wait3A_86 = arith.constant 0 : i32
      %dma_wait3A_87 = arith.constant 0 : i32
      %dma_wait3A_88 = tpu.memref_slice %arg10[%dma_wait3A_86, %dma_wait3A_87] : memref<10240x128xf32, #tpu.memory_space<vmem_shared>> -> memref<10240x128xf32, #tpu.memory_space<vmem_shared>>
      tpu.wait_indirect_dma semaphore(%arg13 : memref<!tpu.dma_semaphore, #tpu.memory_space<semaphore_mem>>) src(%dma_wait3A_82 : memref<128x128xf32, #tpu.memory_space<vmem>>) dst(%dma_wait3A_88 : memref<10240x128xf32, #tpu.memory_space<vmem_shared>>)
      %dma_start3A_89 = arith.constant 2 : i32
      %dma_start3A_90 = arith.constant 0 : i32
      %dma_start3A_91 = arith.constant 0 : i32
      %dma_start3A_92 = arith.constant 0 : i32
      %dma_start3A_93 = tpu.memref_slice %arg9[%dma_start3A_90, %dma_start3A_91, %dma_start3A_92] : memref<2x128x128xf32, #tpu.memory_space<vmem>> -> memref<1x128x128xf32, #tpu.memory_space<vmem>>
      %dma_start3A_94 = tpu.memref_squeeze %dma_start3A_93 : memref<1x128x128xf32, #tpu.memory_space<vmem>> -> memref<128x128xf32, #tpu.memory_space<vmem>>
      %dma_start3A_95 = arith.constant 0 : i32
      %dma_start3A_96 = tpu.memref_slice %arg7[%dma_start3A_89, %dma_start3A_95] : memref<8x128xi32, #tpu.memory_space<vmem>> -> memref<1x128xi32, #tpu.memory_space<vmem>>
      %dma_start3A_97 = tpu.memref_squeeze %dma_start3A_96 : memref<1x128xi32, #tpu.memory_space<vmem>> -> memref<128xi32, #tpu.memory_space<vmem>>
      %dma_start3A_98 = arith.constant 0 : i32
      %dma_start3A_99 = arith.constant 0 : i32
      %dma_start3A_100 = tpu.memref_slice %arg2[%arg0, %dma_start3A_98, %dma_start3A_99] : memref<2x10240x128xf32, #tpu.memory_space<hbm>> -> memref<1x10240x128xf32, #tpu.memory_space<hbm>>
      %dma_start3A_101 = tpu.memref_squeeze %dma_start3A_100 : memref<1x10240x128xf32, #tpu.memory_space<hbm>> -> memref<10240x128xf32, #tpu.memory_space<hbm>>
      %dma_start3A_102 = arith.constant 0 : i32
      %dma_start3A_103 = arith.constant 0 : i32
      %dma_start3A_104 = tpu.memref_slice %dma_start3A_101[%dma_start3A_102, %dma_start3A_103] : memref<10240x128xf32, #tpu.memory_space<hbm>> -> memref<10240x128xf32, #tpu.memory_space<hbm>>
      tpu.enqueue_indirect_dma source(%dma_start3A_104 : memref<10240x128xf32, #tpu.memory_space<hbm>>) target(%dma_start3A_94 : memref<128x128xf32, #tpu.memory_space<vmem>>) offsets(%dma_start3A_97 : memref<128xi32, #tpu.memory_space<vmem>>) semaphore(%arg11 : memref<!tpu.dma_semaphore, #tpu.memory_space<semaphore_mem>>)
      %dma_wait3A_105 = arith.constant 1 : i32
      %dma_wait3A_106 = arith.constant 1 : i32
      %dma_wait3A_107 = arith.constant 0 : i32
      %dma_wait3A_108 = arith.constant 0 : i32
      %dma_wait3A_109 = tpu.memref_slice %arg9[%dma_wait3A_106, %dma_wait3A_107, %dma_wait3A_108] : memref<2x128x128xf32, #tpu.memory_space<vmem>> -> memref<1x128x128xf32, #tpu.memory_space<vmem>>
      %dma_wait3A_110 = tpu.memref_squeeze %dma_wait3A_109 : memref<1x128x128xf32, #tpu.memory_space<vmem>> -> memref<128x128xf32, #tpu.memory_space<vmem>>
      %dma_wait3A_111 = arith.constant 0 : i32
      %dma_wait3A_112 = tpu.memref_slice %arg7[%dma_wait3A_105, %dma_wait3A_111] : memref<8x128xi32, #tpu.memory_space<vmem>> -> memref<1x128xi32, #tpu.memory_space<vmem>>
      %dma_wait3A_113 = tpu.memref_squeeze %dma_wait3A_112 : memref<1x128xi32, #tpu.memory_space<vmem>> -> memref<128xi32, #tpu.memory_space<vmem>>
      %dma_wait3A_114 = arith.constant 0 : i32
      %dma_wait3A_115 = arith.constant 0 : i32
      %dma_wait3A_116 = tpu.memref_slice %arg2[%arg0, %dma_wait3A_114, %dma_wait3A_115] : memref<2x10240x128xf32, #tpu.memory_space<hbm>> -> memref<1x10240x128xf32, #tpu.memory_space<hbm>>
      %dma_wait3A_117 = tpu.memref_squeeze %dma_wait3A_116 : memref<1x10240x128xf32, #tpu.memory_space<hbm>> -> memref<10240x128xf32, #tpu.memory_space<hbm>>
      %dma_wait3A_118 = arith.constant 0 : i32
      %dma_wait3A_119 = arith.constant 0 : i32
      %dma_wait3A_120 = tpu.memref_slice %dma_wait3A_117[%dma_wait3A_118, %dma_wait3A_119] : memref<10240x128xf32, #tpu.memory_space<hbm>> -> memref<10240x128xf32, #tpu.memory_space<hbm>>
      tpu.wait_indirect_dma semaphore(%arg12 : memref<!tpu.dma_semaphore, #tpu.memory_space<semaphore_mem>>) src(%dma_wait3A_120 : memref<10240x128xf32, #tpu.memory_space<hbm>>) dst(%dma_wait3A_110 : memref<128x128xf32, #tpu.memory_space<vmem>>)
      %dma_start3A_121 = arith.constant 1 : i32
      %dma_start3A_122 = arith.constant 1 : i32
      %dma_start3A_123 = arith.constant 0 : i32
      %dma_start3A_124 = arith.constant 0 : i32
      %dma_start3A_125 = tpu.memref_slice %arg9[%dma_start3A_121, %dma_start3A_123, %dma_start3A_124] : memref<2x128x128xf32, #tpu.memory_space<vmem>> -> memref<1x128x128xf32, #tpu.memory_space<vmem>>
      %dma_start3A_126 = tpu.memref_squeeze %dma_start3A_125 : memref<1x128x128xf32, #tpu.memory_space<vmem>> -> memref<128x128xf32, #tpu.memory_space<vmem>>
      %dma_start3A_127 = arith.constant 0 : i32
      %dma_start3A_128 = tpu.memref_slice %arg8[%dma_start3A_122, %dma_start3A_127] : memref<8x128xi32, #tpu.memory_space<vmem>> -> memref<1x128xi32, #tpu.memory_space<vmem>>
      %dma_start3A_129 = tpu.memref_squeeze %dma_start3A_128 : memref<1x128xi32, #tpu.memory_space<vmem>> -> memref<128xi32, #tpu.memory_space<vmem>>
      %dma_start3A_130 = arith.constant 0 : i32
      %dma_start3A_131 = arith.constant 0 : i32
      %dma_start3A_132 = tpu.memref_slice %arg10[%dma_start3A_130, %dma_start3A_131] : memref<10240x128xf32, #tpu.memory_space<vmem_shared>> -> memref<10240x128xf32, #tpu.memory_space<vmem_shared>>
      tpu.enqueue_indirect_dma source(%dma_start3A_126 : memref<128x128xf32, #tpu.memory_space<vmem>>) target(%dma_start3A_132 : memref<10240x128xf32, #tpu.memory_space<vmem_shared>>) offsets(%dma_start3A_129 : memref<128xi32, #tpu.memory_space<vmem>>) semaphore(%arg14 : memref<!tpu.dma_semaphore, #tpu.memory_space<semaphore_mem>>) {add = true}
      %dma_wait3A_133 = arith.constant 1 : i32
      %dma_wait3A_134 = arith.constant 1 : i32
      %dma_wait3A_135 = arith.constant 0 : i32
      %dma_wait3A_136 = arith.constant 0 : i32
      %dma_wait3A_137 = tpu.memref_slice %arg9[%dma_wait3A_133, %dma_wait3A_135, %dma_wait3A_136] : memref<2x128x128xf32, #tpu.memory_space<vmem>> -> memref<1x128x128xf32, #tpu.memory_space<vmem>>
      %dma_wait3A_138 = tpu.memref_squeeze %dma_wait3A_137 : memref<1x128x128xf32, #tpu.memory_space<vmem>> -> memref<128x128xf32, #tpu.memory_space<vmem>>
      %dma_wait3A_139 = arith.constant 0 : i32
      %dma_wait3A_140 = tpu.memref_slice %arg8[%dma_wait3A_134, %dma_wait3A_139] : memref<8x128xi32, #tpu.memory_space<vmem>> -> memref<1x128xi32, #tpu.memory_space<vmem>>
      %dma_wait3A_141 = tpu.memref_squeeze %dma_wait3A_140 : memref<1x128xi32, #tpu.memory_space<vmem>> -> memref<128xi32, #tpu.memory_space<vmem>>
      %dma_wait3A_142 = arith.constant 0 : i32
      %dma_wait3A_143 = arith.constant 0 : i32
      %dma_wait3A_144 = tpu.memref_slice %arg10[%dma_wait3A_142, %dma_wait3A_143] : memref<10240x128xf32, #tpu.memory_space<vmem_shared>> -> memref<10240x128xf32, #tpu.memory_space<vmem_shared>>
      tpu.wait_indirect_dma semaphore(%arg14 : memref<!tpu.dma_semaphore, #tpu.memory_space<semaphore_mem>>) src(%dma_wait3A_138 : memref<128x128xf32, #tpu.memory_space<vmem>>) dst(%dma_wait3A_144 : memref<10240x128xf32, #tpu.memory_space<vmem_shared>>)
      %dma_start3A_145 = arith.constant 3 : i32
      %dma_start3A_146 = arith.constant 1 : i32
      %dma_start3A_147 = arith.constant 0 : i32
      %dma_start3A_148 = arith.constant 0 : i32
      %dma_start3A_149 = tpu.memref_slice %arg9[%dma_start3A_146, %dma_start3A_147, %dma_start3A_148] : memref<2x128x128xf32, #tpu.memory_space<vmem>> -> memref<1x128x128xf32, #tpu.memory_space<vmem>>
      %dma_start3A_150 = tpu.memref_squeeze %dma_start3A_149 : memref<1x128x128xf32, #tpu.memory_space<vmem>> -> memref<128x128xf32, #tpu.memory_space<vmem>>
      %dma_start3A_151 = arith.constant 0 : i32
      %dma_start3A_152 = tpu.memref_slice %arg7[%dma_start3A_145, %dma_start3A_151] : memref<8x128xi32, #tpu.memory_space<vmem>> -> memref<1x128xi32, #tpu.memory_space<vmem>>
      %dma_start3A_153 = tpu.memref_squeeze %dma_start3A_152 : memref<1x128xi32, #tpu.memory_space<vmem>> -> memref<128xi32, #tpu.memory_space<vmem>>
      %dma_start3A_154 = arith.constant 0 : i32
      %dma_start3A_155 = arith.constant 0 : i32
      %dma_start3A_156 = tpu.memref_slice %arg2[%arg0, %dma_start3A_154, %dma_start3A_155] : memref<2x10240x128xf32, #tpu.memory_space<hbm>> -> memref<1x10240x128xf32, #tpu.memory_space<hbm>>
      %dma_start3A_157 = tpu.memref_squeeze %dma_start3A_156 : memref<1x10240x128xf32, #tpu.memory_space<hbm>> -> memref<10240x128xf32, #tpu.memory_space<hbm>>
      %dma_start3A_158 = arith.constant 0 : i32
      %dma_start3A_159 = arith.constant 0 : i32
      %dma_start3A_160 = tpu.memref_slice %dma_start3A_157[%dma_start3A_158, %dma_start3A_159] : memref<10240x128xf32, #tpu.memory_space<hbm>> -> memref<10240x128xf32, #tpu.memory_space<hbm>>
      tpu.enqueue_indirect_dma source(%dma_start3A_160 : memref<10240x128xf32, #tpu.memory_space<hbm>>) target(%dma_start3A_150 : memref<128x128xf32, #tpu.memory_space<vmem>>) offsets(%dma_start3A_153 : memref<128xi32, #tpu.memory_space<vmem>>) semaphore(%arg12 : memref<!tpu.dma_semaphore, #tpu.memory_space<semaphore_mem>>)
      %dma_wait3A_161 = arith.constant 2 : i32
      %dma_wait3A_162 = arith.constant 0 : i32
      %dma_wait3A_163 = arith.constant 0 : i32
      %dma_wait3A_164 = arith.constant 0 : i32
      %dma_wait3A_165 = tpu.memref_slice %arg9[%dma_wait3A_162, %dma_wait3A_163, %dma_wait3A_164] : memref<2x128x128xf32, #tpu.memory_space<vmem>> -> memref<1x128x128xf32, #tpu.memory_space<vmem>>
      %dma_wait3A_166 = tpu.memref_squeeze %dma_wait3A_165 : memref<1x128x128xf32, #tpu.memory_space<vmem>> -> memref<128x128xf32, #tpu.memory_space<vmem>>
      %dma_wait3A_167 = arith.constant 0 : i32
      %dma_wait3A_168 = tpu.memref_slice %arg7[%dma_wait3A_161, %dma_wait3A_167] : memref<8x128xi32, #tpu.memory_space<vmem>> -> memref<1x128xi32, #tpu.memory_space<vmem>>
      %dma_wait3A_169 = tpu.memref_squeeze %dma_wait3A_168 : memref<1x128xi32, #tpu.memory_space<vmem>> -> memref<128xi32, #tpu.memory_space<vmem>>
      %dma_wait3A_170 = arith.constant 0 : i32
      %dma_wait3A_171 = arith.constant 0 : i32
      %dma_wait3A_172 = tpu.memref_slice %arg2[%arg0, %dma_wait3A_170, %dma_wait3A_171] : memref<2x10240x128xf32, #tpu.memory_space<hbm>> -> memref<1x10240x128xf32, #tpu.memory_space<hbm>>
      %dma_wait3A_173 = tpu.memref_squeeze %dma_wait3A_172 : memref<1x10240x128xf32, #tpu.memory_space<hbm>> -> memref<10240x128xf32, #tpu.memory_space<hbm>>
      %dma_wait3A_174 = arith.constant 0 : i32
      %dma_wait3A_175 = arith.constant 0 : i32
      %dma_wait3A_176 = tpu.memref_slice %dma_wait3A_173[%dma_wait3A_174, %dma_wait3A_175] : memref<10240x128xf32, #tpu.memory_space<hbm>> -> memref<10240x128xf32, #tpu.memory_space<hbm>>
      tpu.wait_indirect_dma semaphore(%arg11 : memref<!tpu.dma_semaphore, #tpu.memory_space<semaphore_mem>>) src(%dma_wait3A_176 : memref<10240x128xf32, #tpu.memory_space<hbm>>) dst(%dma_wait3A_166 : memref<128x128xf32, #tpu.memory_space<vmem>>)
      %dma_start3A_177 = arith.constant 0 : i32
      %dma_start3A_178 = arith.constant 2 : i32
      %dma_start3A_179 = arith.constant 0 : i32
      %dma_start3A_180 = arith.constant 0 : i32
      %dma_start3A_181 = tpu.memref_slice %arg9[%dma_start3A_177, %dma_start3A_179, %dma_start3A_180] : memref<2x128x128xf32, #tpu.memory_space<vmem>> -> memref<1x128x128xf32, #tpu.memory_space<vmem>>
      %dma_start3A_182 = tpu.memref_squeeze %dma_start3A_181 : memref<1x128x128xf32, #tpu.memory_space<vmem>> -> memref<128x128xf32, #tpu.memory_space<vmem>>
      %dma_start3A_183 = arith.constant 0 : i32
      %dma_start3A_184 = tpu.memref_slice %arg8[%dma_start3A_178, %dma_start3A_183] : memref<8x128xi32, #tpu.memory_space<vmem>> -> memref<1x128xi32, #tpu.memory_space<vmem>>
      %dma_start3A_185 = tpu.memref_squeeze %dma_start3A_184 : memref<1x128xi32, #tpu.memory_space<vmem>> -> memref<128xi32, #tpu.memory_space<vmem>>
      %dma_start3A_186 = arith.constant 0 : i32
      %dma_start3A_187 = arith.constant 0 : i32
      %dma_start3A_188 = tpu.memref_slice %arg10[%dma_start3A_186, %dma_start3A_187] : memref<10240x128xf32, #tpu.memory_space<vmem_shared>> -> memref<10240x128xf32, #tpu.memory_space<vmem_shared>>
      tpu.enqueue_indirect_dma source(%dma_start3A_182 : memref<128x128xf32, #tpu.memory_space<vmem>>) target(%dma_start3A_188 : memref<10240x128xf32, #tpu.memory_space<vmem_shared>>) offsets(%dma_start3A_185 : memref<128xi32, #tpu.memory_space<vmem>>) semaphore(%arg13 : memref<!tpu.dma_semaphore, #tpu.memory_space<semaphore_mem>>) {add = true}
      %dma_wait3A_189 = arith.constant 0 : i32
      %dma_wait3A_190 = arith.constant 2 : i32
      %dma_wait3A_191 = arith.constant 0 : i32
      %dma_wait3A_192 = arith.constant 0 : i32
      %dma_wait3A_193 = tpu.memref_slice %arg9[%dma_wait3A_189, %dma_wait3A_191, %dma_wait3A_192] : memref<2x128x128xf32, #tpu.memory_space<vmem>> -> memref<1x128x128xf32, #tpu.memory_space<vmem>>
      %dma_wait3A_194 = tpu.memref_squeeze %dma_wait3A_193 : memref<1x128x128xf32, #tpu.memory_space<vmem>> -> memref<128x128xf32, #tpu.memory_space<vmem>>
      %dma_wait3A_195 = arith.constant 0 : i32
      %dma_wait3A_196 = tpu.memref_slice %arg8[%dma_wait3A_190, %dma_wait3A_195] : memref<8x128xi32, #tpu.memory_space<vmem>> -> memref<1x128xi32, #tpu.memory_space<vmem>>
      %dma_wait3A_197 = tpu.memref_squeeze %dma_wait3A_196 : memref<1x128xi32, #tpu.memory_space<vmem>> -> memref<128xi32, #tpu.memory_space<vmem>>
      %dma_wait3A_198 = arith.constant 0 : i32
      %dma_wait3A_199 = arith.constant 0 : i32
      %dma_wait3A_200 = tpu.memref_slice %arg10[%dma_wait3A_198, %dma_wait3A_199] : memref<10240x128xf32, #tpu.memory_space<vmem_shared>> -> memref<10240x128xf32, #tpu.memory_space<vmem_shared>>
      tpu.wait_indirect_dma semaphore(%arg13 : memref<!tpu.dma_semaphore, #tpu.memory_space<semaphore_mem>>) src(%dma_wait3A_194 : memref<128x128xf32, #tpu.memory_space<vmem>>) dst(%dma_wait3A_200 : memref<10240x128xf32, #tpu.memory_space<vmem_shared>>)
      %dma_start3A_201 = arith.constant 4 : i32
      %dma_start3A_202 = arith.constant 0 : i32
      %dma_start3A_203 = arith.constant 0 : i32
      %dma_start3A_204 = arith.constant 0 : i32
      %dma_start3A_205 = tpu.memref_slice %arg9[%dma_start3A_202, %dma_start3A_203, %dma_start3A_204] : memref<2x128x128xf32, #tpu.memory_space<vmem>> -> memref<1x128x128xf32, #tpu.memory_space<vmem>>
      %dma_start3A_206 = tpu.memref_squeeze %dma_start3A_205 : memref<1x128x128xf32, #tpu.memory_space<vmem>> -> memref<128x128xf32, #tpu.memory_space<vmem>>
      %dma_start3A_207 = arith.constant 0 : i32
      %dma_start3A_208 = tpu.memref_slice %arg7[%dma_start3A_201, %dma_start3A_207] : memref<8x128xi32, #tpu.memory_space<vmem>> -> memref<1x128xi32, #tpu.memory_space<vmem>>
      %dma_start3A_209 = tpu.memref_squeeze %dma_start3A_208 : memref<1x128xi32, #tpu.memory_space<vmem>> -> memref<128xi32, #tpu.memory_space<vmem>>
      %dma_start3A_210 = arith.constant 0 : i32
      %dma_start3A_211 = arith.constant 0 : i32
      %dma_start3A_212 = tpu.memref_slice %arg2[%arg0, %dma_start3A_210, %dma_start3A_211] : memref<2x10240x128xf32, #tpu.memory_space<hbm>> -> memref<1x10240x128xf32, #tpu.memory_space<hbm>>
      %dma_start3A_213 = tpu.memref_squeeze %dma_start3A_212 : memref<1x10240x128xf32, #tpu.memory_space<hbm>> -> memref<10240x128xf32, #tpu.memory_space<hbm>>
      %dma_start3A_214 = arith.constant 0 : i32
      %dma_start3A_215 = arith.constant 0 : i32
      %dma_start3A_216 = tpu.memref_slice %dma_start3A_213[%dma_start3A_214, %dma_start3A_215] : memref<10240x128xf32, #tpu.memory_space<hbm>> -> memref<10240x128xf32, #tpu.memory_space<hbm>>
      tpu.enqueue_indirect_dma source(%dma_start3A_216 : memref<10240x128xf32, #tpu.memory_space<hbm>>) target(%dma_start3A_206 : memref<128x128xf32, #tpu.memory_space<vmem>>) offsets(%dma_start3A_209 : memref<128xi32, #tpu.memory_space<vmem>>) semaphore(%arg11 : memref<!tpu.dma_semaphore, #tpu.memory_space<semaphore_mem>>)
      %dma_wait3A_217 = arith.constant 3 : i32
      %dma_wait3A_218 = arith.constant 1 : i32
      %dma_wait3A_219 = arith.constant 0 : i32
      %dma_wait3A_220 = arith.constant 0 : i32
      %dma_wait3A_221 = tpu.memref_slice %arg9[%dma_wait3A_218, %dma_wait3A_219, %dma_wait3A_220] : memref<2x128x128xf32, #tpu.memory_space<vmem>> -> memref<1x128x128xf32, #tpu.memory_space<vmem>>
      %dma_wait3A_222 = tpu.memref_squeeze %dma_wait3A_221 : memref<1x128x128xf32, #tpu.memory_space<vmem>> -> memref<128x128xf32, #tpu.memory_space<vmem>>
      %dma_wait3A_223 = arith.constant 0 : i32
      %dma_wait3A_224 = tpu.memref_slice %arg7[%dma_wait3A_217, %dma_wait3A_223] : memref<8x128xi32, #tpu.memory_space<vmem>> -> memref<1x128xi32, #tpu.memory_space<vmem>>
      %dma_wait3A_225 = tpu.memref_squeeze %dma_wait3A_224 : memref<1x128xi32, #tpu.memory_space<vmem>> -> memref<128xi32, #tpu.memory_space<vmem>>
      %dma_wait3A_226 = arith.constant 0 : i32
      %dma_wait3A_227 = arith.constant 0 : i32
      %dma_wait3A_228 = tpu.memref_slice %arg2[%arg0, %dma_wait3A_226, %dma_wait3A_227] : memref<2x10240x128xf32, #tpu.memory_space<hbm>> -> memref<1x10240x128xf32, #tpu.memory_space<hbm>>
      %dma_wait3A_229 = tpu.memref_squeeze %dma_wait3A_228 : memref<1x10240x128xf32, #tpu.memory_space<hbm>> -> memref<10240x128xf32, #tpu.memory_space<hbm>>
      %dma_wait3A_230 = arith.constant 0 : i32
      %dma_wait3A_231 = arith.constant 0 : i32
      %dma_wait3A_232 = tpu.memref_slice %dma_wait3A_229[%dma_wait3A_230, %dma_wait3A_231] : memref<10240x128xf32, #tpu.memory_space<hbm>> -> memref<10240x128xf32, #tpu.memory_space<hbm>>
      tpu.wait_indirect_dma semaphore(%arg12 : memref<!tpu.dma_semaphore, #tpu.memory_space<semaphore_mem>>) src(%dma_wait3A_232 : memref<10240x128xf32, #tpu.memory_space<hbm>>) dst(%dma_wait3A_222 : memref<128x128xf32, #tpu.memory_space<vmem>>)
      %dma_start3A_233 = arith.constant 1 : i32
      %dma_start3A_234 = arith.constant 3 : i32
      %dma_start3A_235 = arith.constant 0 : i32
      %dma_start3A_236 = arith.constant 0 : i32
      %dma_start3A_237 = tpu.memref_slice %arg9[%dma_start3A_233, %dma_start3A_235, %dma_start3A_236] : memref<2x128x128xf32, #tpu.memory_space<vmem>> -> memref<1x128x128xf32, #tpu.memory_space<vmem>>
      %dma_start3A_238 = tpu.memref_squeeze %dma_start3A_237 : memref<1x128x128xf32, #tpu.memory_space<vmem>> -> memref<128x128xf32, #tpu.memory_space<vmem>>
      %dma_start3A_239 = arith.constant 0 : i32
      %dma_start3A_240 = tpu.memref_slice %arg8[%dma_start3A_234, %dma_start3A_239] : memref<8x128xi32, #tpu.memory_space<vmem>> -> memref<1x128xi32, #tpu.memory_space<vmem>>
      %dma_start3A_241 = tpu.memref_squeeze %dma_start3A_240 : memref<1x128xi32, #tpu.memory_space<vmem>> -> memref<128xi32, #tpu.memory_space<vmem>>
      %dma_start3A_242 = arith.constant 0 : i32
      %dma_start3A_243 = arith.constant 0 : i32
      %dma_start3A_244 = tpu.memref_slice %arg10[%dma_start3A_242, %dma_start3A_243] : memref<10240x128xf32, #tpu.memory_space<vmem_shared>> -> memref<10240x128xf32, #tpu.memory_space<vmem_shared>>
      tpu.enqueue_indirect_dma source(%dma_start3A_238 : memref<128x128xf32, #tpu.memory_space<vmem>>) target(%dma_start3A_244 : memref<10240x128xf32, #tpu.memory_space<vmem_shared>>) offsets(%dma_start3A_241 : memref<128xi32, #tpu.memory_space<vmem>>) semaphore(%arg14 : memref<!tpu.dma_semaphore, #tpu.memory_space<semaphore_mem>>) {add = true}
      %dma_wait3A_245 = arith.constant 1 : i32
      %dma_wait3A_246 = arith.constant 3 : i32
      %dma_wait3A_247 = arith.constant 0 : i32
      %dma_wait3A_248 = arith.constant 0 : i32
      %dma_wait3A_249 = tpu.memref_slice %arg9[%dma_wait3A_245, %dma_wait3A_247, %dma_wait3A_248] : memref<2x128x128xf32, #tpu.memory_space<vmem>> -> memref<1x128x128xf32, #tpu.memory_space<vmem>>
      %dma_wait3A_250 = tpu.memref_squeeze %dma_wait3A_249 : memref<1x128x128xf32, #tpu.memory_space<vmem>> -> memref<128x128xf32, #tpu.memory_space<vmem>>
      %dma_wait3A_251 = arith.constant 0 : i32
      %dma_wait3A_252 = tpu.memref_slice %arg8[%dma_wait3A_246, %dma_wait3A_251] : memref<8x128xi32, #tpu.memory_space<vmem>> -> memref<1x128xi32, #tpu.memory_space<vmem>>
      %dma_wait3A_253 = tpu.memref_squeeze %dma_wait3A_252 : memref<1x128xi32, #tpu.memory_space<vmem>> -> memref<128xi32, #tpu.memory_space<vmem>>
      %dma_wait3A_254 = arith.constant 0 : i32
      %dma_wait3A_255 = arith.constant 0 : i32
      %dma_wait3A_256 = tpu.memref_slice %arg10[%dma_wait3A_254, %dma_wait3A_255] : memref<10240x128xf32, #tpu.memory_space<vmem_shared>> -> memref<10240x128xf32, #tpu.memory_space<vmem_shared>>
      tpu.wait_indirect_dma semaphore(%arg14 : memref<!tpu.dma_semaphore, #tpu.memory_space<semaphore_mem>>) src(%dma_wait3A_250 : memref<128x128xf32, #tpu.memory_space<vmem>>) dst(%dma_wait3A_256 : memref<10240x128xf32, #tpu.memory_space<vmem_shared>>)
      %dma_start3A_257 = arith.constant 5 : i32
      %dma_start3A_258 = arith.constant 1 : i32
      %dma_start3A_259 = arith.constant 0 : i32
      %dma_start3A_260 = arith.constant 0 : i32
      %dma_start3A_261 = tpu.memref_slice %arg9[%dma_start3A_258, %dma_start3A_259, %dma_start3A_260] : memref<2x128x128xf32, #tpu.memory_space<vmem>> -> memref<1x128x128xf32, #tpu.memory_space<vmem>>
      %dma_start3A_262 = tpu.memref_squeeze %dma_start3A_261 : memref<1x128x128xf32, #tpu.memory_space<vmem>> -> memref<128x128xf32, #tpu.memory_space<vmem>>
      %dma_start3A_263 = arith.constant 0 : i32
      %dma_start3A_264 = tpu.memref_slice %arg7[%dma_start3A_257, %dma_start3A_263] : memref<8x128xi32, #tpu.memory_space<vmem>> -> memref<1x128xi32, #tpu.memory_space<vmem>>
      %dma_start3A_265 = tpu.memref_squeeze %dma_start3A_264 : memref<1x128xi32, #tpu.memory_space<vmem>> -> memref<128xi32, #tpu.memory_space<vmem>>
      %dma_start3A_266 = arith.constant 0 : i32
      %dma_start3A_267 = arith.constant 0 : i32
      %dma_start3A_268 = tpu.memref_slice %arg2[%arg0, %dma_start3A_266, %dma_start3A_267] : memref<2x10240x128xf32, #tpu.memory_space<hbm>> -> memref<1x10240x128xf32, #tpu.memory_space<hbm>>
      %dma_start3A_269 = tpu.memref_squeeze %dma_start3A_268 : memref<1x10240x128xf32, #tpu.memory_space<hbm>> -> memref<10240x128xf32, #tpu.memory_space<hbm>>
      %dma_start3A_270 = arith.constant 0 : i32
      %dma_start3A_271 = arith.constant 0 : i32
      %dma_start3A_272 = tpu.memref_slice %dma_start3A_269[%dma_start3A_270, %dma_start3A_271] : memref<10240x128xf32, #tpu.memory_space<hbm>> -> memref<10240x128xf32, #tpu.memory_space<hbm>>
      tpu.enqueue_indirect_dma source(%dma_start3A_272 : memref<10240x128xf32, #tpu.memory_space<hbm>>) target(%dma_start3A_262 : memref<128x128xf32, #tpu.memory_space<vmem>>) offsets(%dma_start3A_265 : memref<128xi32, #tpu.memory_space<vmem>>) semaphore(%arg12 : memref<!tpu.dma_semaphore, #tpu.memory_space<semaphore_mem>>)
      %dma_wait3A_273 = arith.constant 4 : i32
      %dma_wait3A_274 = arith.constant 0 : i32
      %dma_wait3A_275 = arith.constant 0 : i32
      %dma_wait3A_276 = arith.constant 0 : i32
      %dma_wait3A_277 = tpu.memref_slice %arg9[%dma_wait3A_274, %dma_wait3A_275, %dma_wait3A_276] : memref<2x128x128xf32, #tpu.memory_space<vmem>> -> memref<1x128x128xf32, #tpu.memory_space<vmem>>
      %dma_wait3A_278 = tpu.memref_squeeze %dma_wait3A_277 : memref<1x128x128xf32, #tpu.memory_space<vmem>> -> memref<128x128xf32, #tpu.memory_space<vmem>>
      %dma_wait3A_279 = arith.constant 0 : i32
      %dma_wait3A_280 = tpu.memref_slice %arg7[%dma_wait3A_273, %dma_wait3A_279] : memref<8x128xi32, #tpu.memory_space<vmem>> -> memref<1x128xi32, #tpu.memory_space<vmem>>
      %dma_wait3A_281 = tpu.memref_squeeze %dma_wait3A_280 : memref<1x128xi32, #tpu.memory_space<vmem>> -> memref<128xi32, #tpu.memory_space<vmem>>
      %dma_wait3A_282 = arith.constant 0 : i32
      %dma_wait3A_283 = arith.constant 0 : i32
      %dma_wait3A_284 = tpu.memref_slice %arg2[%arg0, %dma_wait3A_282, %dma_wait3A_283] : memref<2x10240x128xf32, #tpu.memory_space<hbm>> -> memref<1x10240x128xf32, #tpu.memory_space<hbm>>
      %dma_wait3A_285 = tpu.memref_squeeze %dma_wait3A_284 : memref<1x10240x128xf32, #tpu.memory_space<hbm>> -> memref<10240x128xf32, #tpu.memory_space<hbm>>
      %dma_wait3A_286 = arith.constant 0 : i32
      %dma_wait3A_287 = arith.constant 0 : i32
      %dma_wait3A_288 = tpu.memref_slice %dma_wait3A_285[%dma_wait3A_286, %dma_wait3A_287] : memref<10240x128xf32, #tpu.memory_space<hbm>> -> memref<10240x128xf32, #tpu.memory_space<hbm>>
      tpu.wait_indirect_dma semaphore(%arg11 : memref<!tpu.dma_semaphore, #tpu.memory_space<semaphore_mem>>) src(%dma_wait3A_288 : memref<10240x128xf32, #tpu.memory_space<hbm>>) dst(%dma_wait3A_278 : memref<128x128xf32, #tpu.memory_space<vmem>>)
      %dma_start3A_289 = arith.constant 0 : i32
      %dma_start3A_290 = arith.constant 4 : i32
      %dma_start3A_291 = arith.constant 0 : i32
      %dma_start3A_292 = arith.constant 0 : i32
      %dma_start3A_293 = tpu.memref_slice %arg9[%dma_start3A_289, %dma_start3A_291, %dma_start3A_292] : memref<2x128x128xf32, #tpu.memory_space<vmem>> -> memref<1x128x128xf32, #tpu.memory_space<vmem>>
      %dma_start3A_294 = tpu.memref_squeeze %dma_start3A_293 : memref<1x128x128xf32, #tpu.memory_space<vmem>> -> memref<128x128xf32, #tpu.memory_space<vmem>>
      %dma_start3A_295 = arith.constant 0 : i32
      %dma_start3A_296 = tpu.memref_slice %arg8[%dma_start3A_290, %dma_start3A_295] : memref<8x128xi32, #tpu.memory_space<vmem>> -> memref<1x128xi32, #tpu.memory_space<vmem>>
      %dma_start3A_297 = tpu.memref_squeeze %dma_start3A_296 : memref<1x128xi32, #tpu.memory_space<vmem>> -> memref<128xi32, #tpu.memory_space<vmem>>
      %dma_start3A_298 = arith.constant 0 : i32
      %dma_start3A_299 = arith.constant 0 : i32
      %dma_start3A_300 = tpu.memref_slice %arg10[%dma_start3A_298, %dma_start3A_299] : memref<10240x128xf32, #tpu.memory_space<vmem_shared>> -> memref<10240x128xf32, #tpu.memory_space<vmem_shared>>
      tpu.enqueue_indirect_dma source(%dma_start3A_294 : memref<128x128xf32, #tpu.memory_space<vmem>>) target(%dma_start3A_300 : memref<10240x128xf32, #tpu.memory_space<vmem_shared>>) offsets(%dma_start3A_297 : memref<128xi32, #tpu.memory_space<vmem>>) semaphore(%arg13 : memref<!tpu.dma_semaphore, #tpu.memory_space<semaphore_mem>>) {add = true}
      %dma_wait3A_301 = arith.constant 0 : i32
      %dma_wait3A_302 = arith.constant 4 : i32
      %dma_wait3A_303 = arith.constant 0 : i32
      %dma_wait3A_304 = arith.constant 0 : i32
      %dma_wait3A_305 = tpu.memref_slice %arg9[%dma_wait3A_301, %dma_wait3A_303, %dma_wait3A_304] : memref<2x128x128xf32, #tpu.memory_space<vmem>> -> memref<1x128x128xf32, #tpu.memory_space<vmem>>
      %dma_wait3A_306 = tpu.memref_squeeze %dma_wait3A_305 : memref<1x128x128xf32, #tpu.memory_space<vmem>> -> memref<128x128xf32, #tpu.memory_space<vmem>>
      %dma_wait3A_307 = arith.constant 0 : i32
      %dma_wait3A_308 = tpu.memref_slice %arg8[%dma_wait3A_302, %dma_wait3A_307] : memref<8x128xi32, #tpu.memory_space<vmem>> -> memref<1x128xi32, #tpu.memory_space<vmem>>
      %dma_wait3A_309 = tpu.memref_squeeze %dma_wait3A_308 : memref<1x128xi32, #tpu.memory_space<vmem>> -> memref<128xi32, #tpu.memory_space<vmem>>
      %dma_wait3A_310 = arith.constant 0 : i32
      %dma_wait3A_311 = arith.constant 0 : i32
      %dma_wait3A_312 = tpu.memref_slice %arg10[%dma_wait3A_310, %dma_wait3A_311] : memref<10240x128xf32, #tpu.memory_space<vmem_shared>> -> memref<10240x128xf32, #tpu.memory_space<vmem_shared>>
      tpu.wait_indirect_dma semaphore(%arg13 : memref<!tpu.dma_semaphore, #tpu.memory_space<semaphore_mem>>) src(%dma_wait3A_306 : memref<128x128xf32, #tpu.memory_space<vmem>>) dst(%dma_wait3A_312 : memref<10240x128xf32, #tpu.memory_space<vmem_shared>>)
      %dma_start3A_313 = arith.constant 6 : i32
      %dma_start3A_314 = arith.constant 0 : i32
      %dma_start3A_315 = arith.constant 0 : i32
      %dma_start3A_316 = arith.constant 0 : i32
      %dma_start3A_317 = tpu.memref_slice %arg9[%dma_start3A_314, %dma_start3A_315, %dma_start3A_316] : memref<2x128x128xf32, #tpu.memory_space<vmem>> -> memref<1x128x128xf32, #tpu.memory_space<vmem>>
      %dma_start3A_318 = tpu.memref_squeeze %dma_start3A_317 : memref<1x128x128xf32, #tpu.memory_space<vmem>> -> memref<128x128xf32, #tpu.memory_space<vmem>>
      %dma_start3A_319 = arith.constant 0 : i32
      %dma_start3A_320 = tpu.memref_slice %arg7[%dma_start3A_313, %dma_start3A_319] : memref<8x128xi32, #tpu.memory_space<vmem>> -> memref<1x128xi32, #tpu.memory_space<vmem>>
      %dma_start3A_321 = tpu.memref_squeeze %dma_start3A_320 : memref<1x128xi32, #tpu.memory_space<vmem>> -> memref<128xi32, #tpu.memory_space<vmem>>
      %dma_start3A_322 = arith.constant 0 : i32
      %dma_start3A_323 = arith.constant 0 : i32
      %dma_start3A_324 = tpu.memref_slice %arg2[%arg0, %dma_start3A_322, %dma_start3A_323] : memref<2x10240x128xf32, #tpu.memory_space<hbm>> -> memref<1x10240x128xf32, #tpu.memory_space<hbm>>
      %dma_start3A_325 = tpu.memref_squeeze %dma_start3A_324 : memref<1x10240x128xf32, #tpu.memory_space<hbm>> -> memref<10240x128xf32, #tpu.memory_space<hbm>>
      %dma_start3A_326 = arith.constant 0 : i32
      %dma_start3A_327 = arith.constant 0 : i32
      %dma_start3A_328 = tpu.memref_slice %dma_start3A_325[%dma_start3A_326, %dma_start3A_327] : memref<10240x128xf32, #tpu.memory_space<hbm>> -> memref<10240x128xf32, #tpu.memory_space<hbm>>
      tpu.enqueue_indirect_dma source(%dma_start3A_328 : memref<10240x128xf32, #tpu.memory_space<hbm>>) target(%dma_start3A_318 : memref<128x128xf32, #tpu.memory_space<vmem>>) offsets(%dma_start3A_321 : memref<128xi32, #tpu.memory_space<vmem>>) semaphore(%arg11 : memref<!tpu.dma_semaphore, #tpu.memory_space<semaphore_mem>>)
      %dma_wait3A_329 = arith.constant 5 : i32
      %dma_wait3A_330 = arith.constant 1 : i32
      %dma_wait3A_331 = arith.constant 0 : i32
      %dma_wait3A_332 = arith.constant 0 : i32
      %dma_wait3A_333 = tpu.memref_slice %arg9[%dma_wait3A_330, %dma_wait3A_331, %dma_wait3A_332] : memref<2x128x128xf32, #tpu.memory_space<vmem>> -> memref<1x128x128xf32, #tpu.memory_space<vmem>>
      %dma_wait3A_334 = tpu.memref_squeeze %dma_wait3A_333 : memref<1x128x128xf32, #tpu.memory_space<vmem>> -> memref<128x128xf32, #tpu.memory_space<vmem>>
      %dma_wait3A_335 = arith.constant 0 : i32
      %dma_wait3A_336 = tpu.memref_slice %arg7[%dma_wait3A_329, %dma_wait3A_335] : memref<8x128xi32, #tpu.memory_space<vmem>> -> memref<1x128xi32, #tpu.memory_space<vmem>>
      %dma_wait3A_337 = tpu.memref_squeeze %dma_wait3A_336 : memref<1x128xi32, #tpu.memory_space<vmem>> -> memref<128xi32, #tpu.memory_space<vmem>>
      %dma_wait3A_338 = arith.constant 0 : i32
      %dma_wait3A_339 = arith.constant 0 : i32
      %dma_wait3A_340 = tpu.memref_slice %arg2[%arg0, %dma_wait3A_338, %dma_wait3A_339] : memref<2x10240x128xf32, #tpu.memory_space<hbm>> -> memref<1x10240x128xf32, #tpu.memory_space<hbm>>
      %dma_wait3A_341 = tpu.memref_squeeze %dma_wait3A_340 : memref<1x10240x128xf32, #tpu.memory_space<hbm>> -> memref<10240x128xf32, #tpu.memory_space<hbm>>
      %dma_wait3A_342 = arith.constant 0 : i32
      %dma_wait3A_343 = arith.constant 0 : i32
      %dma_wait3A_344 = tpu.memref_slice %dma_wait3A_341[%dma_wait3A_342, %dma_wait3A_343] : memref<10240x128xf32, #tpu.memory_space<hbm>> -> memref<10240x128xf32, #tpu.memory_space<hbm>>
      tpu.wait_indirect_dma semaphore(%arg12 : memref<!tpu.dma_semaphore, #tpu.memory_space<semaphore_mem>>) src(%dma_wait3A_344 : memref<10240x128xf32, #tpu.memory_space<hbm>>) dst(%dma_wait3A_334 : memref<128x128xf32, #tpu.memory_space<vmem>>)
      %dma_start3A_345 = arith.constant 1 : i32
      %dma_start3A_346 = arith.constant 5 : i32
      %dma_start3A_347 = arith.constant 0 : i32
      %dma_start3A_348 = arith.constant 0 : i32
      %dma_start3A_349 = tpu.memref_slice %arg9[%dma_start3A_345, %dma_start3A_347, %dma_start3A_348] : memref<2x128x128xf32, #tpu.memory_space<vmem>> -> memref<1x128x128xf32, #tpu.memory_space<vmem>>
      %dma_start3A_350 = tpu.memref_squeeze %dma_start3A_349 : memref<1x128x128xf32, #tpu.memory_space<vmem>> -> memref<128x128xf32, #tpu.memory_space<vmem>>
      %dma_start3A_351 = arith.constant 0 : i32
      %dma_start3A_352 = tpu.memref_slice %arg8[%dma_start3A_346, %dma_start3A_351] : memref<8x128xi32, #tpu.memory_space<vmem>> -> memref<1x128xi32, #tpu.memory_space<vmem>>
      %dma_start3A_353 = tpu.memref_squeeze %dma_start3A_352 : memref<1x128xi32, #tpu.memory_space<vmem>> -> memref<128xi32, #tpu.memory_space<vmem>>
      %dma_start3A_354 = arith.constant 0 : i32
      %dma_start3A_355 = arith.constant 0 : i32
      %dma_start3A_356 = tpu.memref_slice %arg10[%dma_start3A_354, %dma_start3A_355] : memref<10240x128xf32, #tpu.memory_space<vmem_shared>> -> memref<10240x128xf32, #tpu.memory_space<vmem_shared>>
      tpu.enqueue_indirect_dma source(%dma_start3A_350 : memref<128x128xf32, #tpu.memory_space<vmem>>) target(%dma_start3A_356 : memref<10240x128xf32, #tpu.memory_space<vmem_shared>>) offsets(%dma_start3A_353 : memref<128xi32, #tpu.memory_space<vmem>>) semaphore(%arg14 : memref<!tpu.dma_semaphore, #tpu.memory_space<semaphore_mem>>) {add = true}
      %dma_wait3A_357 = arith.constant 1 : i32
      %dma_wait3A_358 = arith.constant 5 : i32
      %dma_wait3A_359 = arith.constant 0 : i32
      %dma_wait3A_360 = arith.constant 0 : i32
      %dma_wait3A_361 = tpu.memref_slice %arg9[%dma_wait3A_357, %dma_wait3A_359, %dma_wait3A_360] : memref<2x128x128xf32, #tpu.memory_space<vmem>> -> memref<1x128x128xf32, #tpu.memory_space<vmem>>
      %dma_wait3A_362 = tpu.memref_squeeze %dma_wait3A_361 : memref<1x128x128xf32, #tpu.memory_space<vmem>> -> memref<128x128xf32, #tpu.memory_space<vmem>>
      %dma_wait3A_363 = arith.constant 0 : i32
      %dma_wait3A_364 = tpu.memref_slice %arg8[%dma_wait3A_358, %dma_wait3A_363] : memref<8x128xi32, #tpu.memory_space<vmem>> -> memref<1x128xi32, #tpu.memory_space<vmem>>
      %dma_wait3A_365 = tpu.memref_squeeze %dma_wait3A_364 : memref<1x128xi32, #tpu.memory_space<vmem>> -> memref<128xi32, #tpu.memory_space<vmem>>
      %dma_wait3A_366 = arith.constant 0 : i32
      %dma_wait3A_367 = arith.constant 0 : i32
      %dma_wait3A_368 = tpu.memref_slice %arg10[%dma_wait3A_366, %dma_wait3A_367] : memref<10240x128xf32, #tpu.memory_space<vmem_shared>> -> memref<10240x128xf32, #tpu.memory_space<vmem_shared>>
      tpu.wait_indirect_dma semaphore(%arg14 : memref<!tpu.dma_semaphore, #tpu.memory_space<semaphore_mem>>) src(%dma_wait3A_362 : memref<128x128xf32, #tpu.memory_space<vmem>>) dst(%dma_wait3A_368 : memref<10240x128xf32, #tpu.memory_space<vmem_shared>>)
      %dma_start3A_369 = arith.constant 7 : i32
      %dma_start3A_370 = arith.constant 1 : i32
      %dma_start3A_371 = arith.constant 0 : i32
      %dma_start3A_372 = arith.constant 0 : i32
      %dma_start3A_373 = tpu.memref_slice %arg9[%dma_start3A_370, %dma_start3A_371, %dma_start3A_372] : memref<2x128x128xf32, #tpu.memory_space<vmem>> -> memref<1x128x128xf32, #tpu.memory_space<vmem>>
      %dma_start3A_374 = tpu.memref_squeeze %dma_start3A_373 : memref<1x128x128xf32, #tpu.memory_space<vmem>> -> memref<128x128xf32, #tpu.memory_space<vmem>>
      %dma_start3A_375 = arith.constant 0 : i32
      %dma_start3A_376 = tpu.memref_slice %arg7[%dma_start3A_369, %dma_start3A_375] : memref<8x128xi32, #tpu.memory_space<vmem>> -> memref<1x128xi32, #tpu.memory_space<vmem>>
      %dma_start3A_377 = tpu.memref_squeeze %dma_start3A_376 : memref<1x128xi32, #tpu.memory_space<vmem>> -> memref<128xi32, #tpu.memory_space<vmem>>
      %dma_start3A_378 = arith.constant 0 : i32
      %dma_start3A_379 = arith.constant 0 : i32
      %dma_start3A_380 = tpu.memref_slice %arg2[%arg0, %dma_start3A_378, %dma_start3A_379] : memref<2x10240x128xf32, #tpu.memory_space<hbm>> -> memref<1x10240x128xf32, #tpu.memory_space<hbm>>
      %dma_start3A_381 = tpu.memref_squeeze %dma_start3A_380 : memref<1x10240x128xf32, #tpu.memory_space<hbm>> -> memref<10240x128xf32, #tpu.memory_space<hbm>>
      %dma_start3A_382 = arith.constant 0 : i32
      %dma_start3A_383 = arith.constant 0 : i32
      %dma_start3A_384 = tpu.memref_slice %dma_start3A_381[%dma_start3A_382, %dma_start3A_383] : memref<10240x128xf32, #tpu.memory_space<hbm>> -> memref<10240x128xf32, #tpu.memory_space<hbm>>
      tpu.enqueue_indirect_dma source(%dma_start3A_384 : memref<10240x128xf32, #tpu.memory_space<hbm>>) target(%dma_start3A_374 : memref<128x128xf32, #tpu.memory_space<vmem>>) offsets(%dma_start3A_377 : memref<128xi32, #tpu.memory_space<vmem>>) semaphore(%arg12 : memref<!tpu.dma_semaphore, #tpu.memory_space<semaphore_mem>>)
      %dma_wait3A_385 = arith.constant 6 : i32
      %dma_wait3A_386 = arith.constant 0 : i32
      %dma_wait3A_387 = arith.constant 0 : i32
      %dma_wait3A_388 = arith.constant 0 : i32
      %dma_wait3A_389 = tpu.memref_slice %arg9[%dma_wait3A_386, %dma_wait3A_387, %dma_wait3A_388] : memref<2x128x128xf32, #tpu.memory_space<vmem>> -> memref<1x128x128xf32, #tpu.memory_space<vmem>>
      %dma_wait3A_390 = tpu.memref_squeeze %dma_wait3A_389 : memref<1x128x128xf32, #tpu.memory_space<vmem>> -> memref<128x128xf32, #tpu.memory_space<vmem>>
      %dma_wait3A_391 = arith.constant 0 : i32
      %dma_wait3A_392 = tpu.memref_slice %arg7[%dma_wait3A_385, %dma_wait3A_391] : memref<8x128xi32, #tpu.memory_space<vmem>> -> memref<1x128xi32, #tpu.memory_space<vmem>>
      %dma_wait3A_393 = tpu.memref_squeeze %dma_wait3A_392 : memref<1x128xi32, #tpu.memory_space<vmem>> -> memref<128xi32, #tpu.memory_space<vmem>>
      %dma_wait3A_394 = arith.constant 0 : i32
      %dma_wait3A_395 = arith.constant 0 : i32
      %dma_wait3A_396 = tpu.memref_slice %arg2[%arg0, %dma_wait3A_394, %dma_wait3A_395] : memref<2x10240x128xf32, #tpu.memory_space<hbm>> -> memref<1x10240x128xf32, #tpu.memory_space<hbm>>
      %dma_wait3A_397 = tpu.memref_squeeze %dma_wait3A_396 : memref<1x10240x128xf32, #tpu.memory_space<hbm>> -> memref<10240x128xf32, #tpu.memory_space<hbm>>
      %dma_wait3A_398 = arith.constant 0 : i32
      %dma_wait3A_399 = arith.constant 0 : i32
      %dma_wait3A_400 = tpu.memref_slice %dma_wait3A_397[%dma_wait3A_398, %dma_wait3A_399] : memref<10240x128xf32, #tpu.memory_space<hbm>> -> memref<10240x128xf32, #tpu.memory_space<hbm>>
      tpu.wait_indirect_dma semaphore(%arg11 : memref<!tpu.dma_semaphore, #tpu.memory_space<semaphore_mem>>) src(%dma_wait3A_400 : memref<10240x128xf32, #tpu.memory_space<hbm>>) dst(%dma_wait3A_390 : memref<128x128xf32, #tpu.memory_space<vmem>>)
      %dma_start3A_401 = arith.constant 0 : i32
      %dma_start3A_402 = arith.constant 6 : i32
      %dma_start3A_403 = arith.constant 0 : i32
      %dma_start3A_404 = arith.constant 0 : i32
      %dma_start3A_405 = tpu.memref_slice %arg9[%dma_start3A_401, %dma_start3A_403, %dma_start3A_404] : memref<2x128x128xf32, #tpu.memory_space<vmem>> -> memref<1x128x128xf32, #tpu.memory_space<vmem>>
      %dma_start3A_406 = tpu.memref_squeeze %dma_start3A_405 : memref<1x128x128xf32, #tpu.memory_space<vmem>> -> memref<128x128xf32, #tpu.memory_space<vmem>>
      %dma_start3A_407 = arith.constant 0 : i32
      %dma_start3A_408 = tpu.memref_slice %arg8[%dma_start3A_402, %dma_start3A_407] : memref<8x128xi32, #tpu.memory_space<vmem>> -> memref<1x128xi32, #tpu.memory_space<vmem>>
      %dma_start3A_409 = tpu.memref_squeeze %dma_start3A_408 : memref<1x128xi32, #tpu.memory_space<vmem>> -> memref<128xi32, #tpu.memory_space<vmem>>
      %dma_start3A_410 = arith.constant 0 : i32
      %dma_start3A_411 = arith.constant 0 : i32
      %dma_start3A_412 = tpu.memref_slice %arg10[%dma_start3A_410, %dma_start3A_411] : memref<10240x128xf32, #tpu.memory_space<vmem_shared>> -> memref<10240x128xf32, #tpu.memory_space<vmem_shared>>
      tpu.enqueue_indirect_dma source(%dma_start3A_406 : memref<128x128xf32, #tpu.memory_space<vmem>>) target(%dma_start3A_412 : memref<10240x128xf32, #tpu.memory_space<vmem_shared>>) offsets(%dma_start3A_409 : memref<128xi32, #tpu.memory_space<vmem>>) semaphore(%arg13 : memref<!tpu.dma_semaphore, #tpu.memory_space<semaphore_mem>>) {add = true}
      %dma_wait3A_413 = arith.constant 7 : i32
      %dma_wait3A_414 = arith.constant 1 : i32
      %dma_wait3A_415 = arith.constant 0 : i32
      %dma_wait3A_416 = arith.constant 0 : i32
      %dma_wait3A_417 = tpu.memref_slice %arg9[%dma_wait3A_414, %dma_wait3A_415, %dma_wait3A_416] : memref<2x128x128xf32, #tpu.memory_space<vmem>> -> memref<1x128x128xf32, #tpu.memory_space<vmem>>
      %dma_wait3A_418 = tpu.memref_squeeze %dma_wait3A_417 : memref<1x128x128xf32, #tpu.memory_space<vmem>> -> memref<128x128xf32, #tpu.memory_space<vmem>>
      %dma_wait3A_419 = arith.constant 0 : i32
      %dma_wait3A_420 = tpu.memref_slice %arg7[%dma_wait3A_413, %dma_wait3A_419] : memref<8x128xi32, #tpu.memory_space<vmem>> -> memref<1x128xi32, #tpu.memory_space<vmem>>
      %dma_wait3A_421 = tpu.memref_squeeze %dma_wait3A_420 : memref<1x128xi32, #tpu.memory_space<vmem>> -> memref<128xi32, #tpu.memory_space<vmem>>
      %dma_wait3A_422 = arith.constant 0 : i32
      %dma_wait3A_423 = arith.constant 0 : i32
      %dma_wait3A_424 = tpu.memref_slice %arg2[%arg0, %dma_wait3A_422, %dma_wait3A_423] : memref<2x10240x128xf32, #tpu.memory_space<hbm>> -> memref<1x10240x128xf32, #tpu.memory_space<hbm>>
      %dma_wait3A_425 = tpu.memref_squeeze %dma_wait3A_424 : memref<1x10240x128xf32, #tpu.memory_space<hbm>> -> memref<10240x128xf32, #tpu.memory_space<hbm>>
      %dma_wait3A_426 = arith.constant 0 : i32
      %dma_wait3A_427 = arith.constant 0 : i32
      %dma_wait3A_428 = tpu.memref_slice %dma_wait3A_425[%dma_wait3A_426, %dma_wait3A_427] : memref<10240x128xf32, #tpu.memory_space<hbm>> -> memref<10240x128xf32, #tpu.memory_space<hbm>>
      tpu.wait_indirect_dma semaphore(%arg12 : memref<!tpu.dma_semaphore, #tpu.memory_space<semaphore_mem>>) src(%dma_wait3A_428 : memref<10240x128xf32, #tpu.memory_space<hbm>>) dst(%dma_wait3A_418 : memref<128x128xf32, #tpu.memory_space<vmem>>)
      %dma_start3A_429 = arith.constant 1 : i32
      %dma_start3A_430 = arith.constant 7 : i32
      %dma_start3A_431 = arith.constant 0 : i32
      %dma_start3A_432 = arith.constant 0 : i32
      %dma_start3A_433 = tpu.memref_slice %arg9[%dma_start3A_429, %dma_start3A_431, %dma_start3A_432] : memref<2x128x128xf32, #tpu.memory_space<vmem>> -> memref<1x128x128xf32, #tpu.memory_space<vmem>>
      %dma_start3A_434 = tpu.memref_squeeze %dma_start3A_433 : memref<1x128x128xf32, #tpu.memory_space<vmem>> -> memref<128x128xf32, #tpu.memory_space<vmem>>
      %dma_start3A_435 = arith.constant 0 : i32
      %dma_start3A_436 = tpu.memref_slice %arg8[%dma_start3A_430, %dma_start3A_435] : memref<8x128xi32, #tpu.memory_space<vmem>> -> memref<1x128xi32, #tpu.memory_space<vmem>>
      %dma_start3A_437 = tpu.memref_squeeze %dma_start3A_436 : memref<1x128xi32, #tpu.memory_space<vmem>> -> memref<128xi32, #tpu.memory_space<vmem>>
      %dma_start3A_438 = arith.constant 0 : i32
      %dma_start3A_439 = arith.constant 0 : i32
      %dma_start3A_440 = tpu.memref_slice %arg10[%dma_start3A_438, %dma_start3A_439] : memref<10240x128xf32, #tpu.memory_space<vmem_shared>> -> memref<10240x128xf32, #tpu.memory_space<vmem_shared>>
      tpu.enqueue_indirect_dma source(%dma_start3A_434 : memref<128x128xf32, #tpu.memory_space<vmem>>) target(%dma_start3A_440 : memref<10240x128xf32, #tpu.memory_space<vmem_shared>>) offsets(%dma_start3A_437 : memref<128xi32, #tpu.memory_space<vmem>>) semaphore(%arg14 : memref<!tpu.dma_semaphore, #tpu.memory_space<semaphore_mem>>) {add = true}
      %dma_wait3A_441 = arith.constant 0 : i32
      %dma_wait3A_442 = arith.constant 6 : i32
      %dma_wait3A_443 = arith.constant 0 : i32
      %dma_wait3A_444 = arith.constant 0 : i32
      %dma_wait3A_445 = tpu.memref_slice %arg9[%dma_wait3A_441, %dma_wait3A_443, %dma_wait3A_444] : memref<2x128x128xf32, #tpu.memory_space<vmem>> -> memref<1x128x128xf32, #tpu.memory_space<vmem>>
      %dma_wait3A_446 = tpu.memref_squeeze %dma_wait3A_445 : memref<1x128x128xf32, #tpu.memory_space<vmem>> -> memref<128x128xf32, #tpu.memory_space<vmem>>
      %dma_wait3A_447 = arith.constant 0 : i32
      %dma_wait3A_448 = tpu.memref_slice %arg8[%dma_wait3A_442, %dma_wait3A_447] : memref<8x128xi32, #tpu.memory_space<vmem>> -> memref<1x128xi32, #tpu.memory_space<vmem>>
      %dma_wait3A_449 = tpu.memref_squeeze %dma_wait3A_448 : memref<1x128xi32, #tpu.memory_space<vmem>> -> memref<128xi32, #tpu.memory_space<vmem>>
      %dma_wait3A_450 = arith.constant 0 : i32
      %dma_wait3A_451 = arith.constant 0 : i32
      %dma_wait3A_452 = tpu.memref_slice %arg10[%dma_wait3A_450, %dma_wait3A_451] : memref<10240x128xf32, #tpu.memory_space<vmem_shared>> -> memref<10240x128xf32, #tpu.memory_space<vmem_shared>>
      tpu.wait_indirect_dma semaphore(%arg13 : memref<!tpu.dma_semaphore, #tpu.memory_space<semaphore_mem>>) src(%dma_wait3A_446 : memref<128x128xf32, #tpu.memory_space<vmem>>) dst(%dma_wait3A_452 : memref<10240x128xf32, #tpu.memory_space<vmem_shared>>)
      %dma_wait3A_453 = arith.constant 1 : i32
      %dma_wait3A_454 = arith.constant 7 : i32
      %dma_wait3A_455 = arith.constant 0 : i32
      %dma_wait3A_456 = arith.constant 0 : i32
      %dma_wait3A_457 = tpu.memref_slice %arg9[%dma_wait3A_453, %dma_wait3A_455, %dma_wait3A_456] : memref<2x128x128xf32, #tpu.memory_space<vmem>> -> memref<1x128x128xf32, #tpu.memory_space<vmem>>
      %dma_wait3A_458 = tpu.memref_squeeze %dma_wait3A_457 : memref<1x128x128xf32, #tpu.memory_space<vmem>> -> memref<128x128xf32, #tpu.memory_space<vmem>>
      %dma_wait3A_459 = arith.constant 0 : i32
      %dma_wait3A_460 = tpu.memref_slice %arg8[%dma_wait3A_454, %dma_wait3A_459] : memref<8x128xi32, #tpu.memory_space<vmem>> -> memref<1x128xi32, #tpu.memory_space<vmem>>
      %dma_wait3A_461 = tpu.memref_squeeze %dma_wait3A_460 : memref<1x128xi32, #tpu.memory_space<vmem>> -> memref<128xi32, #tpu.memory_space<vmem>>
      %dma_wait3A_462 = arith.constant 0 : i32
      %dma_wait3A_463 = arith.constant 0 : i32
      %dma_wait3A_464 = tpu.memref_slice %arg10[%dma_wait3A_462, %dma_wait3A_463] : memref<10240x128xf32, #tpu.memory_space<vmem_shared>> -> memref<10240x128xf32, #tpu.memory_space<vmem_shared>>
      tpu.wait_indirect_dma semaphore(%arg14 : memref<!tpu.dma_semaphore, #tpu.memory_space<semaphore_mem>>) src(%dma_wait3A_458 : memref<128x128xf32, #tpu.memory_space<vmem>>) dst(%dma_wait3A_464 : memref<10240x128xf32, #tpu.memory_space<vmem_shared>>)
    }
    %scan3A_5 = arith.constant 10 : i32
    %barrier3A_6 = arith.constant 0 : index
    tpu.barrier barrier_id(%barrier3A_6)
    %mul3A_7 = arith.constant 640 : i32
    %mul3A_8 = arith.muli %arg1, %mul3A_7 : i32
    %mul3A_9 = arith.constant 640 : i32
    %mul3A_10 = arith.muli %arg1, %mul3A_9 : i32
    "tpu.region"() ({
      %run_scoped3A = tpu.sem_alloc : memref<!tpu.dma_semaphore, #tpu.memory_space<semaphore_mem>>
      %dma_start3A = arith.constant 0 : i32
      %dma_start3A_11 = arith.constant 0 : i32
      %dma_start3A_12 = tpu.memref_slice %arg6[%arg0, %dma_start3A, %dma_start3A_11] : memref<2x10240x128xf32, #tpu.memory_space<hbm>> -> memref<1x10240x128xf32, #tpu.memory_space<hbm>>
      %dma_start3A_13 = tpu.memref_squeeze %dma_start3A_12 : memref<1x10240x128xf32, #tpu.memory_space<hbm>> -> memref<10240x128xf32, #tpu.memory_space<hbm>>
      %dma_start3A_14 = arith.constant 0 : i32
      %dma_start3A_15 = tpu.memref_slice %dma_start3A_13[%mul3A_10, %dma_start3A_14] : memref<10240x128xf32, #tpu.memory_space<hbm>> -> memref<640x128xf32, #tpu.memory_space<hbm>>
      %dma_start3A_16 = arith.constant 0 : i32
      %dma_start3A_17 = tpu.memref_slice %arg10[%mul3A_8, %dma_start3A_16] : memref<10240x128xf32, #tpu.memory_space<vmem_shared>> -> memref<640x128xf32, #tpu.memory_space<vmem_shared>>
      tpu.enqueue_dma source(%dma_start3A_17 : memref<640x128xf32, #tpu.memory_space<vmem_shared>>) target(%dma_start3A_15 : memref<640x128xf32, #tpu.memory_space<hbm>>) target_semaphore(%run_scoped3A : memref<!tpu.dma_semaphore, #tpu.memory_space<semaphore_mem>>)
      %dma_wait3A = arith.constant 0 : i32
      %dma_wait3A_18 = arith.constant 0 : i32
      %dma_wait3A_19 = tpu.memref_slice %arg6[%arg0, %dma_wait3A, %dma_wait3A_18] : memref<2x10240x128xf32, #tpu.memory_space<hbm>> -> memref<1x10240x128xf32, #tpu.memory_space<hbm>>
      %dma_wait3A_20 = tpu.memref_squeeze %dma_wait3A_19 : memref<1x10240x128xf32, #tpu.memory_space<hbm>> -> memref<10240x128xf32, #tpu.memory_space<hbm>>
      %dma_wait3A_21 = arith.constant 0 : i32
      %dma_wait3A_22 = tpu.memref_slice %dma_wait3A_20[%mul3A_10, %dma_wait3A_21] : memref<10240x128xf32, #tpu.memory_space<hbm>> -> memref<640x128xf32, #tpu.memory_space<hbm>>
      %dma_wait3A_23 = arith.constant 0 : i32
      %dma_wait3A_24 = tpu.memref_slice %arg10[%mul3A_8, %dma_wait3A_23] : memref<10240x128xf32, #tpu.memory_space<vmem_shared>> -> memref<640x128xf32, #tpu.memory_space<vmem_shared>>
      tpu.wait_dma2 semaphore(%run_scoped3A : memref<!tpu.dma_semaphore, #tpu.memory_space<semaphore_mem>>) src(%dma_wait3A_24 : memref<640x128xf32, #tpu.memory_space<vmem_shared>>) dst(%dma_wait3A_22 : memref<640x128xf32, #tpu.memory_space<hbm>>)
      tpu.yield
    }) : () -> ()
    return
  }
}

module attributes {stable_mosaic.version = 14 : i64} {
  func.func @_stage_b(%arg0: memref<2x10240x128xf32, #tpu.memory_space<vmem>>, %arg1: memref<10000x2xf32, #tpu.memory_space<vmem>>, %arg2: memref<128x256xf32, #tpu.memory_space<vmem>>, %arg3: memref<1x256xf32, #tpu.memory_space<vmem>>, %arg4: memref<1x256xf32, #tpu.memory_space<vmem>>, %arg5: memref<1x256xf32, #tpu.memory_space<vmem>>, %arg6: memref<2x10240x128xf32, #tpu.memory_space<vmem>>) attributes {dimension_semantics = [], scalar_prefetch = 0 : i64, scratch_operands = 0 : i64, tpu.core_type = #tpu.core_type<tc>} {
    %get3A = arith.constant 0 : index
    %get3A_0 = arith.constant 0 : index
    %get3A_1 = vector.load %arg1[%get3A, %get3A_0] : memref<10000x2xf32, #tpu.memory_space<vmem>>, vector<10000x1xf32>
    %get3A_2 = arith.constant 0 : index
    %get3A_3 = arith.constant 1 : index
    %get3A_4 = vector.load %arg1[%get3A_2, %get3A_3] : memref<10000x2xf32, #tpu.memory_space<vmem>>, vector<10000x1xf32>
    %get3A_5 = arith.constant 0 : index
    %get3A_6 = arith.constant 0 : index
    %get3A_7 = arith.constant 0 : index
    %get3A_8 = vector.load %arg0[%get3A_5, %get3A_6, %get3A_7] : memref<2x10240x128xf32, #tpu.memory_space<vmem>>, vector<1x10240x128xf32>
    %get3A_9 = vector.shape_cast %get3A_8 : vector<1x10240x128xf32> to vector<10240x128xf32>
    %slice3A = vector.extract_strided_slice %get3A_9 {offsets = [0, 0], sizes = [10000, 128], strides = [1, 1]} : vector<10240x128xf32> to vector<10000x128xf32>
    %get3A_10 = arith.constant 1 : index
    %get3A_11 = arith.constant 0 : index
    %get3A_12 = arith.constant 0 : index
    %get3A_13 = vector.load %arg0[%get3A_10, %get3A_11, %get3A_12] : memref<2x10240x128xf32, #tpu.memory_space<vmem>>, vector<1x10240x128xf32>
    %get3A_14 = vector.shape_cast %get3A_13 : vector<1x10240x128xf32> to vector<10240x128xf32>
    %slice3A_15 = vector.extract_strided_slice %get3A_14 {offsets = [0, 0], sizes = [10000, 128], strides = [1, 1]} : vector<10240x128xf32> to vector<10000x128xf32>
    %add3A = arith.addf %slice3A, %slice3A_15 : vector<10000x128xf32>
    %mul3A = vector.broadcast %get3A_4 : vector<10000x1xf32> to vector<10000x128xf32>
    %mul3A_16 = arith.mulf %add3A, %mul3A : vector<10000x128xf32>
    %get3A_17 = arith.constant 0 : index
    %get3A_18 = arith.constant 0 : index
    %get3A_19 = vector.load %arg2[%get3A_17, %get3A_18] : memref<128x256xf32, #tpu.memory_space<vmem>>, vector<128x256xf32>
    %dot_general3A = arith.constant dense<0.000000e+00> : vector<10000x256xf32>
    %dot_general3A_20 = tpu.matmul %mul3A_16, %get3A_19, %dot_general3A {dimension_numbers = #tpu.dot_dimension_numbers<[1], [0], [0], [1], [0, 0, 1, 1], [], []>, transpose_lhs_hint = false} : vector<10000x128xf32>, vector<128x256xf32>, vector<10000x256xf32> -> vector<10000x256xf32>
    %get3A_21 = arith.constant 0 : index
    %get3A_22 = arith.constant 0 : index
    %get3A_23 = vector.load %arg3[%get3A_21, %get3A_22] : memref<1x256xf32, #tpu.memory_space<vmem>>, vector<1x256xf32>
    %add3A_24 = vector.broadcast %get3A_23 : vector<1x256xf32> to vector<10000x256xf32>
    %add3A_25 = arith.addf %dot_general3A_20, %add3A_24 : vector<10000x256xf32>
    %reduce_sum3A = arith.constant dense<0.000000e+00> : vector<256xf32>
    %reduce_sum3A_26 = vector.multi_reduction <add>, %add3A_25, %reduce_sum3A [0] : vector<10000x256xf32> to vector<256xf32>
    %broadcast_in_dim3A = vector.shape_cast %reduce_sum3A_26 : vector<256xf32> to vector<1x256xf32>
    %div3A = arith.constant 1.000000e+04 : f32
    %div3A_27 = vector.broadcast %div3A : f32 to vector<1x256xf32>
    %div3A_28 = arith.divf %broadcast_in_dim3A, %div3A_27 : vector<1x256xf32>
    %sub3A = vector.broadcast %div3A_28 : vector<1x256xf32> to vector<10000x256xf32>
    %sub3A_29 = arith.subf %add3A_25, %sub3A : vector<10000x256xf32>
    %mul3A_30 = arith.mulf %sub3A_29, %sub3A_29 : vector<10000x256xf32>
    %reduce_sum3A_31 = arith.constant dense<0.000000e+00> : vector<256xf32>
    %reduce_sum3A_32 = vector.multi_reduction <add>, %mul3A_30, %reduce_sum3A_31 [0] : vector<10000x256xf32> to vector<256xf32>
    %broadcast_in_dim3A_33 = vector.shape_cast %reduce_sum3A_32 : vector<256xf32> to vector<1x256xf32>
    %div3A_34 = arith.constant 1.000000e+04 : f32
    %div3A_35 = vector.broadcast %div3A_34 : f32 to vector<1x256xf32>
    %div3A_36 = arith.divf %broadcast_in_dim3A_33, %div3A_35 : vector<1x256xf32>
    %add3A_37 = arith.constant 9.99999974E-6 : f32
    %add3A_38 = vector.broadcast %add3A_37 : f32 to vector<1x256xf32>
    %add3A_39 = arith.addf %div3A_36, %add3A_38 : vector<1x256xf32>
    %rsqrt3A = math.rsqrt %add3A_39 : vector<1x256xf32>
    %mul3A_40 = vector.broadcast %rsqrt3A : vector<1x256xf32> to vector<10000x256xf32>
    %mul3A_41 = arith.mulf %sub3A_29, %mul3A_40 : vector<10000x256xf32>
    %get3A_42 = arith.constant 0 : index
    %get3A_43 = arith.constant 0 : index
    %get3A_44 = vector.load %arg4[%get3A_42, %get3A_43] : memref<1x256xf32, #tpu.memory_space<vmem>>, vector<1x256xf32>
    %mul3A_45 = vector.broadcast %get3A_44 : vector<1x256xf32> to vector<10000x256xf32>
    %mul3A_46 = arith.mulf %mul3A_41, %mul3A_45 : vector<10000x256xf32>
    %get3A_47 = arith.constant 0 : index
    %get3A_48 = arith.constant 0 : index
    %get3A_49 = vector.load %arg5[%get3A_47, %get3A_48] : memref<1x256xf32, #tpu.memory_space<vmem>>, vector<1x256xf32>
    %add3A_50 = vector.broadcast %get3A_49 : vector<1x256xf32> to vector<10000x256xf32>
    %add3A_51 = arith.addf %mul3A_46, %add3A_50 : vector<10000x256xf32>
    %max3A = arith.constant 0.000000e+00 : f32
    %max3A_52 = vector.broadcast %max3A : f32 to vector<10000x256xf32>
    %max3A_53 = arith.maximumf %add3A_51, %max3A_52 : vector<10000x256xf32>
    %mul3A_54 = vector.broadcast %get3A_1 : vector<10000x1xf32> to vector<10000x256xf32>
    %mul3A_55 = arith.mulf %max3A_53, %mul3A_54 : vector<10000x256xf32>
    %slice3A_56 = vector.extract_strided_slice %mul3A_55 {offsets = [0, 0], sizes = [10000, 128], strides = [1, 1]} : vector<10000x256xf32> to vector<10000x128xf32>
    %swap3A = arith.constant 0 : index
    %swap3A_57 = arith.constant 0 : index
    %swap3A_58 = arith.constant 0 : index
    %swap3A_59 = vector.load %arg6[%swap3A, %swap3A_57, %swap3A_58] : memref<2x10240x128xf32, #tpu.memory_space<vmem>>, vector<1x10000x128xf32>
    %swap3A_60 = vector.shape_cast %swap3A_59 : vector<1x10000x128xf32> to vector<10000x128xf32>
    %swap3A_61 = vector.shape_cast %slice3A_56 : vector<10000x128xf32> to vector<1x10000x128xf32>
    tpu.vector_store %arg6[%swap3A, %swap3A_57, %swap3A_58], %swap3A_61 {strides = array<i32>} : memref<2x10240x128xf32, #tpu.memory_space<vmem>>, vector<1x10000x128xf32>,
    %slice3A_62 = vector.extract_strided_slice %mul3A_55 {offsets = [0, 128], sizes = [10000, 128], strides = [1, 1]} : vector<10000x256xf32> to vector<10000x128xf32>
    %swap3A_63 = arith.constant 1 : index
    %swap3A_64 = arith.constant 0 : index
    %swap3A_65 = arith.constant 0 : index
    %swap3A_66 = vector.load %arg6[%swap3A_63, %swap3A_64, %swap3A_65] : memref<2x10240x128xf32, #tpu.memory_space<vmem>>, vector<1x10000x128xf32>
    %swap3A_67 = vector.shape_cast %swap3A_66 : vector<1x10000x128xf32> to vector<10000x128xf32>
    %swap3A_68 = vector.shape_cast %slice3A_62 : vector<10000x128xf32> to vector<1x10000x128xf32>
    tpu.vector_store %arg6[%swap3A_63, %swap3A_64, %swap3A_65], %swap3A_68 {strides = array<i32>} : memref<2x10240x128xf32, #tpu.memory_space<vmem>>, vector<1x10000x128xf32>,
    return
  }
}

module attributes {stable_mosaic.version = 14 : i64} {
  func.func @_stage_a(%arg0: memref<10000x2xf32, #tpu.memory_space<vmem>>, %arg1: memref<10000x128xf32, #tpu.memory_space<vmem>>, %arg2: memref<2x10240x128xf32, #tpu.memory_space<vmem>>, %arg3: memref<10000x2xf32, #tpu.memory_space<vmem>>) attributes {dimension_semantics = [], scalar_prefetch = 0 : i64, scratch_operands = 0 : i64, tpu.core_type = #tpu.core_type<tc>} {
    %get3A = arith.constant 0 : index
    %get3A_0 = arith.constant 0 : index
    %get3A_1 = vector.load %arg0[%get3A, %get3A_0] : memref<10000x2xf32, #tpu.memory_space<vmem>>, vector<10000x1xf32>
    %jit3A = arith.constant 1.000000e+00 : f32
    %max3A = vector.broadcast %jit3A : f32 to vector<10000x1xf32>
    %max3A_2 = arith.maximumf %max3A, %get3A_1 : vector<10000x1xf32>
    %rsqrt3A = math.rsqrt %max3A_2 : vector<10000x1xf32>
    %get3A_3 = arith.constant 0 : index
    %get3A_4 = arith.constant 1 : index
    %get3A_5 = vector.load %arg0[%get3A_3, %get3A_4] : memref<10000x2xf32, #tpu.memory_space<vmem>>, vector<10000x1xf32>
    %jit3A_6 = arith.constant 1.000000e+00 : f32
    %max3A_7 = vector.broadcast %jit3A_6 : f32 to vector<10000x1xf32>
    %max3A_8 = arith.maximumf %max3A_7, %get3A_5 : vector<10000x1xf32>
    %rsqrt3A_9 = math.rsqrt %max3A_8 : vector<10000x1xf32>
    %swap3A = arith.constant 0 : index
    %swap3A_10 = arith.constant 0 : index
    %swap3A_11 = vector.load %arg3[%swap3A, %swap3A_10] : memref<10000x2xf32, #tpu.memory_space<vmem>>, vector<10000x1xf32>
    tpu.vector_store %arg3[%swap3A, %swap3A_10], %rsqrt3A {strides = array<i32>} : memref<10000x2xf32, #tpu.memory_space<vmem>>, vector<10000x1xf32>,
    %swap3A_12 = arith.constant 0 : index
    %swap3A_13 = arith.constant 1 : index
    %swap3A_14 = vector.load %arg3[%swap3A_12, %swap3A_13] : memref<10000x2xf32, #tpu.memory_space<vmem>>, vector<10000x1xf32>
    tpu.vector_store %arg3[%swap3A_12, %swap3A_13], %rsqrt3A_9 {strides = array<i32>} : memref<10000x2xf32, #tpu.memory_space<vmem>>, vector<10000x1xf32>,
    %get3A_15 = arith.constant 0 : index
    %get3A_16 = arith.constant 0 : index
    %get3A_17 = vector.load %arg1[%get3A_15, %get3A_16] : memref<10000x128xf32, #tpu.memory_space<vmem>>, vector<10000x128xf32>
    %mul3A = vector.broadcast %rsqrt3A : vector<10000x1xf32> to vector<10000x128xf32>
    %mul3A_18 = arith.mulf %get3A_17, %mul3A : vector<10000x128xf32>
    %swap3A_19 = arith.constant 0 : index
    %swap3A_20 = arith.constant 0 : index
    %swap3A_21 = arith.constant 0 : index
    %swap3A_22 = vector.load %arg2[%swap3A_19, %swap3A_20, %swap3A_21] : memref<2x10240x128xf32, #tpu.memory_space<vmem>>, vector<1x10000x128xf32>
    %swap3A_23 = vector.shape_cast %swap3A_22 : vector<1x10000x128xf32> to vector<10000x128xf32>
    %swap3A_24 = vector.shape_cast %mul3A_18 : vector<10000x128xf32> to vector<1x10000x128xf32>
    tpu.vector_store %arg2[%swap3A_19, %swap3A_20, %swap3A_21], %swap3A_24 {strides = array<i32>} : memref<2x10240x128xf32, #tpu.memory_space<vmem>>, vector<1x10000x128xf32>,
    %swap3A_25 = arith.constant 1 : index
    %swap3A_26 = arith.constant 0 : index
    %swap3A_27 = arith.constant 0 : index
    %swap3A_28 = vector.load %arg2[%swap3A_25, %swap3A_26, %swap3A_27] : memref<2x10240x128xf32, #tpu.memory_space<vmem>>, vector<1x10000x128xf32>
    %swap3A_29 = vector.shape_cast %swap3A_28 : vector<1x10000x128xf32> to vector<10000x128xf32>
    %swap3A_30 = vector.shape_cast %mul3A_18 : vector<10000x128xf32> to vector<1x10000x128xf32>
    tpu.vector_store %arg2[%swap3A_25, %swap3A_26, %swap3A_27], %swap3A_30 {strides = array<i32>} : memref<2x10240x128xf32, #tpu.memory_space<vmem>>, vector<1x10000x128xf32>,
    return
  }
}

module attributes {stable_mosaic.version = 14 : i64} {
  func.func @_stage_c(%arg0: memref<2x10240x128xf32, #tpu.memory_space<vmem>>, %arg1: memref<10000x2xf32, #tpu.memory_space<vmem>>, %arg2: memref<256x256xf32, #tpu.memory_space<vmem>>, %arg3: memref<1x256xf32, #tpu.memory_space<vmem>>, %arg4: memref<1x256xf32, #tpu.memory_space<vmem>>, %arg5: memref<1x256xf32, #tpu.memory_space<vmem>>, %arg6: memref<256x40xf32, #tpu.memory_space<vmem>>, %arg7: memref<2x10240x40xf32, #tpu.memory_space<vmem>>) attributes {dimension_semantics = [], scalar_prefetch = 0 : i64, scratch_operands = 0 : i64, tpu.core_type = #tpu.core_type<tc>} {
    %get3A = arith.constant 0 : index
    %get3A_0 = arith.constant 0 : index
    %get3A_1 = vector.load %arg1[%get3A, %get3A_0] : memref<10000x2xf32, #tpu.memory_space<vmem>>, vector<10000x1xf32>
    %get3A_2 = arith.constant 0 : index
    %get3A_3 = arith.constant 1 : index
    %get3A_4 = vector.load %arg1[%get3A_2, %get3A_3] : memref<10000x2xf32, #tpu.memory_space<vmem>>, vector<10000x1xf32>
    %get3A_5 = arith.constant 0 : index
    %get3A_6 = arith.constant 0 : index
    %get3A_7 = arith.constant 0 : index
    %get3A_8 = vector.load %arg0[%get3A_5, %get3A_6, %get3A_7] : memref<2x10240x128xf32, #tpu.memory_space<vmem>>, vector<1x10240x128xf32>
    %get3A_9 = vector.shape_cast %get3A_8 : vector<1x10240x128xf32> to vector<10240x128xf32>
    %slice3A = vector.extract_strided_slice %get3A_9 {offsets = [0, 0], sizes = [10000, 128], strides = [1, 1]} : vector<10240x128xf32> to vector<10000x128xf32>
    %mul3A = vector.broadcast %get3A_4 : vector<10000x1xf32> to vector<10000x128xf32>
    %mul3A_10 = arith.mulf %slice3A, %mul3A : vector<10000x128xf32>
    %get3A_11 = arith.constant 1 : index
    %get3A_12 = arith.constant 0 : index
    %get3A_13 = arith.constant 0 : index
    %get3A_14 = vector.load %arg0[%get3A_11, %get3A_12, %get3A_13] : memref<2x10240x128xf32, #tpu.memory_space<vmem>>, vector<1x10240x128xf32>
    %get3A_15 = vector.shape_cast %get3A_14 : vector<1x10240x128xf32> to vector<10240x128xf32>
    %slice3A_16 = vector.extract_strided_slice %get3A_15 {offsets = [0, 0], sizes = [10000, 128], strides = [1, 1]} : vector<10240x128xf32> to vector<10000x128xf32>
    %mul3A_17 = vector.broadcast %get3A_4 : vector<10000x1xf32> to vector<10000x128xf32>
    %mul3A_18 = arith.mulf %slice3A_16, %mul3A_17 : vector<10000x128xf32>
    %get3A_19 = arith.constant 0 : index
    %get3A_20 = arith.constant 0 : index
    %get3A_21 = vector.load %arg2[%get3A_19, %get3A_20] : memref<256x256xf32, #tpu.memory_space<vmem>>, vector<128x256xf32>
    %dot_general3A = arith.constant dense<0.000000e+00> : vector<10000x256xf32>
    %dot_general3A_22 = tpu.matmul %mul3A_10, %get3A_21, %dot_general3A {dimension_numbers = #tpu.dot_dimension_numbers<[1], [0], [0], [1], [0, 0, 1, 1], [], []>, transpose_lhs_hint = false} : vector<10000x128xf32>, vector<128x256xf32>, vector<10000x256xf32> -> vector<10000x256xf32>
    %get3A_23 = arith.constant 128 : index
    %get3A_24 = arith.constant 0 : index
    %get3A_25 = vector.load %arg2[%get3A_23, %get3A_24] : memref<256x256xf32, #tpu.memory_space<vmem>>, vector<128x256xf32>
    %dot_general3A_26 = arith.constant dense<0.000000e+00> : vector<10000x256xf32>
    %dot_general3A_27 = tpu.matmul %mul3A_18, %get3A_25, %dot_general3A_26 {dimension_numbers = #tpu.dot_dimension_numbers<[1], [0], [0], [1], [0, 0, 1, 1], [], []>, transpose_lhs_hint = false} : vector<10000x128xf32>, vector<128x256xf32>, vector<10000x256xf32> -> vector<10000x256xf32>
    %add3A = arith.addf %dot_general3A_22, %dot_general3A_27 : vector<10000x256xf32>
    %get3A_28 = arith.constant 0 : index
    %get3A_29 = arith.constant 0 : index
    %get3A_30 = vector.load %arg3[%get3A_28, %get3A_29] : memref<1x256xf32, #tpu.memory_space<vmem>>, vector<1x256xf32>
    %add3A_31 = vector.broadcast %get3A_30 : vector<1x256xf32> to vector<10000x256xf32>
    %add3A_32 = arith.addf %add3A, %add3A_31 : vector<10000x256xf32>
    %reduce_sum3A = arith.constant dense<0.000000e+00> : vector<256xf32>
    %reduce_sum3A_33 = vector.multi_reduction <add>, %add3A_32, %reduce_sum3A [0] : vector<10000x256xf32> to vector<256xf32>
    %broadcast_in_dim3A = vector.shape_cast %reduce_sum3A_33 : vector<256xf32> to vector<1x256xf32>
    %div3A = arith.constant 1.000000e+04 : f32
    %div3A_34 = vector.broadcast %div3A : f32 to vector<1x256xf32>
    %div3A_35 = arith.divf %broadcast_in_dim3A, %div3A_34 : vector<1x256xf32>
    %sub3A = vector.broadcast %div3A_35 : vector<1x256xf32> to vector<10000x256xf32>
    %sub3A_36 = arith.subf %add3A_32, %sub3A : vector<10000x256xf32>
    %mul3A_37 = arith.mulf %sub3A_36, %sub3A_36 : vector<10000x256xf32>
    %reduce_sum3A_38 = arith.constant dense<0.000000e+00> : vector<256xf32>
    %reduce_sum3A_39 = vector.multi_reduction <add>, %mul3A_37, %reduce_sum3A_38 [0] : vector<10000x256xf32> to vector<256xf32>
    %broadcast_in_dim3A_40 = vector.shape_cast %reduce_sum3A_39 : vector<256xf32> to vector<1x256xf32>
    %div3A_41 = arith.constant 1.000000e+04 : f32
    %div3A_42 = vector.broadcast %div3A_41 : f32 to vector<1x256xf32>
    %div3A_43 = arith.divf %broadcast_in_dim3A_40, %div3A_42 : vector<1x256xf32>
    %add3A_44 = arith.constant 9.99999974E-6 : f32
    %add3A_45 = vector.broadcast %add3A_44 : f32 to vector<1x256xf32>
    %add3A_46 = arith.addf %div3A_43, %add3A_45 : vector<1x256xf32>
    %rsqrt3A = math.rsqrt %add3A_46 : vector<1x256xf32>
    %mul3A_47 = vector.broadcast %rsqrt3A : vector<1x256xf32> to vector<10000x256xf32>
    %mul3A_48 = arith.mulf %sub3A_36, %mul3A_47 : vector<10000x256xf32>
    %get3A_49 = arith.constant 0 : index
    %get3A_50 = arith.constant 0 : index
    %get3A_51 = vector.load %arg4[%get3A_49, %get3A_50] : memref<1x256xf32, #tpu.memory_space<vmem>>, vector<1x256xf32>
    %mul3A_52 = vector.broadcast %get3A_51 : vector<1x256xf32> to vector<10000x256xf32>
    %mul3A_53 = arith.mulf %mul3A_48, %mul3A_52 : vector<10000x256xf32>
    %get3A_54 = arith.constant 0 : index
    %get3A_55 = arith.constant 0 : index
    %get3A_56 = vector.load %arg5[%get3A_54, %get3A_55] : memref<1x256xf32, #tpu.memory_space<vmem>>, vector<1x256xf32>
    %add3A_57 = vector.broadcast %get3A_56 : vector<1x256xf32> to vector<10000x256xf32>
    %add3A_58 = arith.addf %mul3A_53, %add3A_57 : vector<10000x256xf32>
    %max3A = arith.constant 0.000000e+00 : f32
    %max3A_59 = vector.broadcast %max3A : f32 to vector<10000x256xf32>
    %max3A_60 = arith.maximumf %add3A_58, %max3A_59 : vector<10000x256xf32>
    %get3A_61 = arith.constant 0 : index
    %get3A_62 = arith.constant 0 : index
    %get3A_63 = vector.load %arg6[%get3A_61, %get3A_62] : memref<256x40xf32, #tpu.memory_space<vmem>>, vector<256x40xf32>
    %dot_general3A_64 = arith.constant dense<0.000000e+00> : vector<10000x40xf32>
    %dot_general3A_65 = tpu.matmul %max3A_60, %get3A_63, %dot_general3A_64 {dimension_numbers = #tpu.dot_dimension_numbers<[1], [0], [0], [1], [0, 0, 1, 1], [], []>, transpose_lhs_hint = false} : vector<10000x256xf32>, vector<256x40xf32>, vector<10000x40xf32> -> vector<10000x40xf32>
    %mul3A_66 = vector.broadcast %get3A_1 : vector<10000x1xf32> to vector<10000x40xf32>
    %mul3A_67 = arith.mulf %dot_general3A_65, %mul3A_66 : vector<10000x40xf32>
    %swap3A = arith.constant 0 : index
    %swap3A_68 = arith.constant 0 : index
    %swap3A_69 = arith.constant 0 : index
    %swap3A_70 = vector.load %arg7[%swap3A, %swap3A_68, %swap3A_69] : memref<2x10240x40xf32, #tpu.memory_space<vmem>>, vector<1x10000x40xf32>
    %swap3A_71 = vector.shape_cast %swap3A_70 : vector<1x10000x40xf32> to vector<10000x40xf32>
    %swap3A_72 = vector.shape_cast %mul3A_67 : vector<10000x40xf32> to vector<1x10000x40xf32>
    tpu.vector_store %arg7[%swap3A, %swap3A_68, %swap3A_69], %swap3A_72 {strides = array<i32>} : memref<2x10240x40xf32, #tpu.memory_space<vmem>>, vector<1x10000x40xf32>,
    %swap3A_73 = arith.constant 1 : index
    %swap3A_74 = arith.constant 0 : index
    %swap3A_75 = arith.constant 0 : index
    %swap3A_76 = vector.load %arg7[%swap3A_73, %swap3A_74, %swap3A_75] : memref<2x10240x40xf32, #tpu.memory_space<vmem>>, vector<1x10000x40xf32>
    %swap3A_77 = vector.shape_cast %swap3A_76 : vector<1x10000x40xf32> to vector<10000x40xf32>
    %swap3A_78 = vector.shape_cast %mul3A_67 : vector<10000x40xf32> to vector<1x10000x40xf32>
    tpu.vector_store %arg7[%swap3A_73, %swap3A_74, %swap3A_75], %swap3A_78 {strides = array<i32>} : memref<2x10240x40xf32, #tpu.memory_space<vmem>>, vector<1x10000x40xf32>,
    return
  }
}

module attributes {stable_mosaic.version = 14 : i64} {
  func.func @_stage_d(%arg0: memref<2x10240x40xf32, #tpu.memory_space<vmem>>, %arg1: memref<10000x2xf32, #tpu.memory_space<vmem>>, %arg2: memref<1x40xf32, #tpu.memory_space<vmem>>, %arg3: memref<10000x40xf32, #tpu.memory_space<vmem>>) attributes {dimension_semantics = [], scalar_prefetch = 0 : i64, scratch_operands = 0 : i64, tpu.core_type = #tpu.core_type<tc>} {
    %get3A = arith.constant 0 : index
    %get3A_0 = arith.constant 1 : index
    %get3A_1 = vector.load %arg1[%get3A, %get3A_0] : memref<10000x2xf32, #tpu.memory_space<vmem>>, vector<10000x1xf32>
    %get3A_2 = arith.constant 0 : index
    %get3A_3 = arith.constant 0 : index
    %get3A_4 = arith.constant 0 : index
    %get3A_5 = vector.load %arg0[%get3A_2, %get3A_3, %get3A_4] : memref<2x10240x40xf32, #tpu.memory_space<vmem>>, vector<1x10240x40xf32>
    %get3A_6 = vector.shape_cast %get3A_5 : vector<1x10240x40xf32> to vector<10240x40xf32>
    %slice3A = vector.extract_strided_slice %get3A_6 {offsets = [0, 0], sizes = [10000, 40], strides = [1, 1]} : vector<10240x40xf32> to vector<10000x40xf32>
    %get3A_7 = arith.constant 1 : index
    %get3A_8 = arith.constant 0 : index
    %get3A_9 = arith.constant 0 : index
    %get3A_10 = vector.load %arg0[%get3A_7, %get3A_8, %get3A_9] : memref<2x10240x40xf32, #tpu.memory_space<vmem>>, vector<1x10240x40xf32>
    %get3A_11 = vector.shape_cast %get3A_10 : vector<1x10240x40xf32> to vector<10240x40xf32>
    %slice3A_12 = vector.extract_strided_slice %get3A_11 {offsets = [0, 0], sizes = [10000, 40], strides = [1, 1]} : vector<10240x40xf32> to vector<10000x40xf32>
    %add3A = arith.addf %slice3A, %slice3A_12 : vector<10000x40xf32>
    %mul3A = vector.broadcast %get3A_1 : vector<10000x1xf32> to vector<10000x40xf32>
    %mul3A_13 = arith.mulf %add3A, %mul3A : vector<10000x40xf32>
    %get3A_14 = arith.constant 0 : index
    %get3A_15 = arith.constant 0 : index
    %get3A_16 = vector.load %arg2[%get3A_14, %get3A_15] : memref<1x40xf32, #tpu.memory_space<vmem>>, vector<1x40xf32>
    %add3A_17 = vector.broadcast %get3A_16 : vector<1x40xf32> to vector<10000x40xf32>
    %add3A_18 = arith.addf %mul3A_13, %add3A_17 : vector<10000x40xf32>
    %swap3A = arith.constant 0 : index
    %swap3A_19 = arith.constant 0 : index
    %swap3A_20 = vector.load %arg3[%swap3A, %swap3A_19] : memref<10000x40xf32, #tpu.memory_space<vmem>>, vector<10000x40xf32>
    tpu.vector_store %arg3[%swap3A, %swap3A_19], %add3A_18 {strides = array<i32>} : memref<10000x40xf32, #tpu.memory_space<vmem>>, vector<10000x40xf32>,
    return
  }
}

</mosaic_0001>

<sc_bundles>
// kernel: gcn_agg_es_128.3.cloned.1.call-start
scs
__scs_entry_jumppad:
0x0: {  	(pc) =	sbr.rel $0x88, $3  }
0x1: {  	(tag) =	ssettag $0x0;
	lr =	simm.s32 $0x1  }
0x2: {  	[smem:$0x3F95] =	sst lr;
	_ =	strace $0xD0000000  }
0x3: {  	_ = 	snop  }
0x4: {  	_ = 	snop  }
0x5: {  	_ = 	snop  }
0x6: {  	_ = 	snop  }
0x7: {  	_ = 	snop  }
__scs_overlays_trampoline_lowered:
0x8: {  	[smem:$0x3FA4] =	sst s0  }
0x9: {  	[smem:$0x3FA5] =	sst s1  }
0xa: {  	[smem:$0x3FA6] =	sst s2  }
0xb: {  	[smem:$0x3FA7] =	sst s3  }
0xc: {  	[smem:$0x3FA8] =	sst s4  }
0xd: {  	[smem:$0x3FA9] =	sst s5  }
0xe: {  	[smem:$0x3FAA] =	sst s6  }
0xf: {  	[smem:$0x3FAB] =	sst s7  }
0x10: {  	[smem:$0x3FAC] =	sst s8  }
0x11: {  	[smem:$0x3FAD] =	sst s9;
	s0 =	simm.s32 @!p0 $0x0  }
0x12: {  	s1 =	sld [smem:$0x3F93];
	s0 =	simm.s32 @p0 $0x1  }
0x13: {  	[smem:$0x3FAE] =	sst s0;
	s0 =	simm.s32 @!p1 $0x0  }
0x14: {  	s2 =	sld [smem:$0x3F92];
	s0 =	simm.s32 @p1 $0x1  }
0x15: {  	[smem:$0x3FAF] =	sst s0;
	s0 =	simm.s32 @!p2 $0x0  }
0x16: {  	s3 =	sld [smem:$0x3FDB];
	s0 =	simm.s32 @p2 $0x1  }
0x17: {  	s4 =	simm.s32 $0x1BF5;
	[smem:$0x3FB1] =	sst s0  }
0x18: {  	s0 =	sld [smem:$0x3F94];
	_ =	swait.ge [sflag:s4], $0x0  }
0x19: {  	s7 =	sld [smem:$0x3F95]  }
0x1a: {  	s8 =	sadd.s32 $0xFFFFE003, lr  }
0x1b: {  	s9 =	sadd.s32 $0xFFFFFEF7, lr;
	s5 =	simm.s32 $0xFFFFFFFF;
	p2 =	slt.u32 s8, $0xFFFFF086  }
0x1c: {  	p1 =	slt.u32 s9, $0xF7A;
	s5 =	simm.s32 @!p2 $0x0  }
0x1d: {  	s5 =	simm.s32 @p1 $0x1;
	p0 =	seq.s32 s7, s2  }
0x1e: {  	s7 =	smul.u32 @!p0 $0xF7A, s2;
	p2 =	seq.s32 @!p0 s5, $0x0  }
0x1f: {  	s9 =	smul.u32 $0xF7A, s1;
	s8 =	simm.s32 @!p0 $0x1BF5;
	p2 =	por !p2, p0  }
0x20: {  	[sflag:s8] =	ssyncset.s32 @!p0 $0xFFFFF086;
	s6 =	sadd.s32 @!p0 s3, s7;
	s7 =	simm.s32 @!p0 $0x108  }
0x21: {  	s3 =	sadd.s32 s3, s9;
	s6 =	sadd.s32 @!p0 $0x88, s6;
	s7 =	simm.s32 @p2 $0x1082  }
0x22: {  	[simem:s7], [sflag:s8] =	dma.local @!p0 [hbm:s6], $0xF7A  }
0x23: {  	s9 =	sor.u32 $0xD0000000, s2;
	s6 =	simm.s32 $0x108;
	_ =	swait.ge @!p0 [sflag:s8], $0x0  }
0x24: {  	s3 =	sadd.s32 $0x88, s3;
	s6 =	simm.s32 @!p1 $0x1082;
	[sflag:s4] =	ssyncset.s32 $0xFFFFF086  }
0x25: {  	[simem:s6], [sflag:s4] =	dma.local [hbm:s3], $0xF7A  }
0x26: {  	[smem:$0x3F95] =	sst s1;
	(tag) =	ssettag s2;
	_ =	strace s9  }
0x27: {  	s1 =	sld [smem:$0x3FA5]  }
0x28: {  	s2 =	sld [smem:$0x3FA6]  }
0x29: {  	s4 =	sld [smem:$0x3FA8]  }
0x2a: {  	p0 =	seq.s32 s5, $0x0;
	s5 =	sld [smem:$0x3FA9]  }
0x2b: {  	s6 =	sld [smem:$0x3FAA]  }
0x2c: {  	s7 =	sld [smem:$0x3FAB]  }
0x2d: {  	s3 =	simm.s32 $0x108;
	s8 =	sld [smem:$0x3FAC]  }
0x2e: {  	s3 =	simm.s32 @!p0 $0x1082;
	s9 =	sld [smem:$0x3FAD]  }
0x2f: {  	lr =	sadd.s32 s0, s3;
	s0 =	sld [smem:$0x3FA4]  }
0x30: {  	s3 =	sld [smem:$0x3FA7]  }
0x31: {  	[smem:$0x3FB0] =	sst s10  }
0x32: {  	s10 =	sld [smem:$0x3FAE];
	_ =	sdelay $0x3  }
0x33: {  	p0 =	seq.s32 s10, $0x1;
	s10 =	sld [smem:$0x3FB0];
	_ =	sdelay $0x3  }
0x34: {  	[smem:$0x3FB0] =	sst s10  }
0x35: {  	s10 =	sld [smem:$0x3FAF];
	_ =	sdelay $0x3  }
0x36: {  	p1 =	seq.s32 s10, $0x1;
	s10 =	sld [smem:$0x3FB0];
	_ =	sdelay $0x3  }
0x37: {  	[smem:$0x3FB0] =	sst s10  }
0x38: {  	s10 =	sld [smem:$0x3FB1]  }
0x39: {  	_ = 	snop;
	(pc) =	sbr.ind lr, $3  }
0x3a: {  	_ = 	snop  }
0x3b: {  	_ = 	snop  }
0x3c: {  	p2 =	seq.s32 s10, $0x1;
	s10 =	sld [smem:$0x3FB0]  }
0x3d: {  	_ =	shalt  }
0x3e: {  	_ =	shalt  }
0x3f: {  	_ =	shalt  }
0x40: {  	_ =	shalt  }
0x41: {  	_ =	shalt  }
0x42: {  	_ =	shalt  }
0x43: {  	_ =	shalt  }
0x44: {  	_ =	shalt  }
0x45: {  	_ =	shalt  }
0x46: {  	_ =	shalt  }
0x47: {  	_ =	shalt  }
0x48: {  	_ =	shalt  }
0x49: {  	_ =	shalt  }
0x4a: {  	_ =	shalt  }
0x4b: {  	_ =	shalt  }
0x4c: {  	_ =	shalt  }
0x4d: {  	_ =	shalt  }
0x4e: {  	_ =	shalt  }
0x4f: {  	_ =	shalt  }
0x50: {  	_ =	shalt  }
0x51: {  	_ =	shalt  }
0x52: {  	_ =	shalt  }
0x53: {  	_ =	shalt  }
0x54: {  	_ =	shalt  }
0x55: {  	_ =	shalt  }
0x56: {  	_ =	shalt  }
0x57: {  	_ =	shalt  }
0x58: {  	_ =	shalt  }
0x59: {  	_ =	shalt  }
0x5a: {  	_ =	shalt  }
0x5b: {  	_ =	shalt  }
0x5c: {  	_ =	shalt  }
0x5d: {  	_ =	shalt  }
0x5e: {  	_ =	shalt  }
0x5f: {  	_ =	shalt  }
0x60: {  	_ =	shalt  }
0x61: {  	_ =	shalt  }
0x62: {  	_ =	shalt  }
0x63: {  	_ =	shalt  }
0x64: {  	_ =	shalt  }
0x65: {  	_ =	shalt  }
0x66: {  	_ =	shalt  }
0x67: {  	_ =	shalt  }
0x68: {  	_ =	shalt  }
0x69: {  	_ =	shalt  }
0x6a: {  	_ =	shalt  }
0x6b: {  	_ =	shalt  }
0x6c: {  	_ =	shalt  }
0x6d: {  	_ =	shalt  }
0x6e: {  	_ =	shalt  }
0x6f: {  	_ =	shalt  }
0x70: {  	_ =	shalt  }
0x71: {  	_ =	shalt  }
0x72: {  	_ =	shalt  }
0x73: {  	_ =	shalt  }
0x74: {  	_ =	shalt  }
0x75: {  	_ =	shalt  }
0x76: {  	_ =	shalt  }
0x77: {  	_ =	shalt  }
0x78: {  	_ =	shalt  }
0x79: {  	_ =	shalt  }
0x7a: {  	_ =	shalt  }
0x7b: {  	_ =	shalt  }
0x7c: {  	_ =	shalt  }
0x7d: {  	_ =	shalt  }
0x7e: {  	_ =	shalt  }
0x7f: {  	_ =	shalt  }
0x80: {  	_ =	shalt  }
0x81: {  	_ =	shalt  }
0x82: {  	_ =	shalt  }
0x83: {  	_ =	shalt  }
0x84: {  	_ =	shalt  }
0x85: {  	_ =	shalt  }
0x86: {  	_ =	shalt  }
0x87: {  	_ =	shalt  }
.Lfunc_end0:
.L_simem_size_0:
called_computation.1_lowered:
.L_overlay_start_0:
0x88: {  	s2 =	sld [smem:$0x3FD9]  }
0x89: {  	s3 =	sld [smem:$0x3FFE];
	_ =	sdelay $0x1  }
0x8a: {  	s1 =	srdreg.scid  }
0x8b: {  	s0 =	sand.u32 $0x1, s1  }
0x8c: {  	s16 =	sshll.u32 s0, $0xA;
	s2 =	sadd.s32 s3, s2  }
0x8d: {  	s2 =	sadd.s32 s2, s16  }
0x8e: {  	[smem:$0x3FBC] =	sst s2  }
0x8f: {  	_ = 	snop  }
0x90: {  	(tm) =	ssettm $0x1  }
0x91: {  	s17 =	sld [smem:$0x3FFB];
	_ =	sdelay $0x3  }
0x92: {  	_ =	strace s17  }
0x93: {  	s2 =	sld [smem:$0x3FFC];
	_ =	sdelay $0x3  }
0x94: {  	_ =	strace s2  }
0x95: {  	s2 =	sld [smem:$0x3FFD];
	_ =	sdelay $0x3  }
0x96: {  	_ =	strace s2  }
0x97: {  	_ =	strace $0x8FFFFFFF  }
0x98: {  	s18 =	sld [smem:$0x3FDB];
	_ =	sdelay $0x1  }
0x99: {  	s19 =	simm.s32 $_scs_section_size  }
0x9a: {  	s4 =	simm.s32 $_size__tile_overlayer_lowered;
	s5 =	simm.s32 $_tile_overlayer_lowered  }
0x9b: {  	s22 =	simm.s32 $0x1BFF;
	s21 =	sshll.u32 s5, $0x1;
	s2 =	sadd.s32 s19, s18  }
0x9c: {  	s6 =	simm.s32 $0x0;
	s20 =	sshll.u32 s4, $0x1;
	s4 =	sadd.s32 s21, s2  }
0x9d: {  	[timem:s6], [sflag:s22] =	dma.local [hbm:s4], s20  }
0x9e: {  	_ =	swait.ge [sflag:s22], s20  }
0x9f: {  	s3 =	ssub.s32 $0x0, s20;
	[sflag:s22] =	ssyncset.done $0x0  }
0xa0: {  	[sflag:s22] =	ssyncadd.s32 s3;
	_ =	sdelay $0x1  }
0xa1: {  	s23 =	simm.s32 $0x1B8B  }
0xa2: {  	_ =	swait.ge [sflag:s23], $0x1  }
0xa3: {  	[sflag:s23] =	ssyncset.done $0x0  }
0xa4: {  	s25 =	simm.s32 $0x1B8E;
	s24 =	sld [smem:$0x3FFE];
	[sflag:s23] =	ssyncadd.s32 $0xFFFFFFFF  }
0xa5: {  	s26 =	simm.s32 $execute0_lowered;
	[smem:$0x3FD2] =	sst s25  }
0xa6: {  	s4 =	sshll.u32 s26, $0x1;
	_ =	strace $0x80000049;
	[dreg:$0x1] =	wrdreg $0xFFFFFFFF  }
0xa7: {  	s28 =	simm.s32 $_size_execute0_lowered;
	s2 =	sadd.s32 s2, s4;
	[dreg:$0x0] =	wrdreg $0x0  }
0xa8: {  	s4 =	sshll.u32 s28, $0x1;
	[dreg:$0x2] =	wrdreg s2  }
0xa9: {  	[dreg:$0x3] =	wrdreg s4  }
0xaa: {  	[dreg:$0x4] =	wrdreg $0xC0  }
0xab: {  	_ =	task [dreg:s6], $0x5FFFF  }
0xac: {  	[dreg:$0x1] =	wrdreg $0xFFFFFFFF  }
0xad: {  	[dreg:$0x0] =	wrdreg $0x60  }
0xae: {  	[dreg:$0x2] =	wrdreg s24  }
0xaf: {  	[dreg:$0x3] =	wrdreg $0x88000  }
0xb0: {  	[dreg:$0x4] =	wrdreg $0x9  }
0xb1: {  	_ =	task.clear_ibuf [dreg:s6], $0x5FFFF;
	_ =	strace $0x90000049  }
0xb2: {  	s29 =	simm.s32 $0x9;
	_ =	strace $0x8000004B  }
0xb3: {  	_ =	swait.ge [sflag:s29], $0x1  }
0xb4: {  	[sflag:s29] =	ssyncadd.s32 $0xFFFFFFFF  }
0xb5: {  	_ =	strace $0x9000004B  }
0xb6: {  	_ =	sfence  }
0xb7: {  	s30 =	sld [smem:$0x0];
	_ =	sdelay $0x2  }
0xb8: {  	s31 =	sshll.u32 s1, $0xD;
	s1 =	sshrl.u32 s1, $0x2  }
0xb9: {  	s3 =	sand.u32 $0x4000, s31;
	s1 =	sadd.s32 s1, s30  }
0xba: {  	s0 =	sor.u32 s3, s0;
	s1 =	sshll.u32 s1, $0x11  }
0xbb: {  	s0 =	sor.u32 s1, s0  }
0xbc: {  	s0 =	sadd.s32 $0x8F2B, s0  }
0xbd: {  	[sflag:s0] =	ssyncadd.remote.s32 $0x1  }
0xbe: {  	_ =	sfence.sel $0xFFFF  }
0xbf: {  	[dreg:$0x0] =	wrdreg $0xFFFFFFFF;
	(pc) =	sbr.abs _section_cstart, $3  }
0xc0: {  	[dreg:$0x1] =	wrdreg $0xFFFFFFFF  }
0xc1: {  	_ =	task.clear_ibuf [dreg:s6], $0x2FFFF;
	_ =	strace $0x9FFFFFFF  }
0xc2: {  	(tm) =	ssettm $0x7FFFFFFF  }
0xc3: {  	_ =	shalt  }
tec
execute0_lowered:
.L_overlay_start_1:
0x0: {  	(tag) =	ssettag $0x1  }
0x1: {  	s0 =	rddreg [dreg:$0x0]  }
0x2: {  	s2 =	rddreg [dreg:$0x1]  }
0x3: {  	s3 =	simm.s32 $0x0;
	s9 =	stileid.u32;
	s1 =	srdreg.scid  }
0x4: {  	s10 =	simm.s32 $0x5;
	s11 =	simm.s32 $0x400;
	s12 =	simm.s32 $0x80  }
0x5: {  	s13 =	simm.s32 $0x800;
	s14 =	simm.s32 $0x4800;
	s15 =	simm.s32 $0x1  }
0x6: {  	s16 =	simm.s32 $0x3;
	s17 =	simm.s32 $0x100;
	s18 =	simm.s32 $0x2  }
0x7: {  	s19 =	simm.s32 $0x480;
	s20 =	simm.s32 $0x4;
	s21 =	simm.s32 $0x180  }
0x8: {  	s28 =	simm.s32 $0x600;
	s29 =	simm.s32 $0x300;
	s30 =	simm.s32 $0x680  }
0x9: {  	s31 =	simm.s32 $0x380;
	[smem:$0x7FF] =	sst s3;
	s4 =	smul.u32 $0xA00, s9  }
0xa: {  	s1 =	sand.u32 $0x1, s1;
	s7 =	smul.u32 $0x50000, s9;
	s8 =	sadd.s32 $0x6FC00, s0  }
0xb: {  	s26 =	sshll.u32 s9, $0x6;
	s9 =	smul.u32 $0x2800, s9;
	_ =	strace $0x8000004A  }
0xc: {  	s5 =	smul.u32 $0x28000, s1;
	s6 =	ssub.s32 $0x2, s1;
	[dreg:$0x4] =	wrdreg s8  }
0xd: {  	s24 =	sor.u32 $0x1C05, s26;
	s1 =	sshll.u32 s1, $0x7;
	s4 =	sadd.s32 s4, s0  }
0xe: {  	s22 =	sshrl.u32 s6, $0x1;
	s25 =	sshrl.u32 s7, $0x2;
	[dreg:$0x6] =	wrdreg s24  }
0xf: {  	s0 =	sadd.s32 s5, s0;
	s23 =	ssub.s32 s6, s22;
	s7 =	sadd.s32 s25, s2  }
0x10: {  	s1 =	sadd.s32 s1, s4;
	s22 =	simm.s32 $0x500;
	s4 =	simm.s32 $0x0  }
0x11: {  	s6 =	sadd.s32 $0x1FC00, s0;
	s0 =	sadd.s32 $0x72400, s0;
	s25 =	smax.u32 s23, $0x1  }
0x12: {  	s26 =	sadd.s32 $0xBC00, s1;
	s8 =	sadd.s32 $0x1C00, s1;
	s7 =	sshrl.u32 s7, $0x3  }
0x13: {  	s23 =	simm.s32 $0x200;
	s1 =	simm.s32 $0x780;
	[dreg:$0x5] =	wrdreg s25  }
0x14: {  	[dreg:$0x3] =	wrdreg s26;
	s0 =	sadd.s32 s9, s0;
	s25 =	simm.s32 $0x580  }
0x15: {  	s26 =	simm.s32 $0x280;
	[dreg:$0x7] =	wrdreg s0;
	s0 =	simm.s32 $0x700  }
.LBB2_1:
0x16: {  	s5 =	rddreg [dreg:$0x4]  }
0x17: {  	[spmem:s7], [sflag:s24] =	dma.local [hbm:s5], $0x2800  }
0x18: {  	_ =	swait.ge [sflag:s10], $0x2800  }
0x19: {  	[sflag:s10] =	ssyncset.done $0x0  }
0x1a: {  	[sflag:s10] =	ssyncadd.s32 $0xFFFFD800  }
0x1b: {  	[bflag:$0x0] =	sbarrier.arrive $0xFFFF  }
0x1c: {  	s5 =	rddreg [dreg:$0x3]  }
0x1d: {  	s9 =	smov.u32 s7;
	s7 =	sadd.s32 $0x0, s5  }
0x1e: {  	[tilespmem:s3], [sflag:$0x5] =	stream.linear.gather [hbm4b:s7+s3], $0x400, $0x38;
	[tilespmem:$0x1C800] =	vst v63  }
0x1f: {  	_ =	swait.ge [sflag:s10], $0x400  }
0x20: {  	[sflag:s10] =	ssyncset.done $0x0  }
0x21: {  	s24 =	sadd.s32 $0x0, s8;
	[sflag:s10] =	ssyncadd.s32 $0xFFFFFC00  }
0x22: {  	[tilespmem:s11], [sflag:$0x5] =	stream.linear.gather [hbm4b:s24+s3], $0x400, $0x38;
	[tilespmem:$0x1C800] =	vst v63  }
0x23: {  	_ =	swait.ge [sflag:s10], $0x400  }
0x24: {  	[sflag:s10] =	ssyncset.done $0x0  }
0x25: {  	[sflag:s10] =	ssyncadd.s32 $0xFFFFFC00  }
0x26: {  	[tilespmem:s13], [sflag:$0x1] =	stream.indirect.gather [hbm4b:s6+s12], $0x80, s3, s12, $0xb8;
	[tilespmem:$0x1C800] =	vst v63  }
0x27: {  	_ = 	snop  }
0x28: {  	[tilespmem:s14], [sflag:$0x2] =	stream.indirect.gather [hbm4b:s6+s12], $0x80, s12, s12, $0xb8;
	[tilespmem:$0x1C800] =	vst v63  }
0x29: {  	_ =	swait.ge [sflag:s15], $0x4000  }
0x2a: {  	[sflag:s15] =	ssyncset.done $0x0  }
0x2b: {  	[sflag:s15] =	ssyncadd.s32 $0xFFFFC000  }
0x2c: {  	[spmem:s2] =	stream.indirect.scatter.add.f32 [tilespmem:s13], [sflag:$0x3], $0x80, s11, s12, $0xb8;
	[tilespmem:$0x1C800] =	vst v63  }
0x2d: {  	_ =	swait.ge [sflag:s16], $0x4000  }
0x2e: {  	[sflag:s16] =	ssyncset.done $0x0  }
0x2f: {  	[sflag:s16] =	ssyncadd.s32 $0xFFFFC000  }
0x30: {  	[tilespmem:s13], [sflag:$0x1] =	stream.indirect.gather [hbm4b:s6+s12], $0x80, s17, s12, $0xb8;
	[tilespmem:$0x1C800] =	vst v63  }
0x31: {  	_ =	swait.ge [sflag:s18], $0x4000  }
0x32: {  	[sflag:s18] =	ssyncset.done $0x0  }
0x33: {  	[sflag:s18] =	ssyncadd.s32 $0xFFFFC000  }
0x34: {  	[spmem:s2] =	stream.indirect.scatter.add.f32 [tilespmem:s14], [sflag:$0x4], $0x80, s19, s12, $0xb8;
	[tilespmem:$0x1C800] =	vst v63  }
0x35: {  	_ =	swait.ge [sflag:s20], $0x4000  }
0x36: {  	[sflag:s20] =	ssyncset.done $0x0  }
0x37: {  	[sflag:s20] =	ssyncadd.s32 $0xFFFFC000  }
0x38: {  	[tilespmem:s14], [sflag:$0x2] =	stream.indirect.gather [hbm4b:s6+s12], $0x80, s21, s12, $0xb8;
	[tilespmem:$0x1C800] =	vst v63  }
0x39: {  	_ =	swait.ge [sflag:s15], $0x4000  }
0x3a: {  	[sflag:s15] =	ssyncset.done $0x0  }
0x3b: {  	[sflag:s15] =	ssyncadd.s32 $0xFFFFC000  }
0x3c: {  	[spmem:s2] =	stream.indirect.scatter.add.f32 [tilespmem:s13], [sflag:$0x3], $0x80, s22, s12, $0xb8;
	[tilespmem:$0x1C800] =	vst v63  }
0x3d: {  	_ =	swait.ge [sflag:s16], $0x4000  }
0x3e: {  	[sflag:s16] =	ssyncset.done $0x0  }
0x3f: {  	[sflag:s16] =	ssyncadd.s32 $0xFFFFC000  }
0x40: {  	[tilespmem:s13], [sflag:$0x1] =	stream.indirect.gather [hbm4b:s6+s12], $0x80, s23, s12, $0xb8;
	[tilespmem:$0x1C800] =	vst v63  }
0x41: {  	_ =	swait.ge [sflag:s18], $0x4000  }
0x42: {  	[sflag:s18] =	ssyncset.done $0x0  }
0x43: {  	[sflag:s18] =	ssyncadd.s32 $0xFFFFC000  }
0x44: {  	[spmem:s2] =	stream.indirect.scatter.add.f32 [tilespmem:s14], [sflag:$0x4], $0x80, s25, s12, $0xb8;
	[tilespmem:$0x1C800] =	vst v63  }
0x45: {  	_ =	swait.ge [sflag:s20], $0x4000  }
0x46: {  	[sflag:s20] =	ssyncset.done $0x0  }
0x47: {  	[sflag:s20] =	ssyncadd.s32 $0xFFFFC000  }
0x48: {  	[tilespmem:s14], [sflag:$0x2] =	stream.indirect.gather [hbm4b:s6+s12], $0x80, s26, s12, $0xb8;
	[tilespmem:$0x1C800] =	vst v63  }
0x49: {  	_ =	swait.ge [sflag:s15], $0x4000  }
0x4a: {  	[sflag:s15] =	ssyncset.done $0x0  }
0x4b: {  	[sflag:s15] =	ssyncadd.s32 $0xFFFFC000  }
0x4c: {  	[spmem:s2] =	stream.indirect.scatter.add.f32 [tilespmem:s13], [sflag:$0x3], $0x80, s28, s12, $0xb8;
	[tilespmem:$0x1C800] =	vst v63  }
0x4d: {  	_ =	swait.ge [sflag:s16], $0x4000  }
0x4e: {  	[sflag:s16] =	ssyncset.done $0x0  }
0x4f: {  	[sflag:s16] =	ssyncadd.s32 $0xFFFFC000  }
0x50: {  	[tilespmem:s13], [sflag:$0x1] =	stream.indirect.gather [hbm4b:s6+s12], $0x80, s29, s12, $0xb8;
	[tilespmem:$0x1C800] =	vst v63  }
0x51: {  	_ =	swait.ge [sflag:s18], $0x4000  }
0x52: {  	[sflag:s18] =	ssyncset.done $0x0  }
0x53: {  	[sflag:s18] =	ssyncadd.s32 $0xFFFFC000  }
0x54: {  	[spmem:s2] =	stream.indirect.scatter.add.f32 [tilespmem:s14], [sflag:$0x4], $0x80, s30, s12, $0xb8;
	[tilespmem:$0x1C800] =	vst v63  }
0x55: {  	_ =	swait.ge [sflag:s20], $0x4000  }
0x56: {  	[sflag:s20] =	ssyncset.done $0x0  }
0x57: {  	[sflag:s20] =	ssyncadd.s32 $0xFFFFC000  }
0x58: {  	[tilespmem:s14], [sflag:$0x2] =	stream.indirect.gather [hbm4b:s6+s12], $0x80, s31, s12, $0xb8;
	[tilespmem:$0x1C800] =	vst v63  }
0x59: {  	_ =	swait.ge [sflag:s15], $0x4000  }
0x5a: {  	[sflag:s15] =	ssyncset.done $0x0  }
0x5b: {  	[sflag:s15] =	ssyncadd.s32 $0xFFFFC000  }
0x5c: {  	[spmem:s2] =	stream.indirect.scatter.add.f32 [tilespmem:s13], [sflag:$0x3], $0x80, s0, s12, $0xb8;
	[tilespmem:$0x1C800] =	vst v63  }
0x5d: {  	_ =	swait.ge [sflag:s18], $0x4000  }
0x5e: {  	[sflag:s18] =	ssyncset.done $0x0  }
0x5f: {  	[sflag:s18] =	ssyncadd.s32 $0xFFFFC000  }
0x60: {  	[spmem:s2] =	stream.indirect.scatter.add.f32 [tilespmem:s14], [sflag:$0x4], $0x80, s1, s12, $0xb8;
	[tilespmem:$0x1C800] =	vst v63  }
0x61: {  	_ =	swait.ge [sflag:s16], $0x4000  }
0x62: {  	[sflag:s16] =	ssyncset.done $0x0  }
0x63: {  	[sflag:s16] =	ssyncadd.s32 $0xFFFFC000  }
0x64: {  	_ =	swait.ge [sflag:s20], $0x4000  }
0x65: {  	s7 =	simm.s32 $0x100;
	[sflag:s20] =	ssyncset.done $0x0  }
.LBB2_2:
0x66: {  	s24 =	rddreg [dreg:$0x3];
	s5 =	smov.u32 s7  }
0x67: {  	[sflag:s20] =	ssyncadd.s32 $0xFFFFC000;
	s24 =	sadd.s32 s5, s24  }
0x68: {  	[tilespmem:s3], [sflag:$0x5] =	stream.linear.gather [hbm4b:s24+s3], $0x400, $0x38;
	[tilespmem:$0x1C800] =	vst v63  }
0x69: {  	_ =	swait.ge [sflag:s10], $0x400  }
0x6a: {  	[sflag:s10] =	ssyncset.done $0x0  }
0x6b: {  	s5 =	sadd.s32 s5, s8;
	[sflag:s10] =	ssyncadd.s32 $0xFFFFFC00  }
0x6c: {  	[tilespmem:s11], [sflag:$0x5] =	stream.linear.gather [hbm4b:s5+s3], $0x400, $0x38;
	[tilespmem:$0x1C800] =	vst v63  }
0x6d: {  	_ =	swait.ge [sflag:s10], $0x400  }
0x6e: {  	[sflag:s10] =	ssyncset.done $0x0  }
0x6f: {  	[sflag:s10] =	ssyncadd.s32 $0xFFFFFC00  }
0x70: {  	[tilespmem:s13], [sflag:$0x1] =	stream.indirect.gather [hbm4b:s6+s12], $0x80, s3, s12, $0xb8;
	[tilespmem:$0x1C800] =	vst v63  }
0x71: {  	_ = 	snop  }
0x72: {  	[tilespmem:s14], [sflag:$0x2] =	stream.indirect.gather [hbm4b:s6+s12], $0x80, s12, s12, $0xb8;
	[tilespmem:$0x1C800] =	vst v63  }
0x73: {  	_ =	swait.ge [sflag:s15], $0x4000  }
0x74: {  	[sflag:s15] =	ssyncset.done $0x0  }
0x75: {  	[sflag:s15] =	ssyncadd.s32 $0xFFFFC000  }
0x76: {  	[spmem:s2] =	stream.indirect.scatter.add.f32 [tilespmem:s13], [sflag:$0x3], $0x80, s11, s12, $0xb8;
	[tilespmem:$0x1C800] =	vst v63  }
0x77: {  	_ =	swait.ge [sflag:s16], $0x4000  }
0x78: {  	[sflag:s16] =	ssyncset.done $0x0  }
0x79: {  	[sflag:s16] =	ssyncadd.s32 $0xFFFFC000  }
0x7a: {  	[tilespmem:s13], [sflag:$0x1] =	stream.indirect.gather [hbm4b:s6+s12], $0x80, s17, s12, $0xb8;
	[tilespmem:$0x1C800] =	vst v63  }
0x7b: {  	_ =	swait.ge [sflag:s18], $0x4000  }
0x7c: {  	[sflag:s18] =	ssyncset.done $0x0  }
0x7d: {  	[sflag:s18] =	ssyncadd.s32 $0xFFFFC000  }
0x7e: {  	[spmem:s2] =	stream.indirect.scatter.add.f32 [tilespmem:s14], [sflag:$0x4], $0x80, s19, s12, $0xb8;
	[tilespmem:$0x1C800] =	vst v63  }
0x7f: {  	_ =	swait.ge [sflag:s20], $0x4000  }
0x80: {  	[sflag:s20] =	ssyncset.done $0x0  }
0x81: {  	[sflag:s20] =	ssyncadd.s32 $0xFFFFC000  }
0x82: {  	[tilespmem:s14], [sflag:$0x2] =	stream.indirect.gather [hbm4b:s6+s12], $0x80, s21, s12, $0xb8;
	[tilespmem:$0x1C800] =	vst v63  }
0x83: {  	_ =	swait.ge [sflag:s15], $0x4000  }
0x84: {  	[sflag:s15] =	ssyncset.done $0x0  }
0x85: {  	[sflag:s15] =	ssyncadd.s32 $0xFFFFC000  }
0x86: {  	[spmem:s2] =	stream.indirect.scatter.add.f32 [tilespmem:s13], [sflag:$0x3], $0x80, s22, s12, $0xb8;
	[tilespmem:$0x1C800] =	vst v63  }
0x87: {  	_ =	swait.ge [sflag:s16], $0x4000  }
0x88: {  	[sflag:s16] =	ssyncset.done $0x0  }
0x89: {  	[sflag:s16] =	ssyncadd.s32 $0xFFFFC000  }
0x8a: {  	[tilespmem:s13], [sflag:$0x1] =	stream.indirect.gather [hbm4b:s6+s12], $0x80, s23, s12, $0xb8;
	[tilespmem:$0x1C800] =	vst v63  }
0x8b: {  	_ =	swait.ge [sflag:s18], $0x4000  }
0x8c: {  	[sflag:s18] =	ssyncset.done $0x0  }
0x8d: {  	[sflag:s18] =	ssyncadd.s32 $0xFFFFC000  }
0x8e: {  	[spmem:s2] =	stream.indirect.scatter.add.f32 [tilespmem:s14], [sflag:$0x4], $0x80, s25, s12, $0xb8;
	[tilespmem:$0x1C800] =	vst v63  }
0x8f: {  	_ =	swait.ge [sflag:s20], $0x4000  }
0x90: {  	[sflag:s20] =	ssyncset.done $0x0  }
0x91: {  	[sflag:s20] =	ssyncadd.s32 $0xFFFFC000  }
0x92: {  	[tilespmem:s14], [sflag:$0x2] =	stream.indirect.gather [hbm4b:s6+s12], $0x80, s26, s12, $0xb8;
	[tilespmem:$0x1C800] =	vst v63  }
0x93: {  	_ =	swait.ge [sflag:s15], $0x4000  }
0x94: {  	[sflag:s15] =	ssyncset.done $0x0  }
0x95: {  	[sflag:s15] =	ssyncadd.s32 $0xFFFFC000  }
0x96: {  	[spmem:s2] =	stream.indirect.scatter.add.f32 [tilespmem:s13], [sflag:$0x3], $0x80, s28, s12, $0xb8;
	[tilespmem:$0x1C800] =	vst v63  }
0x97: {  	_ =	swait.ge [sflag:s16], $0x4000  }
0x98: {  	[sflag:s16] =	ssyncset.done $0x0  }
0x99: {  	[sflag:s16] =	ssyncadd.s32 $0xFFFFC000  }
0x9a: {  	[tilespmem:s13], [sflag:$0x1] =	stream.indirect.gather [hbm4b:s6+s12], $0x80, s29, s12, $0xb8;
	[tilespmem:$0x1C800] =	vst v63  }
0x9b: {  	_ =	swait.ge [sflag:s18], $0x4000  }
0x9c: {  	[sflag:s18] =	ssyncset.done $0x0  }
0x9d: {  	[sflag:s18] =	ssyncadd.s32 $0xFFFFC000  }
0x9e: {  	[spmem:s2] =	stream.indirect.scatter.add.f32 [tilespmem:s14], [sflag:$0x4], $0x80, s30, s12, $0xb8;
	[tilespmem:$0x1C800] =	vst v63  }
0x9f: {  	_ =	swait.ge [sflag:s20], $0x4000  }
0xa0: {  	[sflag:s20] =	ssyncset.done $0x0  }
0xa1: {  	[sflag:s20] =	ssyncadd.s32 $0xFFFFC000  }
0xa2: {  	[tilespmem:s14], [sflag:$0x2] =	stream.indirect.gather [hbm4b:s6+s12], $0x80, s31, s12, $0xb8;
	[tilespmem:$0x1C800] =	vst v63  }
0xa3: {  	_ =	swait.ge [sflag:s15], $0x4000  }
0xa4: {  	[sflag:s15] =	ssyncset.done $0x0  }
0xa5: {  	[sflag:s15] =	ssyncadd.s32 $0xFFFFC000  }
0xa6: {  	[spmem:s2] =	stream.indirect.scatter.add.f32 [tilespmem:s13], [sflag:$0x3], $0x80, s0, s12, $0xb8;
	[tilespmem:$0x1C800] =	vst v63  }
0xa7: {  	_ =	swait.ge [sflag:s18], $0x4000  }
0xa8: {  	[sflag:s18] =	ssyncset.done $0x0  }
0xa9: {  	p0 =	sne.s32 s7, $0x900;
	[sflag:s18] =	ssyncadd.s32 $0xFFFFC000  }
0xaa: {  	[spmem:s2] =	stream.indirect.scatter.add.f32 [tilespmem:s14], [sflag:$0x4], $0x80, s1, s12, $0xb8;
	[tilespmem:$0x1C800] =	vst v63  }
.Ltmp0:
0xab: {  	_ =	swait.ge [sflag:s16], $0x4000;
	(pc) =	sbr.rel @p0 .LBB2_2-.Ltmp0, $4  }
0xac: {  	[sflag:s16] =	ssyncset.done $0x0  }
0xad: {  	[sflag:s16] =	ssyncadd.s32 $0xFFFFC000  }
0xae: {  	_ =	swait.ge [sflag:s20], $0x4000  }
0xaf: {  	s7 =	sadd.s32 $0x100, s7;
	[sflag:s20] =	ssyncset.done $0x0  }
0xb0: {  	[sflag:s20] =	ssyncadd.s32 $0xFFFFC000  }
0xb1: {  	[bflag:$0x0] =	sbarrier.arrive $0xFFFF  }
0xb2: {  	s24 =	rddreg [dreg:$0x6]  }
0xb3: {  	s5 =	rddreg [dreg:$0x7]  }
0xb4: {  	[hbm:s5], [sflag:s24] =	dma.local [spmem:s9], $0x2800  }
0xb5: {  	_ =	swait.ge [sflag:s10], $0x2800  }
0xb6: {  	s7 =	smov.u32 s9;
	s4 =	sadd.s32 $0x1, s4;
	s9 =	rddreg [dreg:$0x5]  }
0xb7: {  	p0 =	sne.s32 s4, s9  }
.Ltmp1:
0xb8: {  	_ = 	snop;
	(pc) =	sbr.rel @p0 .LBB2_1-.Ltmp1, $3  }
0xb9: {  	_ =	sdelay $0x1  }
0xba: {  	[sflag:s10] =	ssyncset.done $0x0  }
0xbb: {  	[sflag:s10] =	ssyncadd.s32 $0xFFFFD800  }
0xbc: {  	_ =	sfence.sel $0x180000  }
0xbd: {  	[bflag:$0x0] =	sbarrier.arrive $0xFFFF  }
0xbe: {  	_ =	strace $0x9000004A  }
0xbf: {  	s0 =	stileid.u32;
	[bflag:$0x2] =	sbarrier.arrive $0xFFFF  }
0xc0: {  	p0 =	sne.s32 s0, $0x0;
	s0 =	rddreg [dreg:$0x2]  }
0xc1: {  	s0 =	sadd.s32 @!p0 $0x100000, s0  }
0xc2: {  	[sflag:s0] =	ssyncadd.tile.s32 @!p0 $0x1;
	_ =	shalt  }
.Lfunc_end2:
_tile_overlayer_lowered:
.L_overlay_start_2:
0xc3: {  	(tag) =	ssettag $0x2  }
0xc4: {  	s0 =	rddreg [dreg:$0x0];
	s2 =	stileid.u32  }
0xc5: {  	s1 =	rddreg [dreg:$0x1];
	p0 =	sne.s32 s2, $0x0  }
0xc6: {  	s3 =	rddreg [dreg:$0x2];
	[bflag:$0x3] =	sbarrier.arrive $0xFFFF;
	s2 =	simm.s32 @!p0 $0x1C05  }
0xc7: {  	[timem:s3], [sflag:s2] =	dma.local @!p0 [hbm:s0], s1  }
0xc8: {  	s0 =	simm.s32 @!p0 $0x5  }
0xc9: {  	_ =	swait.ge @!p0 [sflag:s0], s1  }
0xca: {  	s1 =	ssub.s32 @!p0 $0x0, s1;
	[sflag:s0] =	ssyncset.done @!p0 $0x0  }
0xcb: {  	[sflag:s0] =	ssyncadd.s32 @!p0 s1  }
0xcc: {  	[bflag:$0x3] =	sbarrier.arrive $0xFFFF  }
0xcd: {  	_ =	shalt  }

// kernel: gcn_agg_es_40.3.cloned.1.call-start
scs
__scs_entry_jumppad:
0x0: {  	(pc) =	sbr.rel $0x88, $3  }
0x1: {  	(tag) =	ssettag $0x0;
	lr =	simm.s32 $0x1  }
0x2: {  	[smem:$0x3F95] =	sst lr;
	_ =	strace $0xD0000000  }
0x3: {  	_ = 	snop  }
0x4: {  	_ = 	snop  }
0x5: {  	_ = 	snop  }
0x6: {  	_ = 	snop  }
0x7: {  	_ = 	snop  }
__scs_overlays_trampoline_lowered:
0x8: {  	[smem:$0x3FA4] =	sst s0  }
0x9: {  	[smem:$0x3FA5] =	sst s1  }
0xa: {  	[smem:$0x3FA6] =	sst s2  }
0xb: {  	[smem:$0x3FA7] =	sst s3  }
0xc: {  	[smem:$0x3FA8] =	sst s4  }
0xd: {  	[smem:$0x3FA9] =	sst s5  }
0xe: {  	[smem:$0x3FAA] =	sst s6  }
0xf: {  	[smem:$0x3FAB] =	sst s7  }
0x10: {  	[smem:$0x3FAC] =	sst s8  }
0x11: {  	[smem:$0x3FAD] =	sst s9;
	s0 =	simm.s32 @!p0 $0x0  }
0x12: {  	s1 =	sld [smem:$0x3F93];
	s0 =	simm.s32 @p0 $0x1  }
0x13: {  	[smem:$0x3FAE] =	sst s0;
	s0 =	simm.s32 @!p1 $0x0  }
0x14: {  	s2 =	sld [smem:$0x3F92];
	s0 =	simm.s32 @p1 $0x1  }
0x15: {  	[smem:$0x3FAF] =	sst s0;
	s0 =	simm.s32 @!p2 $0x0  }
0x16: {  	s3 =	sld [smem:$0x3FDB];
	s0 =	simm.s32 @p2 $0x1  }
0x17: {  	s4 =	simm.s32 $0x1BF5;
	[smem:$0x3FB1] =	sst s0  }
0x18: {  	s0 =	sld [smem:$0x3F94];
	_ =	swait.ge [sflag:s4], $0x0  }
0x19: {  	s7 =	sld [smem:$0x3F95]  }
0x1a: {  	s8 =	sadd.s32 $0xFFFFE003, lr  }
0x1b: {  	s9 =	sadd.s32 $0xFFFFFEF7, lr;
	s5 =	simm.s32 $0xFFFFFFFF;
	p2 =	slt.u32 s8, $0xFFFFF086  }
0x1c: {  	p1 =	slt.u32 s9, $0xF7A;
	s5 =	simm.s32 @!p2 $0x0  }
0x1d: {  	s5 =	simm.s32 @p1 $0x1;
	p0 =	seq.s32 s7, s2  }
0x1e: {  	s7 =	smul.u32 @!p0 $0xF7A, s2;
	p2 =	seq.s32 @!p0 s5, $0x0  }
0x1f: {  	s9 =	smul.u32 $0xF7A, s1;
	s8 =	simm.s32 @!p0 $0x1BF5;
	p2 =	por !p2, p0  }
0x20: {  	[sflag:s8] =	ssyncset.s32 @!p0 $0xFFFFF086;
	s6 =	sadd.s32 @!p0 s3, s7;
	s7 =	simm.s32 @!p0 $0x108  }
0x21: {  	s3 =	sadd.s32 s3, s9;
	s6 =	sadd.s32 @!p0 $0x88, s6;
	s7 =	simm.s32 @p2 $0x1082  }
0x22: {  	[simem:s7], [sflag:s8] =	dma.local @!p0 [hbm:s6], $0xF7A  }
0x23: {  	s9 =	sor.u32 $0xD0000000, s2;
	s6 =	simm.s32 $0x108;
	_ =	swait.ge @!p0 [sflag:s8], $0x0  }
0x24: {  	s3 =	sadd.s32 $0x88, s3;
	s6 =	simm.s32 @!p1 $0x1082;
	[sflag:s4] =	ssyncset.s32 $0xFFFFF086  }
0x25: {  	[simem:s6], [sflag:s4] =	dma.local [hbm:s3], $0xF7A  }
0x26: {  	[smem:$0x3F95] =	sst s1;
	(tag) =	ssettag s2;
	_ =	strace s9  }
0x27: {  	s1 =	sld [smem:$0x3FA5]  }
0x28: {  	s2 =	sld [smem:$0x3FA6]  }
0x29: {  	s4 =	sld [smem:$0x3FA8]  }
0x2a: {  	p0 =	seq.s32 s5, $0x0;
	s5 =	sld [smem:$0x3FA9]  }
0x2b: {  	s6 =	sld [smem:$0x3FAA]  }
0x2c: {  	s7 =	sld [smem:$0x3FAB]  }
0x2d: {  	s3 =	simm.s32 $0x108;
	s8 =	sld [smem:$0x3FAC]  }
0x2e: {  	s3 =	simm.s32 @!p0 $0x1082;
	s9 =	sld [smem:$0x3FAD]  }
0x2f: {  	lr =	sadd.s32 s0, s3;
	s0 =	sld [smem:$0x3FA4]  }
0x30: {  	s3 =	sld [smem:$0x3FA7]  }
0x31: {  	[smem:$0x3FB0] =	sst s10  }
0x32: {  	s10 =	sld [smem:$0x3FAE];
	_ =	sdelay $0x3  }
0x33: {  	p0 =	seq.s32 s10, $0x1;
	s10 =	sld [smem:$0x3FB0];
	_ =	sdelay $0x3  }
0x34: {  	[smem:$0x3FB0] =	sst s10  }
0x35: {  	s10 =	sld [smem:$0x3FAF];
	_ =	sdelay $0x3  }
0x36: {  	p1 =	seq.s32 s10, $0x1;
	s10 =	sld [smem:$0x3FB0];
	_ =	sdelay $0x3  }
0x37: {  	[smem:$0x3FB0] =	sst s10  }
0x38: {  	s10 =	sld [smem:$0x3FB1]  }
0x39: {  	_ = 	snop;
	(pc) =	sbr.ind lr, $3  }
0x3a: {  	_ = 	snop  }
0x3b: {  	_ = 	snop  }
0x3c: {  	p2 =	seq.s32 s10, $0x1;
	s10 =	sld [smem:$0x3FB0]  }
0x3d: {  	_ =	shalt  }
0x3e: {  	_ =	shalt  }
0x3f: {  	_ =	shalt  }
0x40: {  	_ =	shalt  }
0x41: {  	_ =	shalt  }
0x42: {  	_ =	shalt  }
0x43: {  	_ =	shalt  }
0x44: {  	_ =	shalt  }
0x45: {  	_ =	shalt  }
0x46: {  	_ =	shalt  }
0x47: {  	_ =	shalt  }
0x48: {  	_ =	shalt  }
0x49: {  	_ =	shalt  }
0x4a: {  	_ =	shalt  }
0x4b: {  	_ =	shalt  }
0x4c: {  	_ =	shalt  }
0x4d: {  	_ =	shalt  }
0x4e: {  	_ =	shalt  }
0x4f: {  	_ =	shalt  }
0x50: {  	_ =	shalt  }
0x51: {  	_ =	shalt  }
0x52: {  	_ =	shalt  }
0x53: {  	_ =	shalt  }
0x54: {  	_ =	shalt  }
0x55: {  	_ =	shalt  }
0x56: {  	_ =	shalt  }
0x57: {  	_ =	shalt  }
0x58: {  	_ =	shalt  }
0x59: {  	_ =	shalt  }
0x5a: {  	_ =	shalt  }
0x5b: {  	_ =	shalt  }
0x5c: {  	_ =	shalt  }
0x5d: {  	_ =	shalt  }
0x5e: {  	_ =	shalt  }
0x5f: {  	_ =	shalt  }
0x60: {  	_ =	shalt  }
0x61: {  	_ =	shalt  }
0x62: {  	_ =	shalt  }
0x63: {  	_ =	shalt  }
0x64: {  	_ =	shalt  }
0x65: {  	_ =	shalt  }
0x66: {  	_ =	shalt  }
0x67: {  	_ =	shalt  }
0x68: {  	_ =	shalt  }
0x69: {  	_ =	shalt  }
0x6a: {  	_ =	shalt  }
0x6b: {  	_ =	shalt  }
0x6c: {  	_ =	shalt  }
0x6d: {  	_ =	shalt  }
0x6e: {  	_ =	shalt  }
0x6f: {  	_ =	shalt  }
0x70: {  	_ =	shalt  }
0x71: {  	_ =	shalt  }
0x72: {  	_ =	shalt  }
0x73: {  	_ =	shalt  }
0x74: {  	_ =	shalt  }
0x75: {  	_ =	shalt  }
0x76: {  	_ =	shalt  }
0x77: {  	_ =	shalt  }
0x78: {  	_ =	shalt  }
0x79: {  	_ =	shalt  }
0x7a: {  	_ =	shalt  }
0x7b: {  	_ =	shalt  }
0x7c: {  	_ =	shalt  }
0x7d: {  	_ =	shalt  }
0x7e: {  	_ =	shalt  }
0x7f: {  	_ =	shalt  }
0x80: {  	_ =	shalt  }
0x81: {  	_ =	shalt  }
0x82: {  	_ =	shalt  }
0x83: {  	_ =	shalt  }
0x84: {  	_ =	shalt  }
0x85: {  	_ =	shalt  }
0x86: {  	_ =	shalt  }
0x87: {  	_ =	shalt  }
.Lfunc_end0:
.L_simem_size_0:
called_computation.3_lowered:
.L_overlay_start_0:
0x88: {  	s2 =	sld [smem:$0x3FD9]  }
0x89: {  	s3 =	sld [smem:$0x3FFE];
	_ =	sdelay $0x1  }
0x8a: {  	s1 =	srdreg.scid  }
0x8b: {  	s0 =	sand.u32 $0x1, s1  }
0x8c: {  	s17 =	sshll.u32 s0, $0xA;
	s2 =	sadd.s32 s3, s2  }
0x8d: {  	s2 =	sadd.s32 s2, s17  }
0x8e: {  	[smem:$0x3FBC] =	sst s2  }
0x8f: {  	_ = 	snop  }
0x90: {  	s2 =	sld [smem:$0x3FD0];
	(tm) =	ssettm $0x1  }
0x91: {  	s18 =	sld [smem:$0x3FFB];
	_ =	sdelay $0x3  }
0x92: {  	_ =	strace s18  }
0x93: {  	s3 =	sld [smem:$0x3FFC];
	_ =	sdelay $0x3  }
0x94: {  	_ =	strace s3  }
0x95: {  	s3 =	sld [smem:$0x3FFD];
	_ =	sdelay $0x3  }
0x96: {  	_ =	strace s3  }
0x97: {  	_ =	strace $0x8FFFFFFF  }
0x98: {  	s19 =	sld [smem:$0x3FDB];
	_ =	sdelay $0x1  }
0x99: {  	s4 =	simm.s32 $_scs_section_size  }
0x9a: {  	s5 =	simm.s32 $_size__tile_overlayer_lowered;
	s6 =	simm.s32 $_tile_overlayer_lowered  }
0x9b: {  	s22 =	simm.s32 $0x1BFF;
	s21 =	sshll.u32 s6, $0x1;
	s3 =	sadd.s32 s4, s19  }
0x9c: {  	s7 =	simm.s32 $0x0;
	s20 =	sshll.u32 s5, $0x1;
	s5 =	sadd.s32 s21, s3  }
0x9d: {  	[timem:s7], [sflag:s22] =	dma.local [hbm:s5], s20  }
0x9e: {  	_ =	swait.ge [sflag:s22], s20  }
0x9f: {  	s4 =	ssub.s32 $0x0, s20;
	[sflag:s22] =	ssyncset.done $0x0  }
0xa0: {  	[sflag:s22] =	ssyncadd.s32 s4;
	_ =	sdelay $0x1  }
0xa1: {  	s23 =	simm.s32 $0x1B8B  }
0xa2: {  	_ =	swait.ge [sflag:s23], $0x1  }
0xa3: {  	[sflag:s23] =	ssyncset.done $0x0  }
0xa4: {  	s25 =	simm.s32 $0x1B8E;
	s24 =	sld [smem:$0x3FFE];
	[sflag:s23] =	ssyncadd.s32 $0xFFFFFFFF  }
0xa5: {  	s26 =	simm.s32 $execute0_lowered;
	[smem:$0x3FD2] =	sst s25  }
0xa6: {  	s5 =	sshll.u32 s26, $0x1;
	_ =	strace $0x8000004F;
	[dreg:$0x1] =	wrdreg $0xFFFFFFFF  }
0xa7: {  	s28 =	simm.s32 $_size_execute0_lowered;
	s3 =	sadd.s32 s3, s5;
	[dreg:$0x0] =	wrdreg $0x0  }
0xa8: {  	s5 =	sshll.u32 s28, $0x1;
	[dreg:$0x2] =	wrdreg s3  }
0xa9: {  	[dreg:$0x3] =	wrdreg s5  }
0xaa: {  	[dreg:$0x4] =	wrdreg $0xC0  }
0xab: {  	_ =	task [dreg:s7], $0x5FFFF  }
0xac: {  	[dreg:$0x1] =	wrdreg $0xFFFFFFFF  }
0xad: {  	[dreg:$0x0] =	wrdreg $0x60  }
0xae: {  	[dreg:$0x2] =	wrdreg s24  }
0xaf: {  	[dreg:$0x3] =	wrdreg s2  }
0xb0: {  	[dreg:$0x4] =	wrdreg $0x30000  }
0xb1: {  	[dreg:$0x5] =	wrdreg $0x9  }
0xb2: {  	_ =	task.clear_ibuf [dreg:s7], $0x6FFFF;
	_ =	strace $0x9000004F  }
0xb3: {  	s29 =	simm.s32 $0x9;
	_ =	strace $0x80000051  }
0xb4: {  	_ =	swait.ge [sflag:s29], $0x1  }
0xb5: {  	[sflag:s29] =	ssyncadd.s32 $0xFFFFFFFF  }
0xb6: {  	_ =	strace $0x90000051  }
0xb7: {  	_ =	sfence  }
0xb8: {  	s30 =	sld [smem:$0x0];
	_ =	sdelay $0x2  }
0xb9: {  	s31 =	sshll.u32 s1, $0xD;
	s1 =	sshrl.u32 s1, $0x2  }
0xba: {  	s3 =	sand.u32 $0x4000, s31;
	s1 =	sadd.s32 s1, s30  }
0xbb: {  	s0 =	sor.u32 s3, s0;
	s1 =	sshll.u32 s1, $0x11  }
0xbc: {  	s0 =	sor.u32 s1, s0  }
0xbd: {  	s0 =	sadd.s32 $0x8F2B, s0  }
0xbe: {  	[sflag:s0] =	ssyncadd.remote.s32 $0x1  }
0xbf: {  	_ =	sfence.sel $0xFFFF  }
0xc0: {  	[dreg:$0x0] =	wrdreg $0xFFFFFFFF;
	(pc) =	sbr.abs _section_cstart, $3  }
0xc1: {  	[dreg:$0x1] =	wrdreg $0xFFFFFFFF  }
0xc2: {  	_ =	task.clear_ibuf [dreg:s7], $0x2FFFF;
	_ =	strace $0x9FFFFFFF  }
0xc3: {  	(tm) =	ssettm $0x7FFFFFFF  }
tec
execute0_lowered:
.L_overlay_start_1:
0x0: {  	(tag) =	ssettag $0x1  }
0x1: {  	s0 =	rddreg [dreg:$0x0]  }
0x2: {  	s1 =	rddreg [dreg:$0x1]  }
0x3: {  	s2 =	rddreg [dreg:$0x2];
	s3 =	simm.s32 $0x0;
	s12 =	stileid.u32  }
0x4: {  	s4 =	srdreg.scid;
	s13 =	simm.s32 $0x800;
	s14 =	simm.s32 $0x1C00  }
0x5: {  	s15 =	simm.s32 $0x1;
	s16 =	simm.s32 $0x3;
	s17 =	simm.s32 $0x100  }
0x6: {  	s18 =	simm.s32 $0x2;
	s19 =	simm.s32 $0x480;
	s20 =	simm.s32 $0x4  }
0x7: {  	s21 =	simm.s32 $0x180;
	s28 =	simm.s32 $0x600;
	s29 =	simm.s32 $0x300  }
0x8: {  	s30 =	simm.s32 $0x680;
	s31 =	simm.s32 $0x380;
	s7 =	smul.u32 $0xA00, s12  }
0x9: {  	[smem:$0x7FF] =	sst s3;
	s4 =	sand.u32 $0x1, s4;
	s9 =	smul.u32 $0x6400, s12  }
0xa: {  	s10 =	sadd.s32 $0x1A00, s0;
	s24 =	sshll.u32 s12, $0x6;
	s12 =	simm.s32 $0x80  }
0xb: {  	_ =	strace $0x80000050;
	s5 =	smul.u32 $0xC800, s4;
	s6 =	ssub.s32 $0x2, s4  }
0xc: {  	[dreg:$0x5] =	wrdreg s10;
	s4 =	sshll.u32 s4, $0x7;
	s10 =	simm.s32 $0x5  }
0xd: {  	s8 =	sadd.s32 s7, s0;
	s22 =	sshrl.u32 s6, $0x1;
	s11 =	sadd.s32 s9, s2  }
0xe: {  	s1 =	sadd.s32 s7, s1;
	s0 =	sadd.s32 s5, s0;
	s23 =	ssub.s32 s6, s22  }
0xf: {  	s5 =	sor.u32 $0x1C05, s24;
	s24 =	sshrl.u32 s9, $0x3;
	s8 =	sadd.s32 s4, s8  }
0x10: {  	s26 =	sshrl.u32 s11, $0x3;
	s11 =	simm.s32 $0x400;
	s22 =	simm.s32 $0x500  }
0x11: {  	s6 =	sadd.s32 $0x1FC00, s0;
	s0 =	sadd.s32 $0x38C00, s0;
	s25 =	smax.u32 s23, $0x1  }
0x12: {  	s8 =	sadd.s32 $0x15C00, s8;
	s7 =	smov.u32 s5;
	[dreg:$0x6] =	wrdreg s25  }
0x13: {  	s23 =	simm.s32 $0x200;
	[dreg:$0x4] =	wrdreg s8;
	s8 =	sadd.s32 s4, s1  }
0x14: {  	s0 =	sadd.s32 s24, s0;
	s24 =	smov.u32 s26;
	s25 =	simm.s32 $0x580  }
0x15: {  	s26 =	simm.s32 $0x280;
	s1 =	simm.s32 $0x780;
	[dreg:$0x7] =	wrdreg s7  }
0x16: {  	s4 =	simm.s32 $0x0;
	[dreg:$0x8] =	wrdreg s0;
	s0 =	simm.s32 $0x700  }
.LBB2_1:
0x17: {  	s5 =	rddreg [dreg:$0x5]  }
0x18: {  	[spmem:s24], [sflag:s7] =	dma.local [hbm:s5], $0xC80  }
0x19: {  	_ =	swait.ge [sflag:s10], $0xC80  }
0x1a: {  	[sflag:s10] =	ssyncset.done $0x0  }
0x1b: {  	[sflag:s10] =	ssyncadd.s32 $0xFFFFF380  }
0x1c: {  	[bflag:$0x0] =	sbarrier.arrive $0xFFFF  }
0x1d: {  	s5 =	rddreg [dreg:$0x4]  }
0x1e: {  	s7 =	sadd.s32 $0x0, s5  }
0x1f: {  	[tilespmem:s3], [sflag:$0x5] =	stream.linear.gather [hbm4b:s7+s3], $0x400, $0x38;
	[tilespmem:$0x9400] =	vst v63  }
0x20: {  	_ =	swait.ge [sflag:s10], $0x400  }
0x21: {  	[sflag:s10] =	ssyncset.done $0x0  }
0x22: {  	s9 =	smov.u32 s24;
	s24 =	sadd.s32 $0x0, s8;
	[sflag:s10] =	ssyncadd.s32 $0xFFFFFC00  }
0x23: {  	[tilespmem:s11], [sflag:$0x5] =	stream.linear.gather [hbm4b:s24+s3], $0x400, $0x38;
	[tilespmem:$0x9400] =	vst v63  }
0x24: {  	_ =	swait.ge [sflag:s10], $0x400  }
0x25: {  	[sflag:s10] =	ssyncset.done $0x0  }
0x26: {  	[sflag:s10] =	ssyncadd.s32 $0xFFFFFC00  }
0x27: {  	[tilespmem:s13], [sflag:$0x1] =	stream.indirect.gather [hbm4b:s6+s12], $0x28, s3, s12, $0xb8;
	[tilespmem:$0x9400] =	vst v63  }
0x28: {  	_ = 	snop  }
0x29: {  	[tilespmem:s14], [sflag:$0x2] =	stream.indirect.gather [hbm4b:s6+s12], $0x28, s12, s12, $0xb8;
	[tilespmem:$0x9400] =	vst v63  }
0x2a: {  	_ =	swait.ge [sflag:s15], $0x1400  }
0x2b: {  	[sflag:s15] =	ssyncset.done $0x0  }
0x2c: {  	[sflag:s15] =	ssyncadd.s32 $0xFFFFEC00  }
0x2d: {  	[spmem:s2] =	stream.indirect.scatter.add.f32 [tilespmem:s13], [sflag:$0x3], $0x28, s11, s12, $0xb8;
	[tilespmem:$0x9400] =	vst v63  }
0x2e: {  	_ =	swait.ge [sflag:s16], $0x1400  }
0x2f: {  	[sflag:s16] =	ssyncset.done $0x0  }
0x30: {  	[sflag:s16] =	ssyncadd.s32 $0xFFFFEC00  }
0x31: {  	[tilespmem:s13], [sflag:$0x1] =	stream.indirect.gather [hbm4b:s6+s12], $0x28, s17, s12, $0xb8;
	[tilespmem:$0x9400] =	vst v63  }
0x32: {  	_ =	swait.ge [sflag:s18], $0x1400  }
0x33: {  	[sflag:s18] =	ssyncset.done $0x0  }
0x34: {  	[sflag:s18] =	ssyncadd.s32 $0xFFFFEC00  }
0x35: {  	[spmem:s2] =	stream.indirect.scatter.add.f32 [tilespmem:s14], [sflag:$0x4], $0x28, s19, s12, $0xb8;
	[tilespmem:$0x9400] =	vst v63  }
0x36: {  	_ =	swait.ge [sflag:s20], $0x1400  }
0x37: {  	[sflag:s20] =	ssyncset.done $0x0  }
0x38: {  	[sflag:s20] =	ssyncadd.s32 $0xFFFFEC00  }
0x39: {  	[tilespmem:s14], [sflag:$0x2] =	stream.indirect.gather [hbm4b:s6+s12], $0x28, s21, s12, $0xb8;
	[tilespmem:$0x9400] =	vst v63  }
0x3a: {  	_ =	swait.ge [sflag:s15], $0x1400  }
0x3b: {  	[sflag:s15] =	ssyncset.done $0x0  }
0x3c: {  	[sflag:s15] =	ssyncadd.s32 $0xFFFFEC00  }
0x3d: {  	[spmem:s2] =	stream.indirect.scatter.add.f32 [tilespmem:s13], [sflag:$0x3], $0x28, s22, s12, $0xb8;
	[tilespmem:$0x9400] =	vst v63  }
0x3e: {  	_ =	swait.ge [sflag:s16], $0x1400  }
0x3f: {  	[sflag:s16] =	ssyncset.done $0x0  }
0x40: {  	[sflag:s16] =	ssyncadd.s32 $0xFFFFEC00  }
0x41: {  	[tilespmem:s13], [sflag:$0x1] =	stream.indirect.gather [hbm4b:s6+s12], $0x28, s23, s12, $0xb8;
	[tilespmem:$0x9400] =	vst v63  }
0x42: {  	_ =	swait.ge [sflag:s18], $0x1400  }
0x43: {  	[sflag:s18] =	ssyncset.done $0x0  }
0x44: {  	[sflag:s18] =	ssyncadd.s32 $0xFFFFEC00  }
0x45: {  	[spmem:s2] =	stream.indirect.scatter.add.f32 [tilespmem:s14], [sflag:$0x4], $0x28, s25, s12, $0xb8;
	[tilespmem:$0x9400] =	vst v63  }
0x46: {  	_ =	swait.ge [sflag:s20], $0x1400  }
0x47: {  	[sflag:s20] =	ssyncset.done $0x0  }
0x48: {  	[sflag:s20] =	ssyncadd.s32 $0xFFFFEC00  }
0x49: {  	[tilespmem:s14], [sflag:$0x2] =	stream.indirect.gather [hbm4b:s6+s12], $0x28, s26, s12, $0xb8;
	[tilespmem:$0x9400] =	vst v63  }
0x4a: {  	_ =	swait.ge [sflag:s15], $0x1400  }
0x4b: {  	[sflag:s15] =	ssyncset.done $0x0  }
0x4c: {  	[sflag:s15] =	ssyncadd.s32 $0xFFFFEC00  }
0x4d: {  	[spmem:s2] =	stream.indirect.scatter.add.f32 [tilespmem:s13], [sflag:$0x3], $0x28, s28, s12, $0xb8;
	[tilespmem:$0x9400] =	vst v63  }
0x4e: {  	_ =	swait.ge [sflag:s16], $0x1400  }
0x4f: {  	[sflag:s16] =	ssyncset.done $0x0  }
0x50: {  	[sflag:s16] =	ssyncadd.s32 $0xFFFFEC00  }
0x51: {  	[tilespmem:s13], [sflag:$0x1] =	stream.indirect.gather [hbm4b:s6+s12], $0x28, s29, s12, $0xb8;
	[tilespmem:$0x9400] =	vst v63  }
0x52: {  	_ =	swait.ge [sflag:s18], $0x1400  }
0x53: {  	[sflag:s18] =	ssyncset.done $0x0  }
0x54: {  	[sflag:s18] =	ssyncadd.s32 $0xFFFFEC00  }
0x55: {  	[spmem:s2] =	stream.indirect.scatter.add.f32 [tilespmem:s14], [sflag:$0x4], $0x28, s30, s12, $0xb8;
	[tilespmem:$0x9400] =	vst v63  }
0x56: {  	_ =	swait.ge [sflag:s20], $0x1400  }
0x57: {  	[sflag:s20] =	ssyncset.done $0x0  }
0x58: {  	[sflag:s20] =	ssyncadd.s32 $0xFFFFEC00  }
0x59: {  	[tilespmem:s14], [sflag:$0x2] =	stream.indirect.gather [hbm4b:s6+s12], $0x28, s31, s12, $0xb8;
	[tilespmem:$0x9400] =	vst v63  }
0x5a: {  	_ =	swait.ge [sflag:s15], $0x1400  }
0x5b: {  	[sflag:s15] =	ssyncset.done $0x0  }
0x5c: {  	[sflag:s15] =	ssyncadd.s32 $0xFFFFEC00  }
0x5d: {  	[spmem:s2] =	stream.indirect.scatter.add.f32 [tilespmem:s13], [sflag:$0x3], $0x28, s0, s12, $0xb8;
	[tilespmem:$0x9400] =	vst v63  }
0x5e: {  	_ =	swait.ge [sflag:s18], $0x1400  }
0x5f: {  	[sflag:s18] =	ssyncset.done $0x0  }
0x60: {  	[sflag:s18] =	ssyncadd.s32 $0xFFFFEC00  }
0x61: {  	[spmem:s2] =	stream.indirect.scatter.add.f32 [tilespmem:s14], [sflag:$0x4], $0x28, s1, s12, $0xb8;
	[tilespmem:$0x9400] =	vst v63  }
0x62: {  	_ =	swait.ge [sflag:s16], $0x1400  }
0x63: {  	[sflag:s16] =	ssyncset.done $0x0  }
0x64: {  	[sflag:s16] =	ssyncadd.s32 $0xFFFFEC00  }
0x65: {  	_ =	swait.ge [sflag:s20], $0x1400  }
0x66: {  	s7 =	simm.s32 $0x100;
	[sflag:s20] =	ssyncset.done $0x0  }
.LBB2_2:
0x67: {  	s24 =	rddreg [dreg:$0x4];
	s5 =	smov.u32 s7  }
0x68: {  	[sflag:s20] =	ssyncadd.s32 $0xFFFFEC00;
	s24 =	sadd.s32 s5, s24  }
0x69: {  	[tilespmem:s3], [sflag:$0x5] =	stream.linear.gather [hbm4b:s24+s3], $0x400, $0x38;
	[tilespmem:$0x9400] =	vst v63  }
0x6a: {  	_ =	swait.ge [sflag:s10], $0x400  }
0x6b: {  	[sflag:s10] =	ssyncset.done $0x0  }
0x6c: {  	s5 =	sadd.s32 s5, s8;
	[sflag:s10] =	ssyncadd.s32 $0xFFFFFC00  }
0x6d: {  	[tilespmem:s11], [sflag:$0x5] =	stream.linear.gather [hbm4b:s5+s3], $0x400, $0x38;
	[tilespmem:$0x9400] =	vst v63  }
0x6e: {  	_ =	swait.ge [sflag:s10], $0x400  }
0x6f: {  	[sflag:s10] =	ssyncset.done $0x0  }
0x70: {  	[sflag:s10] =	ssyncadd.s32 $0xFFFFFC00  }
0x71: {  	[tilespmem:s13], [sflag:$0x1] =	stream.indirect.gather [hbm4b:s6+s12], $0x28, s3, s12, $0xb8;
	[tilespmem:$0x9400] =	vst v63  }
0x72: {  	_ = 	snop  }
0x73: {  	[tilespmem:s14], [sflag:$0x2] =	stream.indirect.gather [hbm4b:s6+s12], $0x28, s12, s12, $0xb8;
	[tilespmem:$0x9400] =	vst v63  }
0x74: {  	_ =	swait.ge [sflag:s15], $0x1400  }
0x75: {  	[sflag:s15] =	ssyncset.done $0x0  }
0x76: {  	[sflag:s15] =	ssyncadd.s32 $0xFFFFEC00  }
0x77: {  	[spmem:s2] =	stream.indirect.scatter.add.f32 [tilespmem:s13], [sflag:$0x3], $0x28, s11, s12, $0xb8;
	[tilespmem:$0x9400] =	vst v63  }
0x78: {  	_ =	swait.ge [sflag:s16], $0x1400  }
0x79: {  	[sflag:s16] =	ssyncset.done $0x0  }
0x7a: {  	[sflag:s16] =	ssyncadd.s32 $0xFFFFEC00  }
0x7b: {  	[tilespmem:s13], [sflag:$0x1] =	stream.indirect.gather [hbm4b:s6+s12], $0x28, s17, s12, $0xb8;
	[tilespmem:$0x9400] =	vst v63  }
0x7c: {  	_ =	swait.ge [sflag:s18], $0x1400  }
0x7d: {  	[sflag:s18] =	ssyncset.done $0x0  }
0x7e: {  	[sflag:s18] =	ssyncadd.s32 $0xFFFFEC00  }
0x7f: {  	[spmem:s2] =	stream.indirect.scatter.add.f32 [tilespmem:s14], [sflag:$0x4], $0x28, s19, s12, $0xb8;
	[tilespmem:$0x9400] =	vst v63  }
0x80: {  	_ =	swait.ge [sflag:s20], $0x1400  }
0x81: {  	[sflag:s20] =	ssyncset.done $0x0  }
0x82: {  	[sflag:s20] =	ssyncadd.s32 $0xFFFFEC00  }
0x83: {  	[tilespmem:s14], [sflag:$0x2] =	stream.indirect.gather [hbm4b:s6+s12], $0x28, s21, s12, $0xb8;
	[tilespmem:$0x9400] =	vst v63  }
0x84: {  	_ =	swait.ge [sflag:s15], $0x1400  }
0x85: {  	[sflag:s15] =	ssyncset.done $0x0  }
0x86: {  	[sflag:s15] =	ssyncadd.s32 $0xFFFFEC00  }
0x87: {  	[spmem:s2] =	stream.indirect.scatter.add.f32 [tilespmem:s13], [sflag:$0x3], $0x28, s22, s12, $0xb8;
	[tilespmem:$0x9400] =	vst v63  }
0x88: {  	_ =	swait.ge [sflag:s16], $0x1400  }
0x89: {  	[sflag:s16] =	ssyncset.done $0x0  }
0x8a: {  	[sflag:s16] =	ssyncadd.s32 $0xFFFFEC00  }
0x8b: {  	[tilespmem:s13], [sflag:$0x1] =	stream.indirect.gather [hbm4b:s6+s12], $0x28, s23, s12, $0xb8;
	[tilespmem:$0x9400] =	vst v63  }
0x8c: {  	_ =	swait.ge [sflag:s18], $0x1400  }
0x8d: {  	[sflag:s18] =	ssyncset.done $0x0  }
0x8e: {  	[sflag:s18] =	ssyncadd.s32 $0xFFFFEC00  }
0x8f: {  	[spmem:s2] =	stream.indirect.scatter.add.f32 [tilespmem:s14], [sflag:$0x4], $0x28, s25, s12, $0xb8;
	[tilespmem:$0x9400] =	vst v63  }
0x90: {  	_ =	swait.ge [sflag:s20], $0x1400  }
0x91: {  	[sflag:s20] =	ssyncset.done $0x0  }
0x92: {  	[sflag:s20] =	ssyncadd.s32 $0xFFFFEC00  }
0x93: {  	[tilespmem:s14], [sflag:$0x2] =	stream.indirect.gather [hbm4b:s6+s12], $0x28, s26, s12, $0xb8;
	[tilespmem:$0x9400] =	vst v63  }
0x94: {  	_ =	swait.ge [sflag:s15], $0x1400  }
0x95: {  	[sflag:s15] =	ssyncset.done $0x0  }
0x96: {  	[sflag:s15] =	ssyncadd.s32 $0xFFFFEC00  }
0x97: {  	[spmem:s2] =	stream.indirect.scatter.add.f32 [tilespmem:s13], [sflag:$0x3], $0x28, s28, s12, $0xb8;
	[tilespmem:$0x9400] =	vst v63  }
0x98: {  	_ =	swait.ge [sflag:s16], $0x1400  }
0x99: {  	[sflag:s16] =	ssyncset.done $0x0  }
0x9a: {  	[sflag:s16] =	ssyncadd.s32 $0xFFFFEC00  }
0x9b: {  	[tilespmem:s13], [sflag:$0x1] =	stream.indirect.gather [hbm4b:s6+s12], $0x28, s29, s12, $0xb8;
	[tilespmem:$0x9400] =	vst v63  }
0x9c: {  	_ =	swait.ge [sflag:s18], $0x1400  }
0x9d: {  	[sflag:s18] =	ssyncset.done $0x0  }
0x9e: {  	[sflag:s18] =	ssyncadd.s32 $0xFFFFEC00  }
0x9f: {  	[spmem:s2] =	stream.indirect.scatter.add.f32 [tilespmem:s14], [sflag:$0x4], $0x28, s30, s12, $0xb8;
	[tilespmem:$0x9400] =	vst v63  }
0xa0: {  	_ =	swait.ge [sflag:s20], $0x1400  }
0xa1: {  	[sflag:s20] =	ssyncset.done $0x0  }
0xa2: {  	[sflag:s20] =	ssyncadd.s32 $0xFFFFEC00  }
0xa3: {  	[tilespmem:s14], [sflag:$0x2] =	stream.indirect.gather [hbm4b:s6+s12], $0x28, s31, s12, $0xb8;
	[tilespmem:$0x9400] =	vst v63  }
0xa4: {  	_ =	swait.ge [sflag:s15], $0x1400  }
0xa5: {  	[sflag:s15] =	ssyncset.done $0x0  }
0xa6: {  	[sflag:s15] =	ssyncadd.s32 $0xFFFFEC00  }
0xa7: {  	[spmem:s2] =	stream.indirect.scatter.add.f32 [tilespmem:s13], [sflag:$0x3], $0x28, s0, s12, $0xb8;
	[tilespmem:$0x9400] =	vst v63  }
0xa8: {  	_ =	swait.ge [sflag:s18], $0x1400  }
0xa9: {  	[sflag:s18] =	ssyncset.done $0x0  }
0xaa: {  	p0 =	sne.s32 s7, $0x900;
	[sflag:s18] =	ssyncadd.s32 $0xFFFFEC00  }
0xab: {  	[spmem:s2] =	stream.indirect.scatter.add.f32 [tilespmem:s14], [sflag:$0x4], $0x28, s1, s12, $0xb8;
	[tilespmem:$0x9400] =	vst v63  }
.Ltmp0:
0xac: {  	_ =	swait.ge [sflag:s16], $0x1400;
	(pc) =	sbr.rel @p0 .LBB2_2-.Ltmp0, $4  }
0xad: {  	[sflag:s16] =	ssyncset.done $0x0  }
0xae: {  	[sflag:s16] =	ssyncadd.s32 $0xFFFFEC00  }
0xaf: {  	_ =	swait.ge [sflag:s20], $0x1400  }
0xb0: {  	s7 =	sadd.s32 $0x100, s7;
	[sflag:s20] =	ssyncset.done $0x0  }
0xb1: {  	[sflag:s20] =	ssyncadd.s32 $0xFFFFEC00  }
0xb2: {  	[bflag:$0x0] =	sbarrier.arrive $0xFFFF  }
0xb3: {  	s7 =	rddreg [dreg:$0x7]  }
0xb4: {  	s5 =	rddreg [dreg:$0x8]  }
0xb5: {  	[hbm:s5], [sflag:s7] =	dma.local [spmem:s9], $0xC80  }
0xb6: {  	_ =	swait.ge [sflag:s10], $0xC80  }
0xb7: {  	s24 =	smov.u32 s9;
	s4 =	sadd.s32 $0x1, s4;
	s9 =	rddreg [dreg:$0x6]  }
0xb8: {  	p0 =	sne.s32 s4, s9  }
.Ltmp1:
0xb9: {  	_ = 	snop;
	(pc) =	sbr.rel @p0 .LBB2_1-.Ltmp1, $3  }
0xba: {  	_ =	sdelay $0x1  }
0xbb: {  	[sflag:s10] =	ssyncset.done $0x0  }
0xbc: {  	[sflag:s10] =	ssyncadd.s32 $0xFFFFF380  }
0xbd: {  	_ =	sfence.sel $0x180000  }
0xbe: {  	[bflag:$0x0] =	sbarrier.arrive $0xFFFF  }
0xbf: {  	_ =	strace $0x90000050  }
0xc0: {  	s0 =	stileid.u32;
	[bflag:$0x2] =	sbarrier.arrive $0xFFFF  }
0xc1: {  	p0 =	sne.s32 s0, $0x0;
	s0 =	rddreg [dreg:$0x3]  }
0xc2: {  	s0 =	sadd.s32 @!p0 $0x100000, s0  }
0xc3: {  	[sflag:s0] =	ssyncadd.tile.s32 @!p0 $0x1;
	_ =	shalt  }
.Lfunc_end2:
_tile_overlayer_lowered:
.L_overlay_start_2:
0xc4: {  	(tag) =	ssettag $0x2  }
0xc5: {  	s0 =	rddreg [dreg:$0x0];
	s2 =	stileid.u32  }
0xc6: {  	s1 =	rddreg [dreg:$0x1];
	p0 =	sne.s32 s2, $0x0  }
0xc7: {  	s3 =	rddreg [dreg:$0x2];
	[bflag:$0x3] =	sbarrier.arrive $0xFFFF;
	s2 =	simm.s32 @!p0 $0x1C05  }
0xc8: {  	[timem:s3], [sflag:s2] =	dma.local @!p0 [hbm:s0], s1  }
0xc9: {  	s0 =	simm.s32 @!p0 $0x5  }
0xca: {  	_ =	swait.ge @!p0 [sflag:s0], s1  }
0xcb: {  	s1 =	ssub.s32 @!p0 $0x0, s1;
	[sflag:s0] =	ssyncset.done @!p0 $0x0  }
0xcc: {  	[sflag:s0] =	ssyncadd.s32 @!p0 s1  }
0xcd: {  	[bflag:$0x3] =	sbarrier.arrive $0xFFFF  }
0xce: {  	_ =	shalt  }

// kernel: gcn_agg_fs_128.3.cloned.1.call-start
scs
__scs_entry_jumppad:
0x0: {  	(pc) =	sbr.rel $0x88, $3  }
0x1: {  	(tag) =	ssettag $0x0;
	lr =	simm.s32 $0x1  }
0x2: {  	[smem:$0x3F95] =	sst lr;
	_ =	strace $0xD0000000  }
0x3: {  	_ = 	snop  }
0x4: {  	_ = 	snop  }
0x5: {  	_ = 	snop  }
0x6: {  	_ = 	snop  }
0x7: {  	_ = 	snop  }
__scs_overlays_trampoline_lowered:
0x8: {  	[smem:$0x3FA4] =	sst s0  }
0x9: {  	[smem:$0x3FA5] =	sst s1  }
0xa: {  	[smem:$0x3FA6] =	sst s2  }
0xb: {  	[smem:$0x3FA7] =	sst s3  }
0xc: {  	[smem:$0x3FA8] =	sst s4  }
0xd: {  	[smem:$0x3FA9] =	sst s5  }
0xe: {  	[smem:$0x3FAA] =	sst s6  }
0xf: {  	[smem:$0x3FAB] =	sst s7  }
0x10: {  	[smem:$0x3FAC] =	sst s8  }
0x11: {  	[smem:$0x3FAD] =	sst s9;
	s0 =	simm.s32 @!p0 $0x0  }
0x12: {  	s1 =	sld [smem:$0x3F93];
	s0 =	simm.s32 @p0 $0x1  }
0x13: {  	[smem:$0x3FAE] =	sst s0;
	s0 =	simm.s32 @!p1 $0x0  }
0x14: {  	s2 =	sld [smem:$0x3F92];
	s0 =	simm.s32 @p1 $0x1  }
0x15: {  	[smem:$0x3FAF] =	sst s0;
	s0 =	simm.s32 @!p2 $0x0  }
0x16: {  	s3 =	sld [smem:$0x3FDB];
	s0 =	simm.s32 @p2 $0x1  }
0x17: {  	s4 =	simm.s32 $0x1BF5;
	[smem:$0x3FB1] =	sst s0  }
0x18: {  	s0 =	sld [smem:$0x3F94];
	_ =	swait.ge [sflag:s4], $0x0  }
0x19: {  	s7 =	sld [smem:$0x3F95]  }
0x1a: {  	s8 =	sadd.s32 $0xFFFFE003, lr  }
0x1b: {  	s9 =	sadd.s32 $0xFFFFFEF7, lr;
	s5 =	simm.s32 $0xFFFFFFFF;
	p2 =	slt.u32 s8, $0xFFFFF086  }
0x1c: {  	p1 =	slt.u32 s9, $0xF7A;
	s5 =	simm.s32 @!p2 $0x0  }
0x1d: {  	s5 =	simm.s32 @p1 $0x1;
	p0 =	seq.s32 s7, s2  }
0x1e: {  	s7 =	smul.u32 @!p0 $0xF7A, s2;
	p2 =	seq.s32 @!p0 s5, $0x0  }
0x1f: {  	s9 =	smul.u32 $0xF7A, s1;
	s8 =	simm.s32 @!p0 $0x1BF5;
	p2 =	por !p2, p0  }
0x20: {  	[sflag:s8] =	ssyncset.s32 @!p0 $0xFFFFF086;
	s6 =	sadd.s32 @!p0 s3, s7;
	s7 =	simm.s32 @!p0 $0x108  }
0x21: {  	s3 =	sadd.s32 s3, s9;
	s6 =	sadd.s32 @!p0 $0x88, s6;
	s7 =	simm.s32 @p2 $0x1082  }
0x22: {  	[simem:s7], [sflag:s8] =	dma.local @!p0 [hbm:s6], $0xF7A  }
0x23: {  	s9 =	sor.u32 $0xD0000000, s2;
	s6 =	simm.s32 $0x108;
	_ =	swait.ge @!p0 [sflag:s8], $0x0  }
0x24: {  	s3 =	sadd.s32 $0x88, s3;
	s6 =	simm.s32 @!p1 $0x1082;
	[sflag:s4] =	ssyncset.s32 $0xFFFFF086  }
0x25: {  	[simem:s6], [sflag:s4] =	dma.local [hbm:s3], $0xF7A  }
0x26: {  	[smem:$0x3F95] =	sst s1;
	(tag) =	ssettag s2;
	_ =	strace s9  }
0x27: {  	s1 =	sld [smem:$0x3FA5]  }
0x28: {  	s2 =	sld [smem:$0x3FA6]  }
0x29: {  	s4 =	sld [smem:$0x3FA8]  }
0x2a: {  	p0 =	seq.s32 s5, $0x0;
	s5 =	sld [smem:$0x3FA9]  }
0x2b: {  	s6 =	sld [smem:$0x3FAA]  }
0x2c: {  	s7 =	sld [smem:$0x3FAB]  }
0x2d: {  	s3 =	simm.s32 $0x108;
	s8 =	sld [smem:$0x3FAC]  }
0x2e: {  	s3 =	simm.s32 @!p0 $0x1082;
	s9 =	sld [smem:$0x3FAD]  }
0x2f: {  	lr =	sadd.s32 s0, s3;
	s0 =	sld [smem:$0x3FA4]  }
0x30: {  	s3 =	sld [smem:$0x3FA7]  }
0x31: {  	[smem:$0x3FB0] =	sst s10  }
0x32: {  	s10 =	sld [smem:$0x3FAE];
	_ =	sdelay $0x3  }
0x33: {  	p0 =	seq.s32 s10, $0x1;
	s10 =	sld [smem:$0x3FB0];
	_ =	sdelay $0x3  }
0x34: {  	[smem:$0x3FB0] =	sst s10  }
0x35: {  	s10 =	sld [smem:$0x3FAF];
	_ =	sdelay $0x3  }
0x36: {  	p1 =	seq.s32 s10, $0x1;
	s10 =	sld [smem:$0x3FB0];
	_ =	sdelay $0x3  }
0x37: {  	[smem:$0x3FB0] =	sst s10  }
0x38: {  	s10 =	sld [smem:$0x3FB1]  }
0x39: {  	_ = 	snop;
	(pc) =	sbr.ind lr, $3  }
0x3a: {  	_ = 	snop  }
0x3b: {  	_ = 	snop  }
0x3c: {  	p2 =	seq.s32 s10, $0x1;
	s10 =	sld [smem:$0x3FB0]  }
0x3d: {  	_ =	shalt  }
0x3e: {  	_ =	shalt  }
0x3f: {  	_ =	shalt  }
0x40: {  	_ =	shalt  }
0x41: {  	_ =	shalt  }
0x42: {  	_ =	shalt  }
0x43: {  	_ =	shalt  }
0x44: {  	_ =	shalt  }
0x45: {  	_ =	shalt  }
0x46: {  	_ =	shalt  }
0x47: {  	_ =	shalt  }
0x48: {  	_ =	shalt  }
0x49: {  	_ =	shalt  }
0x4a: {  	_ =	shalt  }
0x4b: {  	_ =	shalt  }
0x4c: {  	_ =	shalt  }
0x4d: {  	_ =	shalt  }
0x4e: {  	_ =	shalt  }
0x4f: {  	_ =	shalt  }
0x50: {  	_ =	shalt  }
0x51: {  	_ =	shalt  }
0x52: {  	_ =	shalt  }
0x53: {  	_ =	shalt  }
0x54: {  	_ =	shalt  }
0x55: {  	_ =	shalt  }
0x56: {  	_ =	shalt  }
0x57: {  	_ =	shalt  }
0x58: {  	_ =	shalt  }
0x59: {  	_ =	shalt  }
0x5a: {  	_ =	shalt  }
0x5b: {  	_ =	shalt  }
0x5c: {  	_ =	shalt  }
0x5d: {  	_ =	shalt  }
0x5e: {  	_ =	shalt  }
0x5f: {  	_ =	shalt  }
0x60: {  	_ =	shalt  }
0x61: {  	_ =	shalt  }
0x62: {  	_ =	shalt  }
0x63: {  	_ =	shalt  }
0x64: {  	_ =	shalt  }
0x65: {  	_ =	shalt  }
0x66: {  	_ =	shalt  }
0x67: {  	_ =	shalt  }
0x68: {  	_ =	shalt  }
0x69: {  	_ =	shalt  }
0x6a: {  	_ =	shalt  }
0x6b: {  	_ =	shalt  }
0x6c: {  	_ =	shalt  }
0x6d: {  	_ =	shalt  }
0x6e: {  	_ =	shalt  }
0x6f: {  	_ =	shalt  }
0x70: {  	_ =	shalt  }
0x71: {  	_ =	shalt  }
0x72: {  	_ =	shalt  }
0x73: {  	_ =	shalt  }
0x74: {  	_ =	shalt  }
0x75: {  	_ =	shalt  }
0x76: {  	_ =	shalt  }
0x77: {  	_ =	shalt  }
0x78: {  	_ =	shalt  }
0x79: {  	_ =	shalt  }
0x7a: {  	_ =	shalt  }
0x7b: {  	_ =	shalt  }
0x7c: {  	_ =	shalt  }
0x7d: {  	_ =	shalt  }
0x7e: {  	_ =	shalt  }
0x7f: {  	_ =	shalt  }
0x80: {  	_ =	shalt  }
0x81: {  	_ =	shalt  }
0x82: {  	_ =	shalt  }
0x83: {  	_ =	shalt  }
0x84: {  	_ =	shalt  }
0x85: {  	_ =	shalt  }
0x86: {  	_ =	shalt  }
0x87: {  	_ =	shalt  }
.Lfunc_end0:
.L_simem_size_0:
called_computation.2_lowered:
.L_overlay_start_0:
0x88: {  	s2 =	sld [smem:$0x3FD9]  }
0x89: {  	s3 =	sld [smem:$0x3FFE];
	_ =	sdelay $0x1  }
0x8a: {  	s1 =	srdreg.scid  }
0x8b: {  	s0 =	sand.u32 $0x1, s1  }
0x8c: {  	s16 =	sshll.u32 s0, $0xA;
	s2 =	sadd.s32 s3, s2  }
0x8d: {  	s2 =	sadd.s32 s2, s16  }
0x8e: {  	[smem:$0x3FBC] =	sst s2  }
0x8f: {  	_ = 	snop  }
0x90: {  	(tm) =	ssettm $0x1  }
0x91: {  	s17 =	sld [smem:$0x3FFB];
	_ =	sdelay $0x3  }
0x92: {  	_ =	strace s17  }
0x93: {  	s2 =	sld [smem:$0x3FFC];
	_ =	sdelay $0x3  }
0x94: {  	_ =	strace s2  }
0x95: {  	s2 =	sld [smem:$0x3FFD];
	_ =	sdelay $0x3  }
0x96: {  	_ =	strace s2  }
0x97: {  	_ =	strace $0x8FFFFFFF  }
0x98: {  	s18 =	sld [smem:$0x3FDB];
	_ =	sdelay $0x1  }
0x99: {  	s19 =	simm.s32 $_scs_section_size  }
0x9a: {  	s4 =	simm.s32 $_size__tile_overlayer_lowered;
	s5 =	simm.s32 $_tile_overlayer_lowered  }
0x9b: {  	s22 =	simm.s32 $0x1BFF;
	s21 =	sshll.u32 s5, $0x1;
	s2 =	sadd.s32 s19, s18  }
0x9c: {  	s6 =	simm.s32 $0x0;
	s20 =	sshll.u32 s4, $0x1;
	s4 =	sadd.s32 s21, s2  }
0x9d: {  	[timem:s6], [sflag:s22] =	dma.local [hbm:s4], s20  }
0x9e: {  	_ =	swait.ge [sflag:s22], s20  }
0x9f: {  	s3 =	ssub.s32 $0x0, s20;
	[sflag:s22] =	ssyncset.done $0x0  }
0xa0: {  	[sflag:s22] =	ssyncadd.s32 s3;
	_ =	sdelay $0x1  }
0xa1: {  	s23 =	simm.s32 $0x1B8B  }
0xa2: {  	_ =	swait.ge [sflag:s23], $0x1  }
0xa3: {  	[sflag:s23] =	ssyncset.done $0x0  }
0xa4: {  	s25 =	simm.s32 $0x1B8E;
	s24 =	sld [smem:$0x3FFE];
	[sflag:s23] =	ssyncadd.s32 $0xFFFFFFFF  }
0xa5: {  	s26 =	simm.s32 $execute0_lowered;
	[smem:$0x3FD2] =	sst s25  }
0xa6: {  	s4 =	sshll.u32 s26, $0x1;
	_ =	strace $0x8000004C;
	[dreg:$0x1] =	wrdreg $0xFFFFFFFF  }
0xa7: {  	s28 =	simm.s32 $_size_execute0_lowered;
	s2 =	sadd.s32 s2, s4;
	[dreg:$0x0] =	wrdreg $0x0  }
0xa8: {  	s4 =	sshll.u32 s28, $0x1;
	[dreg:$0x2] =	wrdreg s2  }
0xa9: {  	[dreg:$0x3] =	wrdreg s4  }
0xaa: {  	[dreg:$0x4] =	wrdreg $0xC0  }
0xab: {  	_ =	task [dreg:s6], $0x5FFFF  }
0xac: {  	[dreg:$0x1] =	wrdreg $0xFFFFFFFF  }
0xad: {  	[dreg:$0x0] =	wrdreg $0x60  }
0xae: {  	[dreg:$0x2] =	wrdreg s24  }
0xaf: {  	[dreg:$0x3] =	wrdreg $0x88000  }
0xb0: {  	[dreg:$0x4] =	wrdreg $0x9  }
0xb1: {  	_ =	task.clear_ibuf [dreg:s6], $0x5FFFF;
	_ =	strace $0x9000004C  }
0xb2: {  	s29 =	simm.s32 $0x9;
	_ =	strace $0x8000004E  }
0xb3: {  	_ =	swait.ge [sflag:s29], $0x1  }
0xb4: {  	[sflag:s29] =	ssyncadd.s32 $0xFFFFFFFF  }
0xb5: {  	_ =	strace $0x9000004E  }
0xb6: {  	_ =	sfence  }
0xb7: {  	s30 =	sld [smem:$0x0];
	_ =	sdelay $0x2  }
0xb8: {  	s31 =	sshll.u32 s1, $0xD;
	s1 =	sshrl.u32 s1, $0x2  }
0xb9: {  	s3 =	sand.u32 $0x4000, s31;
	s1 =	sadd.s32 s1, s30  }
0xba: {  	s0 =	sor.u32 s3, s0;
	s1 =	sshll.u32 s1, $0x11  }
0xbb: {  	s0 =	sor.u32 s1, s0  }
0xbc: {  	s0 =	sadd.s32 $0x8F2B, s0  }
0xbd: {  	[sflag:s0] =	ssyncadd.remote.s32 $0x1  }
0xbe: {  	_ =	sfence.sel $0xFFFF  }
0xbf: {  	[dreg:$0x0] =	wrdreg $0xFFFFFFFF;
	(pc) =	sbr.abs _section_cstart, $3  }
0xc0: {  	[dreg:$0x1] =	wrdreg $0xFFFFFFFF  }
0xc1: {  	_ =	task.clear_ibuf [dreg:s6], $0x2FFFF;
	_ =	strace $0x9FFFFFFF  }
0xc2: {  	(tm) =	ssettm $0x7FFFFFFF  }
0xc3: {  	_ =	shalt  }
tec
execute0_lowered:
.L_overlay_start_1:
0x0: {  	(tag) =	ssettag $0x1  }
0x1: {  	s0 =	rddreg [dreg:$0x0]  }
0x2: {  	s2 =	rddreg [dreg:$0x1]  }
0x3: {  	s7 =	stileid.u32;
	s1 =	srdreg.scid  }
0x4: {  	s3 =	simm.s32 $0x0;
	s10 =	simm.s32 $0x5;
	s11 =	simm.s32 $0x400  }
0x5: {  	s12 =	simm.s32 $0x80;
	s13 =	simm.s32 $0x800;
	s14 =	simm.s32 $0x4800  }
0x6: {  	s15 =	simm.s32 $0x1;
	s16 =	simm.s32 $0x3;
	s17 =	simm.s32 $0x100  }
0x7: {  	s18 =	simm.s32 $0x2;
	s19 =	simm.s32 $0x480;
	s20 =	simm.s32 $0x4  }
0x8: {  	s21 =	simm.s32 $0x180;
	s22 =	simm.s32 $0x500;
	s28 =	simm.s32 $0x600  }
0x9: {  	s29 =	simm.s32 $0x300;
	s30 =	simm.s32 $0x680;
	s4 =	smul.u32 $0xA00, s7  }
0xa: {  	s31 =	simm.s32 $0x380;
	s1 =	sand.u32 $0x1, s1;
	s6 =	smul.u32 $0x50000, s7  }
0xb: {  	[smem:$0x7FF] =	sst s3;
	s25 =	sshll.u32 s7, $0x6;
	s7 =	smul.u32 $0x2800, s7  }
0xc: {  	s8 =	sadd.s32 $0x6FC00, s0;
	s5 =	smul.u32 $0x28000, s1;
	_ =	strace $0x8000004D  }
0xd: {  	[dreg:$0x4] =	wrdreg s8;
	s1 =	ssub.s32 $0x2, s1;
	s9 =	sor.u32 $0x1C05, s25  }
0xe: {  	s25 =	simm.s32 $0x580;
	s4 =	sadd.s32 s4, s0;
	s23 =	sshrl.u32 s1, $0x1  }
0xf: {  	s6 =	sshrl.u32 s6, $0x2;
	[dreg:$0x5] =	wrdreg s9;
	s0 =	sadd.s32 s5, s0  }
0x10: {  	s1 =	ssub.s32 s1, s23;
	s24 =	sadd.s32 s6, s2;
	s26 =	sadd.s32 $0x1C00, s4  }
0x11: {  	s8 =	sadd.s32 $0xBC00, s4;
	s23 =	simm.s32 $0x200;
	s6 =	sadd.s32 $0x1FC00, s0  }
0x12: {  	s0 =	sadd.s32 $0x72400, s0;
	s1 =	smax.u32 s1, $0x1;
	[dreg:$0x3] =	wrdreg s26  }
0x13: {  	s5 =	sshrl.u32 s24, $0x3;
	s26 =	simm.s32 $0x280;
	[dreg:$0x6] =	wrdreg s1  }
0x14: {  	s0 =	sadd.s32 s7, s0;
	s1 =	simm.s32 $0x780;
	[dreg:$0x7] =	wrdreg s5  }
0x15: {  	s7 =	simm.s32 $0x0;
	[dreg:$0x8] =	wrdreg s0;
	s0 =	simm.s32 $0x700  }
.LBB2_1:
0x16: {  	[dreg:$0x9] =	wrdreg s7  }
0x17: {  	s4 =	rddreg [dreg:$0x4]  }
0x18: {  	[spmem:s5], [sflag:s9] =	dma.local [hbm:s4], $0x2800  }
0x19: {  	_ =	swait.ge [sflag:s10], $0x2800  }
0x1a: {  	[sflag:s10] =	ssyncset.done $0x0  }
0x1b: {  	[sflag:s10] =	ssyncadd.s32 $0xFFFFD800  }
0x1c: {  	s9 =	sadd.s32 $0x0, s8;
	[bflag:$0x0] =	sbarrier.arrive $0xFFFF  }
0x1d: {  	[tilespmem:s3], [sflag:$0x5] =	stream.linear.gather [hbm4b:s9+s3], $0x400, $0x38;
	[tilespmem:$0x1C800] =	vst v63  }
0x1e: {  	_ =	swait.ge [sflag:s10], $0x400  }
0x1f: {  	s24 =	rddreg [dreg:$0x3];
	[sflag:s10] =	ssyncset.done $0x0  }
0x20: {  	[sflag:s10] =	ssyncadd.s32 $0xFFFFFC00;
	s5 =	sadd.s32 $0x0, s24  }
0x21: {  	[tilespmem:s11], [sflag:$0x5] =	stream.linear.gather [hbm4b:s5+s3], $0x400, $0x38;
	[tilespmem:$0x1C800] =	vst v63  }
0x22: {  	_ =	swait.ge [sflag:s10], $0x400  }
0x23: {  	[sflag:s10] =	ssyncset.done $0x0  }
0x24: {  	[sflag:s10] =	ssyncadd.s32 $0xFFFFFC00  }
0x25: {  	[tilespmem:s13], [sflag:$0x1] =	stream.indirect.gather [hbm4b:s6+s12], $0x80, s3, s12, $0xb8;
	[tilespmem:$0x1C800] =	vst v63  }
0x26: {  	_ = 	snop  }
0x27: {  	[tilespmem:s14], [sflag:$0x2] =	stream.indirect.gather [hbm4b:s6+s12], $0x80, s12, s12, $0xb8;
	[tilespmem:$0x1C800] =	vst v63  }
0x28: {  	_ =	swait.ge [sflag:s15], $0x4000  }
0x29: {  	[sflag:s15] =	ssyncset.done $0x0  }
0x2a: {  	[sflag:s15] =	ssyncadd.s32 $0xFFFFC000  }
0x2b: {  	[spmem:s2] =	stream.indirect.scatter.add.f32 [tilespmem:s13], [sflag:$0x3], $0x80, s11, s12, $0xb8;
	[tilespmem:$0x1C800] =	vst v63  }
0x2c: {  	_ =	swait.ge [sflag:s16], $0x4000  }
0x2d: {  	[sflag:s16] =	ssyncset.done $0x0  }
0x2e: {  	[sflag:s16] =	ssyncadd.s32 $0xFFFFC000  }
0x2f: {  	[tilespmem:s13], [sflag:$0x1] =	stream.indirect.gather [hbm4b:s6+s12], $0x80, s17, s12, $0xb8;
	[tilespmem:$0x1C800] =	vst v63  }
0x30: {  	_ =	swait.ge [sflag:s18], $0x4000  }
0x31: {  	[sflag:s18] =	ssyncset.done $0x0  }
0x32: {  	[sflag:s18] =	ssyncadd.s32 $0xFFFFC000  }
0x33: {  	[spmem:s2] =	stream.indirect.scatter.add.f32 [tilespmem:s14], [sflag:$0x4], $0x80, s19, s12, $0xb8;
	[tilespmem:$0x1C800] =	vst v63  }
0x34: {  	_ =	swait.ge [sflag:s20], $0x4000  }
0x35: {  	[sflag:s20] =	ssyncset.done $0x0  }
0x36: {  	[sflag:s20] =	ssyncadd.s32 $0xFFFFC000  }
0x37: {  	[tilespmem:s14], [sflag:$0x2] =	stream.indirect.gather [hbm4b:s6+s12], $0x80, s21, s12, $0xb8;
	[tilespmem:$0x1C800] =	vst v63  }
0x38: {  	_ =	swait.ge [sflag:s15], $0x4000  }
0x39: {  	[sflag:s15] =	ssyncset.done $0x0  }
0x3a: {  	[sflag:s15] =	ssyncadd.s32 $0xFFFFC000  }
0x3b: {  	[spmem:s2] =	stream.indirect.scatter.add.f32 [tilespmem:s13], [sflag:$0x3], $0x80, s22, s12, $0xb8;
	[tilespmem:$0x1C800] =	vst v63  }
0x3c: {  	_ =	swait.ge [sflag:s16], $0x4000  }
0x3d: {  	[sflag:s16] =	ssyncset.done $0x0  }
0x3e: {  	[sflag:s16] =	ssyncadd.s32 $0xFFFFC000  }
0x3f: {  	[tilespmem:s13], [sflag:$0x1] =	stream.indirect.gather [hbm4b:s6+s12], $0x80, s23, s12, $0xb8;
	[tilespmem:$0x1C800] =	vst v63  }
0x40: {  	_ =	swait.ge [sflag:s18], $0x4000  }
0x41: {  	[sflag:s18] =	ssyncset.done $0x0  }
0x42: {  	[sflag:s18] =	ssyncadd.s32 $0xFFFFC000  }
0x43: {  	[spmem:s2] =	stream.indirect.scatter.add.f32 [tilespmem:s14], [sflag:$0x4], $0x80, s25, s12, $0xb8;
	[tilespmem:$0x1C800] =	vst v63  }
0x44: {  	_ =	swait.ge [sflag:s20], $0x4000  }
0x45: {  	[sflag:s20] =	ssyncset.done $0x0  }
0x46: {  	[sflag:s20] =	ssyncadd.s32 $0xFFFFC000  }
0x47: {  	[tilespmem:s14], [sflag:$0x2] =	stream.indirect.gather [hbm4b:s6+s12], $0x80, s26, s12, $0xb8;
	[tilespmem:$0x1C800] =	vst v63  }
0x48: {  	_ =	swait.ge [sflag:s15], $0x4000  }
0x49: {  	[sflag:s15] =	ssyncset.done $0x0  }
0x4a: {  	[sflag:s15] =	ssyncadd.s32 $0xFFFFC000  }
0x4b: {  	[spmem:s2] =	stream.indirect.scatter.add.f32 [tilespmem:s13], [sflag:$0x3], $0x80, s28, s12, $0xb8;
	[tilespmem:$0x1C800] =	vst v63  }
0x4c: {  	_ =	swait.ge [sflag:s16], $0x4000  }
0x4d: {  	[sflag:s16] =	ssyncset.done $0x0  }
0x4e: {  	[sflag:s16] =	ssyncadd.s32 $0xFFFFC000  }
0x4f: {  	[tilespmem:s13], [sflag:$0x1] =	stream.indirect.gather [hbm4b:s6+s12], $0x80, s29, s12, $0xb8;
	[tilespmem:$0x1C800] =	vst v63  }
0x50: {  	_ =	swait.ge [sflag:s18], $0x4000  }
0x51: {  	[sflag:s18] =	ssyncset.done $0x0  }
0x52: {  	[sflag:s18] =	ssyncadd.s32 $0xFFFFC000  }
0x53: {  	[spmem:s2] =	stream.indirect.scatter.add.f32 [tilespmem:s14], [sflag:$0x4], $0x80, s30, s12, $0xb8;
	[tilespmem:$0x1C800] =	vst v63  }
0x54: {  	_ =	swait.ge [sflag:s20], $0x4000  }
0x55: {  	[sflag:s20] =	ssyncset.done $0x0  }
0x56: {  	[sflag:s20] =	ssyncadd.s32 $0xFFFFC000  }
0x57: {  	[tilespmem:s14], [sflag:$0x2] =	stream.indirect.gather [hbm4b:s6+s12], $0x80, s31, s12, $0xb8;
	[tilespmem:$0x1C800] =	vst v63  }
0x58: {  	_ =	swait.ge [sflag:s15], $0x4000  }
0x59: {  	[sflag:s15] =	ssyncset.done $0x0  }
0x5a: {  	[sflag:s15] =	ssyncadd.s32 $0xFFFFC000  }
0x5b: {  	[spmem:s2] =	stream.indirect.scatter.add.f32 [tilespmem:s13], [sflag:$0x3], $0x80, s0, s12, $0xb8;
	[tilespmem:$0x1C800] =	vst v63  }
0x5c: {  	_ =	swait.ge [sflag:s18], $0x4000  }
0x5d: {  	[sflag:s18] =	ssyncset.done $0x0  }
0x5e: {  	[sflag:s18] =	ssyncadd.s32 $0xFFFFC000  }
0x5f: {  	[spmem:s2] =	stream.indirect.scatter.add.f32 [tilespmem:s14], [sflag:$0x4], $0x80, s1, s12, $0xb8;
	[tilespmem:$0x1C800] =	vst v63  }
0x60: {  	_ =	swait.ge [sflag:s16], $0x4000  }
0x61: {  	[sflag:s16] =	ssyncset.done $0x0  }
0x62: {  	[sflag:s16] =	ssyncadd.s32 $0xFFFFC000  }
0x63: {  	_ =	swait.ge [sflag:s20], $0x4000  }
0x64: {  	s7 =	simm.s32 $0x80;
	s24 =	simm.s32 $0x100;
	[sflag:s20] =	ssyncset.done $0x0  }
.LBB2_2:
0x65: {  	s9 =	sadd.s32 s7, s8;
	[sflag:s20] =	ssyncadd.s32 $0xFFFFC000  }
0x66: {  	[tilespmem:s3], [sflag:$0x5] =	stream.linear.gather [hbm4b:s9+s3], $0x400, $0x38;
	[tilespmem:$0x1C800] =	vst v63  }
0x67: {  	s4 =	smov.u32 s24;
	s5 =	sadd.s32 $0x80, s24;
	_ =	swait.ge [sflag:s10], $0x400  }
0x68: {  	p0 =	sne.s32 s24, $0x980;
	s24 =	rddreg [dreg:$0x3];
	[sflag:s10] =	ssyncset.done $0x0  }
0x69: {  	[sflag:s10] =	ssyncadd.s32 $0xFFFFFC00;
	s9 =	sadd.s32 s7, s24  }
0x6a: {  	[tilespmem:s11], [sflag:$0x5] =	stream.linear.gather [hbm4b:s9+s3], $0x400, $0x38;
	[tilespmem:$0x1C800] =	vst v63  }
0x6b: {  	_ =	swait.ge [sflag:s10], $0x400  }
0x6c: {  	[sflag:s10] =	ssyncset.done $0x0  }
0x6d: {  	[sflag:s10] =	ssyncadd.s32 $0xFFFFFC00  }
0x6e: {  	[tilespmem:s13], [sflag:$0x1] =	stream.indirect.gather [hbm4b:s6+s12], $0x80, s3, s12, $0xb8;
	[tilespmem:$0x1C800] =	vst v63  }
0x6f: {  	_ = 	snop  }
0x70: {  	[tilespmem:s14], [sflag:$0x2] =	stream.indirect.gather [hbm4b:s6+s12], $0x80, s12, s12, $0xb8;
	[tilespmem:$0x1C800] =	vst v63  }
0x71: {  	_ =	swait.ge [sflag:s15], $0x4000  }
0x72: {  	[sflag:s15] =	ssyncset.done $0x0  }
0x73: {  	[sflag:s15] =	ssyncadd.s32 $0xFFFFC000  }
0x74: {  	[spmem:s2] =	stream.indirect.scatter.add.f32 [tilespmem:s13], [sflag:$0x3], $0x80, s11, s12, $0xb8;
	[tilespmem:$0x1C800] =	vst v63  }
0x75: {  	_ =	swait.ge [sflag:s16], $0x4000  }
0x76: {  	[sflag:s16] =	ssyncset.done $0x0  }
0x77: {  	[sflag:s16] =	ssyncadd.s32 $0xFFFFC000  }
0x78: {  	[tilespmem:s13], [sflag:$0x1] =	stream.indirect.gather [hbm4b:s6+s12], $0x80, s17, s12, $0xb8;
	[tilespmem:$0x1C800] =	vst v63  }
0x79: {  	_ =	swait.ge [sflag:s18], $0x4000  }
0x7a: {  	[sflag:s18] =	ssyncset.done $0x0  }
0x7b: {  	[sflag:s18] =	ssyncadd.s32 $0xFFFFC000  }
0x7c: {  	[spmem:s2] =	stream.indirect.scatter.add.f32 [tilespmem:s14], [sflag:$0x4], $0x80, s19, s12, $0xb8;
	[tilespmem:$0x1C800] =	vst v63  }
0x7d: {  	_ =	swait.ge [sflag:s20], $0x4000  }
0x7e: {  	[sflag:s20] =	ssyncset.done $0x0  }
0x7f: {  	[sflag:s20] =	ssyncadd.s32 $0xFFFFC000  }
0x80: {  	[tilespmem:s14], [sflag:$0x2] =	stream.indirect.gather [hbm4b:s6+s12], $0x80, s21, s12, $0xb8;
	[tilespmem:$0x1C800] =	vst v63  }
0x81: {  	_ =	swait.ge [sflag:s15], $0x4000  }
0x82: {  	[sflag:s15] =	ssyncset.done $0x0  }
0x83: {  	[sflag:s15] =	ssyncadd.s32 $0xFFFFC000  }
0x84: {  	[spmem:s2] =	stream.indirect.scatter.add.f32 [tilespmem:s13], [sflag:$0x3], $0x80, s22, s12, $0xb8;
	[tilespmem:$0x1C800] =	vst v63  }
0x85: {  	_ =	swait.ge [sflag:s16], $0x4000  }
0x86: {  	[sflag:s16] =	ssyncset.done $0x0  }
0x87: {  	[sflag:s16] =	ssyncadd.s32 $0xFFFFC000  }
0x88: {  	[tilespmem:s13], [sflag:$0x1] =	stream.indirect.gather [hbm4b:s6+s12], $0x80, s23, s12, $0xb8;
	[tilespmem:$0x1C800] =	vst v63  }
0x89: {  	_ =	swait.ge [sflag:s18], $0x4000  }
0x8a: {  	[sflag:s18] =	ssyncset.done $0x0  }
0x8b: {  	[sflag:s18] =	ssyncadd.s32 $0xFFFFC000  }
0x8c: {  	[spmem:s2] =	stream.indirect.scatter.add.f32 [tilespmem:s14], [sflag:$0x4], $0x80, s25, s12, $0xb8;
	[tilespmem:$0x1C800] =	vst v63  }
0x8d: {  	_ =	swait.ge [sflag:s20], $0x4000  }
0x8e: {  	[sflag:s20] =	ssyncset.done $0x0  }
0x8f: {  	[sflag:s20] =	ssyncadd.s32 $0xFFFFC000  }
0x90: {  	[tilespmem:s14], [sflag:$0x2] =	stream.indirect.gather [hbm4b:s6+s12], $0x80, s26, s12, $0xb8;
	[tilespmem:$0x1C800] =	vst v63  }
0x91: {  	_ =	swait.ge [sflag:s15], $0x4000  }
0x92: {  	[sflag:s15] =	ssyncset.done $0x0  }
0x93: {  	[sflag:s15] =	ssyncadd.s32 $0xFFFFC000  }
0x94: {  	[spmem:s2] =	stream.indirect.scatter.add.f32 [tilespmem:s13], [sflag:$0x3], $0x80, s28, s12, $0xb8;
	[tilespmem:$0x1C800] =	vst v63  }
0x95: {  	_ =	swait.ge [sflag:s16], $0x4000  }
0x96: {  	[sflag:s16] =	ssyncset.done $0x0  }
0x97: {  	[sflag:s16] =	ssyncadd.s32 $0xFFFFC000  }
0x98: {  	[tilespmem:s13], [sflag:$0x1] =	stream.indirect.gather [hbm4b:s6+s12], $0x80, s29, s12, $0xb8;
	[tilespmem:$0x1C800] =	vst v63  }
0x99: {  	_ =	swait.ge [sflag:s18], $0x4000  }
0x9a: {  	[sflag:s18] =	ssyncset.done $0x0  }
0x9b: {  	[sflag:s18] =	ssyncadd.s32 $0xFFFFC000  }
0x9c: {  	[spmem:s2] =	stream.indirect.scatter.add.f32 [tilespmem:s14], [sflag:$0x4], $0x80, s30, s12, $0xb8;
	[tilespmem:$0x1C800] =	vst v63  }
0x9d: {  	_ =	swait.ge [sflag:s20], $0x4000  }
0x9e: {  	[sflag:s20] =	ssyncset.done $0x0  }
0x9f: {  	[sflag:s20] =	ssyncadd.s32 $0xFFFFC000  }
0xa0: {  	[tilespmem:s14], [sflag:$0x2] =	stream.indirect.gather [hbm4b:s6+s12], $0x80, s31, s12, $0xb8;
	[tilespmem:$0x1C800] =	vst v63  }
0xa1: {  	_ =	swait.ge [sflag:s15], $0x4000  }
0xa2: {  	[sflag:s15] =	ssyncset.done $0x0  }
0xa3: {  	[sflag:s15] =	ssyncadd.s32 $0xFFFFC000  }
0xa4: {  	[spmem:s2] =	stream.indirect.scatter.add.f32 [tilespmem:s13], [sflag:$0x3], $0x80, s0, s12, $0xb8;
	[tilespmem:$0x1C800] =	vst v63  }
0xa5: {  	_ =	swait.ge [sflag:s18], $0x4000  }
0xa6: {  	[sflag:s18] =	ssyncset.done $0x0  }
0xa7: {  	[sflag:s18] =	ssyncadd.s32 $0xFFFFC000  }
0xa8: {  	[spmem:s2] =	stream.indirect.scatter.add.f32 [tilespmem:s14], [sflag:$0x4], $0x80, s1, s12, $0xb8;
	[tilespmem:$0x1C800] =	vst v63  }
.Ltmp0:
0xa9: {  	_ =	swait.ge [sflag:s16], $0x4000;
	(pc) =	sbr.rel @p0 .LBB2_2-.Ltmp0, $4  }
0xaa: {  	[sflag:s16] =	ssyncset.done $0x0  }
0xab: {  	[sflag:s16] =	ssyncadd.s32 $0xFFFFC000  }
0xac: {  	_ =	swait.ge [sflag:s20], $0x4000  }
0xad: {  	s7 =	smov.u32 s4;
	s24 =	smov.u32 s5;
	[sflag:s20] =	ssyncset.done $0x0  }
0xae: {  	s4 =	sadd.s32 s7, s8;
	[sflag:s20] =	ssyncadd.s32 $0xFFFFC000  }
0xaf: {  	[tilespmem:s3], [sflag:$0x5] =	stream.linear.gather [hbm4b:s4+s3], $0x400, $0x38;
	[tilespmem:$0x1C800] =	vst v63  }
0xb0: {  	_ =	swait.ge [sflag:s10], $0x400  }
0xb1: {  	s9 =	rddreg [dreg:$0x3];
	[sflag:s10] =	ssyncset.done $0x0  }
0xb2: {  	s4 =	sadd.s32 s7, s9;
	[sflag:s10] =	ssyncadd.s32 $0xFFFFFC00  }
0xb3: {  	[tilespmem:s11], [sflag:$0x5] =	stream.linear.gather [hbm4b:s4+s3], $0x400, $0x38;
	[tilespmem:$0x1C800] =	vst v63  }
0xb4: {  	_ =	swait.ge [sflag:s10], $0x400  }
0xb5: {  	[sflag:s10] =	ssyncset.done $0x0  }
0xb6: {  	[sflag:s10] =	ssyncadd.s32 $0xFFFFFC00  }
0xb7: {  	[tilespmem:s13], [sflag:$0x1] =	stream.indirect.gather [hbm4b:s6+s12], $0x80, s3, s12, $0xb8;
	[tilespmem:$0x1C800] =	vst v63  }
0xb8: {  	_ = 	snop  }
0xb9: {  	[tilespmem:s14], [sflag:$0x2] =	stream.indirect.gather [hbm4b:s6+s12], $0x80, s12, s12, $0xb8;
	[tilespmem:$0x1C800] =	vst v63  }
0xba: {  	_ =	swait.ge [sflag:s15], $0x4000  }
0xbb: {  	[sflag:s15] =	ssyncset.done $0x0  }
0xbc: {  	[sflag:s15] =	ssyncadd.s32 $0xFFFFC000  }
0xbd: {  	[spmem:s2] =	stream.indirect.scatter.add.f32 [tilespmem:s13], [sflag:$0x3], $0x80, s11, s12, $0xb8;
	[tilespmem:$0x1C800] =	vst v63  }
0xbe: {  	_ =	swait.ge [sflag:s16], $0x4000  }
0xbf: {  	[sflag:s16] =	ssyncset.done $0x0  }
0xc0: {  	[sflag:s16] =	ssyncadd.s32 $0xFFFFC000  }
0xc1: {  	[tilespmem:s13], [sflag:$0x1] =	stream.indirect.gather [hbm4b:s6+s12], $0x80, s17, s12, $0xb8;
	[tilespmem:$0x1C800] =	vst v63  }
0xc2: {  	_ =	swait.ge [sflag:s18], $0x4000  }
0xc3: {  	[sflag:s18] =	ssyncset.done $0x0  }
0xc4: {  	[sflag:s18] =	ssyncadd.s32 $0xFFFFC000  }
0xc5: {  	[spmem:s2] =	stream.indirect.scatter.add.f32 [tilespmem:s14], [sflag:$0x4], $0x80, s19, s12, $0xb8;
	[tilespmem:$0x1C800] =	vst v63  }
0xc6: {  	_ =	swait.ge [sflag:s20], $0x4000  }
0xc7: {  	[sflag:s20] =	ssyncset.done $0x0  }
0xc8: {  	[sflag:s20] =	ssyncadd.s32 $0xFFFFC000  }
0xc9: {  	[tilespmem:s14], [sflag:$0x2] =	stream.indirect.gather [hbm4b:s6+s12], $0x80, s21, s12, $0xb8;
	[tilespmem:$0x1C800] =	vst v63  }
0xca: {  	_ =	swait.ge [sflag:s15], $0x4000  }
0xcb: {  	[sflag:s15] =	ssyncset.done $0x0  }
0xcc: {  	[sflag:s15] =	ssyncadd.s32 $0xFFFFC000  }
0xcd: {  	[spmem:s2] =	stream.indirect.scatter.add.f32 [tilespmem:s13], [sflag:$0x3], $0x80, s22, s12, $0xb8;
	[tilespmem:$0x1C800] =	vst v63  }
0xce: {  	_ =	swait.ge [sflag:s16], $0x4000  }
0xcf: {  	[sflag:s16] =	ssyncset.done $0x0  }
0xd0: {  	[sflag:s16] =	ssyncadd.s32 $0xFFFFC000  }
0xd1: {  	[tilespmem:s13], [sflag:$0x1] =	stream.indirect.gather [hbm4b:s6+s12], $0x80, s23, s12, $0xb8;
	[tilespmem:$0x1C800] =	vst v63  }
0xd2: {  	_ =	swait.ge [sflag:s18], $0x4000  }
0xd3: {  	[sflag:s18] =	ssyncset.done $0x0  }
0xd4: {  	[sflag:s18] =	ssyncadd.s32 $0xFFFFC000  }
0xd5: {  	[spmem:s2] =	stream.indirect.scatter.add.f32 [tilespmem:s14], [sflag:$0x4], $0x80, s25, s12, $0xb8;
	[tilespmem:$0x1C800] =	vst v63  }
0xd6: {  	_ =	swait.ge [sflag:s20], $0x4000  }
0xd7: {  	[sflag:s20] =	ssyncset.done $0x0  }
0xd8: {  	[sflag:s20] =	ssyncadd.s32 $0xFFFFC000  }
0xd9: {  	[tilespmem:s14], [sflag:$0x2] =	stream.indirect.gather [hbm4b:s6+s12], $0x80, s26, s12, $0xb8;
	[tilespmem:$0x1C800] =	vst v63  }
0xda: {  	_ =	swait.ge [sflag:s15], $0x4000  }
0xdb: {  	[sflag:s15] =	ssyncset.done $0x0  }
0xdc: {  	[sflag:s15] =	ssyncadd.s32 $0xFFFFC000  }
0xdd: {  	[spmem:s2] =	stream.indirect.scatter.add.f32 [tilespmem:s13], [sflag:$0x3], $0x80, s28, s12, $0xb8;
	[tilespmem:$0x1C800] =	vst v63  }
0xde: {  	_ =	swait.ge [sflag:s16], $0x4000  }
0xdf: {  	[sflag:s16] =	ssyncset.done $0x0  }
0xe0: {  	[sflag:s16] =	ssyncadd.s32 $0xFFFFC000  }
0xe1: {  	[tilespmem:s13], [sflag:$0x1] =	stream.indirect.gather [hbm4b:s6+s12], $0x80, s29, s12, $0xb8;
	[tilespmem:$0x1C800] =	vst v63  }
0xe2: {  	_ =	swait.ge [sflag:s18], $0x4000  }
0xe3: {  	[sflag:s18] =	ssyncset.done $0x0  }
0xe4: {  	[sflag:s18] =	ssyncadd.s32 $0xFFFFC000  }
0xe5: {  	[spmem:s2] =	stream.indirect.scatter.add.f32 [tilespmem:s14], [sflag:$0x4], $0x80, s30, s12, $0xb8;
	[tilespmem:$0x1C800] =	vst v63  }
0xe6: {  	_ =	swait.ge [sflag:s20], $0x4000  }
0xe7: {  	[sflag:s20] =	ssyncset.done $0x0  }
0xe8: {  	[sflag:s20] =	ssyncadd.s32 $0xFFFFC000  }
0xe9: {  	[tilespmem:s14], [sflag:$0x2] =	stream.indirect.gather [hbm4b:s6+s12], $0x80, s31, s12, $0xb8;
	[tilespmem:$0x1C800] =	vst v63  }
0xea: {  	_ =	swait.ge [sflag:s15], $0x4000  }
0xeb: {  	[sflag:s15] =	ssyncset.done $0x0  }
0xec: {  	[sflag:s15] =	ssyncadd.s32 $0xFFFFC000  }
0xed: {  	[spmem:s2] =	stream.indirect.scatter.add.f32 [tilespmem:s13], [sflag:$0x3], $0x80, s0, s12, $0xb8;
	[tilespmem:$0x1C800] =	vst v63  }
0xee: {  	_ =	swait.ge [sflag:s18], $0x4000  }
0xef: {  	[sflag:s18] =	ssyncset.done $0x0  }
0xf0: {  	[sflag:s18] =	ssyncadd.s32 $0xFFFFC000  }
0xf1: {  	[spmem:s2] =	stream.indirect.scatter.add.f32 [tilespmem:s14], [sflag:$0x4], $0x80, s1, s12, $0xb8;
	[tilespmem:$0x1C800] =	vst v63  }
0xf2: {  	_ =	swait.ge [sflag:s16], $0x4000  }
0xf3: {  	[sflag:s16] =	ssyncset.done $0x0  }
0xf4: {  	[sflag:s16] =	ssyncadd.s32 $0xFFFFC000  }
0xf5: {  	_ =	swait.ge [sflag:s20], $0x4000  }
0xf6: {  	[sflag:s20] =	ssyncset.done $0x0  }
0xf7: {  	[sflag:s20] =	ssyncadd.s32 $0xFFFFC000  }
0xf8: {  	[bflag:$0x0] =	sbarrier.arrive $0xFFFF  }
0xf9: {  	s9 =	rddreg [dreg:$0x5]  }
0xfa: {  	s5 =	rddreg [dreg:$0x7]  }
0xfb: {  	s24 =	rddreg [dreg:$0x8]  }
0xfc: {  	[hbm:s24], [sflag:s9] =	dma.local [spmem:s5], $0x2800  }
0xfd: {  	_ =	swait.ge [sflag:s10], $0x2800  }
0xfe: {  	s4 =	rddreg [dreg:$0x9]  }
0xff: {  	s24 =	rddreg [dreg:$0x6];
	s7 =	sadd.s32 $0x1, s4  }
0x100: {  	p0 =	sne.s32 s7, s24  }
.Ltmp1:
0x101: {  	_ = 	snop;
	(pc) =	sbr.rel @p0 .LBB2_1-.Ltmp1, $3  }
0x102: {  	_ =	sdelay $0x1  }
0x103: {  	[sflag:s10] =	ssyncset.done $0x0  }
0x104: {  	[sflag:s10] =	ssyncadd.s32 $0xFFFFD800  }
0x105: {  	_ =	sfence.sel $0x180000  }
0x106: {  	[bflag:$0x0] =	sbarrier.arrive $0xFFFF  }
0x107: {  	_ =	strace $0x9000004D  }
0x108: {  	s0 =	stileid.u32;
	[bflag:$0x2] =	sbarrier.arrive $0xFFFF  }
0x109: {  	p0 =	sne.s32 s0, $0x0;
	s0 =	rddreg [dreg:$0x2]  }
0x10a: {  	s0 =	sadd.s32 @!p0 $0x100000, s0  }
0x10b: {  	[sflag:s0] =	ssyncadd.tile.s32 @!p0 $0x1;
	_ =	shalt  }
.Lfunc_end2:
_tile_overlayer_lowered:
.L_overlay_start_2:
0x10c: {  	(tag) =	ssettag $0x2  }
0x10d: {  	s0 =	rddreg [dreg:$0x0];
	s2 =	stileid.u32  }
0x10e: {  	s1 =	rddreg [dreg:$0x1];
	p0 =	sne.s32 s2, $0x0  }
0x10f: {  	s3 =	rddreg [dreg:$0x2];
	[bflag:$0x3] =	sbarrier.arrive $0xFFFF;
	s2 =	simm.s32 @!p0 $0x1C05  }
0x110: {  	[timem:s3], [sflag:s2] =	dma.local @!p0 [hbm:s0], s1  }
0x111: {  	s0 =	simm.s32 @!p0 $0x5  }
0x112: {  	_ =	swait.ge @!p0 [sflag:s0], s1  }
0x113: {  	s1 =	ssub.s32 @!p0 $0x0, s1;
	[sflag:s0] =	ssyncset.done @!p0 $0x0  }
0x114: {  	[sflag:s0] =	ssyncadd.s32 @!p0 s1  }
0x115: {  	[bflag:$0x3] =	sbarrier.arrive $0xFFFF  }
0x116: {  	_ =	shalt  }

// kernel: gcn_degrees.3.cloned.1.call-start
scs
__scs_entry_jumppad:
0x0: {  	(pc) =	sbr.rel $0x88, $3  }
0x1: {  	(tag) =	ssettag $0x0;
	lr =	simm.s32 $0x1  }
0x2: {  	[smem:$0x3F95] =	sst lr;
	_ =	strace $0xD0000000  }
0x3: {  	_ = 	snop  }
0x4: {  	_ = 	snop  }
0x5: {  	_ = 	snop  }
0x6: {  	_ = 	snop  }
0x7: {  	_ = 	snop  }
__scs_overlays_trampoline_lowered:
0x8: {  	[smem:$0x3FA4] =	sst s0  }
0x9: {  	[smem:$0x3FA5] =	sst s1  }
0xa: {  	[smem:$0x3FA6] =	sst s2  }
0xb: {  	[smem:$0x3FA7] =	sst s3  }
0xc: {  	[smem:$0x3FA8] =	sst s4  }
0xd: {  	[smem:$0x3FA9] =	sst s5  }
0xe: {  	[smem:$0x3FAA] =	sst s6  }
0xf: {  	[smem:$0x3FAB] =	sst s7  }
0x10: {  	[smem:$0x3FAC] =	sst s8  }
0x11: {  	[smem:$0x3FAD] =	sst s9;
	s0 =	simm.s32 @!p0 $0x0  }
0x12: {  	s1 =	sld [smem:$0x3F93];
	s0 =	simm.s32 @p0 $0x1  }
0x13: {  	[smem:$0x3FAE] =	sst s0;
	s0 =	simm.s32 @!p1 $0x0  }
0x14: {  	s2 =	sld [smem:$0x3F92];
	s0 =	simm.s32 @p1 $0x1  }
0x15: {  	[smem:$0x3FAF] =	sst s0;
	s0 =	simm.s32 @!p2 $0x0  }
0x16: {  	s3 =	sld [smem:$0x3FDB];
	s0 =	simm.s32 @p2 $0x1  }
0x17: {  	s4 =	simm.s32 $0x1BF5;
	[smem:$0x3FB1] =	sst s0  }
0x18: {  	s0 =	sld [smem:$0x3F94];
	_ =	swait.ge [sflag:s4], $0x0  }
0x19: {  	s7 =	sld [smem:$0x3F95]  }
0x1a: {  	s8 =	sadd.s32 $0xFFFFE003, lr  }
0x1b: {  	s9 =	sadd.s32 $0xFFFFFEF7, lr;
	s5 =	simm.s32 $0xFFFFFFFF;
	p2 =	slt.u32 s8, $0xFFFFF086  }
0x1c: {  	p1 =	slt.u32 s9, $0xF7A;
	s5 =	simm.s32 @!p2 $0x0  }
0x1d: {  	s5 =	simm.s32 @p1 $0x1;
	p0 =	seq.s32 s7, s2  }
0x1e: {  	s7 =	smul.u32 @!p0 $0xF7A, s2;
	p2 =	seq.s32 @!p0 s5, $0x0  }
0x1f: {  	s9 =	smul.u32 $0xF7A, s1;
	s8 =	simm.s32 @!p0 $0x1BF5;
	p2 =	por !p2, p0  }
0x20: {  	[sflag:s8] =	ssyncset.s32 @!p0 $0xFFFFF086;
	s6 =	sadd.s32 @!p0 s3, s7;
	s7 =	simm.s32 @!p0 $0x108  }
0x21: {  	s3 =	sadd.s32 s3, s9;
	s6 =	sadd.s32 @!p0 $0x88, s6;
	s7 =	simm.s32 @p2 $0x1082  }
0x22: {  	[simem:s7], [sflag:s8] =	dma.local @!p0 [hbm:s6], $0xF7A  }
0x23: {  	s9 =	sor.u32 $0xD0000000, s2;
	s6 =	simm.s32 $0x108;
	_ =	swait.ge @!p0 [sflag:s8], $0x0  }
0x24: {  	s3 =	sadd.s32 $0x88, s3;
	s6 =	simm.s32 @!p1 $0x1082;
	[sflag:s4] =	ssyncset.s32 $0xFFFFF086  }
0x25: {  	[simem:s6], [sflag:s4] =	dma.local [hbm:s3], $0xF7A  }
0x26: {  	[smem:$0x3F95] =	sst s1;
	(tag) =	ssettag s2;
	_ =	strace s9  }
0x27: {  	s1 =	sld [smem:$0x3FA5]  }
0x28: {  	s2 =	sld [smem:$0x3FA6]  }
0x29: {  	s4 =	sld [smem:$0x3FA8]  }
0x2a: {  	p0 =	seq.s32 s5, $0x0;
	s5 =	sld [smem:$0x3FA9]  }
0x2b: {  	s6 =	sld [smem:$0x3FAA]  }
0x2c: {  	s7 =	sld [smem:$0x3FAB]  }
0x2d: {  	s3 =	simm.s32 $0x108;
	s8 =	sld [smem:$0x3FAC]  }
0x2e: {  	s3 =	simm.s32 @!p0 $0x1082;
	s9 =	sld [smem:$0x3FAD]  }
0x2f: {  	lr =	sadd.s32 s0, s3;
	s0 =	sld [smem:$0x3FA4]  }
0x30: {  	s3 =	sld [smem:$0x3FA7]  }
0x31: {  	[smem:$0x3FB0] =	sst s10  }
0x32: {  	s10 =	sld [smem:$0x3FAE];
	_ =	sdelay $0x3  }
0x33: {  	p0 =	seq.s32 s10, $0x1;
	s10 =	sld [smem:$0x3FB0];
	_ =	sdelay $0x3  }
0x34: {  	[smem:$0x3FB0] =	sst s10  }
0x35: {  	s10 =	sld [smem:$0x3FAF];
	_ =	sdelay $0x3  }
0x36: {  	p1 =	seq.s32 s10, $0x1;
	s10 =	sld [smem:$0x3FB0];
	_ =	sdelay $0x3  }
0x37: {  	[smem:$0x3FB0] =	sst s10  }
0x38: {  	s10 =	sld [smem:$0x3FB1]  }
0x39: {  	_ = 	snop;
	(pc) =	sbr.ind lr, $3  }
0x3a: {  	_ = 	snop  }
0x3b: {  	_ = 	snop  }
0x3c: {  	p2 =	seq.s32 s10, $0x1;
	s10 =	sld [smem:$0x3FB0]  }
0x3d: {  	_ =	shalt  }
0x3e: {  	_ =	shalt  }
0x3f: {  	_ =	shalt  }
0x40: {  	_ =	shalt  }
0x41: {  	_ =	shalt  }
0x42: {  	_ =	shalt  }
0x43: {  	_ =	shalt  }
0x44: {  	_ =	shalt  }
0x45: {  	_ =	shalt  }
0x46: {  	_ =	shalt  }
0x47: {  	_ =	shalt  }
0x48: {  	_ =	shalt  }
0x49: {  	_ =	shalt  }
0x4a: {  	_ =	shalt  }
0x4b: {  	_ =	shalt  }
0x4c: {  	_ =	shalt  }
0x4d: {  	_ =	shalt  }
0x4e: {  	_ =	shalt  }
0x4f: {  	_ =	shalt  }
0x50: {  	_ =	shalt  }
0x51: {  	_ =	shalt  }
0x52: {  	_ =	shalt  }
0x53: {  	_ =	shalt  }
0x54: {  	_ =	shalt  }
0x55: {  	_ =	shalt  }
0x56: {  	_ =	shalt  }
0x57: {  	_ =	shalt  }
0x58: {  	_ =	shalt  }
0x59: {  	_ =	shalt  }
0x5a: {  	_ =	shalt  }
0x5b: {  	_ =	shalt  }
0x5c: {  	_ =	shalt  }
0x5d: {  	_ =	shalt  }
0x5e: {  	_ =	shalt  }
0x5f: {  	_ =	shalt  }
0x60: {  	_ =	shalt  }
0x61: {  	_ =	shalt  }
0x62: {  	_ =	shalt  }
0x63: {  	_ =	shalt  }
0x64: {  	_ =	shalt  }
0x65: {  	_ =	shalt  }
0x66: {  	_ =	shalt  }
0x67: {  	_ =	shalt  }
0x68: {  	_ =	shalt  }
0x69: {  	_ =	shalt  }
0x6a: {  	_ =	shalt  }
0x6b: {  	_ =	shalt  }
0x6c: {  	_ =	shalt  }
0x6d: {  	_ =	shalt  }
0x6e: {  	_ =	shalt  }
0x6f: {  	_ =	shalt  }
0x70: {  	_ =	shalt  }
0x71: {  	_ =	shalt  }
0x72: {  	_ =	shalt  }
0x73: {  	_ =	shalt  }
0x74: {  	_ =	shalt  }
0x75: {  	_ =	shalt  }
0x76: {  	_ =	shalt  }
0x77: {  	_ =	shalt  }
0x78: {  	_ =	shalt  }
0x79: {  	_ =	shalt  }
0x7a: {  	_ =	shalt  }
0x7b: {  	_ =	shalt  }
0x7c: {  	_ =	shalt  }
0x7d: {  	_ =	shalt  }
0x7e: {  	_ =	shalt  }
0x7f: {  	_ =	shalt  }
0x80: {  	_ =	shalt  }
0x81: {  	_ =	shalt  }
0x82: {  	_ =	shalt  }
0x83: {  	_ =	shalt  }
0x84: {  	_ =	shalt  }
0x85: {  	_ =	shalt  }
0x86: {  	_ =	shalt  }
0x87: {  	_ =	shalt  }
.Lfunc_end0:
.L_simem_size_0:
called_computation_lowered:
.L_overlay_start_0:
0x88: {  	s2 =	sld [smem:$0x3FD9]  }
0x89: {  	s3 =	sld [smem:$0x3FFE];
	_ =	sdelay $0x1  }
0x8a: {  	s1 =	srdreg.scid  }
0x8b: {  	s0 =	sand.u32 $0x1, s1  }
0x8c: {  	s16 =	sshll.u32 s0, $0xA;
	s2 =	sadd.s32 s3, s2  }
0x8d: {  	s2 =	sadd.s32 s2, s16  }
0x8e: {  	[smem:$0x3FBC] =	sst s2  }
0x8f: {  	_ = 	snop  }
0x90: {  	(tm) =	ssettm $0x1  }
0x91: {  	s17 =	sld [smem:$0x3FFB];
	_ =	sdelay $0x3  }
0x92: {  	_ =	strace s17  }
0x93: {  	s2 =	sld [smem:$0x3FFC];
	_ =	sdelay $0x3  }
0x94: {  	_ =	strace s2  }
0x95: {  	s2 =	sld [smem:$0x3FFD];
	_ =	sdelay $0x3  }
0x96: {  	_ =	strace s2  }
0x97: {  	_ =	strace $0x8FFFFFFF  }
0x98: {  	s18 =	sld [smem:$0x3FDB];
	_ =	sdelay $0x1  }
0x99: {  	s19 =	simm.s32 $_scs_section_size  }
0x9a: {  	s4 =	simm.s32 $_size__tile_overlayer_lowered;
	s5 =	simm.s32 $_tile_overlayer_lowered  }
0x9b: {  	s22 =	simm.s32 $0x1BFF;
	s21 =	sshll.u32 s5, $0x1;
	s2 =	sadd.s32 s19, s18  }
0x9c: {  	s6 =	simm.s32 $0x0;
	s20 =	sshll.u32 s4, $0x1;
	s4 =	sadd.s32 s21, s2  }
0x9d: {  	[timem:s6], [sflag:s22] =	dma.local [hbm:s4], s20  }
0x9e: {  	_ =	swait.ge [sflag:s22], s20  }
0x9f: {  	s3 =	ssub.s32 $0x0, s20;
	[sflag:s22] =	ssyncset.done $0x0  }
0xa0: {  	[sflag:s22] =	ssyncadd.s32 s3;
	_ =	sdelay $0x1  }
0xa1: {  	s23 =	simm.s32 $0x1B8B  }
0xa2: {  	_ =	swait.ge [sflag:s23], $0x1  }
0xa3: {  	[sflag:s23] =	ssyncset.done $0x0  }
0xa4: {  	s25 =	simm.s32 $0x1B8E;
	s24 =	sld [smem:$0x3FFE];
	[sflag:s23] =	ssyncadd.s32 $0xFFFFFFFF  }
0xa5: {  	s26 =	simm.s32 $execute0_lowered;
	[smem:$0x3FD2] =	sst s25  }
0xa6: {  	s4 =	sshll.u32 s26, $0x1;
	_ =	strace $0x80000046;
	[dreg:$0x1] =	wrdreg $0xFFFFFFFF  }
0xa7: {  	s28 =	simm.s32 $_size_execute0_lowered;
	s2 =	sadd.s32 s2, s4;
	[dreg:$0x0] =	wrdreg $0x0  }
0xa8: {  	s4 =	sshll.u32 s28, $0x1;
	[dreg:$0x2] =	wrdreg s2  }
0xa9: {  	[dreg:$0x3] =	wrdreg s4  }
0xaa: {  	[dreg:$0x4] =	wrdreg $0xC0  }
0xab: {  	_ =	task [dreg:s6], $0x5FFFF  }
0xac: {  	[dreg:$0x1] =	wrdreg $0xFFFFFFFF  }
0xad: {  	[dreg:$0x0] =	wrdreg $0x60  }
0xae: {  	[dreg:$0x2] =	wrdreg s24  }
0xaf: {  	[dreg:$0x3] =	wrdreg $0xC000  }
0xb0: {  	[dreg:$0x4] =	wrdreg $0x9  }
0xb1: {  	_ =	task.clear_ibuf [dreg:s6], $0x5FFFF;
	_ =	strace $0x90000046  }
0xb2: {  	s29 =	simm.s32 $0x9;
	_ =	strace $0x80000048  }
0xb3: {  	_ =	swait.ge [sflag:s29], $0x1  }
0xb4: {  	[sflag:s29] =	ssyncadd.s32 $0xFFFFFFFF  }
0xb5: {  	_ =	strace $0x90000048  }
0xb6: {  	_ =	sfence  }
0xb7: {  	s30 =	sld [smem:$0x0];
	_ =	sdelay $0x2  }
0xb8: {  	s31 =	sshll.u32 s1, $0xD;
	s1 =	sshrl.u32 s1, $0x2  }
0xb9: {  	s3 =	sand.u32 $0x4000, s31;
	s1 =	sadd.s32 s1, s30  }
0xba: {  	s0 =	sor.u32 s3, s0;
	s1 =	sshll.u32 s1, $0x11  }
0xbb: {  	s0 =	sor.u32 s1, s0  }
0xbc: {  	s0 =	sadd.s32 $0x8F2B, s0  }
0xbd: {  	[sflag:s0] =	ssyncadd.remote.s32 $0x1  }
0xbe: {  	_ =	sfence.sel $0xFFFF  }
0xbf: {  	[dreg:$0x0] =	wrdreg $0xFFFFFFFF;
	(pc) =	sbr.abs _section_cstart, $3  }
0xc0: {  	[dreg:$0x1] =	wrdreg $0xFFFFFFFF  }
0xc1: {  	_ =	task.clear_ibuf [dreg:s6], $0x2FFFF;
	_ =	strace $0x9FFFFFFF  }
0xc2: {  	(tm) =	ssettm $0x7FFFFFFF  }
0xc3: {  	_ =	shalt  }
tec
execute0_lowered:
.L_overlay_start_1:
0x0: {  	(tag) =	ssettag $0x1  }
0x1: {  	s6 =	rddreg [dreg:$0x0]  }
0x2: {  	s0 =	srdreg.scid;
	s1 =	rddreg [dreg:$0x1];
	s2 =	simm.s32 $0x0  }
0x3: {  	s14 =	simm.s32 $0x180;
	s15 =	simm.s32 $0x200;
	s16 =	simm.s32 $0x280  }
0x4: {  	s17 =	simm.s32 $0x300;
	s7 =	sand.u32 $0x1, s0;
	s0 =	rddreg [dreg:$0x2]  }
0x5: {  	s18 =	simm.s32 $0x380;
	[smem:$0x7FF] =	sst s2;
	s3 =	smul.u32 $0xA000, s7  }
0x6: {  	s4 =	sadd.s32 $0x1A00, s6;
	s9 =	smul.u32 $0x5000, s7;
	s7 =	ssub.s32 $0x2, s7  }
0x7: {  	s5 =	sadd.s32 $0x33C00, s6;
	_ =	strace $0x80000047;
	s30 =	sshrl.u32 s7, $0x1  }
0x8: {  	s8 =	sadd.s32 s3, s6;
	s3 =	stileid.u32;
	s9 =	sadd.s32 s9, s6  }
0x9: {  	s7 =	ssub.s32 s7, s30;
	s10 =	smul.u32 $0x2800, s3;
	s11 =	sshll.u32 s3, $0x6  }
0xa: {  	s31 =	sadd.s32 $0x1FC00, s8;
	s19 =	sadd.s32 $0x34200, s9;
	s13 =	smul.u32 $0xA00, s3  }
0xb: {  	s7 =	smax.u32 s7, $0x1;
	s9 =	simm.s32 $0x1;
	s6 =	sor.u32 $0x1C01, s11  }
0xc: {  	s12 =	sadd.s32 s10, s1;
	s20 =	sshrl.u32 s10, $0x3;
	s10 =	simm.s32 $0x400  }
0xd: {  	s11 =	sadd.s32 s31, s13;
	s13 =	simm.s32 $0x100;
	s8 =	sshrl.u32 s12, $0x3  }
0xe: {  	s12 =	simm.s32 $0x80;
	s19 =	sadd.s32 s20, s19;
	s20 =	simm.s32 $0x0  }
.LBB2_1:
0xf: {  	[spmem:s8], [sflag:s6] =	dma.local [hbm:s5], $0x500  }
0x10: {  	_ =	swait.ge [sflag:s9], $0x500  }
0x11: {  	[sflag:s9] =	ssyncset.done $0x0  }
0x12: {  	[sflag:s9] =	ssyncadd.s32 $0xFFFFFB00  }
0x13: {  	[tilespmem:s10], [sflag:$0x1] =	stream.linear.gather [hbm4b:s4+s2], $0x800, $0x38;
	[tilespmem:$0x3400] =	vst v63  }
0x14: {  	_ =	swait.ge [sflag:s9], $0x800  }
0x15: {  	[sflag:s9] =	ssyncset.done $0x0  }
0x16: {  	[sflag:s9] =	ssyncadd.s32 $0xFFFFF800  }
0x17: {  	s21 =	sadd.s32 $0x0, s11;
	[bflag:$0x0] =	sbarrier.arrive $0xFFFF  }
0x18: {  	[tilespmem:s2], [sflag:$0x1] =	stream.linear.gather [hbm4b:s21+s2], $0x400, $0x38;
	[tilespmem:$0x3400] =	vst v63  }
0x19: {  	_ =	swait.ge [sflag:s9], $0x400  }
0x1a: {  	[sflag:s9] =	ssyncset.done $0x0  }
0x1b: {  	[sflag:s9] =	ssyncadd.s32 $0xFFFFFC00  }
0x1c: {  	[spmem:s1] =	stream.indirect.scatter.add.f32 [tilespmem:s10], [sflag:$0x1], $0x10, s2, s12, $0xb8;
	[tilespmem:$0x3400] =	vst v63  }
0x1d: {  	_ =	swait.ge [sflag:s9], $0x800  }
0x1e: {  	[sflag:s9] =	ssyncset.done $0x0  }
0x1f: {  	[sflag:s9] =	ssyncadd.s32 $0xFFFFF800  }
0x20: {  	[spmem:s1] =	stream.indirect.scatter.add.f32 [tilespmem:s10], [sflag:$0x1], $0x10, s12, s12, $0xb8;
	[tilespmem:$0x3400] =	vst v63  }
0x21: {  	_ =	swait.ge [sflag:s9], $0x800  }
0x22: {  	[sflag:s9] =	ssyncset.done $0x0  }
0x23: {  	[sflag:s9] =	ssyncadd.s32 $0xFFFFF800  }
0x24: {  	[spmem:s1] =	stream.indirect.scatter.add.f32 [tilespmem:s10], [sflag:$0x1], $0x10, s13, s12, $0xb8;
	[tilespmem:$0x3400] =	vst v63  }
0x25: {  	_ =	swait.ge [sflag:s9], $0x800  }
0x26: {  	[sflag:s9] =	ssyncset.done $0x0  }
0x27: {  	[sflag:s9] =	ssyncadd.s32 $0xFFFFF800  }
0x28: {  	[spmem:s1] =	stream.indirect.scatter.add.f32 [tilespmem:s10], [sflag:$0x1], $0x10, s14, s12, $0xb8;
	[tilespmem:$0x3400] =	vst v63  }
0x29: {  	_ =	swait.ge [sflag:s9], $0x800  }
0x2a: {  	[sflag:s9] =	ssyncset.done $0x0  }
0x2b: {  	[sflag:s9] =	ssyncadd.s32 $0xFFFFF800  }
0x2c: {  	[spmem:s1] =	stream.indirect.scatter.add.f32 [tilespmem:s10], [sflag:$0x1], $0x10, s15, s12, $0xb8;
	[tilespmem:$0x3400] =	vst v63  }
0x2d: {  	_ =	swait.ge [sflag:s9], $0x800  }
0x2e: {  	[sflag:s9] =	ssyncset.done $0x0  }
0x2f: {  	[sflag:s9] =	ssyncadd.s32 $0xFFFFF800  }
0x30: {  	[spmem:s1] =	stream.indirect.scatter.add.f32 [tilespmem:s10], [sflag:$0x1], $0x10, s16, s12, $0xb8;
	[tilespmem:$0x3400] =	vst v63  }
0x31: {  	_ =	swait.ge [sflag:s9], $0x800  }
0x32: {  	[sflag:s9] =	ssyncset.done $0x0  }
0x33: {  	[sflag:s9] =	ssyncadd.s32 $0xFFFFF800  }
0x34: {  	[spmem:s1] =	stream.indirect.scatter.add.f32 [tilespmem:s10], [sflag:$0x1], $0x10, s17, s12, $0xb8;
	[tilespmem:$0x3400] =	vst v63  }
0x35: {  	_ =	swait.ge [sflag:s9], $0x800  }
0x36: {  	[sflag:s9] =	ssyncset.done $0x0  }
0x37: {  	[sflag:s9] =	ssyncadd.s32 $0xFFFFF800  }
0x38: {  	[spmem:s1] =	stream.indirect.scatter.add.f32 [tilespmem:s10], [sflag:$0x1], $0x10, s18, s12, $0xb8;
	[tilespmem:$0x3400] =	vst v63  }
0x39: {  	_ =	swait.ge [sflag:s9], $0x800  }
0x3a: {  	s23 =	simm.s32 $0x100;
	s21 =	simm.s32 $0x80;
	[sflag:s9] =	ssyncset.done $0x0  }
.LBB2_2:
0x3b: {  	s24 =	sadd.s32 s21, s11  }
0x3c: {  	[sflag:s9] =	ssyncadd.s32 $0xFFFFF800;
	s21 =	smov.u32 s23;
	s22 =	sadd.s32 $0x80, s23  }
0x3d: {  	[tilespmem:s2], [sflag:$0x1] =	stream.linear.gather [hbm4b:s24+s2], $0x400, $0x38;
	[tilespmem:$0x3400] =	vst v63  }
0x3e: {  	p0 =	sne.s32 s23, $0x980;
	_ =	swait.ge [sflag:s9], $0x400  }
0x3f: {  	[sflag:s9] =	ssyncset.done $0x0  }
0x40: {  	[sflag:s9] =	ssyncadd.s32 $0xFFFFFC00  }
0x41: {  	[spmem:s1] =	stream.indirect.scatter.add.f32 [tilespmem:s10], [sflag:$0x1], $0x10, s2, s12, $0xb8;
	[tilespmem:$0x3400] =	vst v63  }
0x42: {  	_ =	swait.ge [sflag:s9], $0x800  }
0x43: {  	[sflag:s9] =	ssyncset.done $0x0  }
0x44: {  	[sflag:s9] =	ssyncadd.s32 $0xFFFFF800  }
0x45: {  	[spmem:s1] =	stream.indirect.scatter.add.f32 [tilespmem:s10], [sflag:$0x1], $0x10, s12, s12, $0xb8;
	[tilespmem:$0x3400] =	vst v63  }
0x46: {  	_ =	swait.ge [sflag:s9], $0x800  }
0x47: {  	[sflag:s9] =	ssyncset.done $0x0  }
0x48: {  	[sflag:s9] =	ssyncadd.s32 $0xFFFFF800  }
0x49: {  	[spmem:s1] =	stream.indirect.scatter.add.f32 [tilespmem:s10], [sflag:$0x1], $0x10, s13, s12, $0xb8;
	[tilespmem:$0x3400] =	vst v63  }
0x4a: {  	_ =	swait.ge [sflag:s9], $0x800  }
0x4b: {  	[sflag:s9] =	ssyncset.done $0x0  }
0x4c: {  	[sflag:s9] =	ssyncadd.s32 $0xFFFFF800  }
0x4d: {  	[spmem:s1] =	stream.indirect.scatter.add.f32 [tilespmem:s10], [sflag:$0x1], $0x10, s14, s12, $0xb8;
	[tilespmem:$0x3400] =	vst v63  }
0x4e: {  	_ =	swait.ge [sflag:s9], $0x800  }
0x4f: {  	[sflag:s9] =	ssyncset.done $0x0  }
0x50: {  	[sflag:s9] =	ssyncadd.s32 $0xFFFFF800  }
0x51: {  	[spmem:s1] =	stream.indirect.scatter.add.f32 [tilespmem:s10], [sflag:$0x1], $0x10, s15, s12, $0xb8;
	[tilespmem:$0x3400] =	vst v63  }
0x52: {  	_ =	swait.ge [sflag:s9], $0x800  }
0x53: {  	[sflag:s9] =	ssyncset.done $0x0  }
0x54: {  	[sflag:s9] =	ssyncadd.s32 $0xFFFFF800  }
0x55: {  	[spmem:s1] =	stream.indirect.scatter.add.f32 [tilespmem:s10], [sflag:$0x1], $0x10, s16, s12, $0xb8;
	[tilespmem:$0x3400] =	vst v63  }
0x56: {  	_ =	swait.ge [sflag:s9], $0x800  }
0x57: {  	[sflag:s9] =	ssyncset.done $0x0  }
0x58: {  	[sflag:s9] =	ssyncadd.s32 $0xFFFFF800  }
0x59: {  	[spmem:s1] =	stream.indirect.scatter.add.f32 [tilespmem:s10], [sflag:$0x1], $0x10, s17, s12, $0xb8;
	[tilespmem:$0x3400] =	vst v63  }
0x5a: {  	_ =	swait.ge [sflag:s9], $0x800  }
.Ltmp0:
0x5b: {  	[sflag:s9] =	ssyncset.done $0x0;
	(pc) =	sbr.rel @p0 .LBB2_2-.Ltmp0, $4  }
0x5c: {  	[sflag:s9] =	ssyncadd.s32 $0xFFFFF800  }
0x5d: {  	[spmem:s1] =	stream.indirect.scatter.add.f32 [tilespmem:s10], [sflag:$0x1], $0x10, s18, s12, $0xb8;
	[tilespmem:$0x3400] =	vst v63  }
0x5e: {  	_ =	swait.ge [sflag:s9], $0x800  }
0x5f: {  	s23 =	smov.u32 s22;
	[sflag:s9] =	ssyncset.done $0x0  }
0x60: {  	s21 =	sadd.s32 s21, s11;
	[sflag:s9] =	ssyncadd.s32 $0xFFFFF800  }
0x61: {  	[tilespmem:s2], [sflag:$0x1] =	stream.linear.gather [hbm4b:s21+s2], $0x400, $0x38;
	[tilespmem:$0x3400] =	vst v63  }
0x62: {  	_ =	swait.ge [sflag:s9], $0x400  }
0x63: {  	[sflag:s9] =	ssyncset.done $0x0  }
0x64: {  	[sflag:s9] =	ssyncadd.s32 $0xFFFFFC00  }
0x65: {  	[spmem:s1] =	stream.indirect.scatter.add.f32 [tilespmem:s10], [sflag:$0x1], $0x10, s2, s12, $0xb8;
	[tilespmem:$0x3400] =	vst v63  }
0x66: {  	_ =	swait.ge [sflag:s9], $0x800  }
0x67: {  	[sflag:s9] =	ssyncset.done $0x0  }
0x68: {  	[sflag:s9] =	ssyncadd.s32 $0xFFFFF800  }
0x69: {  	[spmem:s1] =	stream.indirect.scatter.add.f32 [tilespmem:s10], [sflag:$0x1], $0x10, s12, s12, $0xb8;
	[tilespmem:$0x3400] =	vst v63  }
0x6a: {  	_ =	swait.ge [sflag:s9], $0x800  }
0x6b: {  	[sflag:s9] =	ssyncset.done $0x0  }
0x6c: {  	[sflag:s9] =	ssyncadd.s32 $0xFFFFF800  }
0x6d: {  	[spmem:s1] =	stream.indirect.scatter.add.f32 [tilespmem:s10], [sflag:$0x1], $0x10, s13, s12, $0xb8;
	[tilespmem:$0x3400] =	vst v63  }
0x6e: {  	_ =	swait.ge [sflag:s9], $0x800  }
0x6f: {  	[sflag:s9] =	ssyncset.done $0x0  }
0x70: {  	[sflag:s9] =	ssyncadd.s32 $0xFFFFF800  }
0x71: {  	[spmem:s1] =	stream.indirect.scatter.add.f32 [tilespmem:s10], [sflag:$0x1], $0x10, s14, s12, $0xb8;
	[tilespmem:$0x3400] =	vst v63  }
0x72: {  	_ =	swait.ge [sflag:s9], $0x800  }
0x73: {  	[sflag:s9] =	ssyncset.done $0x0  }
0x74: {  	[sflag:s9] =	ssyncadd.s32 $0xFFFFF800  }
0x75: {  	[spmem:s1] =	stream.indirect.scatter.add.f32 [tilespmem:s10], [sflag:$0x1], $0x10, s15, s12, $0xb8;
	[tilespmem:$0x3400] =	vst v63  }
0x76: {  	_ =	swait.ge [sflag:s9], $0x800  }
0x77: {  	[sflag:s9] =	ssyncset.done $0x0  }
0x78: {  	[sflag:s9] =	ssyncadd.s32 $0xFFFFF800  }
0x79: {  	[spmem:s1] =	stream.indirect.scatter.add.f32 [tilespmem:s10], [sflag:$0x1], $0x10, s16, s12, $0xb8;
	[tilespmem:$0x3400] =	vst v63  }
0x7a: {  	_ =	swait.ge [sflag:s9], $0x800  }
0x7b: {  	[sflag:s9] =	ssyncset.done $0x0  }
0x7c: {  	[sflag:s9] =	ssyncadd.s32 $0xFFFFF800  }
0x7d: {  	[spmem:s1] =	stream.indirect.scatter.add.f32 [tilespmem:s10], [sflag:$0x1], $0x10, s17, s12, $0xb8;
	[tilespmem:$0x3400] =	vst v63  }
0x7e: {  	_ =	swait.ge [sflag:s9], $0x800  }
0x7f: {  	[sflag:s9] =	ssyncset.done $0x0  }
0x80: {  	[sflag:s9] =	ssyncadd.s32 $0xFFFFF800  }
0x81: {  	[spmem:s1] =	stream.indirect.scatter.add.f32 [tilespmem:s10], [sflag:$0x1], $0x10, s18, s12, $0xb8;
	[tilespmem:$0x3400] =	vst v63  }
0x82: {  	_ =	swait.ge [sflag:s9], $0x800  }
0x83: {  	s20 =	sadd.s32 $0x1, s20;
	[sflag:s9] =	ssyncset.done $0x0  }
0x84: {  	p0 =	sne.s32 s20, s7;
	[sflag:s9] =	ssyncadd.s32 $0xFFFFF800  }
.Ltmp1:
0x85: {  	[bflag:$0x0] =	sbarrier.arrive $0xFFFF;
	(pc) =	sbr.rel @p0 .LBB2_1-.Ltmp1, $4  }
0x86: {  	[hbm:s19], [sflag:s6] =	dma.local [spmem:s8], $0x500  }
0x87: {  	_ =	swait.ge [sflag:s9], $0x500  }
0x88: {  	[sflag:s9] =	ssyncset.done $0x0  }
0x89: {  	[sflag:s9] =	ssyncadd.s32 $0xFFFFFB00  }
0x8a: {  	_ =	sfence.sel $0x180000  }
0x8b: {  	[bflag:$0x0] =	sbarrier.arrive $0xFFFF  }
0x8c: {  	p0 =	sne.s32 s3, $0x0;
	_ =	strace $0x90000047  }
0x8d: {  	s0 =	sadd.s32 @!p0 $0x100000, s0;
	[bflag:$0x2] =	sbarrier.arrive $0xFFFF  }
0x8e: {  	[sflag:s0] =	ssyncadd.tile.s32 @!p0 $0x1;
	_ =	shalt  }
.Lfunc_end2:
_tile_overlayer_lowered:
.L_overlay_start_2:
0x8f: {  	(tag) =	ssettag $0x2  }
0x90: {  	s0 =	rddreg [dreg:$0x0];
	s2 =	stileid.u32  }
0x91: {  	s1 =	rddreg [dreg:$0x1];
	p0 =	sne.s32 s2, $0x0  }
0x92: {  	s3 =	rddreg [dreg:$0x2];
	[bflag:$0x3] =	sbarrier.arrive $0xFFFF;
	s2 =	simm.s32 @!p0 $0x1C01  }
0x93: {  	[timem:s3], [sflag:s2] =	dma.local @!p0 [hbm:s0], s1  }
0x94: {  	s0 =	simm.s32 @!p0 $0x1  }
0x95: {  	_ =	swait.ge @!p0 [sflag:s0], s1  }
0x96: {  	s1 =	ssub.s32 @!p0 $0x0, s1;
	[sflag:s0] =	ssyncset.done @!p0 $0x0  }
0x97: {  	[sflag:s0] =	ssyncadd.s32 @!p0 s1  }
0x98: {  	[bflag:$0x3] =	sbarrier.arrive $0xFFFF  }
0x99: {  	_ =	shalt  }

</sc_bundles>
